<compile_context>
chip_gen: v7x
topology: tpu7x:2x2x1
jax: 0.10.2.dev20260603
libtpu: 0.0.44.dev20260713+nightly
codegen_flags: <defaults>
</compile_context>

<pallas_src>
import functools

import jax
import jax.numpy as jnp
from jax import lax
from jax.experimental import pallas as pl
from jax.experimental.pallas import tpu as pltpu
from jax.experimental.pallas import tpu_sc as plsc

N = 10000
E = 320000
D = 128
B = 64
T = 8
G = 4

NP = 10240
NC = 2
NS = 16
NTILES = NC * NS
K = 128
EPT = 10240
NCH = EPT // K
EP = NTILES * EPT
RPT = NP // NS

RBLK = 1000
GR = N // RBLK


def _sc_mesh():
    return plsc.VectorSubcoreMesh(
        core_axis_name="c", subcore_axis_name="s",
        num_cores=NC, num_subcores=NS)


def _sc_deg(ei, ones_rows, zrows):
    @functools.partial(
        pl.kernel,
        out_type=jax.ShapeDtypeStruct((NC, NP, D), jnp.float32),
        mesh=_sc_mesh(),
        scratch_types=[
            pltpu.VMEM((K,), jnp.int32),
            pltpu.VMEM((K,), jnp.int32),
            pltpu.VMEM((K, D), jnp.float32),
            pltpu.VMEM((K, D), jnp.float32),
            pltpu.VMEM_SHARED((NP, D), jnp.float32),
            pltpu.SemaphoreType.DMA,
            pltpu.SemaphoreType.DMA,
        ],
    )
    def body(ei_hbm, ones_hbm, zeros_hbm, out_hbm,
             d0, d1, ones_v, stage_v, acc, id0, id1):
        c = lax.axis_index("c")
        s = lax.axis_index("s")
        wid = c * NS + s
        base = wid * EPT
        npair = NCH // 2
        pltpu.async_copy(ei_hbm.at[1, pl.ds(base, K)], d0, id0)
        pltpu.async_copy(ei_hbm.at[1, pl.ds(base + K, K)], d1, id1)
        pltpu.sync_copy(ones_hbm, ones_v)
        pltpu.sync_copy(zeros_hbm, stage_v)
        for t in range(RPT // K):
            pltpu.sync_copy(stage_v, acc.at[pl.ds(s * RPT + t * K, K)])
        plsc.subcore_barrier()

        def step(jj, carry):
            j = jj * 2
            pltpu.make_async_copy(ei_hbm.at[1, pl.ds(base, K)], d0, id0).wait()
            pltpu.sync_copy(ones_v, acc.at[d0], add=True)

            @pl.when(jj < npair - 1)
            def _next0():
                pltpu.async_copy(
                    ei_hbm.at[1, pl.ds(base + (j + 2) * K, K)], d0, id0)

            pltpu.make_async_copy(ei_hbm.at[1, pl.ds(base, K)], d1, id1).wait()
            pltpu.sync_copy(ones_v, acc.at[d1], add=True)

            @pl.when(jj < npair - 1)
            def _next1():
                pltpu.async_copy(
                    ei_hbm.at[1, pl.ds(base + (j + 3) * K, K)], d1, id1)
            return carry
        lax.fori_loop(0, npair, step, 0)
        plsc.subcore_barrier()
        stg = (stage_v, ones_v)
        wsem = (id0, id1)
        nt = RPT // K
        for t in range(nt):
            sl = pl.ds(s * RPT + t * K, K)
            if t >= 2:
                slp = pl.ds(s * RPT + (t - 2) * K, K)
                pltpu.make_async_copy(
                    stg[t % 2], out_hbm.at[c, slp], wsem[t % 2]).wait()
            pltpu.sync_copy(acc.at[sl], stg[t % 2])
            pltpu.async_copy(stg[t % 2], out_hbm.at[c, sl], wsem[t % 2])
        for t in (nt - 2, nt - 1):
            sl = pl.ds(s * RPT + t * K, K)
            pltpu.make_async_copy(
                stg[t % 2], out_hbm.at[c, sl], wsem[t % 2]).wait()

    return body(ei, ones_rows, zrows)


def _sc_agg(hp, ei, zrows):
    @functools.partial(
        pl.kernel,
        out_type=jax.ShapeDtypeStruct((NC, NP, D), jnp.float32),
        mesh=_sc_mesh(),
        scratch_types=[
            pltpu.VMEM((EPT,), jnp.int32),
            pltpu.VMEM((K,), jnp.int32),
            pltpu.VMEM((K,), jnp.int32),
            pltpu.VMEM((K, D), jnp.float32),
            pltpu.VMEM((K, D), jnp.float32),
            pltpu.VMEM((32, D), jnp.float32),
            pltpu.VMEM_SHARED((NP, D), jnp.float32),
            pltpu.SemaphoreType.DMA,
            pltpu.SemaphoreType.DMA,
            pltpu.SemaphoreType.DMA,
            pltpu.SemaphoreType.DMA,
            pltpu.SemaphoreType.DMA,
        ],
    )
    def body(hp_hbm, ei_hbm, z_hbm, out_hbm,
             isrc, d0, d1, rows0, rows1, zbuf, acc, g0, g1, id0, id1, zs):
        c = lax.axis_index("c")
        s = lax.axis_index("s")
        wid = c * NS + s
        base = wid * EPT
        pltpu.sync_copy(ei_hbm.at[0, pl.ds(base, EPT)], isrc)
        pltpu.async_copy(ei_hbm.at[1, pl.ds(base, K)], d0, id0)
        pltpu.async_copy(ei_hbm.at[1, pl.ds(base + K, K)], d1, id1)
        pltpu.async_copy(hp_hbm.at[isrc.at[pl.ds(0, K)]], rows0, g0)
        pltpu.async_copy(hp_hbm.at[isrc.at[pl.ds(K, K)]], rows1, g1)
        pltpu.sync_copy(z_hbm.at[pl.ds(0, 32)], zbuf)
        for t in range(RPT // 32):
            pltpu.async_copy(zbuf, acc.at[pl.ds(s * RPT + t * 32, 32)], zs)
        for t in range(RPT // 32):
            pltpu.make_async_copy(zbuf, acc.at[pl.ds(t * 32, 32)], zs).wait()
        plsc.subcore_barrier()

        def step(jj, carry):
            j = jj * 2
            more = jj < NCH // 2 - 1
            pltpu.make_async_copy(ei_hbm.at[1, pl.ds(base, K)], d0, id0).wait()
            pltpu.make_async_copy(
                hp_hbm.at[isrc.at[pl.ds(0, K)]], rows0, g0).wait()
            pltpu.sync_copy(rows0, acc.at[d0], add=True)

            @pl.when(more)
            def _next0():
                pltpu.async_copy(
                    ei_hbm.at[1, pl.ds(base + (j + 2) * K, K)], d0, id0)
                pltpu.async_copy(
                    hp_hbm.at[isrc.at[pl.ds((j + 2) * K, K)]], rows0, g0)

            pltpu.make_async_copy(ei_hbm.at[1, pl.ds(base, K)], d1, id1).wait()
            pltpu.make_async_copy(
                hp_hbm.at[isrc.at[pl.ds(0, K)]], rows1, g1).wait()
            pltpu.sync_copy(rows1, acc.at[d1], add=True)

            @pl.when(more)
            def _next1():
                pltpu.async_copy(
                    ei_hbm.at[1, pl.ds(base + (j + 3) * K, K)], d1, id1)
                pltpu.async_copy(
                    hp_hbm.at[isrc.at[pl.ds((j + 3) * K, K)]], rows1, g1)
            return carry
        lax.fori_loop(0, NCH // 2, step, 0)

        plsc.subcore_barrier()
        rowsb = (rows0, rows1)
        wsem = (g0, g1)
        nt = RPT // K
        for t in range(nt):
            sl = pl.ds(s * RPT + t * K, K)
            if t >= 2:
                slp = pl.ds(s * RPT + (t - 2) * K, K)
                pltpu.make_async_copy(
                    rowsb[t % 2], out_hbm.at[c, slp], wsem[t % 2]).wait()
            pltpu.sync_copy(acc.at[sl], rowsb[t % 2])
            pltpu.async_copy(rowsb[t % 2], out_hbm.at[c, sl], wsem[t % 2])
        for t in (nt - 2, nt - 1):
            sl = pl.ds(s * RPT + t * K, K)
            pltpu.make_async_copy(
                rowsb[t % 2], out_hbm.at[c, sl], wsem[t % 2]).wait()

    return body(hp, ei, zrows)


def _mm1_body(x_ref, w_ref, dp_ref, o_ref, dv_ref):
    deg = dp_ref[0, :, 0:1] + dp_ref[1, :, 0:1] + 1.0
    dv = lax.rsqrt(deg)
    dv_ref[...] = dv
    o_ref[...] = dv * jnp.dot(x_ref[...], w_ref[...],
                              preferred_element_type=jnp.float32)


def _mm1(xp, W1, degp):
    return pl.pallas_call(
        _mm1_body,
        grid=(GR,),
        in_specs=[
            pl.BlockSpec((RBLK, D), lambda i: (i, 0)),
            pl.BlockSpec((D, D), lambda i: (0, 0)),
            pl.BlockSpec((NC, RBLK, D), lambda i: (0, i, 0)),
        ],
        out_specs=[
            pl.BlockSpec((RBLK, D), lambda i: (i, 0)),
            pl.BlockSpec((RBLK, 1), lambda i: (i, 0)),
        ],
        out_shape=[
            jax.ShapeDtypeStruct((N, D), jnp.float32),
            jax.ShapeDtypeStruct((N, 1), jnp.float32),
        ],
    )(xp, W1, degp)


def _mid_body(ap_ref, hp_ref, dv_ref, b_ref, w_ref, o_ref):
    dv = dv_ref[...]
    z = jnp.maximum(
        dv * (ap_ref[0] + ap_ref[1] + hp_ref[...]) + b_ref[...], 0.0)
    o_ref[...] = dv * jnp.dot(z, w_ref[...], preferred_element_type=jnp.float32)


def _mid(aggp, hp1, dv, b1, W2):
    return pl.pallas_call(
        _mid_body,
        grid=(GR,),
        in_specs=[
            pl.BlockSpec((NC, RBLK, D), lambda i: (0, i, 0)),
            pl.BlockSpec((RBLK, D), lambda i: (i, 0)),
            pl.BlockSpec((RBLK, 1), lambda i: (i, 0)),
            pl.BlockSpec((1, D), lambda i: (0, 0)),
            pl.BlockSpec((D, D), lambda i: (0, 0)),
        ],
        out_specs=pl.BlockSpec((RBLK, D), lambda i: (i, 0)),
        out_shape=jax.ShapeDtypeStruct((N, D), jnp.float32),
    )(aggp, hp1, dv, b1, W2)


def _fin_body(ap_ref, hp_ref, dv_ref, b2_ref, bat_ref,
              wt1_ref, bt1_ref, wt2_ref, bt2_ref,
              wg1_ref, bg1_ref, wg2_ref, bg2_ref,
              type_ref, grade_ref, ssum, cnt):
    i = pl.program_id(0)

    @pl.when(i == 0)
    def _init():
        ssum[...] = jnp.zeros_like(ssum)
        cnt[...] = jnp.zeros_like(cnt)

    dv = dv_ref[...]
    z = jnp.maximum(
        dv * (ap_ref[0] + ap_ref[1] + hp_ref[...]) + b2_ref[...], 0.0)
    bvec = bat_ref[0, 0, :]
    P = (bvec[None, :] == lax.broadcasted_iota(jnp.int32, (B, RBLK), 0)
         ).astype(jnp.float32)
    ssum[...] += jnp.dot(P, z, preferred_element_type=jnp.float32)
    cnt[...] += jnp.broadcast_to(jnp.sum(P, axis=1, keepdims=True), (B, D))

    @pl.when(i == GR - 1)
    def _heads():
        g = ssum[...] / jnp.maximum(cnt[...], 1.0)
        th = jnp.maximum(
            jnp.dot(g, wt1_ref[...], preferred_element_type=jnp.float32)
            + bt1_ref[...], 0.0)
        type_ref[...] = jnp.dot(th, wt2_ref[...],
                                preferred_element_type=jnp.float32) + bt2_ref[...]
        for t in range(T):
            hg = jnp.maximum(
                jnp.dot(g, wg1_ref[t], preferred_element_type=jnp.float32)
                + bg1_ref[t:t + 1, :], 0.0)
            grade_ref[t] = jnp.dot(hg, wg2_ref[t],
                                   preferred_element_type=jnp.float32
                                   ) + bg2_ref[t:t + 1, :]


def _fin(aggp, hp2, dv, b2, bat3, Wt1, bt1, Wt2p, bt2p, Wg1, bg1, Wg2p, bg2p):
    return pl.pallas_call(
        _fin_body,
        grid=(GR,),
        in_specs=[
            pl.BlockSpec((NC, RBLK, D), lambda i: (0, i, 0)),
            pl.BlockSpec((RBLK, D), lambda i: (i, 0)),
            pl.BlockSpec((RBLK, 1), lambda i: (i, 0)),
            pl.BlockSpec((1, D), lambda i: (0, 0)),
            pl.BlockSpec((1, 1, RBLK), lambda i: (i, 0, 0)),
            pl.BlockSpec((D, D), lambda i: (0, 0)),
            pl.BlockSpec((1, D), lambda i: (0, 0)),
            pl.BlockSpec((D, D), lambda i: (0, 0)),
            pl.BlockSpec((1, D), lambda i: (0, 0)),
            pl.BlockSpec((T, D, D), lambda i: (0, 0, 0)),
            pl.BlockSpec((T, D), lambda i: (0, 0)),
            pl.BlockSpec((T, D, D), lambda i: (0, 0, 0)),
            pl.BlockSpec((T, D), lambda i: (0, 0)),
        ],
        out_specs=[
            pl.BlockSpec((B, D), lambda i: (0, 0)),
            pl.BlockSpec((T, B, D), lambda i: (0, 0, 0)),
        ],
        out_shape=[
            jax.ShapeDtypeStruct((B, D), jnp.float32),
            jax.ShapeDtypeStruct((T, B, D), jnp.float32),
        ],
        scratch_shapes=[
            pltpu.VMEM((B, D), jnp.float32),
            pltpu.VMEM((B, D), jnp.float32),
        ],
        compiler_params=pltpu.CompilerParams(
            dimension_semantics=("arbitrary",)),
    )(aggp, hp2, dv, b2, bat3, Wt1, bt1, Wt2p, bt2p, Wg1, bg1, Wg2p, bg2p)


def kernel(x, edge_index, batch, W1, b1, W2, b2, Wt1, bt1, Wt2, bt2,
           Wg1, bg1, Wg2, bg2):
    f32 = jnp.float32
    pad_e = EP - E
    ar = jnp.arange(pad_e, dtype=jnp.int32)
    ei = jnp.concatenate(
        [edge_index.astype(jnp.int32),
         jnp.stack([ar % N, N + ar % (NP - N)])], axis=1)
    xp = x.astype(f32)
    batp = batch.astype(jnp.int32).reshape(GR, 1, RBLK)
    ones_rows = jnp.ones((K, D), f32)
    zrows = jnp.zeros((K, D), f32)

    degp = _sc_deg(ei, ones_rows, zrows)
    hp1, dv = _mm1(xp, W1, degp)
    aggp1 = _sc_agg(hp1, ei, zrows)
    hp2 = _mid(aggp1, hp1, dv, b1.reshape(1, D), W2)
    aggp2 = _sc_agg(hp2, ei, zrows)

    Wt2p = jnp.zeros((D, D), f32).at[:, :T].set(Wt2)
    bt2p = jnp.zeros((1, D), f32).at[0, :T].set(bt2)
    Wg2p = jnp.zeros((T, D, D), f32).at[:, :, :G].set(Wg2)
    bg2p = jnp.zeros((T, D), f32).at[:, :G].set(bg2)

    type_full, grade_full = _fin(
        aggp2, hp2, dv, b2.reshape(1, D), batp,
        Wt1, bt1.reshape(1, D), Wt2p, bt2p, Wg1, bg1, Wg2p, bg2p)

    type_logits = type_full[:, :T]
    grade_logits = jnp.transpose(grade_full[:, :, :G], (1, 0, 2))
    return (type_logits, grade_logits)

# --- scband reference (transcript-rebuilt; emitter-appended) ---
"""Pipeline reference for scband-two-step-gnnclassifier-52965536694274 (READ-ONLY COPY).

The authoritative reference and input builder live on the scoring server;
editing this copy changes nothing except your own understanding.
"""

import jax, jax.numpy as jnp
import numpy as np

N = 10000
E = 320000
D = 128
H = 128
T = 8
G = 4
B = 64


def _glorot(key, shape):
    fan_in, fan_out = shape[-2], shape[-1]
    s = jnp.sqrt(6.0 / (fan_in + fan_out))
    return jax.random.uniform(key, shape, jnp.float32, -s, s)


def setup_inputs(seed: int = 0) -> dict:
    key = jax.random.key(seed)
    ks = jax.random.split(key, 12)
    inp = {}
    inp["x"] = jax.random.normal(ks[0], (N, D), dtype=jnp.float32)
    inp["edge_index"] = jax.random.randint(ks[1], (2, E), 0, N)
    inp["batch"] = jnp.sort(jax.random.randint(ks[2], (N,), 0, B))
    inp["W1"] = _glorot(ks[3], (D, H))
    inp["b1"] = jnp.zeros((H,), jnp.float32)
    inp["W2"] = _glorot(ks[4], (H, H))
    inp["b2"] = jnp.zeros((H,), jnp.float32)
    inp["Wt1"] = _glorot(ks[5], (H, H))
    inp["bt1"] = jnp.zeros((H,), jnp.float32)
    inp["Wt2"] = _glorot(ks[6], (H, T))
    inp["bt2"] = jnp.zeros((T,), jnp.float32)
    inp["Wg1"] = _glorot(ks[7], (T, H, H))
    inp["bg1"] = jnp.zeros((T, H), jnp.float32)
    inp["Wg2"] = _glorot(ks[8], (T, H, G))
    inp["bg2"] = jnp.zeros((T, G), jnp.float32)
    return inp


def _gcn_conv(x, edge_index, W, b):
    # PyG GCNConv: add self loops, symmetric normalization, linear, scatter-add, bias
    loop = jnp.arange(N)
    src = jnp.concatenate([edge_index[0], loop])
    dst = jnp.concatenate([edge_index[1], loop])
    deg = jnp.zeros((N,), x.dtype).at[dst].add(1.0)
    dinv = jnp.where(deg > 0, 1.0 / jnp.sqrt(deg), 0.0)
    norm = dinv[src] * dinv[dst]
    h = x @ W
    agg = jnp.zeros((N, W.shape[1]), x.dtype).at[dst].add(norm[:, None] * h[src])
    return agg + b


def reference(x, edge_index, batch, W1, b1, W2, b2, Wt1, bt1, Wt2, bt2, Wg1, bg1, Wg2, bg2):
    h = jax.nn.relu(_gcn_conv(x, edge_index, W1, b1))
    # dropout is identity in eval mode
    h = jax.nn.relu(_gcn_conv(h, edge_index, W2, b2))
    ssum = jax.ops.segment_sum(h, batch, num_segments=B)
    cnt = jax.ops.segment_sum(jnp.ones((N,), h.dtype), batch, num_segments=B)
    g = ssum / jnp.maximum(cnt, 1.0)[:, None]
    type_logits = jax.nn.relu(g @ Wt1 + bt1) @ Wt2 + bt2
    hg = jax.nn.relu(jnp.einsum('bh,thk->btk', g, Wg1) + bg1[None])
    grade_logits = jnp.einsum('bth,thg->btg', hg, Wg2) + bg2[None]
    return (type_logits, grade_logits)

if __name__ == "__main__":
    import jax
    _d = setup_inputs()
    print(jax.jit(kernel)(*tuple(_d.values())))

</pallas_src>

<mosaic_0001>
#map = affine_map<(d0, d1) -> (0, 0)>
#map1 = affine_map<(d0, d1) -> (0, 0, 0)>
module attributes {stable_mosaic.version = 14 : i64} {
  func.func @body(%arg0: i32, %arg1: i32, %arg2: memref<2x327680xi32, #tpu.memory_space<hbm>>, %arg3: memref<128x128xf32, #tpu.memory_space<hbm>>, %arg4: memref<128x128xf32, #tpu.memory_space<hbm>>, %arg5: memref<2x10240x128xf32, #tpu.memory_space<hbm>>, %arg6: memref<128xi32, #tpu.memory_space<vmem>>, %arg7: memref<128xi32, #tpu.memory_space<vmem>>, %arg8: memref<128x128xf32, #tpu.memory_space<vmem>>, %arg9: memref<128x128xf32, #tpu.memory_space<vmem>>, %arg10: memref<10240x128xf32, #tpu.memory_space<vmem_shared>>, %arg11: memref<!tpu.dma_semaphore, #tpu.memory_space<semaphore_mem>>, %arg12: memref<!tpu.dma_semaphore, #tpu.memory_space<semaphore_mem>>) attributes {dimension_semantics = [#tpu.dimension_semantics<core_parallel>, #tpu.dimension_semantics<subcore_parallel>], iteration_bounds = array<i64: 2, 16>, scalar_prefetch = 0 : i64, scratch_operands = 7 : i64, tpu.core_type = #tpu.core_type<sc_vector_subcore>, window_params = [{transform_indices = #map}, {transform_indices = #map}, {transform_indices = #map}, {transform_indices = #map1}]} {
    %mul3A = arith.constant 16 : i32
    %mul3A_0 = arith.muli %arg0, %mul3A : i32
    %add3A = arith.addi %mul3A_0, %arg1 : i32
    %mul3A_1 = arith.constant 10240 : i32
    %mul3A_2 = arith.muli %add3A, %mul3A_1 : i32
    %dma_start3A = arith.constant 1 : i32
    %dma_start3A_3 = tpu.memref_slice %arg2[%dma_start3A, %mul3A_2] : memref<2x327680xi32, #tpu.memory_space<hbm>> -> memref<1x128xi32, #tpu.memory_space<hbm>>
    %dma_start3A_4 = tpu.memref_squeeze %dma_start3A_3 : memref<1x128xi32, #tpu.memory_space<hbm>> -> memref<128xi32, #tpu.memory_space<hbm>>
    %dma_start3A_5 = tpu.memref_slice %arg2[%dma_start3A, %mul3A_2] : memref<2x327680xi32, #tpu.memory_space<hbm>> -> memref<1x128xi32, #tpu.memory_space<hbm>>
    %dma_start3A_6 = tpu.memref_squeeze %dma_start3A_5 : memref<1x128xi32, #tpu.memory_space<hbm>> -> memref<128xi32, #tpu.memory_space<hbm>>
    tpu.enqueue_dma source(%dma_start3A_6 : memref<128xi32, #tpu.memory_space<hbm>>) target(%arg6 : memref<128xi32, #tpu.memory_space<vmem>>) target_semaphore(%arg11 : memref<!tpu.dma_semaphore, #tpu.memory_space<semaphore_mem>>)
    %add3A_7 = arith.constant 128 : i32
    %add3A_8 = arith.addi %mul3A_2, %add3A_7 : i32
    %dma_start3A_9 = arith.constant 1 : i32
    %dma_start3A_10 = tpu.memref_slice %arg2[%dma_start3A_9, %add3A_8] : memref<2x327680xi32, #tpu.memory_space<hbm>> -> memref<1x128xi32, #tpu.memory_space<hbm>>
    %dma_start3A_11 = tpu.memref_squeeze %dma_start3A_10 : memref<1x128xi32, #tpu.memory_space<hbm>> -> memref<128xi32, #tpu.memory_space<hbm>>
    %dma_start3A_12 = tpu.memref_slice %arg2[%dma_start3A_9, %add3A_8] : memref<2x327680xi32, #tpu.memory_space<hbm>> -> memref<1x128xi32, #tpu.memory_space<hbm>>
    %dma_start3A_13 = tpu.memref_squeeze %dma_start3A_12 : memref<1x128xi32, #tpu.memory_space<hbm>> -> memref<128xi32, #tpu.memory_space<hbm>>
    tpu.enqueue_dma source(%dma_start3A_13 : memref<128xi32, #tpu.memory_space<hbm>>) target(%arg7 : memref<128xi32, #tpu.memory_space<vmem>>) target_semaphore(%arg12 : memref<!tpu.dma_semaphore, #tpu.memory_space<semaphore_mem>>)
    "tpu.region"() ({
      %run_scoped3A = tpu.sem_alloc : memref<!tpu.dma_semaphore, #tpu.memory_space<semaphore_mem>>
      tpu.enqueue_dma source(%arg3 : memref<128x128xf32, #tpu.memory_space<hbm>>) target(%arg8 : memref<128x128xf32, #tpu.memory_space<vmem>>) target_semaphore(%run_scoped3A : memref<!tpu.dma_semaphore, #tpu.memory_space<semaphore_mem>>)
      tpu.wait_dma2 semaphore(%run_scoped3A : memref<!tpu.dma_semaphore, #tpu.memory_space<semaphore_mem>>) src(%arg3 : memref<128x128xf32, #tpu.memory_space<hbm>>) dst(%arg8 : memref<128x128xf32, #tpu.memory_space<vmem>>)
      tpu.yield
    }) : () -> ()
    "tpu.region"() ({
      %run_scoped3A = tpu.sem_alloc : memref<!tpu.dma_semaphore, #tpu.memory_space<semaphore_mem>>
      tpu.enqueue_dma source(%arg4 : memref<128x128xf32, #tpu.memory_space<hbm>>) target(%arg9 : memref<128x128xf32, #tpu.memory_space<vmem>>) target_semaphore(%run_scoped3A : memref<!tpu.dma_semaphore, #tpu.memory_space<semaphore_mem>>)
      tpu.wait_dma2 semaphore(%run_scoped3A : memref<!tpu.dma_semaphore, #tpu.memory_space<semaphore_mem>>) src(%arg4 : memref<128x128xf32, #tpu.memory_space<hbm>>) dst(%arg9 : memref<128x128xf32, #tpu.memory_space<vmem>>)
      tpu.yield
    }) : () -> ()
    %mul3A_14 = arith.constant 640 : i32
    %mul3A_15 = arith.muli %arg1, %mul3A_14 : i32
    %add3A_16 = arith.constant 0 : i32
    %add3A_17 = arith.addi %mul3A_15, %add3A_16 : i32
    "tpu.region"() ({
      %run_scoped3A = tpu.sem_alloc : memref<!tpu.dma_semaphore, #tpu.memory_space<semaphore_mem>>
      %dma_start3A_139 = arith.constant 0 : i32
      %dma_start3A_140 = tpu.memref_slice %arg10[%add3A_17, %dma_start3A_139] : memref<10240x128xf32, #tpu.memory_space<vmem_shared>> -> memref<128x128xf32, #tpu.memory_space<vmem_shared>>
      %dma_start3A_141 = arith.constant 0 : i32
      %dma_start3A_142 = tpu.memref_slice %arg10[%add3A_17, %dma_start3A_141] : memref<10240x128xf32, #tpu.memory_space<vmem_shared>> -> memref<128x128xf32, #tpu.memory_space<vmem_shared>>
      tpu.enqueue_dma source(%arg9 : memref<128x128xf32, #tpu.memory_space<vmem>>) target(%dma_start3A_142 : memref<128x128xf32, #tpu.memory_space<vmem_shared>>) target_semaphore(%run_scoped3A : memref<!tpu.dma_semaphore, #tpu.memory_space<semaphore_mem>>)
      %dma_wait3A_143 = arith.constant 0 : i32
      %dma_wait3A_144 = tpu.memref_slice %arg10[%add3A_17, %dma_wait3A_143] : memref<10240x128xf32, #tpu.memory_space<vmem_shared>> -> memref<128x128xf32, #tpu.memory_space<vmem_shared>>
      %dma_wait3A_145 = arith.constant 0 : i32
      %dma_wait3A_146 = tpu.memref_slice %arg10[%add3A_17, %dma_wait3A_145] : memref<10240x128xf32, #tpu.memory_space<vmem_shared>> -> memref<128x128xf32, #tpu.memory_space<vmem_shared>>
      tpu.wait_dma2 semaphore(%run_scoped3A : memref<!tpu.dma_semaphore, #tpu.memory_space<semaphore_mem>>) src(%arg9 : memref<128x128xf32, #tpu.memory_space<vmem>>) dst(%dma_wait3A_146 : memref<128x128xf32, #tpu.memory_space<vmem_shared>>)
      tpu.yield
    }) : () -> ()
    %mul3A_18 = arith.constant 640 : i32
    %mul3A_19 = arith.muli %arg1, %mul3A_18 : i32
    %add3A_20 = arith.constant 128 : i32
    %add3A_21 = arith.addi %mul3A_19, %add3A_20 : i32
    "tpu.region"() ({
      %run_scoped3A = tpu.sem_alloc : memref<!tpu.dma_semaphore, #tpu.memory_space<semaphore_mem>>
      %dma_start3A_139 = arith.constant 0 : i32
      %dma_start3A_140 = tpu.memref_slice %arg10[%add3A_21, %dma_start3A_139] : memref<10240x128xf32, #tpu.memory_space<vmem_shared>> -> memref<128x128xf32, #tpu.memory_space<vmem_shared>>
      %dma_start3A_141 = arith.constant 0 : i32
      %dma_start3A_142 = tpu.memref_slice %arg10[%add3A_21, %dma_start3A_141] : memref<10240x128xf32, #tpu.memory_space<vmem_shared>> -> memref<128x128xf32, #tpu.memory_space<vmem_shared>>
      tpu.enqueue_dma source(%arg9 : memref<128x128xf32, #tpu.memory_space<vmem>>) target(%dma_start3A_142 : memref<128x128xf32, #tpu.memory_space<vmem_shared>>) target_semaphore(%run_scoped3A : memref<!tpu.dma_semaphore, #tpu.memory_space<semaphore_mem>>)
      %dma_wait3A_143 = arith.constant 0 : i32
      %dma_wait3A_144 = tpu.memref_slice %arg10[%add3A_21, %dma_wait3A_143] : memref<10240x128xf32, #tpu.memory_space<vmem_shared>> -> memref<128x128xf32, #tpu.memory_space<vmem_shared>>
      %dma_wait3A_145 = arith.constant 0 : i32
      %dma_wait3A_146 = tpu.memref_slice %arg10[%add3A_21, %dma_wait3A_145] : memref<10240x128xf32, #tpu.memory_space<vmem_shared>> -> memref<128x128xf32, #tpu.memory_space<vmem_shared>>
      tpu.wait_dma2 semaphore(%run_scoped3A : memref<!tpu.dma_semaphore, #tpu.memory_space<semaphore_mem>>) src(%arg9 : memref<128x128xf32, #tpu.memory_space<vmem>>) dst(%dma_wait3A_146 : memref<128x128xf32, #tpu.memory_space<vmem_shared>>)
      tpu.yield
    }) : () -> ()
    %mul3A_22 = arith.constant 640 : i32
    %mul3A_23 = arith.muli %arg1, %mul3A_22 : i32
    %add3A_24 = arith.constant 256 : i32
    %add3A_25 = arith.addi %mul3A_23, %add3A_24 : i32
    "tpu.region"() ({
      %run_scoped3A = tpu.sem_alloc : memref<!tpu.dma_semaphore, #tpu.memory_space<semaphore_mem>>
      %dma_start3A_139 = arith.constant 0 : i32
      %dma_start3A_140 = tpu.memref_slice %arg10[%add3A_25, %dma_start3A_139] : memref<10240x128xf32, #tpu.memory_space<vmem_shared>> -> memref<128x128xf32, #tpu.memory_space<vmem_shared>>
      %dma_start3A_141 = arith.constant 0 : i32
      %dma_start3A_142 = tpu.memref_slice %arg10[%add3A_25, %dma_start3A_141] : memref<10240x128xf32, #tpu.memory_space<vmem_shared>> -> memref<128x128xf32, #tpu.memory_space<vmem_shared>>
      tpu.enqueue_dma source(%arg9 : memref<128x128xf32, #tpu.memory_space<vmem>>) target(%dma_start3A_142 : memref<128x128xf32, #tpu.memory_space<vmem_shared>>) target_semaphore(%run_scoped3A : memref<!tpu.dma_semaphore, #tpu.memory_space<semaphore_mem>>)
      %dma_wait3A_143 = arith.constant 0 : i32
      %dma_wait3A_144 = tpu.memref_slice %arg10[%add3A_25, %dma_wait3A_143] : memref<10240x128xf32, #tpu.memory_space<vmem_shared>> -> memref<128x128xf32, #tpu.memory_space<vmem_shared>>
      %dma_wait3A_145 = arith.constant 0 : i32
      %dma_wait3A_146 = tpu.memref_slice %arg10[%add3A_25, %dma_wait3A_145] : memref<10240x128xf32, #tpu.memory_space<vmem_shared>> -> memref<128x128xf32, #tpu.memory_space<vmem_shared>>
      tpu.wait_dma2 semaphore(%run_scoped3A : memref<!tpu.dma_semaphore, #tpu.memory_space<semaphore_mem>>) src(%arg9 : memref<128x128xf32, #tpu.memory_space<vmem>>) dst(%dma_wait3A_146 : memref<128x128xf32, #tpu.memory_space<vmem_shared>>)
      tpu.yield
    }) : () -> ()
    %mul3A_26 = arith.constant 640 : i32
    %mul3A_27 = arith.muli %arg1, %mul3A_26 : i32
    %add3A_28 = arith.constant 384 : i32
    %add3A_29 = arith.addi %mul3A_27, %add3A_28 : i32
    "tpu.region"() ({
      %run_scoped3A = tpu.sem_alloc : memref<!tpu.dma_semaphore, #tpu.memory_space<semaphore_mem>>
      %dma_start3A_139 = arith.constant 0 : i32
      %dma_start3A_140 = tpu.memref_slice %arg10[%add3A_29, %dma_start3A_139] : memref<10240x128xf32, #tpu.memory_space<vmem_shared>> -> memref<128x128xf32, #tpu.memory_space<vmem_shared>>
      %dma_start3A_141 = arith.constant 0 : i32
      %dma_start3A_142 = tpu.memref_slice %arg10[%add3A_29, %dma_start3A_141] : memref<10240x128xf32, #tpu.memory_space<vmem_shared>> -> memref<128x128xf32, #tpu.memory_space<vmem_shared>>
      tpu.enqueue_dma source(%arg9 : memref<128x128xf32, #tpu.memory_space<vmem>>) target(%dma_start3A_142 : memref<128x128xf32, #tpu.memory_space<vmem_shared>>) target_semaphore(%run_scoped3A : memref<!tpu.dma_semaphore, #tpu.memory_space<semaphore_mem>>)
      %dma_wait3A_143 = arith.constant 0 : i32
      %dma_wait3A_144 = tpu.memref_slice %arg10[%add3A_29, %dma_wait3A_143] : memref<10240x128xf32, #tpu.memory_space<vmem_shared>> -> memref<128x128xf32, #tpu.memory_space<vmem_shared>>
      %dma_wait3A_145 = arith.constant 0 : i32
      %dma_wait3A_146 = tpu.memref_slice %arg10[%add3A_29, %dma_wait3A_145] : memref<10240x128xf32, #tpu.memory_space<vmem_shared>> -> memref<128x128xf32, #tpu.memory_space<vmem_shared>>
      tpu.wait_dma2 semaphore(%run_scoped3A : memref<!tpu.dma_semaphore, #tpu.memory_space<semaphore_mem>>) src(%arg9 : memref<128x128xf32, #tpu.memory_space<vmem>>) dst(%dma_wait3A_146 : memref<128x128xf32, #tpu.memory_space<vmem_shared>>)
      tpu.yield
    }) : () -> ()
    %mul3A_30 = arith.constant 640 : i32
    %mul3A_31 = arith.muli %arg1, %mul3A_30 : i32
    %add3A_32 = arith.constant 512 : i32
    %add3A_33 = arith.addi %mul3A_31, %add3A_32 : i32
    "tpu.region"() ({
      %run_scoped3A = tpu.sem_alloc : memref<!tpu.dma_semaphore, #tpu.memory_space<semaphore_mem>>
      %dma_start3A_139 = arith.constant 0 : i32
      %dma_start3A_140 = tpu.memref_slice %arg10[%add3A_33, %dma_start3A_139] : memref<10240x128xf32, #tpu.memory_space<vmem_shared>> -> memref<128x128xf32, #tpu.memory_space<vmem_shared>>
      %dma_start3A_141 = arith.constant 0 : i32
      %dma_start3A_142 = tpu.memref_slice %arg10[%add3A_33, %dma_start3A_141] : memref<10240x128xf32, #tpu.memory_space<vmem_shared>> -> memref<128x128xf32, #tpu.memory_space<vmem_shared>>
      tpu.enqueue_dma source(%arg9 : memref<128x128xf32, #tpu.memory_space<vmem>>) target(%dma_start3A_142 : memref<128x128xf32, #tpu.memory_space<vmem_shared>>) target_semaphore(%run_scoped3A : memref<!tpu.dma_semaphore, #tpu.memory_space<semaphore_mem>>)
      %dma_wait3A_143 = arith.constant 0 : i32
      %dma_wait3A_144 = tpu.memref_slice %arg10[%add3A_33, %dma_wait3A_143] : memref<10240x128xf32, #tpu.memory_space<vmem_shared>> -> memref<128x128xf32, #tpu.memory_space<vmem_shared>>
      %dma_wait3A_145 = arith.constant 0 : i32
      %dma_wait3A_146 = tpu.memref_slice %arg10[%add3A_33, %dma_wait3A_145] : memref<10240x128xf32, #tpu.memory_space<vmem_shared>> -> memref<128x128xf32, #tpu.memory_space<vmem_shared>>
      tpu.wait_dma2 semaphore(%run_scoped3A : memref<!tpu.dma_semaphore, #tpu.memory_space<semaphore_mem>>) src(%arg9 : memref<128x128xf32, #tpu.memory_space<vmem>>) dst(%dma_wait3A_146 : memref<128x128xf32, #tpu.memory_space<vmem_shared>>)
      tpu.yield
    }) : () -> ()
    %barrier3A = arith.constant 0 : index
    tpu.barrier barrier_id(%barrier3A)
    %scan3A = arith.constant 0 : i32
    %scan3A_34 = arith.constant 0 : i32
    %scan3A_35 = arith.constant 40 : i32
    %scan3A_36 = arith.addi %scan3A_34, %scan3A_35 : i32
    %scan3A_37 = arith.constant 1 : i32
    scf.for %scan3A_139 = %scan3A_34 to %scan3A_36 step %scan3A_37  : i32 {
      %mul3A_140 = arith.constant 2 : i32
      %mul3A_141 = arith.muli %scan3A_139, %mul3A_140 : i32
      %dma_wait3A_142 = arith.constant 1 : i32
      %dma_wait3A_143 = tpu.memref_slice %arg2[%dma_wait3A_142, %mul3A_2] : memref<2x327680xi32, #tpu.memory_space<hbm>> -> memref<1x128xi32, #tpu.memory_space<hbm>>
      %dma_wait3A_144 = tpu.memref_squeeze %dma_wait3A_143 : memref<1x128xi32, #tpu.memory_space<hbm>> -> memref<128xi32, #tpu.memory_space<hbm>>
      %dma_wait3A_145 = tpu.memref_slice %arg2[%dma_wait3A_142, %mul3A_2] : memref<2x327680xi32, #tpu.memory_space<hbm>> -> memref<1x128xi32, #tpu.memory_space<hbm>>
      %dma_wait3A_146 = tpu.memref_squeeze %dma_wait3A_145 : memref<1x128xi32, #tpu.memory_space<hbm>> -> memref<128xi32, #tpu.memory_space<hbm>>
      tpu.wait_dma2 semaphore(%arg11 : memref<!tpu.dma_semaphore, #tpu.memory_space<semaphore_mem>>) src(%dma_wait3A_146 : memref<128xi32, #tpu.memory_space<hbm>>) dst(%arg6 : memref<128xi32, #tpu.memory_space<vmem>>)
      "tpu.region"() ({
        %run_scoped3A = tpu.sem_alloc : memref<!tpu.dma_semaphore, #tpu.memory_space<semaphore_mem>>
        %dma_start3A_159 = arith.constant 0 : i32
        %dma_start3A_160 = arith.constant 0 : i32
        %dma_start3A_161 = tpu.memref_slice %arg10[%dma_start3A_159, %dma_start3A_160] : memref<10240x128xf32, #tpu.memory_space<vmem_shared>> -> memref<10240x128xf32, #tpu.memory_space<vmem_shared>>
        tpu.enqueue_indirect_dma source(%arg8 : memref<128x128xf32, #tpu.memory_space<vmem>>) target(%dma_start3A_161 : memref<10240x128xf32, #tpu.memory_space<vmem_shared>>) offsets(%arg6 : memref<128xi32, #tpu.memory_space<vmem>>) semaphore(%run_scoped3A : memref<!tpu.dma_semaphore, #tpu.memory_space<semaphore_mem>>) {add = true}
        %dma_wait3A_162 = arith.constant 0 : i32
        %dma_wait3A_163 = arith.constant 0 : i32
        %dma_wait3A_164 = tpu.memref_slice %arg10[%dma_wait3A_162, %dma_wait3A_163] : memref<10240x128xf32, #tpu.memory_space<vmem_shared>> -> memref<10240x128xf32, #tpu.memory_space<vmem_shared>>
        tpu.wait_indirect_dma semaphore(%run_scoped3A : memref<!tpu.dma_semaphore, #tpu.memory_space<semaphore_mem>>) src(%arg8 : memref<128x128xf32, #tpu.memory_space<vmem>>) dst(%dma_wait3A_164 : memref<10240x128xf32, #tpu.memory_space<vmem_shared>>)
        tpu.yield
      }) : () -> ()
      %lt3A = arith.constant 39 : i32
      %lt3A_147 = arith.cmpi slt, %scan3A_139, %lt3A : i32
      %convert_element_type3A = arith.extui %lt3A_147 : i1 to i32
      %cond3A = arith.constant 0 : i32
      %cond3A_148 = arith.cmpi ne, %convert_element_type3A, %cond3A : i32
      scf.if %cond3A_148 {
        %add3A_159 = arith.constant 2 : i32
        %add3A_160 = arith.addi %mul3A_141, %add3A_159 : i32
        %mul3A_161 = arith.constant 128 : i32
        %mul3A_162 = arith.muli %add3A_160, %mul3A_161 : i32
        %add3A_163 = arith.addi %mul3A_2, %mul3A_162 : i32
        %dma_start3A_164 = arith.constant 1 : i32
        %dma_start3A_165 = tpu.memref_slice %arg2[%dma_start3A_164, %add3A_163] : memref<2x327680xi32, #tpu.memory_space<hbm>> -> memref<1x128xi32, #tpu.memory_space<hbm>>
        %dma_start3A_166 = tpu.memref_squeeze %dma_start3A_165 : memref<1x128xi32, #tpu.memory_space<hbm>> -> memref<128xi32, #tpu.memory_space<hbm>>
        %dma_start3A_167 = tpu.memref_slice %arg2[%dma_start3A_164, %add3A_163] : memref<2x327680xi32, #tpu.memory_space<hbm>> -> memref<1x128xi32, #tpu.memory_space<hbm>>
        %dma_start3A_168 = tpu.memref_squeeze %dma_start3A_167 : memref<1x128xi32, #tpu.memory_space<hbm>> -> memref<128xi32, #tpu.memory_space<hbm>>
        tpu.enqueue_dma source(%dma_start3A_168 : memref<128xi32, #tpu.memory_space<hbm>>) target(%arg6 : memref<128xi32, #tpu.memory_space<vmem>>) target_semaphore(%arg11 : memref<!tpu.dma_semaphore, #tpu.memory_space<semaphore_mem>>)
      } else {
      }
      %dma_wait3A_149 = arith.constant 1 : i32
      %dma_wait3A_150 = tpu.memref_slice %arg2[%dma_wait3A_149, %mul3A_2] : memref<2x327680xi32, #tpu.memory_space<hbm>> -> memref<1x128xi32, #tpu.memory_space<hbm>>
      %dma_wait3A_151 = tpu.memref_squeeze %dma_wait3A_150 : memref<1x128xi32, #tpu.memory_space<hbm>> -> memref<128xi32, #tpu.memory_space<hbm>>
      %dma_wait3A_152 = tpu.memref_slice %arg2[%dma_wait3A_149, %mul3A_2] : memref<2x327680xi32, #tpu.memory_space<hbm>> -> memref<1x128xi32, #tpu.memory_space<hbm>>
      %dma_wait3A_153 = tpu.memref_squeeze %dma_wait3A_152 : memref<1x128xi32, #tpu.memory_space<hbm>> -> memref<128xi32, #tpu.memory_space<hbm>>
      tpu.wait_dma2 semaphore(%arg12 : memref<!tpu.dma_semaphore, #tpu.memory_space<semaphore_mem>>) src(%dma_wait3A_153 : memref<128xi32, #tpu.memory_space<hbm>>) dst(%arg7 : memref<128xi32, #tpu.memory_space<vmem>>)
      "tpu.region"() ({
        %run_scoped3A = tpu.sem_alloc : memref<!tpu.dma_semaphore, #tpu.memory_space<semaphore_mem>>
        %dma_start3A_159 = arith.constant 0 : i32
        %dma_start3A_160 = arith.constant 0 : i32
        %dma_start3A_161 = tpu.memref_slice %arg10[%dma_start3A_159, %dma_start3A_160] : memref<10240x128xf32, #tpu.memory_space<vmem_shared>> -> memref<10240x128xf32, #tpu.memory_space<vmem_shared>>
        tpu.enqueue_indirect_dma source(%arg8 : memref<128x128xf32, #tpu.memory_space<vmem>>) target(%dma_start3A_161 : memref<10240x128xf32, #tpu.memory_space<vmem_shared>>) offsets(%arg7 : memref<128xi32, #tpu.memory_space<vmem>>) semaphore(%run_scoped3A : memref<!tpu.dma_semaphore, #tpu.memory_space<semaphore_mem>>) {add = true}
        %dma_wait3A_162 = arith.constant 0 : i32
        %dma_wait3A_163 = arith.constant 0 : i32
        %dma_wait3A_164 = tpu.memref_slice %arg10[%dma_wait3A_162, %dma_wait3A_163] : memref<10240x128xf32, #tpu.memory_space<vmem_shared>> -> memref<10240x128xf32, #tpu.memory_space<vmem_shared>>
        tpu.wait_indirect_dma semaphore(%run_scoped3A : memref<!tpu.dma_semaphore, #tpu.memory_space<semaphore_mem>>) src(%arg8 : memref<128x128xf32, #tpu.memory_space<vmem>>) dst(%dma_wait3A_164 : memref<10240x128xf32, #tpu.memory_space<vmem_shared>>)
        tpu.yield
      }) : () -> ()
      %lt3A_154 = arith.constant 39 : i32
      %lt3A_155 = arith.cmpi slt, %scan3A_139, %lt3A_154 : i32
      %convert_element_type3A_156 = arith.extui %lt3A_155 : i1 to i32
      %cond3A_157 = arith.constant 0 : i32
      %cond3A_158 = arith.cmpi ne, %convert_element_type3A_156, %cond3A_157 : i32
      scf.if %cond3A_158 {
        %add3A_159 = arith.constant 3 : i32
        %add3A_160 = arith.addi %mul3A_141, %add3A_159 : i32
        %mul3A_161 = arith.constant 128 : i32
        %mul3A_162 = arith.muli %add3A_160, %mul3A_161 : i32
        %add3A_163 = arith.addi %mul3A_2, %mul3A_162 : i32
        %dma_start3A_164 = arith.constant 1 : i32
        %dma_start3A_165 = tpu.memref_slice %arg2[%dma_start3A_164, %add3A_163] : memref<2x327680xi32, #tpu.memory_space<hbm>> -> memref<1x128xi32, #tpu.memory_space<hbm>>
        %dma_start3A_166 = tpu.memref_squeeze %dma_start3A_165 : memref<1x128xi32, #tpu.memory_space<hbm>> -> memref<128xi32, #tpu.memory_space<hbm>>
        %dma_start3A_167 = tpu.memref_slice %arg2[%dma_start3A_164, %add3A_163] : memref<2x327680xi32, #tpu.memory_space<hbm>> -> memref<1x128xi32, #tpu.memory_space<hbm>>
        %dma_start3A_168 = tpu.memref_squeeze %dma_start3A_167 : memref<1x128xi32, #tpu.memory_space<hbm>> -> memref<128xi32, #tpu.memory_space<hbm>>
        tpu.enqueue_dma source(%dma_start3A_168 : memref<128xi32, #tpu.memory_space<hbm>>) target(%arg7 : memref<128xi32, #tpu.memory_space<vmem>>) target_semaphore(%arg12 : memref<!tpu.dma_semaphore, #tpu.memory_space<semaphore_mem>>)
      } else {
      }
    }
    %scan3A_38 = arith.constant 40 : i32
    %barrier3A_39 = arith.constant 0 : index
    tpu.barrier barrier_id(%barrier3A_39)
    %mul3A_40 = arith.constant 640 : i32
    %mul3A_41 = arith.muli %arg1, %mul3A_40 : i32
    %add3A_42 = arith.constant 0 : i32
    %add3A_43 = arith.addi %mul3A_41, %add3A_42 : i32
    "tpu.region"() ({
      %run_scoped3A = tpu.sem_alloc : memref<!tpu.dma_semaphore, #tpu.memory_space<semaphore_mem>>
      %dma_start3A_139 = arith.constant 0 : i32
      %dma_start3A_140 = tpu.memref_slice %arg10[%add3A_43, %dma_start3A_139] : memref<10240x128xf32, #tpu.memory_space<vmem_shared>> -> memref<128x128xf32, #tpu.memory_space<vmem_shared>>
      %dma_start3A_141 = arith.constant 0 : i32
      %dma_start3A_142 = tpu.memref_slice %arg10[%add3A_43, %dma_start3A_141] : memref<10240x128xf32, #tpu.memory_space<vmem_shared>> -> memref<128x128xf32, #tpu.memory_space<vmem_shared>>
      tpu.enqueue_dma source(%dma_start3A_142 : memref<128x128xf32, #tpu.memory_space<vmem_shared>>) target(%arg9 : memref<128x128xf32, #tpu.memory_space<vmem>>) target_semaphore(%run_scoped3A : memref<!tpu.dma_semaphore, #tpu.memory_space<semaphore_mem>>)
      %dma_wait3A_143 = arith.constant 0 : i32
      %dma_wait3A_144 = tpu.memref_slice %arg10[%add3A_43, %dma_wait3A_143] : memref<10240x128xf32, #tpu.memory_space<vmem_shared>> -> memref<128x128xf32, #tpu.memory_space<vmem_shared>>
      %dma_wait3A_145 = arith.constant 0 : i32
      %dma_wait3A_146 = tpu.memref_slice %arg10[%add3A_43, %dma_wait3A_145] : memref<10240x128xf32, #tpu.memory_space<vmem_shared>> -> memref<128x128xf32, #tpu.memory_space<vmem_shared>>
      tpu.wait_dma2 semaphore(%run_scoped3A : memref<!tpu.dma_semaphore, #tpu.memory_space<semaphore_mem>>) src(%dma_wait3A_146 : memref<128x128xf32, #tpu.memory_space<vmem_shared>>) dst(%arg9 : memref<128x128xf32, #tpu.memory_space<vmem>>)
      tpu.yield
    }) : () -> ()
    %dma_start3A_44 = arith.constant 0 : i32
    %dma_start3A_45 = tpu.memref_slice %arg5[%arg0, %add3A_43, %dma_start3A_44] : memref<2x10240x128xf32, #tpu.memory_space<hbm>> -> memref<1x128x128xf32, #tpu.memory_space<hbm>>
    %dma_start3A_46 = tpu.memref_squeeze %dma_start3A_45 : memref<1x128x128xf32, #tpu.memory_space<hbm>> -> memref<128x128xf32, #tpu.memory_space<hbm>>
    %dma_start3A_47 = arith.constant 0 : i32
    %dma_start3A_48 = tpu.memref_slice %arg5[%arg0, %add3A_43, %dma_start3A_47] : memref<2x10240x128xf32, #tpu.memory_space<hbm>> -> memref<1x128x128xf32, #tpu.memory_space<hbm>>
    %dma_start3A_49 = tpu.memref_squeeze %dma_start3A_48 : memref<1x128x128xf32, #tpu.memory_space<hbm>> -> memref<128x128xf32, #tpu.memory_space<hbm>>
    tpu.enqueue_dma source(%arg9 : memref<128x128xf32, #tpu.memory_space<vmem>>) target(%dma_start3A_49 : memref<128x128xf32, #tpu.memory_space<hbm>>) target_semaphore(%arg11 : memref<!tpu.dma_semaphore, #tpu.memory_space<semaphore_mem>>)
    %mul3A_50 = arith.constant 640 : i32
    %mul3A_51 = arith.muli %arg1, %mul3A_50 : i32
    %add3A_52 = arith.constant 128 : i32
    %add3A_53 = arith.addi %mul3A_51, %add3A_52 : i32
    "tpu.region"() ({
      %run_scoped3A = tpu.sem_alloc : memref<!tpu.dma_semaphore, #tpu.memory_space<semaphore_mem>>
      %dma_start3A_139 = arith.constant 0 : i32
      %dma_start3A_140 = tpu.memref_slice %arg10[%add3A_53, %dma_start3A_139] : memref<10240x128xf32, #tpu.memory_space<vmem_shared>> -> memref<128x128xf32, #tpu.memory_space<vmem_shared>>
      %dma_start3A_141 = arith.constant 0 : i32
      %dma_start3A_142 = tpu.memref_slice %arg10[%add3A_53, %dma_start3A_141] : memref<10240x128xf32, #tpu.memory_space<vmem_shared>> -> memref<128x128xf32, #tpu.memory_space<vmem_shared>>
      tpu.enqueue_dma source(%dma_start3A_142 : memref<128x128xf32, #tpu.memory_space<vmem_shared>>) target(%arg8 : memref<128x128xf32, #tpu.memory_space<vmem>>) target_semaphore(%run_scoped3A : memref<!tpu.dma_semaphore, #tpu.memory_space<semaphore_mem>>)
      %dma_wait3A_143 = arith.constant 0 : i32
      %dma_wait3A_144 = tpu.memref_slice %arg10[%add3A_53, %dma_wait3A_143] : memref<10240x128xf32, #tpu.memory_space<vmem_shared>> -> memref<128x128xf32, #tpu.memory_space<vmem_shared>>
      %dma_wait3A_145 = arith.constant 0 : i32
      %dma_wait3A_146 = tpu.memref_slice %arg10[%add3A_53, %dma_wait3A_145] : memref<10240x128xf32, #tpu.memory_space<vmem_shared>> -> memref<128x128xf32, #tpu.memory_space<vmem_shared>>
      tpu.wait_dma2 semaphore(%run_scoped3A : memref<!tpu.dma_semaphore, #tpu.memory_space<semaphore_mem>>) src(%dma_wait3A_146 : memref<128x128xf32, #tpu.memory_space<vmem_shared>>) dst(%arg8 : memref<128x128xf32, #tpu.memory_space<vmem>>)
      tpu.yield
    }) : () -> ()
    %dma_start3A_54 = arith.constant 0 : i32
    %dma_start3A_55 = tpu.memref_slice %arg5[%arg0, %add3A_53, %dma_start3A_54] : memref<2x10240x128xf32, #tpu.memory_space<hbm>> -> memref<1x128x128xf32, #tpu.memory_space<hbm>>
    %dma_start3A_56 = tpu.memref_squeeze %dma_start3A_55 : memref<1x128x128xf32, #tpu.memory_space<hbm>> -> memref<128x128xf32, #tpu.memory_space<hbm>>
    %dma_start3A_57 = arith.constant 0 : i32
    %dma_start3A_58 = tpu.memref_slice %arg5[%arg0, %add3A_53, %dma_start3A_57] : memref<2x10240x128xf32, #tpu.memory_space<hbm>> -> memref<1x128x128xf32, #tpu.memory_space<hbm>>
    %dma_start3A_59 = tpu.memref_squeeze %dma_start3A_58 : memref<1x128x128xf32, #tpu.memory_space<hbm>> -> memref<128x128xf32, #tpu.memory_space<hbm>>
    tpu.enqueue_dma source(%arg8 : memref<128x128xf32, #tpu.memory_space<vmem>>) target(%dma_start3A_59 : memref<128x128xf32, #tpu.memory_space<hbm>>) target_semaphore(%arg12 : memref<!tpu.dma_semaphore, #tpu.memory_space<semaphore_mem>>)
    %mul3A_60 = arith.constant 640 : i32
    %mul3A_61 = arith.muli %arg1, %mul3A_60 : i32
    %add3A_62 = arith.constant 256 : i32
    %add3A_63 = arith.addi %mul3A_61, %add3A_62 : i32
    %mul3A_64 = arith.constant 640 : i32
    %mul3A_65 = arith.muli %arg1, %mul3A_64 : i32
    %add3A_66 = arith.constant 0 : i32
    %add3A_67 = arith.addi %mul3A_65, %add3A_66 : i32
    %dma_wait3A = arith.constant 0 : i32
    %dma_wait3A_68 = tpu.memref_slice %arg5[%arg0, %add3A_67, %dma_wait3A] : memref<2x10240x128xf32, #tpu.memory_space<hbm>> -> memref<1x128x128xf32, #tpu.memory_space<hbm>>
    %dma_wait3A_69 = tpu.memref_squeeze %dma_wait3A_68 : memref<1x128x128xf32, #tpu.memory_space<hbm>> -> memref<128x128xf32, #tpu.memory_space<hbm>>
    %dma_wait3A_70 = arith.constant 0 : i32
    %dma_wait3A_71 = tpu.memref_slice %arg5[%arg0, %add3A_67, %dma_wait3A_70] : memref<2x10240x128xf32, #tpu.memory_space<hbm>> -> memref<1x128x128xf32, #tpu.memory_space<hbm>>
    %dma_wait3A_72 = tpu.memref_squeeze %dma_wait3A_71 : memref<1x128x128xf32, #tpu.memory_space<hbm>> -> memref<128x128xf32, #tpu.memory_space<hbm>>
    tpu.wait_dma2 semaphore(%arg11 : memref<!tpu.dma_semaphore, #tpu.memory_space<semaphore_mem>>) src(%arg9 : memref<128x128xf32, #tpu.memory_space<vmem>>) dst(%dma_wait3A_72 : memref<128x128xf32, #tpu.memory_space<hbm>>)
    "tpu.region"() ({
      %run_scoped3A = tpu.sem_alloc : memref<!tpu.dma_semaphore, #tpu.memory_space<semaphore_mem>>
      %dma_start3A_139 = arith.constant 0 : i32
      %dma_start3A_140 = tpu.memref_slice %arg10[%add3A_63, %dma_start3A_139] : memref<10240x128xf32, #tpu.memory_space<vmem_shared>> -> memref<128x128xf32, #tpu.memory_space<vmem_shared>>
      %dma_start3A_141 = arith.constant 0 : i32
      %dma_start3A_142 = tpu.memref_slice %arg10[%add3A_63, %dma_start3A_141] : memref<10240x128xf32, #tpu.memory_space<vmem_shared>> -> memref<128x128xf32, #tpu.memory_space<vmem_shared>>
      tpu.enqueue_dma source(%dma_start3A_142 : memref<128x128xf32, #tpu.memory_space<vmem_shared>>) target(%arg9 : memref<128x128xf32, #tpu.memory_space<vmem>>) target_semaphore(%run_scoped3A : memref<!tpu.dma_semaphore, #tpu.memory_space<semaphore_mem>>)
      %dma_wait3A_143 = arith.constant 0 : i32
      %dma_wait3A_144 = tpu.memref_slice %arg10[%add3A_63, %dma_wait3A_143] : memref<10240x128xf32, #tpu.memory_space<vmem_shared>> -> memref<128x128xf32, #tpu.memory_space<vmem_shared>>
      %dma_wait3A_145 = arith.constant 0 : i32
      %dma_wait3A_146 = tpu.memref_slice %arg10[%add3A_63, %dma_wait3A_145] : memref<10240x128xf32, #tpu.memory_space<vmem_shared>> -> memref<128x128xf32, #tpu.memory_space<vmem_shared>>
      tpu.wait_dma2 semaphore(%run_scoped3A : memref<!tpu.dma_semaphore, #tpu.memory_space<semaphore_mem>>) src(%dma_wait3A_146 : memref<128x128xf32, #tpu.memory_space<vmem_shared>>) dst(%arg9 : memref<128x128xf32, #tpu.memory_space<vmem>>)
      tpu.yield
    }) : () -> ()
    %dma_start3A_73 = arith.constant 0 : i32
    %dma_start3A_74 = tpu.memref_slice %arg5[%arg0, %add3A_63, %dma_start3A_73] : memref<2x10240x128xf32, #tpu.memory_space<hbm>> -> memref<1x128x128xf32, #tpu.memory_space<hbm>>
    %dma_start3A_75 = tpu.memref_squeeze %dma_start3A_74 : memref<1x128x128xf32, #tpu.memory_space<hbm>> -> memref<128x128xf32, #tpu.memory_space<hbm>>
    %dma_start3A_76 = arith.constant 0 : i32
    %dma_start3A_77 = tpu.memref_slice %arg5[%arg0, %add3A_63, %dma_start3A_76] : memref<2x10240x128xf32, #tpu.memory_space<hbm>> -> memref<1x128x128xf32, #tpu.memory_space<hbm>>
    %dma_start3A_78 = tpu.memref_squeeze %dma_start3A_77 : memref<1x128x128xf32, #tpu.memory_space<hbm>> -> memref<128x128xf32, #tpu.memory_space<hbm>>
    tpu.enqueue_dma source(%arg9 : memref<128x128xf32, #tpu.memory_space<vmem>>) target(%dma_start3A_78 : memref<128x128xf32, #tpu.memory_space<hbm>>) target_semaphore(%arg11 : memref<!tpu.dma_semaphore, #tpu.memory_space<semaphore_mem>>)
    %mul3A_79 = arith.constant 640 : i32
    %mul3A_80 = arith.muli %arg1, %mul3A_79 : i32
    %add3A_81 = arith.constant 384 : i32
    %add3A_82 = arith.addi %mul3A_80, %add3A_81 : i32
    %mul3A_83 = arith.constant 640 : i32
    %mul3A_84 = arith.muli %arg1, %mul3A_83 : i32
    %add3A_85 = arith.constant 128 : i32
    %add3A_86 = arith.addi %mul3A_84, %add3A_85 : i32
    %dma_wait3A_87 = arith.constant 0 : i32
    %dma_wait3A_88 = tpu.memref_slice %arg5[%arg0, %add3A_86, %dma_wait3A_87] : memref<2x10240x128xf32, #tpu.memory_space<hbm>> -> memref<1x128x128xf32, #tpu.memory_space<hbm>>
    %dma_wait3A_89 = tpu.memref_squeeze %dma_wait3A_88 : memref<1x128x128xf32, #tpu.memory_space<hbm>> -> memref<128x128xf32, #tpu.memory_space<hbm>>
    %dma_wait3A_90 = arith.constant 0 : i32
    %dma_wait3A_91 = tpu.memref_slice %arg5[%arg0, %add3A_86, %dma_wait3A_90] : memref<2x10240x128xf32, #tpu.memory_space<hbm>> -> memref<1x128x128xf32, #tpu.memory_space<hbm>>
    %dma_wait3A_92 = tpu.memref_squeeze %dma_wait3A_91 : memref<1x128x128xf32, #tpu.memory_space<hbm>> -> memref<128x128xf32, #tpu.memory_space<hbm>>
    tpu.wait_dma2 semaphore(%arg12 : memref<!tpu.dma_semaphore, #tpu.memory_space<semaphore_mem>>) src(%arg8 : memref<128x128xf32, #tpu.memory_space<vmem>>) dst(%dma_wait3A_92 : memref<128x128xf32, #tpu.memory_space<hbm>>)
    "tpu.region"() ({
      %run_scoped3A = tpu.sem_alloc : memref<!tpu.dma_semaphore, #tpu.memory_space<semaphore_mem>>
      %dma_start3A_139 = arith.constant 0 : i32
      %dma_start3A_140 = tpu.memref_slice %arg10[%add3A_82, %dma_start3A_139] : memref<10240x128xf32, #tpu.memory_space<vmem_shared>> -> memref<128x128xf32, #tpu.memory_space<vmem_shared>>
      %dma_start3A_141 = arith.constant 0 : i32
      %dma_start3A_142 = tpu.memref_slice %arg10[%add3A_82, %dma_start3A_141] : memref<10240x128xf32, #tpu.memory_space<vmem_shared>> -> memref<128x128xf32, #tpu.memory_space<vmem_shared>>
      tpu.enqueue_dma source(%dma_start3A_142 : memref<128x128xf32, #tpu.memory_space<vmem_shared>>) target(%arg8 : memref<128x128xf32, #tpu.memory_space<vmem>>) target_semaphore(%run_scoped3A : memref<!tpu.dma_semaphore, #tpu.memory_space<semaphore_mem>>)
      %dma_wait3A_143 = arith.constant 0 : i32
      %dma_wait3A_144 = tpu.memref_slice %arg10[%add3A_82, %dma_wait3A_143] : memref<10240x128xf32, #tpu.memory_space<vmem_shared>> -> memref<128x128xf32, #tpu.memory_space<vmem_shared>>
      %dma_wait3A_145 = arith.constant 0 : i32
      %dma_wait3A_146 = tpu.memref_slice %arg10[%add3A_82, %dma_wait3A_145] : memref<10240x128xf32, #tpu.memory_space<vmem_shared>> -> memref<128x128xf32, #tpu.memory_space<vmem_shared>>
      tpu.wait_dma2 semaphore(%run_scoped3A : memref<!tpu.dma_semaphore, #tpu.memory_space<semaphore_mem>>) src(%dma_wait3A_146 : memref<128x128xf32, #tpu.memory_space<vmem_shared>>) dst(%arg8 : memref<128x128xf32, #tpu.memory_space<vmem>>)
      tpu.yield
    }) : () -> ()
    %dma_start3A_93 = arith.constant 0 : i32
    %dma_start3A_94 = tpu.memref_slice %arg5[%arg0, %add3A_82, %dma_start3A_93] : memref<2x10240x128xf32, #tpu.memory_space<hbm>> -> memref<1x128x128xf32, #tpu.memory_space<hbm>>
    %dma_start3A_95 = tpu.memref_squeeze %dma_start3A_94 : memref<1x128x128xf32, #tpu.memory_space<hbm>> -> memref<128x128xf32, #tpu.memory_space<hbm>>
    %dma_start3A_96 = arith.constant 0 : i32
    %dma_start3A_97 = tpu.memref_slice %arg5[%arg0, %add3A_82, %dma_start3A_96] : memref<2x10240x128xf32, #tpu.memory_space<hbm>> -> memref<1x128x128xf32, #tpu.memory_space<hbm>>
    %dma_start3A_98 = tpu.memref_squeeze %dma_start3A_97 : memref<1x128x128xf32, #tpu.memory_space<hbm>> -> memref<128x128xf32, #tpu.memory_space<hbm>>
    tpu.enqueue_dma source(%arg8 : memref<128x128xf32, #tpu.memory_space<vmem>>) target(%dma_start3A_98 : memref<128x128xf32, #tpu.memory_space<hbm>>) target_semaphore(%arg12 : memref<!tpu.dma_semaphore, #tpu.memory_space<semaphore_mem>>)
    %mul3A_99 = arith.constant 640 : i32
    %mul3A_100 = arith.muli %arg1, %mul3A_99 : i32
    %add3A_101 = arith.constant 512 : i32
    %add3A_102 = arith.addi %mul3A_100, %add3A_101 : i32
    %mul3A_103 = arith.constant 640 : i32
    %mul3A_104 = arith.muli %arg1, %mul3A_103 : i32
    %add3A_105 = arith.constant 256 : i32
    %add3A_106 = arith.addi %mul3A_104, %add3A_105 : i32
    %dma_wait3A_107 = arith.constant 0 : i32
    %dma_wait3A_108 = tpu.memref_slice %arg5[%arg0, %add3A_106, %dma_wait3A_107] : memref<2x10240x128xf32, #tpu.memory_space<hbm>> -> memref<1x128x128xf32, #tpu.memory_space<hbm>>
    %dma_wait3A_109 = tpu.memref_squeeze %dma_wait3A_108 : memref<1x128x128xf32, #tpu.memory_space<hbm>> -> memref<128x128xf32, #tpu.memory_space<hbm>>
    %dma_wait3A_110 = arith.constant 0 : i32
    %dma_wait3A_111 = tpu.memref_slice %arg5[%arg0, %add3A_106, %dma_wait3A_110] : memref<2x10240x128xf32, #tpu.memory_space<hbm>> -> memref<1x128x128xf32, #tpu.memory_space<hbm>>
    %dma_wait3A_112 = tpu.memref_squeeze %dma_wait3A_111 : memref<1x128x128xf32, #tpu.memory_space<hbm>> -> memref<128x128xf32, #tpu.memory_space<hbm>>
    tpu.wait_dma2 semaphore(%arg11 : memref<!tpu.dma_semaphore, #tpu.memory_space<semaphore_mem>>) src(%arg9 : memref<128x128xf32, #tpu.memory_space<vmem>>) dst(%dma_wait3A_112 : memref<128x128xf32, #tpu.memory_space<hbm>>)
    "tpu.region"() ({
      %run_scoped3A = tpu.sem_alloc : memref<!tpu.dma_semaphore, #tpu.memory_space<semaphore_mem>>
      %dma_start3A_139 = arith.constant 0 : i32
      %dma_start3A_140 = tpu.memref_slice %arg10[%add3A_102, %dma_start3A_139] : memref<10240x128xf32, #tpu.memory_space<vmem_shared>> -> memref<128x128xf32, #tpu.memory_space<vmem_shared>>
      %dma_start3A_141 = arith.constant 0 : i32
      %dma_start3A_142 = tpu.memref_slice %arg10[%add3A_102, %dma_start3A_141] : memref<10240x128xf32, #tpu.memory_space<vmem_shared>> -> memref<128x128xf32, #tpu.memory_space<vmem_shared>>
      tpu.enqueue_dma source(%dma_start3A_142 : memref<128x128xf32, #tpu.memory_space<vmem_shared>>) target(%arg9 : memref<128x128xf32, #tpu.memory_space<vmem>>) target_semaphore(%run_scoped3A : memref<!tpu.dma_semaphore, #tpu.memory_space<semaphore_mem>>)
      %dma_wait3A_143 = arith.constant 0 : i32
      %dma_wait3A_144 = tpu.memref_slice %arg10[%add3A_102, %dma_wait3A_143] : memref<10240x128xf32, #tpu.memory_space<vmem_shared>> -> memref<128x128xf32, #tpu.memory_space<vmem_shared>>
      %dma_wait3A_145 = arith.constant 0 : i32
      %dma_wait3A_146 = tpu.memref_slice %arg10[%add3A_102, %dma_wait3A_145] : memref<10240x128xf32, #tpu.memory_space<vmem_shared>> -> memref<128x128xf32, #tpu.memory_space<vmem_shared>>
      tpu.wait_dma2 semaphore(%run_scoped3A : memref<!tpu.dma_semaphore, #tpu.memory_space<semaphore_mem>>) src(%dma_wait3A_146 : memref<128x128xf32, #tpu.memory_space<vmem_shared>>) dst(%arg9 : memref<128x128xf32, #tpu.memory_space<vmem>>)
      tpu.yield
    }) : () -> ()
    %dma_start3A_113 = arith.constant 0 : i32
    %dma_start3A_114 = tpu.memref_slice %arg5[%arg0, %add3A_102, %dma_start3A_113] : memref<2x10240x128xf32, #tpu.memory_space<hbm>> -> memref<1x128x128xf32, #tpu.memory_space<hbm>>
    %dma_start3A_115 = tpu.memref_squeeze %dma_start3A_114 : memref<1x128x128xf32, #tpu.memory_space<hbm>> -> memref<128x128xf32, #tpu.memory_space<hbm>>
    %dma_start3A_116 = arith.constant 0 : i32
    %dma_start3A_117 = tpu.memref_slice %arg5[%arg0, %add3A_102, %dma_start3A_116] : memref<2x10240x128xf32, #tpu.memory_space<hbm>> -> memref<1x128x128xf32, #tpu.memory_space<hbm>>
    %dma_start3A_118 = tpu.memref_squeeze %dma_start3A_117 : memref<1x128x128xf32, #tpu.memory_space<hbm>> -> memref<128x128xf32, #tpu.memory_space<hbm>>
    tpu.enqueue_dma source(%arg9 : memref<128x128xf32, #tpu.memory_space<vmem>>) target(%dma_start3A_118 : memref<128x128xf32, #tpu.memory_space<hbm>>) target_semaphore(%arg11 : memref<!tpu.dma_semaphore, #tpu.memory_space<semaphore_mem>>)
    %mul3A_119 = arith.constant 640 : i32
    %mul3A_120 = arith.muli %arg1, %mul3A_119 : i32
    %add3A_121 = arith.constant 384 : i32
    %add3A_122 = arith.addi %mul3A_120, %add3A_121 : i32
    %dma_wait3A_123 = arith.constant 0 : i32
    %dma_wait3A_124 = tpu.memref_slice %arg5[%arg0, %add3A_122, %dma_wait3A_123] : memref<2x10240x128xf32, #tpu.memory_space<hbm>> -> memref<1x128x128xf32, #tpu.memory_space<hbm>>
    %dma_wait3A_125 = tpu.memref_squeeze %dma_wait3A_124 : memref<1x128x128xf32, #tpu.memory_space<hbm>> -> memref<128x128xf32, #tpu.memory_space<hbm>>
    %dma_wait3A_126 = arith.constant 0 : i32
    %dma_wait3A_127 = tpu.memref_slice %arg5[%arg0, %add3A_122, %dma_wait3A_126] : memref<2x10240x128xf32, #tpu.memory_space<hbm>> -> memref<1x128x128xf32, #tpu.memory_space<hbm>>
    %dma_wait3A_128 = tpu.memref_squeeze %dma_wait3A_127 : memref<1x128x128xf32, #tpu.memory_space<hbm>> -> memref<128x128xf32, #tpu.memory_space<hbm>>
    tpu.wait_dma2 semaphore(%arg12 : memref<!tpu.dma_semaphore, #tpu.memory_space<semaphore_mem>>) src(%arg8 : memref<128x128xf32, #tpu.memory_space<vmem>>) dst(%dma_wait3A_128 : memref<128x128xf32, #tpu.memory_space<hbm>>)
    %mul3A_129 = arith.constant 640 : i32
    %mul3A_130 = arith.muli %arg1, %mul3A_129 : i32
    %add3A_131 = arith.constant 512 : i32
    %add3A_132 = arith.addi %mul3A_130, %add3A_131 : i32
    %dma_wait3A_133 = arith.constant 0 : i32
    %dma_wait3A_134 = tpu.memref_slice %arg5[%arg0, %add3A_132, %dma_wait3A_133] : memref<2x10240x128xf32, #tpu.memory_space<hbm>> -> memref<1x128x128xf32, #tpu.memory_space<hbm>>
    %dma_wait3A_135 = tpu.memref_squeeze %dma_wait3A_134 : memref<1x128x128xf32, #tpu.memory_space<hbm>> -> memref<128x128xf32, #tpu.memory_space<hbm>>
    %dma_wait3A_136 = arith.constant 0 : i32
    %dma_wait3A_137 = tpu.memref_slice %arg5[%arg0, %add3A_132, %dma_wait3A_136] : memref<2x10240x128xf32, #tpu.memory_space<hbm>> -> memref<1x128x128xf32, #tpu.memory_space<hbm>>
    %dma_wait3A_138 = tpu.memref_squeeze %dma_wait3A_137 : memref<1x128x128xf32, #tpu.memory_space<hbm>> -> memref<128x128xf32, #tpu.memory_space<hbm>>
    tpu.wait_dma2 semaphore(%arg11 : memref<!tpu.dma_semaphore, #tpu.memory_space<semaphore_mem>>) src(%arg9 : memref<128x128xf32, #tpu.memory_space<vmem>>) dst(%dma_wait3A_138 : memref<128x128xf32, #tpu.memory_space<hbm>>)
    return
  }
}

#map = affine_map<(d0, d1) -> (0, 0)>
#map1 = affine_map<(d0, d1) -> (0, 0, 0)>
module attributes {stable_mosaic.version = 14 : i64} {
  func.func @body(%arg0: i32, %arg1: i32, %arg2: memref<10000x128xf32, #tpu.memory_space<hbm>>, %arg3: memref<2x327680xi32, #tpu.memory_space<hbm>>, %arg4: memref<128x128xf32, #tpu.memory_space<hbm>>, %arg5: memref<2x10240x128xf32, #tpu.memory_space<hbm>>, %arg6: memref<10240xi32, #tpu.memory_space<vmem>>, %arg7: memref<128xi32, #tpu.memory_space<vmem>>, %arg8: memref<128xi32, #tpu.memory_space<vmem>>, %arg9: memref<128x128xf32, #tpu.memory_space<vmem>>, %arg10: memref<128x128xf32, #tpu.memory_space<vmem>>, %arg11: memref<32x128xf32, #tpu.memory_space<vmem>>, %arg12: memref<10240x128xf32, #tpu.memory_space<vmem_shared>>, %arg13: memref<!tpu.dma_semaphore, #tpu.memory_space<semaphore_mem>>, %arg14: memref<!tpu.dma_semaphore, #tpu.memory_space<semaphore_mem>>, %arg15: memref<!tpu.dma_semaphore, #tpu.memory_space<semaphore_mem>>, %arg16: memref<!tpu.dma_semaphore, #tpu.memory_space<semaphore_mem>>, %arg17: memref<!tpu.dma_semaphore, #tpu.memory_space<semaphore_mem>>) attributes {dimension_semantics = [#tpu.dimension_semantics<core_parallel>, #tpu.dimension_semantics<subcore_parallel>], iteration_bounds = array<i64: 2, 16>, scalar_prefetch = 0 : i64, scratch_operands = 12 : i64, tpu.core_type = #tpu.core_type<sc_vector_subcore>, window_params = [{transform_indices = #map}, {transform_indices = #map}, {transform_indices = #map}, {transform_indices = #map1}]} {
    %mul3A = arith.constant 16 : i32
    %mul3A_0 = arith.muli %arg0, %mul3A : i32
    %add3A = arith.addi %mul3A_0, %arg1 : i32
    %mul3A_1 = arith.constant 10240 : i32
    %mul3A_2 = arith.muli %add3A, %mul3A_1 : i32
    %run_scoped3A = arith.constant 0 : i32
    "tpu.region"() ({
      %run_scoped3A_409 = tpu.sem_alloc : memref<!tpu.dma_semaphore, #tpu.memory_space<semaphore_mem>>
      %dma_start3A_410 = tpu.memref_slice %arg3[%run_scoped3A, %mul3A_2] : memref<2x327680xi32, #tpu.memory_space<hbm>> -> memref<1x10240xi32, #tpu.memory_space<hbm>>
      %dma_start3A_411 = tpu.memref_squeeze %dma_start3A_410 : memref<1x10240xi32, #tpu.memory_space<hbm>> -> memref<10240xi32, #tpu.memory_space<hbm>>
      %dma_start3A_412 = tpu.memref_slice %arg3[%run_scoped3A, %mul3A_2] : memref<2x327680xi32, #tpu.memory_space<hbm>> -> memref<1x10240xi32, #tpu.memory_space<hbm>>
      %dma_start3A_413 = tpu.memref_squeeze %dma_start3A_412 : memref<1x10240xi32, #tpu.memory_space<hbm>> -> memref<10240xi32, #tpu.memory_space<hbm>>
      tpu.enqueue_dma source(%dma_start3A_413 : memref<10240xi32, #tpu.memory_space<hbm>>) target(%arg6 : memref<10240xi32, #tpu.memory_space<vmem>>) target_semaphore(%run_scoped3A_409 : memref<!tpu.dma_semaphore, #tpu.memory_space<semaphore_mem>>)
      %dma_wait3A_414 = tpu.memref_slice %arg3[%run_scoped3A, %mul3A_2] : memref<2x327680xi32, #tpu.memory_space<hbm>> -> memref<1x10240xi32, #tpu.memory_space<hbm>>
      %dma_wait3A_415 = tpu.memref_squeeze %dma_wait3A_414 : memref<1x10240xi32, #tpu.memory_space<hbm>> -> memref<10240xi32, #tpu.memory_space<hbm>>
      %dma_wait3A_416 = tpu.memref_slice %arg3[%run_scoped3A, %mul3A_2] : memref<2x327680xi32, #tpu.memory_space<hbm>> -> memref<1x10240xi32, #tpu.memory_space<hbm>>
      %dma_wait3A_417 = tpu.memref_squeeze %dma_wait3A_416 : memref<1x10240xi32, #tpu.memory_space<hbm>> -> memref<10240xi32, #tpu.memory_space<hbm>>
      tpu.wait_dma2 semaphore(%run_scoped3A_409 : memref<!tpu.dma_semaphore, #tpu.memory_space<semaphore_mem>>) src(%dma_wait3A_417 : memref<10240xi32, #tpu.memory_space<hbm>>) dst(%arg6 : memref<10240xi32, #tpu.memory_space<vmem>>)
      tpu.yield
    }) : () -> ()
    %dma_start3A = arith.constant 1 : i32
    %dma_start3A_3 = tpu.memref_slice %arg3[%dma_start3A, %mul3A_2] : memref<2x327680xi32, #tpu.memory_space<hbm>> -> memref<1x128xi32, #tpu.memory_space<hbm>>
    %dma_start3A_4 = tpu.memref_squeeze %dma_start3A_3 : memref<1x128xi32, #tpu.memory_space<hbm>> -> memref<128xi32, #tpu.memory_space<hbm>>
    %dma_start3A_5 = tpu.memref_slice %arg3[%dma_start3A, %mul3A_2] : memref<2x327680xi32, #tpu.memory_space<hbm>> -> memref<1x128xi32, #tpu.memory_space<hbm>>
    %dma_start3A_6 = tpu.memref_squeeze %dma_start3A_5 : memref<1x128xi32, #tpu.memory_space<hbm>> -> memref<128xi32, #tpu.memory_space<hbm>>
    tpu.enqueue_dma source(%dma_start3A_6 : memref<128xi32, #tpu.memory_space<hbm>>) target(%arg7 : memref<128xi32, #tpu.memory_space<vmem>>) target_semaphore(%arg15 : memref<!tpu.dma_semaphore, #tpu.memory_space<semaphore_mem>>)
    %add3A_7 = arith.constant 128 : i32
    %add3A_8 = arith.addi %mul3A_2, %add3A_7 : i32
    %dma_start3A_9 = arith.constant 1 : i32
    %dma_start3A_10 = tpu.memref_slice %arg3[%dma_start3A_9, %add3A_8] : memref<2x327680xi32, #tpu.memory_space<hbm>> -> memref<1x128xi32, #tpu.memory_space<hbm>>
    %dma_start3A_11 = tpu.memref_squeeze %dma_start3A_10 : memref<1x128xi32, #tpu.memory_space<hbm>> -> memref<128xi32, #tpu.memory_space<hbm>>
    %dma_start3A_12 = tpu.memref_slice %arg3[%dma_start3A_9, %add3A_8] : memref<2x327680xi32, #tpu.memory_space<hbm>> -> memref<1x128xi32, #tpu.memory_space<hbm>>
    %dma_start3A_13 = tpu.memref_squeeze %dma_start3A_12 : memref<1x128xi32, #tpu.memory_space<hbm>> -> memref<128xi32, #tpu.memory_space<hbm>>
    tpu.enqueue_dma source(%dma_start3A_13 : memref<128xi32, #tpu.memory_space<hbm>>) target(%arg8 : memref<128xi32, #tpu.memory_space<vmem>>) target_semaphore(%arg16 : memref<!tpu.dma_semaphore, #tpu.memory_space<semaphore_mem>>)
    %dma_start3A_14 = arith.constant 0 : i32
    %dma_start3A_15 = tpu.memref_slice %arg6[%dma_start3A_14] : memref<10240xi32, #tpu.memory_space<vmem>> -> memref<128xi32, #tpu.memory_space<vmem>>
    %dma_start3A_16 = arith.constant 0 : i32
    %dma_start3A_17 = arith.constant 0 : i32
    %dma_start3A_18 = tpu.memref_slice %arg2[%dma_start3A_16, %dma_start3A_17] : memref<10000x128xf32, #tpu.memory_space<hbm>> -> memref<10000x128xf32, #tpu.memory_space<hbm>>
    tpu.enqueue_indirect_dma source(%dma_start3A_18 : memref<10000x128xf32, #tpu.memory_space<hbm>>) target(%arg9 : memref<128x128xf32, #tpu.memory_space<vmem>>) offsets(%dma_start3A_15 : memref<128xi32, #tpu.memory_space<vmem>>) semaphore(%arg13 : memref<!tpu.dma_semaphore, #tpu.memory_space<semaphore_mem>>)
    %dma_start3A_19 = arith.constant 128 : i32
    %dma_start3A_20 = tpu.memref_slice %arg6[%dma_start3A_19] : memref<10240xi32, #tpu.memory_space<vmem>> -> memref<128xi32, #tpu.memory_space<vmem>>
    %dma_start3A_21 = arith.constant 0 : i32
    %dma_start3A_22 = arith.constant 0 : i32
    %dma_start3A_23 = tpu.memref_slice %arg2[%dma_start3A_21, %dma_start3A_22] : memref<10000x128xf32, #tpu.memory_space<hbm>> -> memref<10000x128xf32, #tpu.memory_space<hbm>>
    tpu.enqueue_indirect_dma source(%dma_start3A_23 : memref<10000x128xf32, #tpu.memory_space<hbm>>) target(%arg10 : memref<128x128xf32, #tpu.memory_space<vmem>>) offsets(%dma_start3A_20 : memref<128xi32, #tpu.memory_space<vmem>>) semaphore(%arg14 : memref<!tpu.dma_semaphore, #tpu.memory_space<semaphore_mem>>)
    "tpu.region"() ({
      %run_scoped3A_409 = tpu.sem_alloc : memref<!tpu.dma_semaphore, #tpu.memory_space<semaphore_mem>>
      %dma_start3A_410 = arith.constant 0 : i32
      %dma_start3A_411 = arith.constant 0 : i32
      %dma_start3A_412 = tpu.memref_slice %arg4[%dma_start3A_410, %dma_start3A_411] : memref<128x128xf32, #tpu.memory_space<hbm>> -> memref<32x128xf32, #tpu.memory_space<hbm>>
      %dma_start3A_413 = arith.constant 0 : i32
      %dma_start3A_414 = arith.constant 0 : i32
      %dma_start3A_415 = tpu.memref_slice %arg4[%dma_start3A_413, %dma_start3A_414] : memref<128x128xf32, #tpu.memory_space<hbm>> -> memref<32x128xf32, #tpu.memory_space<hbm>>
      tpu.enqueue_dma source(%dma_start3A_415 : memref<32x128xf32, #tpu.memory_space<hbm>>) target(%arg11 : memref<32x128xf32, #tpu.memory_space<vmem>>) target_semaphore(%run_scoped3A_409 : memref<!tpu.dma_semaphore, #tpu.memory_space<semaphore_mem>>)
      %dma_wait3A_416 = arith.constant 0 : i32
      %dma_wait3A_417 = arith.constant 0 : i32
      %dma_wait3A_418 = tpu.memref_slice %arg4[%dma_wait3A_416, %dma_wait3A_417] : memref<128x128xf32, #tpu.memory_space<hbm>> -> memref<32x128xf32, #tpu.memory_space<hbm>>
      %dma_wait3A_419 = arith.constant 0 : i32
      %dma_wait3A_420 = arith.constant 0 : i32
      %dma_wait3A_421 = tpu.memref_slice %arg4[%dma_wait3A_419, %dma_wait3A_420] : memref<128x128xf32, #tpu.memory_space<hbm>> -> memref<32x128xf32, #tpu.memory_space<hbm>>
      tpu.wait_dma2 semaphore(%run_scoped3A_409 : memref<!tpu.dma_semaphore, #tpu.memory_space<semaphore_mem>>) src(%dma_wait3A_421 : memref<32x128xf32, #tpu.memory_space<hbm>>) dst(%arg11 : memref<32x128xf32, #tpu.memory_space<vmem>>)
      tpu.yield
    }) : () -> ()
    %mul3A_24 = arith.constant 640 : i32
    %mul3A_25 = arith.muli %arg1, %mul3A_24 : i32
    %add3A_26 = arith.constant 0 : i32
    %add3A_27 = arith.addi %mul3A_25, %add3A_26 : i32
    %dma_start3A_28 = arith.constant 0 : i32
    %dma_start3A_29 = tpu.memref_slice %arg12[%add3A_27, %dma_start3A_28] : memref<10240x128xf32, #tpu.memory_space<vmem_shared>> -> memref<32x128xf32, #tpu.memory_space<vmem_shared>>
    %dma_start3A_30 = arith.constant 0 : i32
    %dma_start3A_31 = tpu.memref_slice %arg12[%add3A_27, %dma_start3A_30] : memref<10240x128xf32, #tpu.memory_space<vmem_shared>> -> memref<32x128xf32, #tpu.memory_space<vmem_shared>>
    tpu.enqueue_dma source(%arg11 : memref<32x128xf32, #tpu.memory_space<vmem>>) target(%dma_start3A_31 : memref<32x128xf32, #tpu.memory_space<vmem_shared>>) target_semaphore(%arg17 : memref<!tpu.dma_semaphore, #tpu.memory_space<semaphore_mem>>)
    %mul3A_32 = arith.constant 640 : i32
    %mul3A_33 = arith.muli %arg1, %mul3A_32 : i32
    %add3A_34 = arith.constant 32 : i32
    %add3A_35 = arith.addi %mul3A_33, %add3A_34 : i32
    %dma_start3A_36 = arith.constant 0 : i32
    %dma_start3A_37 = tpu.memref_slice %arg12[%add3A_35, %dma_start3A_36] : memref<10240x128xf32, #tpu.memory_space<vmem_shared>> -> memref<32x128xf32, #tpu.memory_space<vmem_shared>>
    %dma_start3A_38 = arith.constant 0 : i32
    %dma_start3A_39 = tpu.memref_slice %arg12[%add3A_35, %dma_start3A_38] : memref<10240x128xf32, #tpu.memory_space<vmem_shared>> -> memref<32x128xf32, #tpu.memory_space<vmem_shared>>
    tpu.enqueue_dma source(%arg11 : memref<32x128xf32, #tpu.memory_space<vmem>>) target(%dma_start3A_39 : memref<32x128xf32, #tpu.memory_space<vmem_shared>>) target_semaphore(%arg17 : memref<!tpu.dma_semaphore, #tpu.memory_space<semaphore_mem>>)
    %mul3A_40 = arith.constant 640 : i32
    %mul3A_41 = arith.muli %arg1, %mul3A_40 : i32
    %add3A_42 = arith.constant 64 : i32
    %add3A_43 = arith.addi %mul3A_41, %add3A_42 : i32
    %dma_start3A_44 = arith.constant 0 : i32
    %dma_start3A_45 = tpu.memref_slice %arg12[%add3A_43, %dma_start3A_44] : memref<10240x128xf32, #tpu.memory_space<vmem_shared>> -> memref<32x128xf32, #tpu.memory_space<vmem_shared>>
    %dma_start3A_46 = arith.constant 0 : i32
    %dma_start3A_47 = tpu.memref_slice %arg12[%add3A_43, %dma_start3A_46] : memref<10240x128xf32, #tpu.memory_space<vmem_shared>> -> memref<32x128xf32, #tpu.memory_space<vmem_shared>>
    tpu.enqueue_dma source(%arg11 : memref<32x128xf32, #tpu.memory_space<vmem>>) target(%dma_start3A_47 : memref<32x128xf32, #tpu.memory_space<vmem_shared>>) target_semaphore(%arg17 : memref<!tpu.dma_semaphore, #tpu.memory_space<semaphore_mem>>)
    %mul3A_48 = arith.constant 640 : i32
    %mul3A_49 = arith.muli %arg1, %mul3A_48 : i32
    %add3A_50 = arith.constant 96 : i32
    %add3A_51 = arith.addi %mul3A_49, %add3A_50 : i32
    %dma_start3A_52 = arith.constant 0 : i32
    %dma_start3A_53 = tpu.memref_slice %arg12[%add3A_51, %dma_start3A_52] : memref<10240x128xf32, #tpu.memory_space<vmem_shared>> -> memref<32x128xf32, #tpu.memory_space<vmem_shared>>
    %dma_start3A_54 = arith.constant 0 : i32
    %dma_start3A_55 = tpu.memref_slice %arg12[%add3A_51, %dma_start3A_54] : memref<10240x128xf32, #tpu.memory_space<vmem_shared>> -> memref<32x128xf32, #tpu.memory_space<vmem_shared>>
    tpu.enqueue_dma source(%arg11 : memref<32x128xf32, #tpu.memory_space<vmem>>) target(%dma_start3A_55 : memref<32x128xf32, #tpu.memory_space<vmem_shared>>) target_semaphore(%arg17 : memref<!tpu.dma_semaphore, #tpu.memory_space<semaphore_mem>>)
    %mul3A_56 = arith.constant 640 : i32
    %mul3A_57 = arith.muli %arg1, %mul3A_56 : i32
    %add3A_58 = arith.constant 128 : i32
    %add3A_59 = arith.addi %mul3A_57, %add3A_58 : i32
    %dma_start3A_60 = arith.constant 0 : i32
    %dma_start3A_61 = tpu.memref_slice %arg12[%add3A_59, %dma_start3A_60] : memref<10240x128xf32, #tpu.memory_space<vmem_shared>> -> memref<32x128xf32, #tpu.memory_space<vmem_shared>>
    %dma_start3A_62 = arith.constant 0 : i32
    %dma_start3A_63 = tpu.memref_slice %arg12[%add3A_59, %dma_start3A_62] : memref<10240x128xf32, #tpu.memory_space<vmem_shared>> -> memref<32x128xf32, #tpu.memory_space<vmem_shared>>
    tpu.enqueue_dma source(%arg11 : memref<32x128xf32, #tpu.memory_space<vmem>>) target(%dma_start3A_63 : memref<32x128xf32, #tpu.memory_space<vmem_shared>>) target_semaphore(%arg17 : memref<!tpu.dma_semaphore, #tpu.memory_space<semaphore_mem>>)
    %mul3A_64 = arith.constant 640 : i32
    %mul3A_65 = arith.muli %arg1, %mul3A_64 : i32
    %add3A_66 = arith.constant 160 : i32
    %add3A_67 = arith.addi %mul3A_65, %add3A_66 : i32
    %dma_start3A_68 = arith.constant 0 : i32
    %dma_start3A_69 = tpu.memref_slice %arg12[%add3A_67, %dma_start3A_68] : memref<10240x128xf32, #tpu.memory_space<vmem_shared>> -> memref<32x128xf32, #tpu.memory_space<vmem_shared>>
    %dma_start3A_70 = arith.constant 0 : i32
    %dma_start3A_71 = tpu.memref_slice %arg12[%add3A_67, %dma_start3A_70] : memref<10240x128xf32, #tpu.memory_space<vmem_shared>> -> memref<32x128xf32, #tpu.memory_space<vmem_shared>>
    tpu.enqueue_dma source(%arg11 : memref<32x128xf32, #tpu.memory_space<vmem>>) target(%dma_start3A_71 : memref<32x128xf32, #tpu.memory_space<vmem_shared>>) target_semaphore(%arg17 : memref<!tpu.dma_semaphore, #tpu.memory_space<semaphore_mem>>)
    %mul3A_72 = arith.constant 640 : i32
    %mul3A_73 = arith.muli %arg1, %mul3A_72 : i32
    %add3A_74 = arith.constant 192 : i32
    %add3A_75 = arith.addi %mul3A_73, %add3A_74 : i32
    %dma_start3A_76 = arith.constant 0 : i32
    %dma_start3A_77 = tpu.memref_slice %arg12[%add3A_75, %dma_start3A_76] : memref<10240x128xf32, #tpu.memory_space<vmem_shared>> -> memref<32x128xf32, #tpu.memory_space<vmem_shared>>
    %dma_start3A_78 = arith.constant 0 : i32
    %dma_start3A_79 = tpu.memref_slice %arg12[%add3A_75, %dma_start3A_78] : memref<10240x128xf32, #tpu.memory_space<vmem_shared>> -> memref<32x128xf32, #tpu.memory_space<vmem_shared>>
    tpu.enqueue_dma source(%arg11 : memref<32x128xf32, #tpu.memory_space<vmem>>) target(%dma_start3A_79 : memref<32x128xf32, #tpu.memory_space<vmem_shared>>) target_semaphore(%arg17 : memref<!tpu.dma_semaphore, #tpu.memory_space<semaphore_mem>>)
    %mul3A_80 = arith.constant 640 : i32
    %mul3A_81 = arith.muli %arg1, %mul3A_80 : i32
    %add3A_82 = arith.constant 224 : i32
    %add3A_83 = arith.addi %mul3A_81, %add3A_82 : i32
    %dma_start3A_84 = arith.constant 0 : i32
    %dma_start3A_85 = tpu.memref_slice %arg12[%add3A_83, %dma_start3A_84] : memref<10240x128xf32, #tpu.memory_space<vmem_shared>> -> memref<32x128xf32, #tpu.memory_space<vmem_shared>>
    %dma_start3A_86 = arith.constant 0 : i32
    %dma_start3A_87 = tpu.memref_slice %arg12[%add3A_83, %dma_start3A_86] : memref<10240x128xf32, #tpu.memory_space<vmem_shared>> -> memref<32x128xf32, #tpu.memory_space<vmem_shared>>
    tpu.enqueue_dma source(%arg11 : memref<32x128xf32, #tpu.memory_space<vmem>>) target(%dma_start3A_87 : memref<32x128xf32, #tpu.memory_space<vmem_shared>>) target_semaphore(%arg17 : memref<!tpu.dma_semaphore, #tpu.memory_space<semaphore_mem>>)
    %mul3A_88 = arith.constant 640 : i32
    %mul3A_89 = arith.muli %arg1, %mul3A_88 : i32
    %add3A_90 = arith.constant 256 : i32
    %add3A_91 = arith.addi %mul3A_89, %add3A_90 : i32
    %dma_start3A_92 = arith.constant 0 : i32
    %dma_start3A_93 = tpu.memref_slice %arg12[%add3A_91, %dma_start3A_92] : memref<10240x128xf32, #tpu.memory_space<vmem_shared>> -> memref<32x128xf32, #tpu.memory_space<vmem_shared>>
    %dma_start3A_94 = arith.constant 0 : i32
    %dma_start3A_95 = tpu.memref_slice %arg12[%add3A_91, %dma_start3A_94] : memref<10240x128xf32, #tpu.memory_space<vmem_shared>> -> memref<32x128xf32, #tpu.memory_space<vmem_shared>>
    tpu.enqueue_dma source(%arg11 : memref<32x128xf32, #tpu.memory_space<vmem>>) target(%dma_start3A_95 : memref<32x128xf32, #tpu.memory_space<vmem_shared>>) target_semaphore(%arg17 : memref<!tpu.dma_semaphore, #tpu.memory_space<semaphore_mem>>)
    %mul3A_96 = arith.constant 640 : i32
    %mul3A_97 = arith.muli %arg1, %mul3A_96 : i32
    %add3A_98 = arith.constant 288 : i32
    %add3A_99 = arith.addi %mul3A_97, %add3A_98 : i32
    %dma_start3A_100 = arith.constant 0 : i32
    %dma_start3A_101 = tpu.memref_slice %arg12[%add3A_99, %dma_start3A_100] : memref<10240x128xf32, #tpu.memory_space<vmem_shared>> -> memref<32x128xf32, #tpu.memory_space<vmem_shared>>
    %dma_start3A_102 = arith.constant 0 : i32
    %dma_start3A_103 = tpu.memref_slice %arg12[%add3A_99, %dma_start3A_102] : memref<10240x128xf32, #tpu.memory_space<vmem_shared>> -> memref<32x128xf32, #tpu.memory_space<vmem_shared>>
    tpu.enqueue_dma source(%arg11 : memref<32x128xf32, #tpu.memory_space<vmem>>) target(%dma_start3A_103 : memref<32x128xf32, #tpu.memory_space<vmem_shared>>) target_semaphore(%arg17 : memref<!tpu.dma_semaphore, #tpu.memory_space<semaphore_mem>>)
    %mul3A_104 = arith.constant 640 : i32
    %mul3A_105 = arith.muli %arg1, %mul3A_104 : i32
    %add3A_106 = arith.constant 320 : i32
    %add3A_107 = arith.addi %mul3A_105, %add3A_106 : i32
    %dma_start3A_108 = arith.constant 0 : i32
    %dma_start3A_109 = tpu.memref_slice %arg12[%add3A_107, %dma_start3A_108] : memref<10240x128xf32, #tpu.memory_space<vmem_shared>> -> memref<32x128xf32, #tpu.memory_space<vmem_shared>>
    %dma_start3A_110 = arith.constant 0 : i32
    %dma_start3A_111 = tpu.memref_slice %arg12[%add3A_107, %dma_start3A_110] : memref<10240x128xf32, #tpu.memory_space<vmem_shared>> -> memref<32x128xf32, #tpu.memory_space<vmem_shared>>
    tpu.enqueue_dma source(%arg11 : memref<32x128xf32, #tpu.memory_space<vmem>>) target(%dma_start3A_111 : memref<32x128xf32, #tpu.memory_space<vmem_shared>>) target_semaphore(%arg17 : memref<!tpu.dma_semaphore, #tpu.memory_space<semaphore_mem>>)
    %mul3A_112 = arith.constant 640 : i32
    %mul3A_113 = arith.muli %arg1, %mul3A_112 : i32
    %add3A_114 = arith.constant 352 : i32
    %add3A_115 = arith.addi %mul3A_113, %add3A_114 : i32
    %dma_start3A_116 = arith.constant 0 : i32
    %dma_start3A_117 = tpu.memref_slice %arg12[%add3A_115, %dma_start3A_116] : memref<10240x128xf32, #tpu.memory_space<vmem_shared>> -> memref<32x128xf32, #tpu.memory_space<vmem_shared>>
    %dma_start3A_118 = arith.constant 0 : i32
    %dma_start3A_119 = tpu.memref_slice %arg12[%add3A_115, %dma_start3A_118] : memref<10240x128xf32, #tpu.memory_space<vmem_shared>> -> memref<32x128xf32, #tpu.memory_space<vmem_shared>>
    tpu.enqueue_dma source(%arg11 : memref<32x128xf32, #tpu.memory_space<vmem>>) target(%dma_start3A_119 : memref<32x128xf32, #tpu.memory_space<vmem_shared>>) target_semaphore(%arg17 : memref<!tpu.dma_semaphore, #tpu.memory_space<semaphore_mem>>)
    %mul3A_120 = arith.constant 640 : i32
    %mul3A_121 = arith.muli %arg1, %mul3A_120 : i32
    %add3A_122 = arith.constant 384 : i32
    %add3A_123 = arith.addi %mul3A_121, %add3A_122 : i32
    %dma_start3A_124 = arith.constant 0 : i32
    %dma_start3A_125 = tpu.memref_slice %arg12[%add3A_123, %dma_start3A_124] : memref<10240x128xf32, #tpu.memory_space<vmem_shared>> -> memref<32x128xf32, #tpu.memory_space<vmem_shared>>
    %dma_start3A_126 = arith.constant 0 : i32
    %dma_start3A_127 = tpu.memref_slice %arg12[%add3A_123, %dma_start3A_126] : memref<10240x128xf32, #tpu.memory_space<vmem_shared>> -> memref<32x128xf32, #tpu.memory_space<vmem_shared>>
    tpu.enqueue_dma source(%arg11 : memref<32x128xf32, #tpu.memory_space<vmem>>) target(%dma_start3A_127 : memref<32x128xf32, #tpu.memory_space<vmem_shared>>) target_semaphore(%arg17 : memref<!tpu.dma_semaphore, #tpu.memory_space<semaphore_mem>>)
    %mul3A_128 = arith.constant 640 : i32
    %mul3A_129 = arith.muli %arg1, %mul3A_128 : i32
    %add3A_130 = arith.constant 416 : i32
    %add3A_131 = arith.addi %mul3A_129, %add3A_130 : i32
    %dma_start3A_132 = arith.constant 0 : i32
    %dma_start3A_133 = tpu.memref_slice %arg12[%add3A_131, %dma_start3A_132] : memref<10240x128xf32, #tpu.memory_space<vmem_shared>> -> memref<32x128xf32, #tpu.memory_space<vmem_shared>>
    %dma_start3A_134 = arith.constant 0 : i32
    %dma_start3A_135 = tpu.memref_slice %arg12[%add3A_131, %dma_start3A_134] : memref<10240x128xf32, #tpu.memory_space<vmem_shared>> -> memref<32x128xf32, #tpu.memory_space<vmem_shared>>
    tpu.enqueue_dma source(%arg11 : memref<32x128xf32, #tpu.memory_space<vmem>>) target(%dma_start3A_135 : memref<32x128xf32, #tpu.memory_space<vmem_shared>>) target_semaphore(%arg17 : memref<!tpu.dma_semaphore, #tpu.memory_space<semaphore_mem>>)
    %mul3A_136 = arith.constant 640 : i32
    %mul3A_137 = arith.muli %arg1, %mul3A_136 : i32
    %add3A_138 = arith.constant 448 : i32
    %add3A_139 = arith.addi %mul3A_137, %add3A_138 : i32
    %dma_start3A_140 = arith.constant 0 : i32
    %dma_start3A_141 = tpu.memref_slice %arg12[%add3A_139, %dma_start3A_140] : memref<10240x128xf32, #tpu.memory_space<vmem_shared>> -> memref<32x128xf32, #tpu.memory_space<vmem_shared>>
    %dma_start3A_142 = arith.constant 0 : i32
    %dma_start3A_143 = tpu.memref_slice %arg12[%add3A_139, %dma_start3A_142] : memref<10240x128xf32, #tpu.memory_space<vmem_shared>> -> memref<32x128xf32, #tpu.memory_space<vmem_shared>>
    tpu.enqueue_dma source(%arg11 : memref<32x128xf32, #tpu.memory_space<vmem>>) target(%dma_start3A_143 : memref<32x128xf32, #tpu.memory_space<vmem_shared>>) target_semaphore(%arg17 : memref<!tpu.dma_semaphore, #tpu.memory_space<semaphore_mem>>)
    %mul3A_144 = arith.constant 640 : i32
    %mul3A_145 = arith.muli %arg1, %mul3A_144 : i32
    %add3A_146 = arith.constant 480 : i32
    %add3A_147 = arith.addi %mul3A_145, %add3A_146 : i32
    %dma_start3A_148 = arith.constant 0 : i32
    %dma_start3A_149 = tpu.memref_slice %arg12[%add3A_147, %dma_start3A_148] : memref<10240x128xf32, #tpu.memory_space<vmem_shared>> -> memref<32x128xf32, #tpu.memory_space<vmem_shared>>
    %dma_start3A_150 = arith.constant 0 : i32
    %dma_start3A_151 = tpu.memref_slice %arg12[%add3A_147, %dma_start3A_150] : memref<10240x128xf32, #tpu.memory_space<vmem_shared>> -> memref<32x128xf32, #tpu.memory_space<vmem_shared>>
    tpu.enqueue_dma source(%arg11 : memref<32x128xf32, #tpu.memory_space<vmem>>) target(%dma_start3A_151 : memref<32x128xf32, #tpu.memory_space<vmem_shared>>) target_semaphore(%arg17 : memref<!tpu.dma_semaphore, #tpu.memory_space<semaphore_mem>>)
    %mul3A_152 = arith.constant 640 : i32
    %mul3A_153 = arith.muli %arg1, %mul3A_152 : i32
    %add3A_154 = arith.constant 512 : i32
    %add3A_155 = arith.addi %mul3A_153, %add3A_154 : i32
    %dma_start3A_156 = arith.constant 0 : i32
    %dma_start3A_157 = tpu.memref_slice %arg12[%add3A_155, %dma_start3A_156] : memref<10240x128xf32, #tpu.memory_space<vmem_shared>> -> memref<32x128xf32, #tpu.memory_space<vmem_shared>>
    %dma_start3A_158 = arith.constant 0 : i32
    %dma_start3A_159 = tpu.memref_slice %arg12[%add3A_155, %dma_start3A_158] : memref<10240x128xf32, #tpu.memory_space<vmem_shared>> -> memref<32x128xf32, #tpu.memory_space<vmem_shared>>
    tpu.enqueue_dma source(%arg11 : memref<32x128xf32, #tpu.memory_space<vmem>>) target(%dma_start3A_159 : memref<32x128xf32, #tpu.memory_space<vmem_shared>>) target_semaphore(%arg17 : memref<!tpu.dma_semaphore, #tpu.memory_space<semaphore_mem>>)
    %mul3A_160 = arith.constant 640 : i32
    %mul3A_161 = arith.muli %arg1, %mul3A_160 : i32
    %add3A_162 = arith.constant 544 : i32
    %add3A_163 = arith.addi %mul3A_161, %add3A_162 : i32
    %dma_start3A_164 = arith.constant 0 : i32
    %dma_start3A_165 = tpu.memref_slice %arg12[%add3A_163, %dma_start3A_164] : memref<10240x128xf32, #tpu.memory_space<vmem_shared>> -> memref<32x128xf32, #tpu.memory_space<vmem_shared>>
    %dma_start3A_166 = arith.constant 0 : i32
    %dma_start3A_167 = tpu.memref_slice %arg12[%add3A_163, %dma_start3A_166] : memref<10240x128xf32, #tpu.memory_space<vmem_shared>> -> memref<32x128xf32, #tpu.memory_space<vmem_shared>>
    tpu.enqueue_dma source(%arg11 : memref<32x128xf32, #tpu.memory_space<vmem>>) target(%dma_start3A_167 : memref<32x128xf32, #tpu.memory_space<vmem_shared>>) target_semaphore(%arg17 : memref<!tpu.dma_semaphore, #tpu.memory_space<semaphore_mem>>)
    %mul3A_168 = arith.constant 640 : i32
    %mul3A_169 = arith.muli %arg1, %mul3A_168 : i32
    %add3A_170 = arith.constant 576 : i32
    %add3A_171 = arith.addi %mul3A_169, %add3A_170 : i32
    %dma_start3A_172 = arith.constant 0 : i32
    %dma_start3A_173 = tpu.memref_slice %arg12[%add3A_171, %dma_start3A_172] : memref<10240x128xf32, #tpu.memory_space<vmem_shared>> -> memref<32x128xf32, #tpu.memory_space<vmem_shared>>
    %dma_start3A_174 = arith.constant 0 : i32
    %dma_start3A_175 = tpu.memref_slice %arg12[%add3A_171, %dma_start3A_174] : memref<10240x128xf32, #tpu.memory_space<vmem_shared>> -> memref<32x128xf32, #tpu.memory_space<vmem_shared>>
    tpu.enqueue_dma source(%arg11 : memref<32x128xf32, #tpu.memory_space<vmem>>) target(%dma_start3A_175 : memref<32x128xf32, #tpu.memory_space<vmem_shared>>) target_semaphore(%arg17 : memref<!tpu.dma_semaphore, #tpu.memory_space<semaphore_mem>>)
    %mul3A_176 = arith.constant 640 : i32
    %mul3A_177 = arith.muli %arg1, %mul3A_176 : i32
    %add3A_178 = arith.constant 608 : i32
    %add3A_179 = arith.addi %mul3A_177, %add3A_178 : i32
    %dma_start3A_180 = arith.constant 0 : i32
    %dma_start3A_181 = tpu.memref_slice %arg12[%add3A_179, %dma_start3A_180] : memref<10240x128xf32, #tpu.memory_space<vmem_shared>> -> memref<32x128xf32, #tpu.memory_space<vmem_shared>>
    %dma_start3A_182 = arith.constant 0 : i32
    %dma_start3A_183 = tpu.memref_slice %arg12[%add3A_179, %dma_start3A_182] : memref<10240x128xf32, #tpu.memory_space<vmem_shared>> -> memref<32x128xf32, #tpu.memory_space<vmem_shared>>
    tpu.enqueue_dma source(%arg11 : memref<32x128xf32, #tpu.memory_space<vmem>>) target(%dma_start3A_183 : memref<32x128xf32, #tpu.memory_space<vmem_shared>>) target_semaphore(%arg17 : memref<!tpu.dma_semaphore, #tpu.memory_space<semaphore_mem>>)
    %dma_wait3A = arith.constant 0 : i32
    %dma_wait3A_184 = arith.constant 0 : i32
    %dma_wait3A_185 = tpu.memref_slice %arg12[%dma_wait3A, %dma_wait3A_184] : memref<10240x128xf32, #tpu.memory_space<vmem_shared>> -> memref<32x128xf32, #tpu.memory_space<vmem_shared>>
    %dma_wait3A_186 = arith.constant 0 : i32
    %dma_wait3A_187 = arith.constant 0 : i32
    %dma_wait3A_188 = tpu.memref_slice %arg12[%dma_wait3A_186, %dma_wait3A_187] : memref<10240x128xf32, #tpu.memory_space<vmem_shared>> -> memref<32x128xf32, #tpu.memory_space<vmem_shared>>
    tpu.wait_dma2 semaphore(%arg17 : memref<!tpu.dma_semaphore, #tpu.memory_space<semaphore_mem>>) src(%arg11 : memref<32x128xf32, #tpu.memory_space<vmem>>) dst(%dma_wait3A_188 : memref<32x128xf32, #tpu.memory_space<vmem_shared>>)
    %dma_wait3A_189 = arith.constant 32 : i32
    %dma_wait3A_190 = arith.constant 0 : i32
    %dma_wait3A_191 = tpu.memref_slice %arg12[%dma_wait3A_189, %dma_wait3A_190] : memref<10240x128xf32, #tpu.memory_space<vmem_shared>> -> memref<32x128xf32, #tpu.memory_space<vmem_shared>>
    %dma_wait3A_192 = arith.constant 32 : i32
    %dma_wait3A_193 = arith.constant 0 : i32
    %dma_wait3A_194 = tpu.memref_slice %arg12[%dma_wait3A_192, %dma_wait3A_193] : memref<10240x128xf32, #tpu.memory_space<vmem_shared>> -> memref<32x128xf32, #tpu.memory_space<vmem_shared>>
    tpu.wait_dma2 semaphore(%arg17 : memref<!tpu.dma_semaphore, #tpu.memory_space<semaphore_mem>>) src(%arg11 : memref<32x128xf32, #tpu.memory_space<vmem>>) dst(%dma_wait3A_194 : memref<32x128xf32, #tpu.memory_space<vmem_shared>>)
    %dma_wait3A_195 = arith.constant 64 : i32
    %dma_wait3A_196 = arith.constant 0 : i32
    %dma_wait3A_197 = tpu.memref_slice %arg12[%dma_wait3A_195, %dma_wait3A_196] : memref<10240x128xf32, #tpu.memory_space<vmem_shared>> -> memref<32x128xf32, #tpu.memory_space<vmem_shared>>
    %dma_wait3A_198 = arith.constant 64 : i32
    %dma_wait3A_199 = arith.constant 0 : i32
    %dma_wait3A_200 = tpu.memref_slice %arg12[%dma_wait3A_198, %dma_wait3A_199] : memref<10240x128xf32, #tpu.memory_space<vmem_shared>> -> memref<32x128xf32, #tpu.memory_space<vmem_shared>>
    tpu.wait_dma2 semaphore(%arg17 : memref<!tpu.dma_semaphore, #tpu.memory_space<semaphore_mem>>) src(%arg11 : memref<32x128xf32, #tpu.memory_space<vmem>>) dst(%dma_wait3A_200 : memref<32x128xf32, #tpu.memory_space<vmem_shared>>)
    %dma_wait3A_201 = arith.constant 96 : i32
    %dma_wait3A_202 = arith.constant 0 : i32
    %dma_wait3A_203 = tpu.memref_slice %arg12[%dma_wait3A_201, %dma_wait3A_202] : memref<10240x128xf32, #tpu.memory_space<vmem_shared>> -> memref<32x128xf32, #tpu.memory_space<vmem_shared>>
    %dma_wait3A_204 = arith.constant 96 : i32
    %dma_wait3A_205 = arith.constant 0 : i32
    %dma_wait3A_206 = tpu.memref_slice %arg12[%dma_wait3A_204, %dma_wait3A_205] : memref<10240x128xf32, #tpu.memory_space<vmem_shared>> -> memref<32x128xf32, #tpu.memory_space<vmem_shared>>
    tpu.wait_dma2 semaphore(%arg17 : memref<!tpu.dma_semaphore, #tpu.memory_space<semaphore_mem>>) src(%arg11 : memref<32x128xf32, #tpu.memory_space<vmem>>) dst(%dma_wait3A_206 : memref<32x128xf32, #tpu.memory_space<vmem_shared>>)
    %dma_wait3A_207 = arith.constant 128 : i32
    %dma_wait3A_208 = arith.constant 0 : i32
    %dma_wait3A_209 = tpu.memref_slice %arg12[%dma_wait3A_207, %dma_wait3A_208] : memref<10240x128xf32, #tpu.memory_space<vmem_shared>> -> memref<32x128xf32, #tpu.memory_space<vmem_shared>>
    %dma_wait3A_210 = arith.constant 128 : i32
    %dma_wait3A_211 = arith.constant 0 : i32
    %dma_wait3A_212 = tpu.memref_slice %arg12[%dma_wait3A_210, %dma_wait3A_211] : memref<10240x128xf32, #tpu.memory_space<vmem_shared>> -> memref<32x128xf32, #tpu.memory_space<vmem_shared>>
    tpu.wait_dma2 semaphore(%arg17 : memref<!tpu.dma_semaphore, #tpu.memory_space<semaphore_mem>>) src(%arg11 : memref<32x128xf32, #tpu.memory_space<vmem>>) dst(%dma_wait3A_212 : memref<32x128xf32, #tpu.memory_space<vmem_shared>>)
    %dma_wait3A_213 = arith.constant 160 : i32
    %dma_wait3A_214 = arith.constant 0 : i32
    %dma_wait3A_215 = tpu.memref_slice %arg12[%dma_wait3A_213, %dma_wait3A_214] : memref<10240x128xf32, #tpu.memory_space<vmem_shared>> -> memref<32x128xf32, #tpu.memory_space<vmem_shared>>
    %dma_wait3A_216 = arith.constant 160 : i32
    %dma_wait3A_217 = arith.constant 0 : i32
    %dma_wait3A_218 = tpu.memref_slice %arg12[%dma_wait3A_216, %dma_wait3A_217] : memref<10240x128xf32, #tpu.memory_space<vmem_shared>> -> memref<32x128xf32, #tpu.memory_space<vmem_shared>>
    tpu.wait_dma2 semaphore(%arg17 : memref<!tpu.dma_semaphore, #tpu.memory_space<semaphore_mem>>) src(%arg11 : memref<32x128xf32, #tpu.memory_space<vmem>>) dst(%dma_wait3A_218 : memref<32x128xf32, #tpu.memory_space<vmem_shared>>)
    %dma_wait3A_219 = arith.constant 192 : i32
    %dma_wait3A_220 = arith.constant 0 : i32
    %dma_wait3A_221 = tpu.memref_slice %arg12[%dma_wait3A_219, %dma_wait3A_220] : memref<10240x128xf32, #tpu.memory_space<vmem_shared>> -> memref<32x128xf32, #tpu.memory_space<vmem_shared>>
    %dma_wait3A_222 = arith.constant 192 : i32
    %dma_wait3A_223 = arith.constant 0 : i32
    %dma_wait3A_224 = tpu.memref_slice %arg12[%dma_wait3A_222, %dma_wait3A_223] : memref<10240x128xf32, #tpu.memory_space<vmem_shared>> -> memref<32x128xf32, #tpu.memory_space<vmem_shared>>
    tpu.wait_dma2 semaphore(%arg17 : memref<!tpu.dma_semaphore, #tpu.memory_space<semaphore_mem>>) src(%arg11 : memref<32x128xf32, #tpu.memory_space<vmem>>) dst(%dma_wait3A_224 : memref<32x128xf32, #tpu.memory_space<vmem_shared>>)
    %dma_wait3A_225 = arith.constant 224 : i32
    %dma_wait3A_226 = arith.constant 0 : i32
    %dma_wait3A_227 = tpu.memref_slice %arg12[%dma_wait3A_225, %dma_wait3A_226] : memref<10240x128xf32, #tpu.memory_space<vmem_shared>> -> memref<32x128xf32, #tpu.memory_space<vmem_shared>>
    %dma_wait3A_228 = arith.constant 224 : i32
    %dma_wait3A_229 = arith.constant 0 : i32
    %dma_wait3A_230 = tpu.memref_slice %arg12[%dma_wait3A_228, %dma_wait3A_229] : memref<10240x128xf32, #tpu.memory_space<vmem_shared>> -> memref<32x128xf32, #tpu.memory_space<vmem_shared>>
    tpu.wait_dma2 semaphore(%arg17 : memref<!tpu.dma_semaphore, #tpu.memory_space<semaphore_mem>>) src(%arg11 : memref<32x128xf32, #tpu.memory_space<vmem>>) dst(%dma_wait3A_230 : memref<32x128xf32, #tpu.memory_space<vmem_shared>>)
    %dma_wait3A_231 = arith.constant 256 : i32
    %dma_wait3A_232 = arith.constant 0 : i32
    %dma_wait3A_233 = tpu.memref_slice %arg12[%dma_wait3A_231, %dma_wait3A_232] : memref<10240x128xf32, #tpu.memory_space<vmem_shared>> -> memref<32x128xf32, #tpu.memory_space<vmem_shared>>
    %dma_wait3A_234 = arith.constant 256 : i32
    %dma_wait3A_235 = arith.constant 0 : i32
    %dma_wait3A_236 = tpu.memref_slice %arg12[%dma_wait3A_234, %dma_wait3A_235] : memref<10240x128xf32, #tpu.memory_space<vmem_shared>> -> memref<32x128xf32, #tpu.memory_space<vmem_shared>>
    tpu.wait_dma2 semaphore(%arg17 : memref<!tpu.dma_semaphore, #tpu.memory_space<semaphore_mem>>) src(%arg11 : memref<32x128xf32, #tpu.memory_space<vmem>>) dst(%dma_wait3A_236 : memref<32x128xf32, #tpu.memory_space<vmem_shared>>)
    %dma_wait3A_237 = arith.constant 288 : i32
    %dma_wait3A_238 = arith.constant 0 : i32
    %dma_wait3A_239 = tpu.memref_slice %arg12[%dma_wait3A_237, %dma_wait3A_238] : memref<10240x128xf32, #tpu.memory_space<vmem_shared>> -> memref<32x128xf32, #tpu.memory_space<vmem_shared>>
    %dma_wait3A_240 = arith.constant 288 : i32
    %dma_wait3A_241 = arith.constant 0 : i32
    %dma_wait3A_242 = tpu.memref_slice %arg12[%dma_wait3A_240, %dma_wait3A_241] : memref<10240x128xf32, #tpu.memory_space<vmem_shared>> -> memref<32x128xf32, #tpu.memory_space<vmem_shared>>
    tpu.wait_dma2 semaphore(%arg17 : memref<!tpu.dma_semaphore, #tpu.memory_space<semaphore_mem>>) src(%arg11 : memref<32x128xf32, #tpu.memory_space<vmem>>) dst(%dma_wait3A_242 : memref<32x128xf32, #tpu.memory_space<vmem_shared>>)
    %dma_wait3A_243 = arith.constant 320 : i32
    %dma_wait3A_244 = arith.constant 0 : i32
    %dma_wait3A_245 = tpu.memref_slice %arg12[%dma_wait3A_243, %dma_wait3A_244] : memref<10240x128xf32, #tpu.memory_space<vmem_shared>> -> memref<32x128xf32, #tpu.memory_space<vmem_shared>>
    %dma_wait3A_246 = arith.constant 320 : i32
    %dma_wait3A_247 = arith.constant 0 : i32
    %dma_wait3A_248 = tpu.memref_slice %arg12[%dma_wait3A_246, %dma_wait3A_247] : memref<10240x128xf32, #tpu.memory_space<vmem_shared>> -> memref<32x128xf32, #tpu.memory_space<vmem_shared>>
    tpu.wait_dma2 semaphore(%arg17 : memref<!tpu.dma_semaphore, #tpu.memory_space<semaphore_mem>>) src(%arg11 : memref<32x128xf32, #tpu.memory_space<vmem>>) dst(%dma_wait3A_248 : memref<32x128xf32, #tpu.memory_space<vmem_shared>>)
    %dma_wait3A_249 = arith.constant 352 : i32
    %dma_wait3A_250 = arith.constant 0 : i32
    %dma_wait3A_251 = tpu.memref_slice %arg12[%dma_wait3A_249, %dma_wait3A_250] : memref<10240x128xf32, #tpu.memory_space<vmem_shared>> -> memref<32x128xf32, #tpu.memory_space<vmem_shared>>
    %dma_wait3A_252 = arith.constant 352 : i32
    %dma_wait3A_253 = arith.constant 0 : i32
    %dma_wait3A_254 = tpu.memref_slice %arg12[%dma_wait3A_252, %dma_wait3A_253] : memref<10240x128xf32, #tpu.memory_space<vmem_shared>> -> memref<32x128xf32, #tpu.memory_space<vmem_shared>>
    tpu.wait_dma2 semaphore(%arg17 : memref<!tpu.dma_semaphore, #tpu.memory_space<semaphore_mem>>) src(%arg11 : memref<32x128xf32, #tpu.memory_space<vmem>>) dst(%dma_wait3A_254 : memref<32x128xf32, #tpu.memory_space<vmem_shared>>)
    %dma_wait3A_255 = arith.constant 384 : i32
    %dma_wait3A_256 = arith.constant 0 : i32
    %dma_wait3A_257 = tpu.memref_slice %arg12[%dma_wait3A_255, %dma_wait3A_256] : memref<10240x128xf32, #tpu.memory_space<vmem_shared>> -> memref<32x128xf32, #tpu.memory_space<vmem_shared>>
    %dma_wait3A_258 = arith.constant 384 : i32
    %dma_wait3A_259 = arith.constant 0 : i32
    %dma_wait3A_260 = tpu.memref_slice %arg12[%dma_wait3A_258, %dma_wait3A_259] : memref<10240x128xf32, #tpu.memory_space<vmem_shared>> -> memref<32x128xf32, #tpu.memory_space<vmem_shared>>
    tpu.wait_dma2 semaphore(%arg17 : memref<!tpu.dma_semaphore, #tpu.memory_space<semaphore_mem>>) src(%arg11 : memref<32x128xf32, #tpu.memory_space<vmem>>) dst(%dma_wait3A_260 : memref<32x128xf32, #tpu.memory_space<vmem_shared>>)
    %dma_wait3A_261 = arith.constant 416 : i32
    %dma_wait3A_262 = arith.constant 0 : i32
    %dma_wait3A_263 = tpu.memref_slice %arg12[%dma_wait3A_261, %dma_wait3A_262] : memref<10240x128xf32, #tpu.memory_space<vmem_shared>> -> memref<32x128xf32, #tpu.memory_space<vmem_shared>>
    %dma_wait3A_264 = arith.constant 416 : i32
    %dma_wait3A_265 = arith.constant 0 : i32
    %dma_wait3A_266 = tpu.memref_slice %arg12[%dma_wait3A_264, %dma_wait3A_265] : memref<10240x128xf32, #tpu.memory_space<vmem_shared>> -> memref<32x128xf32, #tpu.memory_space<vmem_shared>>
    tpu.wait_dma2 semaphore(%arg17 : memref<!tpu.dma_semaphore, #tpu.memory_space<semaphore_mem>>) src(%arg11 : memref<32x128xf32, #tpu.memory_space<vmem>>) dst(%dma_wait3A_266 : memref<32x128xf32, #tpu.memory_space<vmem_shared>>)
    %dma_wait3A_267 = arith.constant 448 : i32
    %dma_wait3A_268 = arith.constant 0 : i32
    %dma_wait3A_269 = tpu.memref_slice %arg12[%dma_wait3A_267, %dma_wait3A_268] : memref<10240x128xf32, #tpu.memory_space<vmem_shared>> -> memref<32x128xf32, #tpu.memory_space<vmem_shared>>
    %dma_wait3A_270 = arith.constant 448 : i32
    %dma_wait3A_271 = arith.constant 0 : i32
    %dma_wait3A_272 = tpu.memref_slice %arg12[%dma_wait3A_270, %dma_wait3A_271] : memref<10240x128xf32, #tpu.memory_space<vmem_shared>> -> memref<32x128xf32, #tpu.memory_space<vmem_shared>>
    tpu.wait_dma2 semaphore(%arg17 : memref<!tpu.dma_semaphore, #tpu.memory_space<semaphore_mem>>) src(%arg11 : memref<32x128xf32, #tpu.memory_space<vmem>>) dst(%dma_wait3A_272 : memref<32x128xf32, #tpu.memory_space<vmem_shared>>)
    %dma_wait3A_273 = arith.constant 480 : i32
    %dma_wait3A_274 = arith.constant 0 : i32
    %dma_wait3A_275 = tpu.memref_slice %arg12[%dma_wait3A_273, %dma_wait3A_274] : memref<10240x128xf32, #tpu.memory_space<vmem_shared>> -> memref<32x128xf32, #tpu.memory_space<vmem_shared>>
    %dma_wait3A_276 = arith.constant 480 : i32
    %dma_wait3A_277 = arith.constant 0 : i32
    %dma_wait3A_278 = tpu.memref_slice %arg12[%dma_wait3A_276, %dma_wait3A_277] : memref<10240x128xf32, #tpu.memory_space<vmem_shared>> -> memref<32x128xf32, #tpu.memory_space<vmem_shared>>
    tpu.wait_dma2 semaphore(%arg17 : memref<!tpu.dma_semaphore, #tpu.memory_space<semaphore_mem>>) src(%arg11 : memref<32x128xf32, #tpu.memory_space<vmem>>) dst(%dma_wait3A_278 : memref<32x128xf32, #tpu.memory_space<vmem_shared>>)
    %dma_wait3A_279 = arith.constant 512 : i32
    %dma_wait3A_280 = arith.constant 0 : i32
    %dma_wait3A_281 = tpu.memref_slice %arg12[%dma_wait3A_279, %dma_wait3A_280] : memref<10240x128xf32, #tpu.memory_space<vmem_shared>> -> memref<32x128xf32, #tpu.memory_space<vmem_shared>>
    %dma_wait3A_282 = arith.constant 512 : i32
    %dma_wait3A_283 = arith.constant 0 : i32
    %dma_wait3A_284 = tpu.memref_slice %arg12[%dma_wait3A_282, %dma_wait3A_283] : memref<10240x128xf32, #tpu.memory_space<vmem_shared>> -> memref<32x128xf32, #tpu.memory_space<vmem_shared>>
    tpu.wait_dma2 semaphore(%arg17 : memref<!tpu.dma_semaphore, #tpu.memory_space<semaphore_mem>>) src(%arg11 : memref<32x128xf32, #tpu.memory_space<vmem>>) dst(%dma_wait3A_284 : memref<32x128xf32, #tpu.memory_space<vmem_shared>>)
    %dma_wait3A_285 = arith.constant 544 : i32
    %dma_wait3A_286 = arith.constant 0 : i32
    %dma_wait3A_287 = tpu.memref_slice %arg12[%dma_wait3A_285, %dma_wait3A_286] : memref<10240x128xf32, #tpu.memory_space<vmem_shared>> -> memref<32x128xf32, #tpu.memory_space<vmem_shared>>
    %dma_wait3A_288 = arith.constant 544 : i32
    %dma_wait3A_289 = arith.constant 0 : i32
    %dma_wait3A_290 = tpu.memref_slice %arg12[%dma_wait3A_288, %dma_wait3A_289] : memref<10240x128xf32, #tpu.memory_space<vmem_shared>> -> memref<32x128xf32, #tpu.memory_space<vmem_shared>>
    tpu.wait_dma2 semaphore(%arg17 : memref<!tpu.dma_semaphore, #tpu.memory_space<semaphore_mem>>) src(%arg11 : memref<32x128xf32, #tpu.memory_space<vmem>>) dst(%dma_wait3A_290 : memref<32x128xf32, #tpu.memory_space<vmem_shared>>)
    %dma_wait3A_291 = arith.constant 576 : i32
    %dma_wait3A_292 = arith.constant 0 : i32
    %dma_wait3A_293 = tpu.memref_slice %arg12[%dma_wait3A_291, %dma_wait3A_292] : memref<10240x128xf32, #tpu.memory_space<vmem_shared>> -> memref<32x128xf32, #tpu.memory_space<vmem_shared>>
    %dma_wait3A_294 = arith.constant 576 : i32
    %dma_wait3A_295 = arith.constant 0 : i32
    %dma_wait3A_296 = tpu.memref_slice %arg12[%dma_wait3A_294, %dma_wait3A_295] : memref<10240x128xf32, #tpu.memory_space<vmem_shared>> -> memref<32x128xf32, #tpu.memory_space<vmem_shared>>
    tpu.wait_dma2 semaphore(%arg17 : memref<!tpu.dma_semaphore, #tpu.memory_space<semaphore_mem>>) src(%arg11 : memref<32x128xf32, #tpu.memory_space<vmem>>) dst(%dma_wait3A_296 : memref<32x128xf32, #tpu.memory_space<vmem_shared>>)
    %dma_wait3A_297 = arith.constant 608 : i32
    %dma_wait3A_298 = arith.constant 0 : i32
    %dma_wait3A_299 = tpu.memref_slice %arg12[%dma_wait3A_297, %dma_wait3A_298] : memref<10240x128xf32, #tpu.memory_space<vmem_shared>> -> memref<32x128xf32, #tpu.memory_space<vmem_shared>>
    %dma_wait3A_300 = arith.constant 608 : i32
    %dma_wait3A_301 = arith.constant 0 : i32
    %dma_wait3A_302 = tpu.memref_slice %arg12[%dma_wait3A_300, %dma_wait3A_301] : memref<10240x128xf32, #tpu.memory_space<vmem_shared>> -> memref<32x128xf32, #tpu.memory_space<vmem_shared>>
    tpu.wait_dma2 semaphore(%arg17 : memref<!tpu.dma_semaphore, #tpu.memory_space<semaphore_mem>>) src(%arg11 : memref<32x128xf32, #tpu.memory_space<vmem>>) dst(%dma_wait3A_302 : memref<32x128xf32, #tpu.memory_space<vmem_shared>>)
    %barrier3A = arith.constant 0 : index
    tpu.barrier barrier_id(%barrier3A)
    %scan3A = arith.constant 0 : i32
    %scan3A_303 = arith.constant 0 : i32
    %scan3A_304 = arith.constant 40 : i32
    %scan3A_305 = arith.addi %scan3A_303, %scan3A_304 : i32
    %scan3A_306 = arith.constant 1 : i32
    scf.for %scan3A_409 = %scan3A_303 to %scan3A_305 step %scan3A_306  : i32 {
      %mul3A_410 = arith.constant 2 : i32
      %mul3A_411 = arith.muli %scan3A_409, %mul3A_410 : i32
      %lt3A = arith.constant 39 : i32
      %lt3A_412 = arith.cmpi slt, %scan3A_409, %lt3A : i32
      %dma_wait3A_413 = arith.constant 1 : i32
      %dma_wait3A_414 = tpu.memref_slice %arg3[%dma_wait3A_413, %mul3A_2] : memref<2x327680xi32, #tpu.memory_space<hbm>> -> memref<1x128xi32, #tpu.memory_space<hbm>>
      %dma_wait3A_415 = tpu.memref_squeeze %dma_wait3A_414 : memref<1x128xi32, #tpu.memory_space<hbm>> -> memref<128xi32, #tpu.memory_space<hbm>>
      %dma_wait3A_416 = tpu.memref_slice %arg3[%dma_wait3A_413, %mul3A_2] : memref<2x327680xi32, #tpu.memory_space<hbm>> -> memref<1x128xi32, #tpu.memory_space<hbm>>
      %dma_wait3A_417 = tpu.memref_squeeze %dma_wait3A_416 : memref<1x128xi32, #tpu.memory_space<hbm>> -> memref<128xi32, #tpu.memory_space<hbm>>
      tpu.wait_dma2 semaphore(%arg15 : memref<!tpu.dma_semaphore, #tpu.memory_space<semaphore_mem>>) src(%dma_wait3A_417 : memref<128xi32, #tpu.memory_space<hbm>>) dst(%arg7 : memref<128xi32, #tpu.memory_space<vmem>>)
      %dma_wait3A_418 = arith.constant 0 : i32
      %dma_wait3A_419 = tpu.memref_slice %arg6[%dma_wait3A_418] : memref<10240xi32, #tpu.memory_space<vmem>> -> memref<128xi32, #tpu.memory_space<vmem>>
      %dma_wait3A_420 = arith.constant 0 : i32
      %dma_wait3A_421 = arith.constant 0 : i32
      %dma_wait3A_422 = tpu.memref_slice %arg2[%dma_wait3A_420, %dma_wait3A_421] : memref<10000x128xf32, #tpu.memory_space<hbm>> -> memref<10000x128xf32, #tpu.memory_space<hbm>>
      tpu.wait_indirect_dma semaphore(%arg13 : memref<!tpu.dma_semaphore, #tpu.memory_space<semaphore_mem>>) src(%dma_wait3A_422 : memref<10000x128xf32, #tpu.memory_space<hbm>>) dst(%arg9 : memref<128x128xf32, #tpu.memory_space<vmem>>)
      "tpu.region"() ({
        %run_scoped3A_437 = tpu.sem_alloc : memref<!tpu.dma_semaphore, #tpu.memory_space<semaphore_mem>>
        %dma_start3A_438 = arith.constant 0 : i32
        %dma_start3A_439 = arith.constant 0 : i32
        %dma_start3A_440 = tpu.memref_slice %arg12[%dma_start3A_438, %dma_start3A_439] : memref<10240x128xf32, #tpu.memory_space<vmem_shared>> -> memref<10240x128xf32, #tpu.memory_space<vmem_shared>>
        tpu.enqueue_indirect_dma source(%arg9 : memref<128x128xf32, #tpu.memory_space<vmem>>) target(%dma_start3A_440 : memref<10240x128xf32, #tpu.memory_space<vmem_shared>>) offsets(%arg7 : memref<128xi32, #tpu.memory_space<vmem>>) semaphore(%run_scoped3A_437 : memref<!tpu.dma_semaphore, #tpu.memory_space<semaphore_mem>>) {add = true}
        %dma_wait3A_441 = arith.constant 0 : i32
        %dma_wait3A_442 = arith.constant 0 : i32
        %dma_wait3A_443 = tpu.memref_slice %arg12[%dma_wait3A_441, %dma_wait3A_442] : memref<10240x128xf32, #tpu.memory_space<vmem_shared>> -> memref<10240x128xf32, #tpu.memory_space<vmem_shared>>
        tpu.wait_indirect_dma semaphore(%run_scoped3A_437 : memref<!tpu.dma_semaphore, #tpu.memory_space<semaphore_mem>>) src(%arg9 : memref<128x128xf32, #tpu.memory_space<vmem>>) dst(%dma_wait3A_443 : memref<10240x128xf32, #tpu.memory_space<vmem_shared>>)
        tpu.yield
      }) : () -> ()
      %convert_element_type3A = arith.extui %lt3A_412 : i1 to i32
      %cond3A = arith.constant 0 : i32
      %cond3A_423 = arith.cmpi ne, %convert_element_type3A, %cond3A : i32
      scf.if %cond3A_423 {
        %add3A_437 = arith.constant 2 : i32
        %add3A_438 = arith.addi %mul3A_411, %add3A_437 : i32
        %mul3A_439 = arith.constant 128 : i32
        %mul3A_440 = arith.muli %add3A_438, %mul3A_439 : i32
        %add3A_441 = arith.addi %mul3A_2, %mul3A_440 : i32
        %dma_start3A_442 = arith.constant 1 : i32
        %dma_start3A_443 = tpu.memref_slice %arg3[%dma_start3A_442, %add3A_441] : memref<2x327680xi32, #tpu.memory_space<hbm>> -> memref<1x128xi32, #tpu.memory_space<hbm>>
        %dma_start3A_444 = tpu.memref_squeeze %dma_start3A_443 : memref<1x128xi32, #tpu.memory_space<hbm>> -> memref<128xi32, #tpu.memory_space<hbm>>
        %dma_start3A_445 = tpu.memref_slice %arg3[%dma_start3A_442, %add3A_441] : memref<2x327680xi32, #tpu.memory_space<hbm>> -> memref<1x128xi32, #tpu.memory_space<hbm>>
        %dma_start3A_446 = tpu.memref_squeeze %dma_start3A_445 : memref<1x128xi32, #tpu.memory_space<hbm>> -> memref<128xi32, #tpu.memory_space<hbm>>
        tpu.enqueue_dma source(%dma_start3A_446 : memref<128xi32, #tpu.memory_space<hbm>>) target(%arg7 : memref<128xi32, #tpu.memory_space<vmem>>) target_semaphore(%arg15 : memref<!tpu.dma_semaphore, #tpu.memory_space<semaphore_mem>>)
        %add3A_447 = arith.constant 2 : i32
        %add3A_448 = arith.addi %mul3A_411, %add3A_447 : i32
        %mul3A_449 = arith.constant 128 : i32
        %mul3A_450 = arith.muli %add3A_448, %mul3A_449 : i32
        %dma_start3A_451 = tpu.memref_slice %arg6[%mul3A_450] : memref<10240xi32, #tpu.memory_space<vmem>> -> memref<128xi32, #tpu.memory_space<vmem>>
        %dma_start3A_452 = arith.constant 0 : i32
        %dma_start3A_453 = arith.constant 0 : i32
        %dma_start3A_454 = tpu.memref_slice %arg2[%dma_start3A_452, %dma_start3A_453] : memref<10000x128xf32, #tpu.memory_space<hbm>> -> memref<10000x128xf32, #tpu.memory_space<hbm>>
        tpu.enqueue_indirect_dma source(%dma_start3A_454 : memref<10000x128xf32, #tpu.memory_space<hbm>>) target(%arg9 : memref<128x128xf32, #tpu.memory_space<vmem>>) offsets(%dma_start3A_451 : memref<128xi32, #tpu.memory_space<vmem>>) semaphore(%arg13 : memref<!tpu.dma_semaphore, #tpu.memory_space<semaphore_mem>>)
      } else {
      }
      %dma_wait3A_424 = arith.constant 1 : i32
      %dma_wait3A_425 = tpu.memref_slice %arg3[%dma_wait3A_424, %mul3A_2] : memref<2x327680xi32, #tpu.memory_space<hbm>> -> memref<1x128xi32, #tpu.memory_space<hbm>>
      %dma_wait3A_426 = tpu.memref_squeeze %dma_wait3A_425 : memref<1x128xi32, #tpu.memory_space<hbm>> -> memref<128xi32, #tpu.memory_space<hbm>>
      %dma_wait3A_427 = tpu.memref_slice %arg3[%dma_wait3A_424, %mul3A_2] : memref<2x327680xi32, #tpu.memory_space<hbm>> -> memref<1x128xi32, #tpu.memory_space<hbm>>
      %dma_wait3A_428 = tpu.memref_squeeze %dma_wait3A_427 : memref<1x128xi32, #tpu.memory_space<hbm>> -> memref<128xi32, #tpu.memory_space<hbm>>
      tpu.wait_dma2 semaphore(%arg16 : memref<!tpu.dma_semaphore, #tpu.memory_space<semaphore_mem>>) src(%dma_wait3A_428 : memref<128xi32, #tpu.memory_space<hbm>>) dst(%arg8 : memref<128xi32, #tpu.memory_space<vmem>>)
      %dma_wait3A_429 = arith.constant 0 : i32
      %dma_wait3A_430 = tpu.memref_slice %arg6[%dma_wait3A_429] : memref<10240xi32, #tpu.memory_space<vmem>> -> memref<128xi32, #tpu.memory_space<vmem>>
      %dma_wait3A_431 = arith.constant 0 : i32
      %dma_wait3A_432 = arith.constant 0 : i32
      %dma_wait3A_433 = tpu.memref_slice %arg2[%dma_wait3A_431, %dma_wait3A_432] : memref<10000x128xf32, #tpu.memory_space<hbm>> -> memref<10000x128xf32, #tpu.memory_space<hbm>>
      tpu.wait_indirect_dma semaphore(%arg14 : memref<!tpu.dma_semaphore, #tpu.memory_space<semaphore_mem>>) src(%dma_wait3A_433 : memref<10000x128xf32, #tpu.memory_space<hbm>>) dst(%arg10 : memref<128x128xf32, #tpu.memory_space<vmem>>)
      "tpu.region"() ({
        %run_scoped3A_437 = tpu.sem_alloc : memref<!tpu.dma_semaphore, #tpu.memory_space<semaphore_mem>>
        %dma_start3A_438 = arith.constant 0 : i32
        %dma_start3A_439 = arith.constant 0 : i32
        %dma_start3A_440 = tpu.memref_slice %arg12[%dma_start3A_438, %dma_start3A_439] : memref<10240x128xf32, #tpu.memory_space<vmem_shared>> -> memref<10240x128xf32, #tpu.memory_space<vmem_shared>>
        tpu.enqueue_indirect_dma source(%arg10 : memref<128x128xf32, #tpu.memory_space<vmem>>) target(%dma_start3A_440 : memref<10240x128xf32, #tpu.memory_space<vmem_shared>>) offsets(%arg8 : memref<128xi32, #tpu.memory_space<vmem>>) semaphore(%run_scoped3A_437 : memref<!tpu.dma_semaphore, #tpu.memory_space<semaphore_mem>>) {add = true}
        %dma_wait3A_441 = arith.constant 0 : i32
        %dma_wait3A_442 = arith.constant 0 : i32
        %dma_wait3A_443 = tpu.memref_slice %arg12[%dma_wait3A_441, %dma_wait3A_442] : memref<10240x128xf32, #tpu.memory_space<vmem_shared>> -> memref<10240x128xf32, #tpu.memory_space<vmem_shared>>
        tpu.wait_indirect_dma semaphore(%run_scoped3A_437 : memref<!tpu.dma_semaphore, #tpu.memory_space<semaphore_mem>>) src(%arg10 : memref<128x128xf32, #tpu.memory_space<vmem>>) dst(%dma_wait3A_443 : memref<10240x128xf32, #tpu.memory_space<vmem_shared>>)
        tpu.yield
      }) : () -> ()
      %convert_element_type3A_434 = arith.extui %lt3A_412 : i1 to i32
      %cond3A_435 = arith.constant 0 : i32
      %cond3A_436 = arith.cmpi ne, %convert_element_type3A_434, %cond3A_435 : i32
      scf.if %cond3A_436 {
        %add3A_437 = arith.constant 3 : i32
        %add3A_438 = arith.addi %mul3A_411, %add3A_437 : i32
        %mul3A_439 = arith.constant 128 : i32
        %mul3A_440 = arith.muli %add3A_438, %mul3A_439 : i32
        %add3A_441 = arith.addi %mul3A_2, %mul3A_440 : i32
        %dma_start3A_442 = arith.constant 1 : i32
        %dma_start3A_443 = tpu.memref_slice %arg3[%dma_start3A_442, %add3A_441] : memref<2x327680xi32, #tpu.memory_space<hbm>> -> memref<1x128xi32, #tpu.memory_space<hbm>>
        %dma_start3A_444 = tpu.memref_squeeze %dma_start3A_443 : memref<1x128xi32, #tpu.memory_space<hbm>> -> memref<128xi32, #tpu.memory_space<hbm>>
        %dma_start3A_445 = tpu.memref_slice %arg3[%dma_start3A_442, %add3A_441] : memref<2x327680xi32, #tpu.memory_space<hbm>> -> memref<1x128xi32, #tpu.memory_space<hbm>>
        %dma_start3A_446 = tpu.memref_squeeze %dma_start3A_445 : memref<1x128xi32, #tpu.memory_space<hbm>> -> memref<128xi32, #tpu.memory_space<hbm>>
        tpu.enqueue_dma source(%dma_start3A_446 : memref<128xi32, #tpu.memory_space<hbm>>) target(%arg8 : memref<128xi32, #tpu.memory_space<vmem>>) target_semaphore(%arg16 : memref<!tpu.dma_semaphore, #tpu.memory_space<semaphore_mem>>)
        %add3A_447 = arith.constant 3 : i32
        %add3A_448 = arith.addi %mul3A_411, %add3A_447 : i32
        %mul3A_449 = arith.constant 128 : i32
        %mul3A_450 = arith.muli %add3A_448, %mul3A_449 : i32
        %dma_start3A_451 = tpu.memref_slice %arg6[%mul3A_450] : memref<10240xi32, #tpu.memory_space<vmem>> -> memref<128xi32, #tpu.memory_space<vmem>>
        %dma_start3A_452 = arith.constant 0 : i32
        %dma_start3A_453 = arith.constant 0 : i32
        %dma_start3A_454 = tpu.memref_slice %arg2[%dma_start3A_452, %dma_start3A_453] : memref<10000x128xf32, #tpu.memory_space<hbm>> -> memref<10000x128xf32, #tpu.memory_space<hbm>>
        tpu.enqueue_indirect_dma source(%dma_start3A_454 : memref<10000x128xf32, #tpu.memory_space<hbm>>) target(%arg10 : memref<128x128xf32, #tpu.memory_space<vmem>>) offsets(%dma_start3A_451 : memref<128xi32, #tpu.memory_space<vmem>>) semaphore(%arg14 : memref<!tpu.dma_semaphore, #tpu.memory_space<semaphore_mem>>)
      } else {
      }
    }
    %scan3A_307 = arith.constant 40 : i32
    %barrier3A_308 = arith.constant 0 : index
    tpu.barrier barrier_id(%barrier3A_308)
    %mul3A_309 = arith.constant 640 : i32
    %mul3A_310 = arith.muli %arg1, %mul3A_309 : i32
    %add3A_311 = arith.constant 0 : i32
    %add3A_312 = arith.addi %mul3A_310, %add3A_311 : i32
    "tpu.region"() ({
      %run_scoped3A_409 = tpu.sem_alloc : memref<!tpu.dma_semaphore, #tpu.memory_space<semaphore_mem>>
      %dma_start3A_410 = arith.constant 0 : i32
      %dma_start3A_411 = tpu.memref_slice %arg12[%add3A_312, %dma_start3A_410] : memref<10240x128xf32, #tpu.memory_space<vmem_shared>> -> memref<128x128xf32, #tpu.memory_space<vmem_shared>>
      %dma_start3A_412 = arith.constant 0 : i32
      %dma_start3A_413 = tpu.memref_slice %arg12[%add3A_312, %dma_start3A_412] : memref<10240x128xf32, #tpu.memory_space<vmem_shared>> -> memref<128x128xf32, #tpu.memory_space<vmem_shared>>
      tpu.enqueue_dma source(%dma_start3A_413 : memref<128x128xf32, #tpu.memory_space<vmem_shared>>) target(%arg9 : memref<128x128xf32, #tpu.memory_space<vmem>>) target_semaphore(%run_scoped3A_409 : memref<!tpu.dma_semaphore, #tpu.memory_space<semaphore_mem>>)
      %dma_wait3A_414 = arith.constant 0 : i32
      %dma_wait3A_415 = tpu.memref_slice %arg12[%add3A_312, %dma_wait3A_414] : memref<10240x128xf32, #tpu.memory_space<vmem_shared>> -> memref<128x128xf32, #tpu.memory_space<vmem_shared>>
      %dma_wait3A_416 = arith.constant 0 : i32
      %dma_wait3A_417 = tpu.memref_slice %arg12[%add3A_312, %dma_wait3A_416] : memref<10240x128xf32, #tpu.memory_space<vmem_shared>> -> memref<128x128xf32, #tpu.memory_space<vmem_shared>>
      tpu.wait_dma2 semaphore(%run_scoped3A_409 : memref<!tpu.dma_semaphore, #tpu.memory_space<semaphore_mem>>) src(%dma_wait3A_417 : memref<128x128xf32, #tpu.memory_space<vmem_shared>>) dst(%arg9 : memref<128x128xf32, #tpu.memory_space<vmem>>)
      tpu.yield
    }) : () -> ()
    %dma_start3A_313 = arith.constant 0 : i32
    %dma_start3A_314 = tpu.memref_slice %arg5[%arg0, %add3A_312, %dma_start3A_313] : memref<2x10240x128xf32, #tpu.memory_space<hbm>> -> memref<1x128x128xf32, #tpu.memory_space<hbm>>
    %dma_start3A_315 = tpu.memref_squeeze %dma_start3A_314 : memref<1x128x128xf32, #tpu.memory_space<hbm>> -> memref<128x128xf32, #tpu.memory_space<hbm>>
    %dma_start3A_316 = arith.constant 0 : i32
    %dma_start3A_317 = tpu.memref_slice %arg5[%arg0, %add3A_312, %dma_start3A_316] : memref<2x10240x128xf32, #tpu.memory_space<hbm>> -> memref<1x128x128xf32, #tpu.memory_space<hbm>>
    %dma_start3A_318 = tpu.memref_squeeze %dma_start3A_317 : memref<1x128x128xf32, #tpu.memory_space<hbm>> -> memref<128x128xf32, #tpu.memory_space<hbm>>
    tpu.enqueue_dma source(%arg9 : memref<128x128xf32, #tpu.memory_space<vmem>>) target(%dma_start3A_318 : memref<128x128xf32, #tpu.memory_space<hbm>>) target_semaphore(%arg13 : memref<!tpu.dma_semaphore, #tpu.memory_space<semaphore_mem>>)
    %mul3A_319 = arith.constant 640 : i32
    %mul3A_320 = arith.muli %arg1, %mul3A_319 : i32
    %add3A_321 = arith.constant 128 : i32
    %add3A_322 = arith.addi %mul3A_320, %add3A_321 : i32
    "tpu.region"() ({
      %run_scoped3A_409 = tpu.sem_alloc : memref<!tpu.dma_semaphore, #tpu.memory_space<semaphore_mem>>
      %dma_start3A_410 = arith.constant 0 : i32
      %dma_start3A_411 = tpu.memref_slice %arg12[%add3A_322, %dma_start3A_410] : memref<10240x128xf32, #tpu.memory_space<vmem_shared>> -> memref<128x128xf32, #tpu.memory_space<vmem_shared>>
      %dma_start3A_412 = arith.constant 0 : i32
      %dma_start3A_413 = tpu.memref_slice %arg12[%add3A_322, %dma_start3A_412] : memref<10240x128xf32, #tpu.memory_space<vmem_shared>> -> memref<128x128xf32, #tpu.memory_space<vmem_shared>>
      tpu.enqueue_dma source(%dma_start3A_413 : memref<128x128xf32, #tpu.memory_space<vmem_shared>>) target(%arg10 : memref<128x128xf32, #tpu.memory_space<vmem>>) target_semaphore(%run_scoped3A_409 : memref<!tpu.dma_semaphore, #tpu.memory_space<semaphore_mem>>)
      %dma_wait3A_414 = arith.constant 0 : i32
      %dma_wait3A_415 = tpu.memref_slice %arg12[%add3A_322, %dma_wait3A_414] : memref<10240x128xf32, #tpu.memory_space<vmem_shared>> -> memref<128x128xf32, #tpu.memory_space<vmem_shared>>
      %dma_wait3A_416 = arith.constant 0 : i32
      %dma_wait3A_417 = tpu.memref_slice %arg12[%add3A_322, %dma_wait3A_416] : memref<10240x128xf32, #tpu.memory_space<vmem_shared>> -> memref<128x128xf32, #tpu.memory_space<vmem_shared>>
      tpu.wait_dma2 semaphore(%run_scoped3A_409 : memref<!tpu.dma_semaphore, #tpu.memory_space<semaphore_mem>>) src(%dma_wait3A_417 : memref<128x128xf32, #tpu.memory_space<vmem_shared>>) dst(%arg10 : memref<128x128xf32, #tpu.memory_space<vmem>>)
      tpu.yield
    }) : () -> ()
    %dma_start3A_323 = arith.constant 0 : i32
    %dma_start3A_324 = tpu.memref_slice %arg5[%arg0, %add3A_322, %dma_start3A_323] : memref<2x10240x128xf32, #tpu.memory_space<hbm>> -> memref<1x128x128xf32, #tpu.memory_space<hbm>>
    %dma_start3A_325 = tpu.memref_squeeze %dma_start3A_324 : memref<1x128x128xf32, #tpu.memory_space<hbm>> -> memref<128x128xf32, #tpu.memory_space<hbm>>
    %dma_start3A_326 = arith.constant 0 : i32
    %dma_start3A_327 = tpu.memref_slice %arg5[%arg0, %add3A_322, %dma_start3A_326] : memref<2x10240x128xf32, #tpu.memory_space<hbm>> -> memref<1x128x128xf32, #tpu.memory_space<hbm>>
    %dma_start3A_328 = tpu.memref_squeeze %dma_start3A_327 : memref<1x128x128xf32, #tpu.memory_space<hbm>> -> memref<128x128xf32, #tpu.memory_space<hbm>>
    tpu.enqueue_dma source(%arg10 : memref<128x128xf32, #tpu.memory_space<vmem>>) target(%dma_start3A_328 : memref<128x128xf32, #tpu.memory_space<hbm>>) target_semaphore(%arg14 : memref<!tpu.dma_semaphore, #tpu.memory_space<semaphore_mem>>)
    %mul3A_329 = arith.constant 640 : i32
    %mul3A_330 = arith.muli %arg1, %mul3A_329 : i32
    %add3A_331 = arith.constant 256 : i32
    %add3A_332 = arith.addi %mul3A_330, %add3A_331 : i32
    %mul3A_333 = arith.constant 640 : i32
    %mul3A_334 = arith.muli %arg1, %mul3A_333 : i32
    %add3A_335 = arith.constant 0 : i32
    %add3A_336 = arith.addi %mul3A_334, %add3A_335 : i32
    %dma_wait3A_337 = arith.constant 0 : i32
    %dma_wait3A_338 = tpu.memref_slice %arg5[%arg0, %add3A_336, %dma_wait3A_337] : memref<2x10240x128xf32, #tpu.memory_space<hbm>> -> memref<1x128x128xf32, #tpu.memory_space<hbm>>
    %dma_wait3A_339 = tpu.memref_squeeze %dma_wait3A_338 : memref<1x128x128xf32, #tpu.memory_space<hbm>> -> memref<128x128xf32, #tpu.memory_space<hbm>>
    %dma_wait3A_340 = arith.constant 0 : i32
    %dma_wait3A_341 = tpu.memref_slice %arg5[%arg0, %add3A_336, %dma_wait3A_340] : memref<2x10240x128xf32, #tpu.memory_space<hbm>> -> memref<1x128x128xf32, #tpu.memory_space<hbm>>
    %dma_wait3A_342 = tpu.memref_squeeze %dma_wait3A_341 : memref<1x128x128xf32, #tpu.memory_space<hbm>> -> memref<128x128xf32, #tpu.memory_space<hbm>>
    tpu.wait_dma2 semaphore(%arg13 : memref<!tpu.dma_semaphore, #tpu.memory_space<semaphore_mem>>) src(%arg9 : memref<128x128xf32, #tpu.memory_space<vmem>>) dst(%dma_wait3A_342 : memref<128x128xf32, #tpu.memory_space<hbm>>)
    "tpu.region"() ({
      %run_scoped3A_409 = tpu.sem_alloc : memref<!tpu.dma_semaphore, #tpu.memory_space<semaphore_mem>>
      %dma_start3A_410 = arith.constant 0 : i32
      %dma_start3A_411 = tpu.memref_slice %arg12[%add3A_332, %dma_start3A_410] : memref<10240x128xf32, #tpu.memory_space<vmem_shared>> -> memref<128x128xf32, #tpu.memory_space<vmem_shared>>
      %dma_start3A_412 = arith.constant 0 : i32
      %dma_start3A_413 = tpu.memref_slice %arg12[%add3A_332, %dma_start3A_412] : memref<10240x128xf32, #tpu.memory_space<vmem_shared>> -> memref<128x128xf32, #tpu.memory_space<vmem_shared>>
      tpu.enqueue_dma source(%dma_start3A_413 : memref<128x128xf32, #tpu.memory_space<vmem_shared>>) target(%arg9 : memref<128x128xf32, #tpu.memory_space<vmem>>) target_semaphore(%run_scoped3A_409 : memref<!tpu.dma_semaphore, #tpu.memory_space<semaphore_mem>>)
      %dma_wait3A_414 = arith.constant 0 : i32
      %dma_wait3A_415 = tpu.memref_slice %arg12[%add3A_332, %dma_wait3A_414] : memref<10240x128xf32, #tpu.memory_space<vmem_shared>> -> memref<128x128xf32, #tpu.memory_space<vmem_shared>>
      %dma_wait3A_416 = arith.constant 0 : i32
      %dma_wait3A_417 = tpu.memref_slice %arg12[%add3A_332, %dma_wait3A_416] : memref<10240x128xf32, #tpu.memory_space<vmem_shared>> -> memref<128x128xf32, #tpu.memory_space<vmem_shared>>
      tpu.wait_dma2 semaphore(%run_scoped3A_409 : memref<!tpu.dma_semaphore, #tpu.memory_space<semaphore_mem>>) src(%dma_wait3A_417 : memref<128x128xf32, #tpu.memory_space<vmem_shared>>) dst(%arg9 : memref<128x128xf32, #tpu.memory_space<vmem>>)
      tpu.yield
    }) : () -> ()
    %dma_start3A_343 = arith.constant 0 : i32
    %dma_start3A_344 = tpu.memref_slice %arg5[%arg0, %add3A_332, %dma_start3A_343] : memref<2x10240x128xf32, #tpu.memory_space<hbm>> -> memref<1x128x128xf32, #tpu.memory_space<hbm>>
    %dma_start3A_345 = tpu.memref_squeeze %dma_start3A_344 : memref<1x128x128xf32, #tpu.memory_space<hbm>> -> memref<128x128xf32, #tpu.memory_space<hbm>>
    %dma_start3A_346 = arith.constant 0 : i32
    %dma_start3A_347 = tpu.memref_slice %arg5[%arg0, %add3A_332, %dma_start3A_346] : memref<2x10240x128xf32, #tpu.memory_space<hbm>> -> memref<1x128x128xf32, #tpu.memory_space<hbm>>
    %dma_start3A_348 = tpu.memref_squeeze %dma_start3A_347 : memref<1x128x128xf32, #tpu.memory_space<hbm>> -> memref<128x128xf32, #tpu.memory_space<hbm>>
    tpu.enqueue_dma source(%arg9 : memref<128x128xf32, #tpu.memory_space<vmem>>) target(%dma_start3A_348 : memref<128x128xf32, #tpu.memory_space<hbm>>) target_semaphore(%arg13 : memref<!tpu.dma_semaphore, #tpu.memory_space<semaphore_mem>>)
    %mul3A_349 = arith.constant 640 : i32
    %mul3A_350 = arith.muli %arg1, %mul3A_349 : i32
    %add3A_351 = arith.constant 384 : i32
    %add3A_352 = arith.addi %mul3A_350, %add3A_351 : i32
    %mul3A_353 = arith.constant 640 : i32
    %mul3A_354 = arith.muli %arg1, %mul3A_353 : i32
    %add3A_355 = arith.constant 128 : i32
    %add3A_356 = arith.addi %mul3A_354, %add3A_355 : i32
    %dma_wait3A_357 = arith.constant 0 : i32
    %dma_wait3A_358 = tpu.memref_slice %arg5[%arg0, %add3A_356, %dma_wait3A_357] : memref<2x10240x128xf32, #tpu.memory_space<hbm>> -> memref<1x128x128xf32, #tpu.memory_space<hbm>>
    %dma_wait3A_359 = tpu.memref_squeeze %dma_wait3A_358 : memref<1x128x128xf32, #tpu.memory_space<hbm>> -> memref<128x128xf32, #tpu.memory_space<hbm>>
    %dma_wait3A_360 = arith.constant 0 : i32
    %dma_wait3A_361 = tpu.memref_slice %arg5[%arg0, %add3A_356, %dma_wait3A_360] : memref<2x10240x128xf32, #tpu.memory_space<hbm>> -> memref<1x128x128xf32, #tpu.memory_space<hbm>>
    %dma_wait3A_362 = tpu.memref_squeeze %dma_wait3A_361 : memref<1x128x128xf32, #tpu.memory_space<hbm>> -> memref<128x128xf32, #tpu.memory_space<hbm>>
    tpu.wait_dma2 semaphore(%arg14 : memref<!tpu.dma_semaphore, #tpu.memory_space<semaphore_mem>>) src(%arg10 : memref<128x128xf32, #tpu.memory_space<vmem>>) dst(%dma_wait3A_362 : memref<128x128xf32, #tpu.memory_space<hbm>>)
    "tpu.region"() ({
      %run_scoped3A_409 = tpu.sem_alloc : memref<!tpu.dma_semaphore, #tpu.memory_space<semaphore_mem>>
      %dma_start3A_410 = arith.constant 0 : i32
      %dma_start3A_411 = tpu.memref_slice %arg12[%add3A_352, %dma_start3A_410] : memref<10240x128xf32, #tpu.memory_space<vmem_shared>> -> memref<128x128xf32, #tpu.memory_space<vmem_shared>>
      %dma_start3A_412 = arith.constant 0 : i32
      %dma_start3A_413 = tpu.memref_slice %arg12[%add3A_352, %dma_start3A_412] : memref<10240x128xf32, #tpu.memory_space<vmem_shared>> -> memref<128x128xf32, #tpu.memory_space<vmem_shared>>
      tpu.enqueue_dma source(%dma_start3A_413 : memref<128x128xf32, #tpu.memory_space<vmem_shared>>) target(%arg10 : memref<128x128xf32, #tpu.memory_space<vmem>>) target_semaphore(%run_scoped3A_409 : memref<!tpu.dma_semaphore, #tpu.memory_space<semaphore_mem>>)
      %dma_wait3A_414 = arith.constant 0 : i32
      %dma_wait3A_415 = tpu.memref_slice %arg12[%add3A_352, %dma_wait3A_414] : memref<10240x128xf32, #tpu.memory_space<vmem_shared>> -> memref<128x128xf32, #tpu.memory_space<vmem_shared>>
      %dma_wait3A_416 = arith.constant 0 : i32
      %dma_wait3A_417 = tpu.memref_slice %arg12[%add3A_352, %dma_wait3A_416] : memref<10240x128xf32, #tpu.memory_space<vmem_shared>> -> memref<128x128xf32, #tpu.memory_space<vmem_shared>>
      tpu.wait_dma2 semaphore(%run_scoped3A_409 : memref<!tpu.dma_semaphore, #tpu.memory_space<semaphore_mem>>) src(%dma_wait3A_417 : memref<128x128xf32, #tpu.memory_space<vmem_shared>>) dst(%arg10 : memref<128x128xf32, #tpu.memory_space<vmem>>)
      tpu.yield
    }) : () -> ()
    %dma_start3A_363 = arith.constant 0 : i32
    %dma_start3A_364 = tpu.memref_slice %arg5[%arg0, %add3A_352, %dma_start3A_363] : memref<2x10240x128xf32, #tpu.memory_space<hbm>> -> memref<1x128x128xf32, #tpu.memory_space<hbm>>
    %dma_start3A_365 = tpu.memref_squeeze %dma_start3A_364 : memref<1x128x128xf32, #tpu.memory_space<hbm>> -> memref<128x128xf32, #tpu.memory_space<hbm>>
    %dma_start3A_366 = arith.constant 0 : i32
    %dma_start3A_367 = tpu.memref_slice %arg5[%arg0, %add3A_352, %dma_start3A_366] : memref<2x10240x128xf32, #tpu.memory_space<hbm>> -> memref<1x128x128xf32, #tpu.memory_space<hbm>>
    %dma_start3A_368 = tpu.memref_squeeze %dma_start3A_367 : memref<1x128x128xf32, #tpu.memory_space<hbm>> -> memref<128x128xf32, #tpu.memory_space<hbm>>
    tpu.enqueue_dma source(%arg10 : memref<128x128xf32, #tpu.memory_space<vmem>>) target(%dma_start3A_368 : memref<128x128xf32, #tpu.memory_space<hbm>>) target_semaphore(%arg14 : memref<!tpu.dma_semaphore, #tpu.memory_space<semaphore_mem>>)
    %mul3A_369 = arith.constant 640 : i32
    %mul3A_370 = arith.muli %arg1, %mul3A_369 : i32
    %add3A_371 = arith.constant 512 : i32
    %add3A_372 = arith.addi %mul3A_370, %add3A_371 : i32
    %mul3A_373 = arith.constant 640 : i32
    %mul3A_374 = arith.muli %arg1, %mul3A_373 : i32
    %add3A_375 = arith.constant 256 : i32
    %add3A_376 = arith.addi %mul3A_374, %add3A_375 : i32
    %dma_wait3A_377 = arith.constant 0 : i32
    %dma_wait3A_378 = tpu.memref_slice %arg5[%arg0, %add3A_376, %dma_wait3A_377] : memref<2x10240x128xf32, #tpu.memory_space<hbm>> -> memref<1x128x128xf32, #tpu.memory_space<hbm>>
    %dma_wait3A_379 = tpu.memref_squeeze %dma_wait3A_378 : memref<1x128x128xf32, #tpu.memory_space<hbm>> -> memref<128x128xf32, #tpu.memory_space<hbm>>
    %dma_wait3A_380 = arith.constant 0 : i32
    %dma_wait3A_381 = tpu.memref_slice %arg5[%arg0, %add3A_376, %dma_wait3A_380] : memref<2x10240x128xf32, #tpu.memory_space<hbm>> -> memref<1x128x128xf32, #tpu.memory_space<hbm>>
    %dma_wait3A_382 = tpu.memref_squeeze %dma_wait3A_381 : memref<1x128x128xf32, #tpu.memory_space<hbm>> -> memref<128x128xf32, #tpu.memory_space<hbm>>
    tpu.wait_dma2 semaphore(%arg13 : memref<!tpu.dma_semaphore, #tpu.memory_space<semaphore_mem>>) src(%arg9 : memref<128x128xf32, #tpu.memory_space<vmem>>) dst(%dma_wait3A_382 : memref<128x128xf32, #tpu.memory_space<hbm>>)
    "tpu.region"() ({
      %run_scoped3A_409 = tpu.sem_alloc : memref<!tpu.dma_semaphore, #tpu.memory_space<semaphore_mem>>
      %dma_start3A_410 = arith.constant 0 : i32
      %dma_start3A_411 = tpu.memref_slice %arg12[%add3A_372, %dma_start3A_410] : memref<10240x128xf32, #tpu.memory_space<vmem_shared>> -> memref<128x128xf32, #tpu.memory_space<vmem_shared>>
      %dma_start3A_412 = arith.constant 0 : i32
      %dma_start3A_413 = tpu.memref_slice %arg12[%add3A_372, %dma_start3A_412] : memref<10240x128xf32, #tpu.memory_space<vmem_shared>> -> memref<128x128xf32, #tpu.memory_space<vmem_shared>>
      tpu.enqueue_dma source(%dma_start3A_413 : memref<128x128xf32, #tpu.memory_space<vmem_shared>>) target(%arg9 : memref<128x128xf32, #tpu.memory_space<vmem>>) target_semaphore(%run_scoped3A_409 : memref<!tpu.dma_semaphore, #tpu.memory_space<semaphore_mem>>)
      %dma_wait3A_414 = arith.constant 0 : i32
      %dma_wait3A_415 = tpu.memref_slice %arg12[%add3A_372, %dma_wait3A_414] : memref<10240x128xf32, #tpu.memory_space<vmem_shared>> -> memref<128x128xf32, #tpu.memory_space<vmem_shared>>
      %dma_wait3A_416 = arith.constant 0 : i32
      %dma_wait3A_417 = tpu.memref_slice %arg12[%add3A_372, %dma_wait3A_416] : memref<10240x128xf32, #tpu.memory_space<vmem_shared>> -> memref<128x128xf32, #tpu.memory_space<vmem_shared>>
      tpu.wait_dma2 semaphore(%run_scoped3A_409 : memref<!tpu.dma_semaphore, #tpu.memory_space<semaphore_mem>>) src(%dma_wait3A_417 : memref<128x128xf32, #tpu.memory_space<vmem_shared>>) dst(%arg9 : memref<128x128xf32, #tpu.memory_space<vmem>>)
      tpu.yield
    }) : () -> ()
    %dma_start3A_383 = arith.constant 0 : i32
    %dma_start3A_384 = tpu.memref_slice %arg5[%arg0, %add3A_372, %dma_start3A_383] : memref<2x10240x128xf32, #tpu.memory_space<hbm>> -> memref<1x128x128xf32, #tpu.memory_space<hbm>>
    %dma_start3A_385 = tpu.memref_squeeze %dma_start3A_384 : memref<1x128x128xf32, #tpu.memory_space<hbm>> -> memref<128x128xf32, #tpu.memory_space<hbm>>
    %dma_start3A_386 = arith.constant 0 : i32
    %dma_start3A_387 = tpu.memref_slice %arg5[%arg0, %add3A_372, %dma_start3A_386] : memref<2x10240x128xf32, #tpu.memory_space<hbm>> -> memref<1x128x128xf32, #tpu.memory_space<hbm>>
    %dma_start3A_388 = tpu.memref_squeeze %dma_start3A_387 : memref<1x128x128xf32, #tpu.memory_space<hbm>> -> memref<128x128xf32, #tpu.memory_space<hbm>>
    tpu.enqueue_dma source(%arg9 : memref<128x128xf32, #tpu.memory_space<vmem>>) target(%dma_start3A_388 : memref<128x128xf32, #tpu.memory_space<hbm>>) target_semaphore(%arg13 : memref<!tpu.dma_semaphore, #tpu.memory_space<semaphore_mem>>)
    %mul3A_389 = arith.constant 640 : i32
    %mul3A_390 = arith.muli %arg1, %mul3A_389 : i32
    %add3A_391 = arith.constant 384 : i32
    %add3A_392 = arith.addi %mul3A_390, %add3A_391 : i32
    %dma_wait3A_393 = arith.constant 0 : i32
    %dma_wait3A_394 = tpu.memref_slice %arg5[%arg0, %add3A_392, %dma_wait3A_393] : memref<2x10240x128xf32, #tpu.memory_space<hbm>> -> memref<1x128x128xf32, #tpu.memory_space<hbm>>
    %dma_wait3A_395 = tpu.memref_squeeze %dma_wait3A_394 : memref<1x128x128xf32, #tpu.memory_space<hbm>> -> memref<128x128xf32, #tpu.memory_space<hbm>>
    %dma_wait3A_396 = arith.constant 0 : i32
    %dma_wait3A_397 = tpu.memref_slice %arg5[%arg0, %add3A_392, %dma_wait3A_396] : memref<2x10240x128xf32, #tpu.memory_space<hbm>> -> memref<1x128x128xf32, #tpu.memory_space<hbm>>
    %dma_wait3A_398 = tpu.memref_squeeze %dma_wait3A_397 : memref<1x128x128xf32, #tpu.memory_space<hbm>> -> memref<128x128xf32, #tpu.memory_space<hbm>>
    tpu.wait_dma2 semaphore(%arg14 : memref<!tpu.dma_semaphore, #tpu.memory_space<semaphore_mem>>) src(%arg10 : memref<128x128xf32, #tpu.memory_space<vmem>>) dst(%dma_wait3A_398 : memref<128x128xf32, #tpu.memory_space<hbm>>)
    %mul3A_399 = arith.constant 640 : i32
    %mul3A_400 = arith.muli %arg1, %mul3A_399 : i32
    %add3A_401 = arith.constant 512 : i32
    %add3A_402 = arith.addi %mul3A_400, %add3A_401 : i32
    %dma_wait3A_403 = arith.constant 0 : i32
    %dma_wait3A_404 = tpu.memref_slice %arg5[%arg0, %add3A_402, %dma_wait3A_403] : memref<2x10240x128xf32, #tpu.memory_space<hbm>> -> memref<1x128x128xf32, #tpu.memory_space<hbm>>
    %dma_wait3A_405 = tpu.memref_squeeze %dma_wait3A_404 : memref<1x128x128xf32, #tpu.memory_space<hbm>> -> memref<128x128xf32, #tpu.memory_space<hbm>>
    %dma_wait3A_406 = arith.constant 0 : i32
    %dma_wait3A_407 = tpu.memref_slice %arg5[%arg0, %add3A_402, %dma_wait3A_406] : memref<2x10240x128xf32, #tpu.memory_space<hbm>> -> memref<1x128x128xf32, #tpu.memory_space<hbm>>
    %dma_wait3A_408 = tpu.memref_squeeze %dma_wait3A_407 : memref<1x128x128xf32, #tpu.memory_space<hbm>> -> memref<128x128xf32, #tpu.memory_space<hbm>>
    tpu.wait_dma2 semaphore(%arg13 : memref<!tpu.dma_semaphore, #tpu.memory_space<semaphore_mem>>) src(%arg9 : memref<128x128xf32, #tpu.memory_space<vmem>>) dst(%dma_wait3A_408 : memref<128x128xf32, #tpu.memory_space<hbm>>)
    return
  }
}

#map = affine_map<(d0, d1) -> (0, 0)>
#map1 = affine_map<(d0, d1) -> (0, 0, 0)>
module attributes {stable_mosaic.version = 14 : i64} {
  func.func @body(%arg0: i32, %arg1: i32, %arg2: memref<10000x128xf32, #tpu.memory_space<hbm>>, %arg3: memref<2x327680xi32, #tpu.memory_space<hbm>>, %arg4: memref<128x128xf32, #tpu.memory_space<hbm>>, %arg5: memref<2x10240x128xf32, #tpu.memory_space<hbm>>, %arg6: memref<10240xi32, #tpu.memory_space<vmem>>, %arg7: memref<128xi32, #tpu.memory_space<vmem>>, %arg8: memref<128xi32, #tpu.memory_space<vmem>>, %arg9: memref<128x128xf32, #tpu.memory_space<vmem>>, %arg10: memref<128x128xf32, #tpu.memory_space<vmem>>, %arg11: memref<32x128xf32, #tpu.memory_space<vmem>>, %arg12: memref<10240x128xf32, #tpu.memory_space<vmem_shared>>, %arg13: memref<!tpu.dma_semaphore, #tpu.memory_space<semaphore_mem>>, %arg14: memref<!tpu.dma_semaphore, #tpu.memory_space<semaphore_mem>>, %arg15: memref<!tpu.dma_semaphore, #tpu.memory_space<semaphore_mem>>, %arg16: memref<!tpu.dma_semaphore, #tpu.memory_space<semaphore_mem>>, %arg17: memref<!tpu.dma_semaphore, #tpu.memory_space<semaphore_mem>>) attributes {dimension_semantics = [#tpu.dimension_semantics<core_parallel>, #tpu.dimension_semantics<subcore_parallel>], iteration_bounds = array<i64: 2, 16>, scalar_prefetch = 0 : i64, scratch_operands = 12 : i64, tpu.core_type = #tpu.core_type<sc_vector_subcore>, window_params = [{transform_indices = #map}, {transform_indices = #map}, {transform_indices = #map}, {transform_indices = #map1}]} {
    %mul3A = arith.constant 16 : i32
    %mul3A_0 = arith.muli %arg0, %mul3A : i32
    %add3A = arith.addi %mul3A_0, %arg1 : i32
    %mul3A_1 = arith.constant 10240 : i32
    %mul3A_2 = arith.muli %add3A, %mul3A_1 : i32
    %run_scoped3A = arith.constant 0 : i32
    "tpu.region"() ({
      %run_scoped3A_409 = tpu.sem_alloc : memref<!tpu.dma_semaphore, #tpu.memory_space<semaphore_mem>>
      %dma_start3A_410 = tpu.memref_slice %arg3[%run_scoped3A, %mul3A_2] : memref<2x327680xi32, #tpu.memory_space<hbm>> -> memref<1x10240xi32, #tpu.memory_space<hbm>>
      %dma_start3A_411 = tpu.memref_squeeze %dma_start3A_410 : memref<1x10240xi32, #tpu.memory_space<hbm>> -> memref<10240xi32, #tpu.memory_space<hbm>>
      %dma_start3A_412 = tpu.memref_slice %arg3[%run_scoped3A, %mul3A_2] : memref<2x327680xi32, #tpu.memory_space<hbm>> -> memref<1x10240xi32, #tpu.memory_space<hbm>>
      %dma_start3A_413 = tpu.memref_squeeze %dma_start3A_412 : memref<1x10240xi32, #tpu.memory_space<hbm>> -> memref<10240xi32, #tpu.memory_space<hbm>>
      tpu.enqueue_dma source(%dma_start3A_413 : memref<10240xi32, #tpu.memory_space<hbm>>) target(%arg6 : memref<10240xi32, #tpu.memory_space<vmem>>) target_semaphore(%run_scoped3A_409 : memref<!tpu.dma_semaphore, #tpu.memory_space<semaphore_mem>>)
      %dma_wait3A_414 = tpu.memref_slice %arg3[%run_scoped3A, %mul3A_2] : memref<2x327680xi32, #tpu.memory_space<hbm>> -> memref<1x10240xi32, #tpu.memory_space<hbm>>
      %dma_wait3A_415 = tpu.memref_squeeze %dma_wait3A_414 : memref<1x10240xi32, #tpu.memory_space<hbm>> -> memref<10240xi32, #tpu.memory_space<hbm>>
      %dma_wait3A_416 = tpu.memref_slice %arg3[%run_scoped3A, %mul3A_2] : memref<2x327680xi32, #tpu.memory_space<hbm>> -> memref<1x10240xi32, #tpu.memory_space<hbm>>
      %dma_wait3A_417 = tpu.memref_squeeze %dma_wait3A_416 : memref<1x10240xi32, #tpu.memory_space<hbm>> -> memref<10240xi32, #tpu.memory_space<hbm>>
      tpu.wait_dma2 semaphore(%run_scoped3A_409 : memref<!tpu.dma_semaphore, #tpu.memory_space<semaphore_mem>>) src(%dma_wait3A_417 : memref<10240xi32, #tpu.memory_space<hbm>>) dst(%arg6 : memref<10240xi32, #tpu.memory_space<vmem>>)
      tpu.yield
    }) : () -> ()
    %dma_start3A = arith.constant 1 : i32
    %dma_start3A_3 = tpu.memref_slice %arg3[%dma_start3A, %mul3A_2] : memref<2x327680xi32, #tpu.memory_space<hbm>> -> memref<1x128xi32, #tpu.memory_space<hbm>>
    %dma_start3A_4 = tpu.memref_squeeze %dma_start3A_3 : memref<1x128xi32, #tpu.memory_space<hbm>> -> memref<128xi32, #tpu.memory_space<hbm>>
    %dma_start3A_5 = tpu.memref_slice %arg3[%dma_start3A, %mul3A_2] : memref<2x327680xi32, #tpu.memory_space<hbm>> -> memref<1x128xi32, #tpu.memory_space<hbm>>
    %dma_start3A_6 = tpu.memref_squeeze %dma_start3A_5 : memref<1x128xi32, #tpu.memory_space<hbm>> -> memref<128xi32, #tpu.memory_space<hbm>>
    tpu.enqueue_dma source(%dma_start3A_6 : memref<128xi32, #tpu.memory_space<hbm>>) target(%arg7 : memref<128xi32, #tpu.memory_space<vmem>>) target_semaphore(%arg15 : memref<!tpu.dma_semaphore, #tpu.memory_space<semaphore_mem>>)
    %add3A_7 = arith.constant 128 : i32
    %add3A_8 = arith.addi %mul3A_2, %add3A_7 : i32
    %dma_start3A_9 = arith.constant 1 : i32
    %dma_start3A_10 = tpu.memref_slice %arg3[%dma_start3A_9, %add3A_8] : memref<2x327680xi32, #tpu.memory_space<hbm>> -> memref<1x128xi32, #tpu.memory_space<hbm>>
    %dma_start3A_11 = tpu.memref_squeeze %dma_start3A_10 : memref<1x128xi32, #tpu.memory_space<hbm>> -> memref<128xi32, #tpu.memory_space<hbm>>
    %dma_start3A_12 = tpu.memref_slice %arg3[%dma_start3A_9, %add3A_8] : memref<2x327680xi32, #tpu.memory_space<hbm>> -> memref<1x128xi32, #tpu.memory_space<hbm>>
    %dma_start3A_13 = tpu.memref_squeeze %dma_start3A_12 : memref<1x128xi32, #tpu.memory_space<hbm>> -> memref<128xi32, #tpu.memory_space<hbm>>
    tpu.enqueue_dma source(%dma_start3A_13 : memref<128xi32, #tpu.memory_space<hbm>>) target(%arg8 : memref<128xi32, #tpu.memory_space<vmem>>) target_semaphore(%arg16 : memref<!tpu.dma_semaphore, #tpu.memory_space<semaphore_mem>>)
    %dma_start3A_14 = arith.constant 0 : i32
    %dma_start3A_15 = tpu.memref_slice %arg6[%dma_start3A_14] : memref<10240xi32, #tpu.memory_space<vmem>> -> memref<128xi32, #tpu.memory_space<vmem>>
    %dma_start3A_16 = arith.constant 0 : i32
    %dma_start3A_17 = arith.constant 0 : i32
    %dma_start3A_18 = tpu.memref_slice %arg2[%dma_start3A_16, %dma_start3A_17] : memref<10000x128xf32, #tpu.memory_space<hbm>> -> memref<10000x128xf32, #tpu.memory_space<hbm>>
    tpu.enqueue_indirect_dma source(%dma_start3A_18 : memref<10000x128xf32, #tpu.memory_space<hbm>>) target(%arg9 : memref<128x128xf32, #tpu.memory_space<vmem>>) offsets(%dma_start3A_15 : memref<128xi32, #tpu.memory_space<vmem>>) semaphore(%arg13 : memref<!tpu.dma_semaphore, #tpu.memory_space<semaphore_mem>>)
    %dma_start3A_19 = arith.constant 128 : i32
    %dma_start3A_20 = tpu.memref_slice %arg6[%dma_start3A_19] : memref<10240xi32, #tpu.memory_space<vmem>> -> memref<128xi32, #tpu.memory_space<vmem>>
    %dma_start3A_21 = arith.constant 0 : i32
    %dma_start3A_22 = arith.constant 0 : i32
    %dma_start3A_23 = tpu.memref_slice %arg2[%dma_start3A_21, %dma_start3A_22] : memref<10000x128xf32, #tpu.memory_space<hbm>> -> memref<10000x128xf32, #tpu.memory_space<hbm>>
    tpu.enqueue_indirect_dma source(%dma_start3A_23 : memref<10000x128xf32, #tpu.memory_space<hbm>>) target(%arg10 : memref<128x128xf32, #tpu.memory_space<vmem>>) offsets(%dma_start3A_20 : memref<128xi32, #tpu.memory_space<vmem>>) semaphore(%arg14 : memref<!tpu.dma_semaphore, #tpu.memory_space<semaphore_mem>>)
    "tpu.region"() ({
      %run_scoped3A_409 = tpu.sem_alloc : memref<!tpu.dma_semaphore, #tpu.memory_space<semaphore_mem>>
      %dma_start3A_410 = arith.constant 0 : i32
      %dma_start3A_411 = arith.constant 0 : i32
      %dma_start3A_412 = tpu.memref_slice %arg4[%dma_start3A_410, %dma_start3A_411] : memref<128x128xf32, #tpu.memory_space<hbm>> -> memref<32x128xf32, #tpu.memory_space<hbm>>
      %dma_start3A_413 = arith.constant 0 : i32
      %dma_start3A_414 = arith.constant 0 : i32
      %dma_start3A_415 = tpu.memref_slice %arg4[%dma_start3A_413, %dma_start3A_414] : memref<128x128xf32, #tpu.memory_space<hbm>> -> memref<32x128xf32, #tpu.memory_space<hbm>>
      tpu.enqueue_dma source(%dma_start3A_415 : memref<32x128xf32, #tpu.memory_space<hbm>>) target(%arg11 : memref<32x128xf32, #tpu.memory_space<vmem>>) target_semaphore(%run_scoped3A_409 : memref<!tpu.dma_semaphore, #tpu.memory_space<semaphore_mem>>)
      %dma_wait3A_416 = arith.constant 0 : i32
      %dma_wait3A_417 = arith.constant 0 : i32
      %dma_wait3A_418 = tpu.memref_slice %arg4[%dma_wait3A_416, %dma_wait3A_417] : memref<128x128xf32, #tpu.memory_space<hbm>> -> memref<32x128xf32, #tpu.memory_space<hbm>>
      %dma_wait3A_419 = arith.constant 0 : i32
      %dma_wait3A_420 = arith.constant 0 : i32
      %dma_wait3A_421 = tpu.memref_slice %arg4[%dma_wait3A_419, %dma_wait3A_420] : memref<128x128xf32, #tpu.memory_space<hbm>> -> memref<32x128xf32, #tpu.memory_space<hbm>>
      tpu.wait_dma2 semaphore(%run_scoped3A_409 : memref<!tpu.dma_semaphore, #tpu.memory_space<semaphore_mem>>) src(%dma_wait3A_421 : memref<32x128xf32, #tpu.memory_space<hbm>>) dst(%arg11 : memref<32x128xf32, #tpu.memory_space<vmem>>)
      tpu.yield
    }) : () -> ()
    %mul3A_24 = arith.constant 640 : i32
    %mul3A_25 = arith.muli %arg1, %mul3A_24 : i32
    %add3A_26 = arith.constant 0 : i32
    %add3A_27 = arith.addi %mul3A_25, %add3A_26 : i32
    %dma_start3A_28 = arith.constant 0 : i32
    %dma_start3A_29 = tpu.memref_slice %arg12[%add3A_27, %dma_start3A_28] : memref<10240x128xf32, #tpu.memory_space<vmem_shared>> -> memref<32x128xf32, #tpu.memory_space<vmem_shared>>
    %dma_start3A_30 = arith.constant 0 : i32
    %dma_start3A_31 = tpu.memref_slice %arg12[%add3A_27, %dma_start3A_30] : memref<10240x128xf32, #tpu.memory_space<vmem_shared>> -> memref<32x128xf32, #tpu.memory_space<vmem_shared>>
    tpu.enqueue_dma source(%arg11 : memref<32x128xf32, #tpu.memory_space<vmem>>) target(%dma_start3A_31 : memref<32x128xf32, #tpu.memory_space<vmem_shared>>) target_semaphore(%arg17 : memref<!tpu.dma_semaphore, #tpu.memory_space<semaphore_mem>>)
    %mul3A_32 = arith.constant 640 : i32
    %mul3A_33 = arith.muli %arg1, %mul3A_32 : i32
    %add3A_34 = arith.constant 32 : i32
    %add3A_35 = arith.addi %mul3A_33, %add3A_34 : i32
    %dma_start3A_36 = arith.constant 0 : i32
    %dma_start3A_37 = tpu.memref_slice %arg12[%add3A_35, %dma_start3A_36] : memref<10240x128xf32, #tpu.memory_space<vmem_shared>> -> memref<32x128xf32, #tpu.memory_space<vmem_shared>>
    %dma_start3A_38 = arith.constant 0 : i32
    %dma_start3A_39 = tpu.memref_slice %arg12[%add3A_35, %dma_start3A_38] : memref<10240x128xf32, #tpu.memory_space<vmem_shared>> -> memref<32x128xf32, #tpu.memory_space<vmem_shared>>
    tpu.enqueue_dma source(%arg11 : memref<32x128xf32, #tpu.memory_space<vmem>>) target(%dma_start3A_39 : memref<32x128xf32, #tpu.memory_space<vmem_shared>>) target_semaphore(%arg17 : memref<!tpu.dma_semaphore, #tpu.memory_space<semaphore_mem>>)
    %mul3A_40 = arith.constant 640 : i32
    %mul3A_41 = arith.muli %arg1, %mul3A_40 : i32
    %add3A_42 = arith.constant 64 : i32
    %add3A_43 = arith.addi %mul3A_41, %add3A_42 : i32
    %dma_start3A_44 = arith.constant 0 : i32
    %dma_start3A_45 = tpu.memref_slice %arg12[%add3A_43, %dma_start3A_44] : memref<10240x128xf32, #tpu.memory_space<vmem_shared>> -> memref<32x128xf32, #tpu.memory_space<vmem_shared>>
    %dma_start3A_46 = arith.constant 0 : i32
    %dma_start3A_47 = tpu.memref_slice %arg12[%add3A_43, %dma_start3A_46] : memref<10240x128xf32, #tpu.memory_space<vmem_shared>> -> memref<32x128xf32, #tpu.memory_space<vmem_shared>>
    tpu.enqueue_dma source(%arg11 : memref<32x128xf32, #tpu.memory_space<vmem>>) target(%dma_start3A_47 : memref<32x128xf32, #tpu.memory_space<vmem_shared>>) target_semaphore(%arg17 : memref<!tpu.dma_semaphore, #tpu.memory_space<semaphore_mem>>)
    %mul3A_48 = arith.constant 640 : i32
    %mul3A_49 = arith.muli %arg1, %mul3A_48 : i32
    %add3A_50 = arith.constant 96 : i32
    %add3A_51 = arith.addi %mul3A_49, %add3A_50 : i32
    %dma_start3A_52 = arith.constant 0 : i32
    %dma_start3A_53 = tpu.memref_slice %arg12[%add3A_51, %dma_start3A_52] : memref<10240x128xf32, #tpu.memory_space<vmem_shared>> -> memref<32x128xf32, #tpu.memory_space<vmem_shared>>
    %dma_start3A_54 = arith.constant 0 : i32
    %dma_start3A_55 = tpu.memref_slice %arg12[%add3A_51, %dma_start3A_54] : memref<10240x128xf32, #tpu.memory_space<vmem_shared>> -> memref<32x128xf32, #tpu.memory_space<vmem_shared>>
    tpu.enqueue_dma source(%arg11 : memref<32x128xf32, #tpu.memory_space<vmem>>) target(%dma_start3A_55 : memref<32x128xf32, #tpu.memory_space<vmem_shared>>) target_semaphore(%arg17 : memref<!tpu.dma_semaphore, #tpu.memory_space<semaphore_mem>>)
    %mul3A_56 = arith.constant 640 : i32
    %mul3A_57 = arith.muli %arg1, %mul3A_56 : i32
    %add3A_58 = arith.constant 128 : i32
    %add3A_59 = arith.addi %mul3A_57, %add3A_58 : i32
    %dma_start3A_60 = arith.constant 0 : i32
    %dma_start3A_61 = tpu.memref_slice %arg12[%add3A_59, %dma_start3A_60] : memref<10240x128xf32, #tpu.memory_space<vmem_shared>> -> memref<32x128xf32, #tpu.memory_space<vmem_shared>>
    %dma_start3A_62 = arith.constant 0 : i32
    %dma_start3A_63 = tpu.memref_slice %arg12[%add3A_59, %dma_start3A_62] : memref<10240x128xf32, #tpu.memory_space<vmem_shared>> -> memref<32x128xf32, #tpu.memory_space<vmem_shared>>
    tpu.enqueue_dma source(%arg11 : memref<32x128xf32, #tpu.memory_space<vmem>>) target(%dma_start3A_63 : memref<32x128xf32, #tpu.memory_space<vmem_shared>>) target_semaphore(%arg17 : memref<!tpu.dma_semaphore, #tpu.memory_space<semaphore_mem>>)
    %mul3A_64 = arith.constant 640 : i32
    %mul3A_65 = arith.muli %arg1, %mul3A_64 : i32
    %add3A_66 = arith.constant 160 : i32
    %add3A_67 = arith.addi %mul3A_65, %add3A_66 : i32
    %dma_start3A_68 = arith.constant 0 : i32
    %dma_start3A_69 = tpu.memref_slice %arg12[%add3A_67, %dma_start3A_68] : memref<10240x128xf32, #tpu.memory_space<vmem_shared>> -> memref<32x128xf32, #tpu.memory_space<vmem_shared>>
    %dma_start3A_70 = arith.constant 0 : i32
    %dma_start3A_71 = tpu.memref_slice %arg12[%add3A_67, %dma_start3A_70] : memref<10240x128xf32, #tpu.memory_space<vmem_shared>> -> memref<32x128xf32, #tpu.memory_space<vmem_shared>>
    tpu.enqueue_dma source(%arg11 : memref<32x128xf32, #tpu.memory_space<vmem>>) target(%dma_start3A_71 : memref<32x128xf32, #tpu.memory_space<vmem_shared>>) target_semaphore(%arg17 : memref<!tpu.dma_semaphore, #tpu.memory_space<semaphore_mem>>)
    %mul3A_72 = arith.constant 640 : i32
    %mul3A_73 = arith.muli %arg1, %mul3A_72 : i32
    %add3A_74 = arith.constant 192 : i32
    %add3A_75 = arith.addi %mul3A_73, %add3A_74 : i32
    %dma_start3A_76 = arith.constant 0 : i32
    %dma_start3A_77 = tpu.memref_slice %arg12[%add3A_75, %dma_start3A_76] : memref<10240x128xf32, #tpu.memory_space<vmem_shared>> -> memref<32x128xf32, #tpu.memory_space<vmem_shared>>
    %dma_start3A_78 = arith.constant 0 : i32
    %dma_start3A_79 = tpu.memref_slice %arg12[%add3A_75, %dma_start3A_78] : memref<10240x128xf32, #tpu.memory_space<vmem_shared>> -> memref<32x128xf32, #tpu.memory_space<vmem_shared>>
    tpu.enqueue_dma source(%arg11 : memref<32x128xf32, #tpu.memory_space<vmem>>) target(%dma_start3A_79 : memref<32x128xf32, #tpu.memory_space<vmem_shared>>) target_semaphore(%arg17 : memref<!tpu.dma_semaphore, #tpu.memory_space<semaphore_mem>>)
    %mul3A_80 = arith.constant 640 : i32
    %mul3A_81 = arith.muli %arg1, %mul3A_80 : i32
    %add3A_82 = arith.constant 224 : i32
    %add3A_83 = arith.addi %mul3A_81, %add3A_82 : i32
    %dma_start3A_84 = arith.constant 0 : i32
    %dma_start3A_85 = tpu.memref_slice %arg12[%add3A_83, %dma_start3A_84] : memref<10240x128xf32, #tpu.memory_space<vmem_shared>> -> memref<32x128xf32, #tpu.memory_space<vmem_shared>>
    %dma_start3A_86 = arith.constant 0 : i32
    %dma_start3A_87 = tpu.memref_slice %arg12[%add3A_83, %dma_start3A_86] : memref<10240x128xf32, #tpu.memory_space<vmem_shared>> -> memref<32x128xf32, #tpu.memory_space<vmem_shared>>
    tpu.enqueue_dma source(%arg11 : memref<32x128xf32, #tpu.memory_space<vmem>>) target(%dma_start3A_87 : memref<32x128xf32, #tpu.memory_space<vmem_shared>>) target_semaphore(%arg17 : memref<!tpu.dma_semaphore, #tpu.memory_space<semaphore_mem>>)
    %mul3A_88 = arith.constant 640 : i32
    %mul3A_89 = arith.muli %arg1, %mul3A_88 : i32
    %add3A_90 = arith.constant 256 : i32
    %add3A_91 = arith.addi %mul3A_89, %add3A_90 : i32
    %dma_start3A_92 = arith.constant 0 : i32
    %dma_start3A_93 = tpu.memref_slice %arg12[%add3A_91, %dma_start3A_92] : memref<10240x128xf32, #tpu.memory_space<vmem_shared>> -> memref<32x128xf32, #tpu.memory_space<vmem_shared>>
    %dma_start3A_94 = arith.constant 0 : i32
    %dma_start3A_95 = tpu.memref_slice %arg12[%add3A_91, %dma_start3A_94] : memref<10240x128xf32, #tpu.memory_space<vmem_shared>> -> memref<32x128xf32, #tpu.memory_space<vmem_shared>>
    tpu.enqueue_dma source(%arg11 : memref<32x128xf32, #tpu.memory_space<vmem>>) target(%dma_start3A_95 : memref<32x128xf32, #tpu.memory_space<vmem_shared>>) target_semaphore(%arg17 : memref<!tpu.dma_semaphore, #tpu.memory_space<semaphore_mem>>)
    %mul3A_96 = arith.constant 640 : i32
    %mul3A_97 = arith.muli %arg1, %mul3A_96 : i32
    %add3A_98 = arith.constant 288 : i32
    %add3A_99 = arith.addi %mul3A_97, %add3A_98 : i32
    %dma_start3A_100 = arith.constant 0 : i32
    %dma_start3A_101 = tpu.memref_slice %arg12[%add3A_99, %dma_start3A_100] : memref<10240x128xf32, #tpu.memory_space<vmem_shared>> -> memref<32x128xf32, #tpu.memory_space<vmem_shared>>
    %dma_start3A_102 = arith.constant 0 : i32
    %dma_start3A_103 = tpu.memref_slice %arg12[%add3A_99, %dma_start3A_102] : memref<10240x128xf32, #tpu.memory_space<vmem_shared>> -> memref<32x128xf32, #tpu.memory_space<vmem_shared>>
    tpu.enqueue_dma source(%arg11 : memref<32x128xf32, #tpu.memory_space<vmem>>) target(%dma_start3A_103 : memref<32x128xf32, #tpu.memory_space<vmem_shared>>) target_semaphore(%arg17 : memref<!tpu.dma_semaphore, #tpu.memory_space<semaphore_mem>>)
    %mul3A_104 = arith.constant 640 : i32
    %mul3A_105 = arith.muli %arg1, %mul3A_104 : i32
    %add3A_106 = arith.constant 320 : i32
    %add3A_107 = arith.addi %mul3A_105, %add3A_106 : i32
    %dma_start3A_108 = arith.constant 0 : i32
    %dma_start3A_109 = tpu.memref_slice %arg12[%add3A_107, %dma_start3A_108] : memref<10240x128xf32, #tpu.memory_space<vmem_shared>> -> memref<32x128xf32, #tpu.memory_space<vmem_shared>>
    %dma_start3A_110 = arith.constant 0 : i32
    %dma_start3A_111 = tpu.memref_slice %arg12[%add3A_107, %dma_start3A_110] : memref<10240x128xf32, #tpu.memory_space<vmem_shared>> -> memref<32x128xf32, #tpu.memory_space<vmem_shared>>
    tpu.enqueue_dma source(%arg11 : memref<32x128xf32, #tpu.memory_space<vmem>>) target(%dma_start3A_111 : memref<32x128xf32, #tpu.memory_space<vmem_shared>>) target_semaphore(%arg17 : memref<!tpu.dma_semaphore, #tpu.memory_space<semaphore_mem>>)
    %mul3A_112 = arith.constant 640 : i32
    %mul3A_113 = arith.muli %arg1, %mul3A_112 : i32
    %add3A_114 = arith.constant 352 : i32
    %add3A_115 = arith.addi %mul3A_113, %add3A_114 : i32
    %dma_start3A_116 = arith.constant 0 : i32
    %dma_start3A_117 = tpu.memref_slice %arg12[%add3A_115, %dma_start3A_116] : memref<10240x128xf32, #tpu.memory_space<vmem_shared>> -> memref<32x128xf32, #tpu.memory_space<vmem_shared>>
    %dma_start3A_118 = arith.constant 0 : i32
    %dma_start3A_119 = tpu.memref_slice %arg12[%add3A_115, %dma_start3A_118] : memref<10240x128xf32, #tpu.memory_space<vmem_shared>> -> memref<32x128xf32, #tpu.memory_space<vmem_shared>>
    tpu.enqueue_dma source(%arg11 : memref<32x128xf32, #tpu.memory_space<vmem>>) target(%dma_start3A_119 : memref<32x128xf32, #tpu.memory_space<vmem_shared>>) target_semaphore(%arg17 : memref<!tpu.dma_semaphore, #tpu.memory_space<semaphore_mem>>)
    %mul3A_120 = arith.constant 640 : i32
    %mul3A_121 = arith.muli %arg1, %mul3A_120 : i32
    %add3A_122 = arith.constant 384 : i32
    %add3A_123 = arith.addi %mul3A_121, %add3A_122 : i32
    %dma_start3A_124 = arith.constant 0 : i32
    %dma_start3A_125 = tpu.memref_slice %arg12[%add3A_123, %dma_start3A_124] : memref<10240x128xf32, #tpu.memory_space<vmem_shared>> -> memref<32x128xf32, #tpu.memory_space<vmem_shared>>
    %dma_start3A_126 = arith.constant 0 : i32
    %dma_start3A_127 = tpu.memref_slice %arg12[%add3A_123, %dma_start3A_126] : memref<10240x128xf32, #tpu.memory_space<vmem_shared>> -> memref<32x128xf32, #tpu.memory_space<vmem_shared>>
    tpu.enqueue_dma source(%arg11 : memref<32x128xf32, #tpu.memory_space<vmem>>) target(%dma_start3A_127 : memref<32x128xf32, #tpu.memory_space<vmem_shared>>) target_semaphore(%arg17 : memref<!tpu.dma_semaphore, #tpu.memory_space<semaphore_mem>>)
    %mul3A_128 = arith.constant 640 : i32
    %mul3A_129 = arith.muli %arg1, %mul3A_128 : i32
    %add3A_130 = arith.constant 416 : i32
    %add3A_131 = arith.addi %mul3A_129, %add3A_130 : i32
    %dma_start3A_132 = arith.constant 0 : i32
    %dma_start3A_133 = tpu.memref_slice %arg12[%add3A_131, %dma_start3A_132] : memref<10240x128xf32, #tpu.memory_space<vmem_shared>> -> memref<32x128xf32, #tpu.memory_space<vmem_shared>>
    %dma_start3A_134 = arith.constant 0 : i32
    %dma_start3A_135 = tpu.memref_slice %arg12[%add3A_131, %dma_start3A_134] : memref<10240x128xf32, #tpu.memory_space<vmem_shared>> -> memref<32x128xf32, #tpu.memory_space<vmem_shared>>
    tpu.enqueue_dma source(%arg11 : memref<32x128xf32, #tpu.memory_space<vmem>>) target(%dma_start3A_135 : memref<32x128xf32, #tpu.memory_space<vmem_shared>>) target_semaphore(%arg17 : memref<!tpu.dma_semaphore, #tpu.memory_space<semaphore_mem>>)
    %mul3A_136 = arith.constant 640 : i32
    %mul3A_137 = arith.muli %arg1, %mul3A_136 : i32
    %add3A_138 = arith.constant 448 : i32
    %add3A_139 = arith.addi %mul3A_137, %add3A_138 : i32
    %dma_start3A_140 = arith.constant 0 : i32
    %dma_start3A_141 = tpu.memref_slice %arg12[%add3A_139, %dma_start3A_140] : memref<10240x128xf32, #tpu.memory_space<vmem_shared>> -> memref<32x128xf32, #tpu.memory_space<vmem_shared>>
    %dma_start3A_142 = arith.constant 0 : i32
    %dma_start3A_143 = tpu.memref_slice %arg12[%add3A_139, %dma_start3A_142] : memref<10240x128xf32, #tpu.memory_space<vmem_shared>> -> memref<32x128xf32, #tpu.memory_space<vmem_shared>>
    tpu.enqueue_dma source(%arg11 : memref<32x128xf32, #tpu.memory_space<vmem>>) target(%dma_start3A_143 : memref<32x128xf32, #tpu.memory_space<vmem_shared>>) target_semaphore(%arg17 : memref<!tpu.dma_semaphore, #tpu.memory_space<semaphore_mem>>)
    %mul3A_144 = arith.constant 640 : i32
    %mul3A_145 = arith.muli %arg1, %mul3A_144 : i32
    %add3A_146 = arith.constant 480 : i32
    %add3A_147 = arith.addi %mul3A_145, %add3A_146 : i32
    %dma_start3A_148 = arith.constant 0 : i32
    %dma_start3A_149 = tpu.memref_slice %arg12[%add3A_147, %dma_start3A_148] : memref<10240x128xf32, #tpu.memory_space<vmem_shared>> -> memref<32x128xf32, #tpu.memory_space<vmem_shared>>
    %dma_start3A_150 = arith.constant 0 : i32
    %dma_start3A_151 = tpu.memref_slice %arg12[%add3A_147, %dma_start3A_150] : memref<10240x128xf32, #tpu.memory_space<vmem_shared>> -> memref<32x128xf32, #tpu.memory_space<vmem_shared>>
    tpu.enqueue_dma source(%arg11 : memref<32x128xf32, #tpu.memory_space<vmem>>) target(%dma_start3A_151 : memref<32x128xf32, #tpu.memory_space<vmem_shared>>) target_semaphore(%arg17 : memref<!tpu.dma_semaphore, #tpu.memory_space<semaphore_mem>>)
    %mul3A_152 = arith.constant 640 : i32
    %mul3A_153 = arith.muli %arg1, %mul3A_152 : i32
    %add3A_154 = arith.constant 512 : i32
    %add3A_155 = arith.addi %mul3A_153, %add3A_154 : i32
    %dma_start3A_156 = arith.constant 0 : i32
    %dma_start3A_157 = tpu.memref_slice %arg12[%add3A_155, %dma_start3A_156] : memref<10240x128xf32, #tpu.memory_space<vmem_shared>> -> memref<32x128xf32, #tpu.memory_space<vmem_shared>>
    %dma_start3A_158 = arith.constant 0 : i32
    %dma_start3A_159 = tpu.memref_slice %arg12[%add3A_155, %dma_start3A_158] : memref<10240x128xf32, #tpu.memory_space<vmem_shared>> -> memref<32x128xf32, #tpu.memory_space<vmem_shared>>
    tpu.enqueue_dma source(%arg11 : memref<32x128xf32, #tpu.memory_space<vmem>>) target(%dma_start3A_159 : memref<32x128xf32, #tpu.memory_space<vmem_shared>>) target_semaphore(%arg17 : memref<!tpu.dma_semaphore, #tpu.memory_space<semaphore_mem>>)
    %mul3A_160 = arith.constant 640 : i32
    %mul3A_161 = arith.muli %arg1, %mul3A_160 : i32
    %add3A_162 = arith.constant 544 : i32
    %add3A_163 = arith.addi %mul3A_161, %add3A_162 : i32
    %dma_start3A_164 = arith.constant 0 : i32
    %dma_start3A_165 = tpu.memref_slice %arg12[%add3A_163, %dma_start3A_164] : memref<10240x128xf32, #tpu.memory_space<vmem_shared>> -> memref<32x128xf32, #tpu.memory_space<vmem_shared>>
    %dma_start3A_166 = arith.constant 0 : i32
    %dma_start3A_167 = tpu.memref_slice %arg12[%add3A_163, %dma_start3A_166] : memref<10240x128xf32, #tpu.memory_space<vmem_shared>> -> memref<32x128xf32, #tpu.memory_space<vmem_shared>>
    tpu.enqueue_dma source(%arg11 : memref<32x128xf32, #tpu.memory_space<vmem>>) target(%dma_start3A_167 : memref<32x128xf32, #tpu.memory_space<vmem_shared>>) target_semaphore(%arg17 : memref<!tpu.dma_semaphore, #tpu.memory_space<semaphore_mem>>)
    %mul3A_168 = arith.constant 640 : i32
    %mul3A_169 = arith.muli %arg1, %mul3A_168 : i32
    %add3A_170 = arith.constant 576 : i32
    %add3A_171 = arith.addi %mul3A_169, %add3A_170 : i32
    %dma_start3A_172 = arith.constant 0 : i32
    %dma_start3A_173 = tpu.memref_slice %arg12[%add3A_171, %dma_start3A_172] : memref<10240x128xf32, #tpu.memory_space<vmem_shared>> -> memref<32x128xf32, #tpu.memory_space<vmem_shared>>
    %dma_start3A_174 = arith.constant 0 : i32
    %dma_start3A_175 = tpu.memref_slice %arg12[%add3A_171, %dma_start3A_174] : memref<10240x128xf32, #tpu.memory_space<vmem_shared>> -> memref<32x128xf32, #tpu.memory_space<vmem_shared>>
    tpu.enqueue_dma source(%arg11 : memref<32x128xf32, #tpu.memory_space<vmem>>) target(%dma_start3A_175 : memref<32x128xf32, #tpu.memory_space<vmem_shared>>) target_semaphore(%arg17 : memref<!tpu.dma_semaphore, #tpu.memory_space<semaphore_mem>>)
    %mul3A_176 = arith.constant 640 : i32
    %mul3A_177 = arith.muli %arg1, %mul3A_176 : i32
    %add3A_178 = arith.constant 608 : i32
    %add3A_179 = arith.addi %mul3A_177, %add3A_178 : i32
    %dma_start3A_180 = arith.constant 0 : i32
    %dma_start3A_181 = tpu.memref_slice %arg12[%add3A_179, %dma_start3A_180] : memref<10240x128xf32, #tpu.memory_space<vmem_shared>> -> memref<32x128xf32, #tpu.memory_space<vmem_shared>>
    %dma_start3A_182 = arith.constant 0 : i32
    %dma_start3A_183 = tpu.memref_slice %arg12[%add3A_179, %dma_start3A_182] : memref<10240x128xf32, #tpu.memory_space<vmem_shared>> -> memref<32x128xf32, #tpu.memory_space<vmem_shared>>
    tpu.enqueue_dma source(%arg11 : memref<32x128xf32, #tpu.memory_space<vmem>>) target(%dma_start3A_183 : memref<32x128xf32, #tpu.memory_space<vmem_shared>>) target_semaphore(%arg17 : memref<!tpu.dma_semaphore, #tpu.memory_space<semaphore_mem>>)
    %dma_wait3A = arith.constant 0 : i32
    %dma_wait3A_184 = arith.constant 0 : i32
    %dma_wait3A_185 = tpu.memref_slice %arg12[%dma_wait3A, %dma_wait3A_184] : memref<10240x128xf32, #tpu.memory_space<vmem_shared>> -> memref<32x128xf32, #tpu.memory_space<vmem_shared>>
    %dma_wait3A_186 = arith.constant 0 : i32
    %dma_wait3A_187 = arith.constant 0 : i32
    %dma_wait3A_188 = tpu.memref_slice %arg12[%dma_wait3A_186, %dma_wait3A_187] : memref<10240x128xf32, #tpu.memory_space<vmem_shared>> -> memref<32x128xf32, #tpu.memory_space<vmem_shared>>
    tpu.wait_dma2 semaphore(%arg17 : memref<!tpu.dma_semaphore, #tpu.memory_space<semaphore_mem>>) src(%arg11 : memref<32x128xf32, #tpu.memory_space<vmem>>) dst(%dma_wait3A_188 : memref<32x128xf32, #tpu.memory_space<vmem_shared>>)
    %dma_wait3A_189 = arith.constant 32 : i32
    %dma_wait3A_190 = arith.constant 0 : i32
    %dma_wait3A_191 = tpu.memref_slice %arg12[%dma_wait3A_189, %dma_wait3A_190] : memref<10240x128xf32, #tpu.memory_space<vmem_shared>> -> memref<32x128xf32, #tpu.memory_space<vmem_shared>>
    %dma_wait3A_192 = arith.constant 32 : i32
    %dma_wait3A_193 = arith.constant 0 : i32
    %dma_wait3A_194 = tpu.memref_slice %arg12[%dma_wait3A_192, %dma_wait3A_193] : memref<10240x128xf32, #tpu.memory_space<vmem_shared>> -> memref<32x128xf32, #tpu.memory_space<vmem_shared>>
    tpu.wait_dma2 semaphore(%arg17 : memref<!tpu.dma_semaphore, #tpu.memory_space<semaphore_mem>>) src(%arg11 : memref<32x128xf32, #tpu.memory_space<vmem>>) dst(%dma_wait3A_194 : memref<32x128xf32, #tpu.memory_space<vmem_shared>>)
    %dma_wait3A_195 = arith.constant 64 : i32
    %dma_wait3A_196 = arith.constant 0 : i32
    %dma_wait3A_197 = tpu.memref_slice %arg12[%dma_wait3A_195, %dma_wait3A_196] : memref<10240x128xf32, #tpu.memory_space<vmem_shared>> -> memref<32x128xf32, #tpu.memory_space<vmem_shared>>
    %dma_wait3A_198 = arith.constant 64 : i32
    %dma_wait3A_199 = arith.constant 0 : i32
    %dma_wait3A_200 = tpu.memref_slice %arg12[%dma_wait3A_198, %dma_wait3A_199] : memref<10240x128xf32, #tpu.memory_space<vmem_shared>> -> memref<32x128xf32, #tpu.memory_space<vmem_shared>>
    tpu.wait_dma2 semaphore(%arg17 : memref<!tpu.dma_semaphore, #tpu.memory_space<semaphore_mem>>) src(%arg11 : memref<32x128xf32, #tpu.memory_space<vmem>>) dst(%dma_wait3A_200 : memref<32x128xf32, #tpu.memory_space<vmem_shared>>)
    %dma_wait3A_201 = arith.constant 96 : i32
    %dma_wait3A_202 = arith.constant 0 : i32
    %dma_wait3A_203 = tpu.memref_slice %arg12[%dma_wait3A_201, %dma_wait3A_202] : memref<10240x128xf32, #tpu.memory_space<vmem_shared>> -> memref<32x128xf32, #tpu.memory_space<vmem_shared>>
    %dma_wait3A_204 = arith.constant 96 : i32
    %dma_wait3A_205 = arith.constant 0 : i32
    %dma_wait3A_206 = tpu.memref_slice %arg12[%dma_wait3A_204, %dma_wait3A_205] : memref<10240x128xf32, #tpu.memory_space<vmem_shared>> -> memref<32x128xf32, #tpu.memory_space<vmem_shared>>
    tpu.wait_dma2 semaphore(%arg17 : memref<!tpu.dma_semaphore, #tpu.memory_space<semaphore_mem>>) src(%arg11 : memref<32x128xf32, #tpu.memory_space<vmem>>) dst(%dma_wait3A_206 : memref<32x128xf32, #tpu.memory_space<vmem_shared>>)
    %dma_wait3A_207 = arith.constant 128 : i32
    %dma_wait3A_208 = arith.constant 0 : i32
    %dma_wait3A_209 = tpu.memref_slice %arg12[%dma_wait3A_207, %dma_wait3A_208] : memref<10240x128xf32, #tpu.memory_space<vmem_shared>> -> memref<32x128xf32, #tpu.memory_space<vmem_shared>>
    %dma_wait3A_210 = arith.constant 128 : i32
    %dma_wait3A_211 = arith.constant 0 : i32
    %dma_wait3A_212 = tpu.memref_slice %arg12[%dma_wait3A_210, %dma_wait3A_211] : memref<10240x128xf32, #tpu.memory_space<vmem_shared>> -> memref<32x128xf32, #tpu.memory_space<vmem_shared>>
    tpu.wait_dma2 semaphore(%arg17 : memref<!tpu.dma_semaphore, #tpu.memory_space<semaphore_mem>>) src(%arg11 : memref<32x128xf32, #tpu.memory_space<vmem>>) dst(%dma_wait3A_212 : memref<32x128xf32, #tpu.memory_space<vmem_shared>>)
    %dma_wait3A_213 = arith.constant 160 : i32
    %dma_wait3A_214 = arith.constant 0 : i32
    %dma_wait3A_215 = tpu.memref_slice %arg12[%dma_wait3A_213, %dma_wait3A_214] : memref<10240x128xf32, #tpu.memory_space<vmem_shared>> -> memref<32x128xf32, #tpu.memory_space<vmem_shared>>
    %dma_wait3A_216 = arith.constant 160 : i32
    %dma_wait3A_217 = arith.constant 0 : i32
    %dma_wait3A_218 = tpu.memref_slice %arg12[%dma_wait3A_216, %dma_wait3A_217] : memref<10240x128xf32, #tpu.memory_space<vmem_shared>> -> memref<32x128xf32, #tpu.memory_space<vmem_shared>>
    tpu.wait_dma2 semaphore(%arg17 : memref<!tpu.dma_semaphore, #tpu.memory_space<semaphore_mem>>) src(%arg11 : memref<32x128xf32, #tpu.memory_space<vmem>>) dst(%dma_wait3A_218 : memref<32x128xf32, #tpu.memory_space<vmem_shared>>)
    %dma_wait3A_219 = arith.constant 192 : i32
    %dma_wait3A_220 = arith.constant 0 : i32
    %dma_wait3A_221 = tpu.memref_slice %arg12[%dma_wait3A_219, %dma_wait3A_220] : memref<10240x128xf32, #tpu.memory_space<vmem_shared>> -> memref<32x128xf32, #tpu.memory_space<vmem_shared>>
    %dma_wait3A_222 = arith.constant 192 : i32
    %dma_wait3A_223 = arith.constant 0 : i32
    %dma_wait3A_224 = tpu.memref_slice %arg12[%dma_wait3A_222, %dma_wait3A_223] : memref<10240x128xf32, #tpu.memory_space<vmem_shared>> -> memref<32x128xf32, #tpu.memory_space<vmem_shared>>
    tpu.wait_dma2 semaphore(%arg17 : memref<!tpu.dma_semaphore, #tpu.memory_space<semaphore_mem>>) src(%arg11 : memref<32x128xf32, #tpu.memory_space<vmem>>) dst(%dma_wait3A_224 : memref<32x128xf32, #tpu.memory_space<vmem_shared>>)
    %dma_wait3A_225 = arith.constant 224 : i32
    %dma_wait3A_226 = arith.constant 0 : i32
    %dma_wait3A_227 = tpu.memref_slice %arg12[%dma_wait3A_225, %dma_wait3A_226] : memref<10240x128xf32, #tpu.memory_space<vmem_shared>> -> memref<32x128xf32, #tpu.memory_space<vmem_shared>>
    %dma_wait3A_228 = arith.constant 224 : i32
    %dma_wait3A_229 = arith.constant 0 : i32
    %dma_wait3A_230 = tpu.memref_slice %arg12[%dma_wait3A_228, %dma_wait3A_229] : memref<10240x128xf32, #tpu.memory_space<vmem_shared>> -> memref<32x128xf32, #tpu.memory_space<vmem_shared>>
    tpu.wait_dma2 semaphore(%arg17 : memref<!tpu.dma_semaphore, #tpu.memory_space<semaphore_mem>>) src(%arg11 : memref<32x128xf32, #tpu.memory_space<vmem>>) dst(%dma_wait3A_230 : memref<32x128xf32, #tpu.memory_space<vmem_shared>>)
    %dma_wait3A_231 = arith.constant 256 : i32
    %dma_wait3A_232 = arith.constant 0 : i32
    %dma_wait3A_233 = tpu.memref_slice %arg12[%dma_wait3A_231, %dma_wait3A_232] : memref<10240x128xf32, #tpu.memory_space<vmem_shared>> -> memref<32x128xf32, #tpu.memory_space<vmem_shared>>
    %dma_wait3A_234 = arith.constant 256 : i32
    %dma_wait3A_235 = arith.constant 0 : i32
    %dma_wait3A_236 = tpu.memref_slice %arg12[%dma_wait3A_234, %dma_wait3A_235] : memref<10240x128xf32, #tpu.memory_space<vmem_shared>> -> memref<32x128xf32, #tpu.memory_space<vmem_shared>>
    tpu.wait_dma2 semaphore(%arg17 : memref<!tpu.dma_semaphore, #tpu.memory_space<semaphore_mem>>) src(%arg11 : memref<32x128xf32, #tpu.memory_space<vmem>>) dst(%dma_wait3A_236 : memref<32x128xf32, #tpu.memory_space<vmem_shared>>)
    %dma_wait3A_237 = arith.constant 288 : i32
    %dma_wait3A_238 = arith.constant 0 : i32
    %dma_wait3A_239 = tpu.memref_slice %arg12[%dma_wait3A_237, %dma_wait3A_238] : memref<10240x128xf32, #tpu.memory_space<vmem_shared>> -> memref<32x128xf32, #tpu.memory_space<vmem_shared>>
    %dma_wait3A_240 = arith.constant 288 : i32
    %dma_wait3A_241 = arith.constant 0 : i32
    %dma_wait3A_242 = tpu.memref_slice %arg12[%dma_wait3A_240, %dma_wait3A_241] : memref<10240x128xf32, #tpu.memory_space<vmem_shared>> -> memref<32x128xf32, #tpu.memory_space<vmem_shared>>
    tpu.wait_dma2 semaphore(%arg17 : memref<!tpu.dma_semaphore, #tpu.memory_space<semaphore_mem>>) src(%arg11 : memref<32x128xf32, #tpu.memory_space<vmem>>) dst(%dma_wait3A_242 : memref<32x128xf32, #tpu.memory_space<vmem_shared>>)
    %dma_wait3A_243 = arith.constant 320 : i32
    %dma_wait3A_244 = arith.constant 0 : i32
    %dma_wait3A_245 = tpu.memref_slice %arg12[%dma_wait3A_243, %dma_wait3A_244] : memref<10240x128xf32, #tpu.memory_space<vmem_shared>> -> memref<32x128xf32, #tpu.memory_space<vmem_shared>>
    %dma_wait3A_246 = arith.constant 320 : i32
    %dma_wait3A_247 = arith.constant 0 : i32
    %dma_wait3A_248 = tpu.memref_slice %arg12[%dma_wait3A_246, %dma_wait3A_247] : memref<10240x128xf32, #tpu.memory_space<vmem_shared>> -> memref<32x128xf32, #tpu.memory_space<vmem_shared>>
    tpu.wait_dma2 semaphore(%arg17 : memref<!tpu.dma_semaphore, #tpu.memory_space<semaphore_mem>>) src(%arg11 : memref<32x128xf32, #tpu.memory_space<vmem>>) dst(%dma_wait3A_248 : memref<32x128xf32, #tpu.memory_space<vmem_shared>>)
    %dma_wait3A_249 = arith.constant 352 : i32
    %dma_wait3A_250 = arith.constant 0 : i32
    %dma_wait3A_251 = tpu.memref_slice %arg12[%dma_wait3A_249, %dma_wait3A_250] : memref<10240x128xf32, #tpu.memory_space<vmem_shared>> -> memref<32x128xf32, #tpu.memory_space<vmem_shared>>
    %dma_wait3A_252 = arith.constant 352 : i32
    %dma_wait3A_253 = arith.constant 0 : i32
    %dma_wait3A_254 = tpu.memref_slice %arg12[%dma_wait3A_252, %dma_wait3A_253] : memref<10240x128xf32, #tpu.memory_space<vmem_shared>> -> memref<32x128xf32, #tpu.memory_space<vmem_shared>>
    tpu.wait_dma2 semaphore(%arg17 : memref<!tpu.dma_semaphore, #tpu.memory_space<semaphore_mem>>) src(%arg11 : memref<32x128xf32, #tpu.memory_space<vmem>>) dst(%dma_wait3A_254 : memref<32x128xf32, #tpu.memory_space<vmem_shared>>)
    %dma_wait3A_255 = arith.constant 384 : i32
    %dma_wait3A_256 = arith.constant 0 : i32
    %dma_wait3A_257 = tpu.memref_slice %arg12[%dma_wait3A_255, %dma_wait3A_256] : memref<10240x128xf32, #tpu.memory_space<vmem_shared>> -> memref<32x128xf32, #tpu.memory_space<vmem_shared>>
    %dma_wait3A_258 = arith.constant 384 : i32
    %dma_wait3A_259 = arith.constant 0 : i32
    %dma_wait3A_260 = tpu.memref_slice %arg12[%dma_wait3A_258, %dma_wait3A_259] : memref<10240x128xf32, #tpu.memory_space<vmem_shared>> -> memref<32x128xf32, #tpu.memory_space<vmem_shared>>
    tpu.wait_dma2 semaphore(%arg17 : memref<!tpu.dma_semaphore, #tpu.memory_space<semaphore_mem>>) src(%arg11 : memref<32x128xf32, #tpu.memory_space<vmem>>) dst(%dma_wait3A_260 : memref<32x128xf32, #tpu.memory_space<vmem_shared>>)
    %dma_wait3A_261 = arith.constant 416 : i32
    %dma_wait3A_262 = arith.constant 0 : i32
    %dma_wait3A_263 = tpu.memref_slice %arg12[%dma_wait3A_261, %dma_wait3A_262] : memref<10240x128xf32, #tpu.memory_space<vmem_shared>> -> memref<32x128xf32, #tpu.memory_space<vmem_shared>>
    %dma_wait3A_264 = arith.constant 416 : i32
    %dma_wait3A_265 = arith.constant 0 : i32
    %dma_wait3A_266 = tpu.memref_slice %arg12[%dma_wait3A_264, %dma_wait3A_265] : memref<10240x128xf32, #tpu.memory_space<vmem_shared>> -> memref<32x128xf32, #tpu.memory_space<vmem_shared>>
    tpu.wait_dma2 semaphore(%arg17 : memref<!tpu.dma_semaphore, #tpu.memory_space<semaphore_mem>>) src(%arg11 : memref<32x128xf32, #tpu.memory_space<vmem>>) dst(%dma_wait3A_266 : memref<32x128xf32, #tpu.memory_space<vmem_shared>>)
    %dma_wait3A_267 = arith.constant 448 : i32
    %dma_wait3A_268 = arith.constant 0 : i32
    %dma_wait3A_269 = tpu.memref_slice %arg12[%dma_wait3A_267, %dma_wait3A_268] : memref<10240x128xf32, #tpu.memory_space<vmem_shared>> -> memref<32x128xf32, #tpu.memory_space<vmem_shared>>
    %dma_wait3A_270 = arith.constant 448 : i32
    %dma_wait3A_271 = arith.constant 0 : i32
    %dma_wait3A_272 = tpu.memref_slice %arg12[%dma_wait3A_270, %dma_wait3A_271] : memref<10240x128xf32, #tpu.memory_space<vmem_shared>> -> memref<32x128xf32, #tpu.memory_space<vmem_shared>>
    tpu.wait_dma2 semaphore(%arg17 : memref<!tpu.dma_semaphore, #tpu.memory_space<semaphore_mem>>) src(%arg11 : memref<32x128xf32, #tpu.memory_space<vmem>>) dst(%dma_wait3A_272 : memref<32x128xf32, #tpu.memory_space<vmem_shared>>)
    %dma_wait3A_273 = arith.constant 480 : i32
    %dma_wait3A_274 = arith.constant 0 : i32
    %dma_wait3A_275 = tpu.memref_slice %arg12[%dma_wait3A_273, %dma_wait3A_274] : memref<10240x128xf32, #tpu.memory_space<vmem_shared>> -> memref<32x128xf32, #tpu.memory_space<vmem_shared>>
    %dma_wait3A_276 = arith.constant 480 : i32
    %dma_wait3A_277 = arith.constant 0 : i32
    %dma_wait3A_278 = tpu.memref_slice %arg12[%dma_wait3A_276, %dma_wait3A_277] : memref<10240x128xf32, #tpu.memory_space<vmem_shared>> -> memref<32x128xf32, #tpu.memory_space<vmem_shared>>
    tpu.wait_dma2 semaphore(%arg17 : memref<!tpu.dma_semaphore, #tpu.memory_space<semaphore_mem>>) src(%arg11 : memref<32x128xf32, #tpu.memory_space<vmem>>) dst(%dma_wait3A_278 : memref<32x128xf32, #tpu.memory_space<vmem_shared>>)
    %dma_wait3A_279 = arith.constant 512 : i32
    %dma_wait3A_280 = arith.constant 0 : i32
    %dma_wait3A_281 = tpu.memref_slice %arg12[%dma_wait3A_279, %dma_wait3A_280] : memref<10240x128xf32, #tpu.memory_space<vmem_shared>> -> memref<32x128xf32, #tpu.memory_space<vmem_shared>>
    %dma_wait3A_282 = arith.constant 512 : i32
    %dma_wait3A_283 = arith.constant 0 : i32
    %dma_wait3A_284 = tpu.memref_slice %arg12[%dma_wait3A_282, %dma_wait3A_283] : memref<10240x128xf32, #tpu.memory_space<vmem_shared>> -> memref<32x128xf32, #tpu.memory_space<vmem_shared>>
    tpu.wait_dma2 semaphore(%arg17 : memref<!tpu.dma_semaphore, #tpu.memory_space<semaphore_mem>>) src(%arg11 : memref<32x128xf32, #tpu.memory_space<vmem>>) dst(%dma_wait3A_284 : memref<32x128xf32, #tpu.memory_space<vmem_shared>>)
    %dma_wait3A_285 = arith.constant 544 : i32
    %dma_wait3A_286 = arith.constant 0 : i32
    %dma_wait3A_287 = tpu.memref_slice %arg12[%dma_wait3A_285, %dma_wait3A_286] : memref<10240x128xf32, #tpu.memory_space<vmem_shared>> -> memref<32x128xf32, #tpu.memory_space<vmem_shared>>
    %dma_wait3A_288 = arith.constant 544 : i32
    %dma_wait3A_289 = arith.constant 0 : i32
    %dma_wait3A_290 = tpu.memref_slice %arg12[%dma_wait3A_288, %dma_wait3A_289] : memref<10240x128xf32, #tpu.memory_space<vmem_shared>> -> memref<32x128xf32, #tpu.memory_space<vmem_shared>>
    tpu.wait_dma2 semaphore(%arg17 : memref<!tpu.dma_semaphore, #tpu.memory_space<semaphore_mem>>) src(%arg11 : memref<32x128xf32, #tpu.memory_space<vmem>>) dst(%dma_wait3A_290 : memref<32x128xf32, #tpu.memory_space<vmem_shared>>)
    %dma_wait3A_291 = arith.constant 576 : i32
    %dma_wait3A_292 = arith.constant 0 : i32
    %dma_wait3A_293 = tpu.memref_slice %arg12[%dma_wait3A_291, %dma_wait3A_292] : memref<10240x128xf32, #tpu.memory_space<vmem_shared>> -> memref<32x128xf32, #tpu.memory_space<vmem_shared>>
    %dma_wait3A_294 = arith.constant 576 : i32
    %dma_wait3A_295 = arith.constant 0 : i32
    %dma_wait3A_296 = tpu.memref_slice %arg12[%dma_wait3A_294, %dma_wait3A_295] : memref<10240x128xf32, #tpu.memory_space<vmem_shared>> -> memref<32x128xf32, #tpu.memory_space<vmem_shared>>
    tpu.wait_dma2 semaphore(%arg17 : memref<!tpu.dma_semaphore, #tpu.memory_space<semaphore_mem>>) src(%arg11 : memref<32x128xf32, #tpu.memory_space<vmem>>) dst(%dma_wait3A_296 : memref<32x128xf32, #tpu.memory_space<vmem_shared>>)
    %dma_wait3A_297 = arith.constant 608 : i32
    %dma_wait3A_298 = arith.constant 0 : i32
    %dma_wait3A_299 = tpu.memref_slice %arg12[%dma_wait3A_297, %dma_wait3A_298] : memref<10240x128xf32, #tpu.memory_space<vmem_shared>> -> memref<32x128xf32, #tpu.memory_space<vmem_shared>>
    %dma_wait3A_300 = arith.constant 608 : i32
    %dma_wait3A_301 = arith.constant 0 : i32
    %dma_wait3A_302 = tpu.memref_slice %arg12[%dma_wait3A_300, %dma_wait3A_301] : memref<10240x128xf32, #tpu.memory_space<vmem_shared>> -> memref<32x128xf32, #tpu.memory_space<vmem_shared>>
    tpu.wait_dma2 semaphore(%arg17 : memref<!tpu.dma_semaphore, #tpu.memory_space<semaphore_mem>>) src(%arg11 : memref<32x128xf32, #tpu.memory_space<vmem>>) dst(%dma_wait3A_302 : memref<32x128xf32, #tpu.memory_space<vmem_shared>>)
    %barrier3A = arith.constant 0 : index
    tpu.barrier barrier_id(%barrier3A)
    %scan3A = arith.constant 0 : i32
    %scan3A_303 = arith.constant 0 : i32
    %scan3A_304 = arith.constant 40 : i32
    %scan3A_305 = arith.addi %scan3A_303, %scan3A_304 : i32
    %scan3A_306 = arith.constant 1 : i32
    scf.for %scan3A_409 = %scan3A_303 to %scan3A_305 step %scan3A_306  : i32 {
      %mul3A_410 = arith.constant 2 : i32
      %mul3A_411 = arith.muli %scan3A_409, %mul3A_410 : i32
      %lt3A = arith.constant 39 : i32
      %lt3A_412 = arith.cmpi slt, %scan3A_409, %lt3A : i32
      %dma_wait3A_413 = arith.constant 1 : i32
      %dma_wait3A_414 = tpu.memref_slice %arg3[%dma_wait3A_413, %mul3A_2] : memref<2x327680xi32, #tpu.memory_space<hbm>> -> memref<1x128xi32, #tpu.memory_space<hbm>>
      %dma_wait3A_415 = tpu.memref_squeeze %dma_wait3A_414 : memref<1x128xi32, #tpu.memory_space<hbm>> -> memref<128xi32, #tpu.memory_space<hbm>>
      %dma_wait3A_416 = tpu.memref_slice %arg3[%dma_wait3A_413, %mul3A_2] : memref<2x327680xi32, #tpu.memory_space<hbm>> -> memref<1x128xi32, #tpu.memory_space<hbm>>
      %dma_wait3A_417 = tpu.memref_squeeze %dma_wait3A_416 : memref<1x128xi32, #tpu.memory_space<hbm>> -> memref<128xi32, #tpu.memory_space<hbm>>
      tpu.wait_dma2 semaphore(%arg15 : memref<!tpu.dma_semaphore, #tpu.memory_space<semaphore_mem>>) src(%dma_wait3A_417 : memref<128xi32, #tpu.memory_space<hbm>>) dst(%arg7 : memref<128xi32, #tpu.memory_space<vmem>>)
      %dma_wait3A_418 = arith.constant 0 : i32
      %dma_wait3A_419 = tpu.memref_slice %arg6[%dma_wait3A_418] : memref<10240xi32, #tpu.memory_space<vmem>> -> memref<128xi32, #tpu.memory_space<vmem>>
      %dma_wait3A_420 = arith.constant 0 : i32
      %dma_wait3A_421 = arith.constant 0 : i32
      %dma_wait3A_422 = tpu.memref_slice %arg2[%dma_wait3A_420, %dma_wait3A_421] : memref<10000x128xf32, #tpu.memory_space<hbm>> -> memref<10000x128xf32, #tpu.memory_space<hbm>>
      tpu.wait_indirect_dma semaphore(%arg13 : memref<!tpu.dma_semaphore, #tpu.memory_space<semaphore_mem>>) src(%dma_wait3A_422 : memref<10000x128xf32, #tpu.memory_space<hbm>>) dst(%arg9 : memref<128x128xf32, #tpu.memory_space<vmem>>)
      "tpu.region"() ({
        %run_scoped3A_437 = tpu.sem_alloc : memref<!tpu.dma_semaphore, #tpu.memory_space<semaphore_mem>>
        %dma_start3A_438 = arith.constant 0 : i32
        %dma_start3A_439 = arith.constant 0 : i32
        %dma_start3A_440 = tpu.memref_slice %arg12[%dma_start3A_438, %dma_start3A_439] : memref<10240x128xf32, #tpu.memory_space<vmem_shared>> -> memref<10240x128xf32, #tpu.memory_space<vmem_shared>>
        tpu.enqueue_indirect_dma source(%arg9 : memref<128x128xf32, #tpu.memory_space<vmem>>) target(%dma_start3A_440 : memref<10240x128xf32, #tpu.memory_space<vmem_shared>>) offsets(%arg7 : memref<128xi32, #tpu.memory_space<vmem>>) semaphore(%run_scoped3A_437 : memref<!tpu.dma_semaphore, #tpu.memory_space<semaphore_mem>>) {add = true}
        %dma_wait3A_441 = arith.constant 0 : i32
        %dma_wait3A_442 = arith.constant 0 : i32
        %dma_wait3A_443 = tpu.memref_slice %arg12[%dma_wait3A_441, %dma_wait3A_442] : memref<10240x128xf32, #tpu.memory_space<vmem_shared>> -> memref<10240x128xf32, #tpu.memory_space<vmem_shared>>
        tpu.wait_indirect_dma semaphore(%run_scoped3A_437 : memref<!tpu.dma_semaphore, #tpu.memory_space<semaphore_mem>>) src(%arg9 : memref<128x128xf32, #tpu.memory_space<vmem>>) dst(%dma_wait3A_443 : memref<10240x128xf32, #tpu.memory_space<vmem_shared>>)
        tpu.yield
      }) : () -> ()
      %convert_element_type3A = arith.extui %lt3A_412 : i1 to i32
      %cond3A = arith.constant 0 : i32
      %cond3A_423 = arith.cmpi ne, %convert_element_type3A, %cond3A : i32
      scf.if %cond3A_423 {
        %add3A_437 = arith.constant 2 : i32
        %add3A_438 = arith.addi %mul3A_411, %add3A_437 : i32
        %mul3A_439 = arith.constant 128 : i32
        %mul3A_440 = arith.muli %add3A_438, %mul3A_439 : i32
        %add3A_441 = arith.addi %mul3A_2, %mul3A_440 : i32
        %dma_start3A_442 = arith.constant 1 : i32
        %dma_start3A_443 = tpu.memref_slice %arg3[%dma_start3A_442, %add3A_441] : memref<2x327680xi32, #tpu.memory_space<hbm>> -> memref<1x128xi32, #tpu.memory_space<hbm>>
        %dma_start3A_444 = tpu.memref_squeeze %dma_start3A_443 : memref<1x128xi32, #tpu.memory_space<hbm>> -> memref<128xi32, #tpu.memory_space<hbm>>
        %dma_start3A_445 = tpu.memref_slice %arg3[%dma_start3A_442, %add3A_441] : memref<2x327680xi32, #tpu.memory_space<hbm>> -> memref<1x128xi32, #tpu.memory_space<hbm>>
        %dma_start3A_446 = tpu.memref_squeeze %dma_start3A_445 : memref<1x128xi32, #tpu.memory_space<hbm>> -> memref<128xi32, #tpu.memory_space<hbm>>
        tpu.enqueue_dma source(%dma_start3A_446 : memref<128xi32, #tpu.memory_space<hbm>>) target(%arg7 : memref<128xi32, #tpu.memory_space<vmem>>) target_semaphore(%arg15 : memref<!tpu.dma_semaphore, #tpu.memory_space<semaphore_mem>>)
        %add3A_447 = arith.constant 2 : i32
        %add3A_448 = arith.addi %mul3A_411, %add3A_447 : i32
        %mul3A_449 = arith.constant 128 : i32
        %mul3A_450 = arith.muli %add3A_448, %mul3A_449 : i32
        %dma_start3A_451 = tpu.memref_slice %arg6[%mul3A_450] : memref<10240xi32, #tpu.memory_space<vmem>> -> memref<128xi32, #tpu.memory_space<vmem>>
        %dma_start3A_452 = arith.constant 0 : i32
        %dma_start3A_453 = arith.constant 0 : i32
        %dma_start3A_454 = tpu.memref_slice %arg2[%dma_start3A_452, %dma_start3A_453] : memref<10000x128xf32, #tpu.memory_space<hbm>> -> memref<10000x128xf32, #tpu.memory_space<hbm>>
        tpu.enqueue_indirect_dma source(%dma_start3A_454 : memref<10000x128xf32, #tpu.memory_space<hbm>>) target(%arg9 : memref<128x128xf32, #tpu.memory_space<vmem>>) offsets(%dma_start3A_451 : memref<128xi32, #tpu.memory_space<vmem>>) semaphore(%arg13 : memref<!tpu.dma_semaphore, #tpu.memory_space<semaphore_mem>>)
      } else {
      }
      %dma_wait3A_424 = arith.constant 1 : i32
      %dma_wait3A_425 = tpu.memref_slice %arg3[%dma_wait3A_424, %mul3A_2] : memref<2x327680xi32, #tpu.memory_space<hbm>> -> memref<1x128xi32, #tpu.memory_space<hbm>>
      %dma_wait3A_426 = tpu.memref_squeeze %dma_wait3A_425 : memref<1x128xi32, #tpu.memory_space<hbm>> -> memref<128xi32, #tpu.memory_space<hbm>>
      %dma_wait3A_427 = tpu.memref_slice %arg3[%dma_wait3A_424, %mul3A_2] : memref<2x327680xi32, #tpu.memory_space<hbm>> -> memref<1x128xi32, #tpu.memory_space<hbm>>
      %dma_wait3A_428 = tpu.memref_squeeze %dma_wait3A_427 : memref<1x128xi32, #tpu.memory_space<hbm>> -> memref<128xi32, #tpu.memory_space<hbm>>
      tpu.wait_dma2 semaphore(%arg16 : memref<!tpu.dma_semaphore, #tpu.memory_space<semaphore_mem>>) src(%dma_wait3A_428 : memref<128xi32, #tpu.memory_space<hbm>>) dst(%arg8 : memref<128xi32, #tpu.memory_space<vmem>>)
      %dma_wait3A_429 = arith.constant 0 : i32
      %dma_wait3A_430 = tpu.memref_slice %arg6[%dma_wait3A_429] : memref<10240xi32, #tpu.memory_space<vmem>> -> memref<128xi32, #tpu.memory_space<vmem>>
      %dma_wait3A_431 = arith.constant 0 : i32
      %dma_wait3A_432 = arith.constant 0 : i32
      %dma_wait3A_433 = tpu.memref_slice %arg2[%dma_wait3A_431, %dma_wait3A_432] : memref<10000x128xf32, #tpu.memory_space<hbm>> -> memref<10000x128xf32, #tpu.memory_space<hbm>>
      tpu.wait_indirect_dma semaphore(%arg14 : memref<!tpu.dma_semaphore, #tpu.memory_space<semaphore_mem>>) src(%dma_wait3A_433 : memref<10000x128xf32, #tpu.memory_space<hbm>>) dst(%arg10 : memref<128x128xf32, #tpu.memory_space<vmem>>)
      "tpu.region"() ({
        %run_scoped3A_437 = tpu.sem_alloc : memref<!tpu.dma_semaphore, #tpu.memory_space<semaphore_mem>>
        %dma_start3A_438 = arith.constant 0 : i32
        %dma_start3A_439 = arith.constant 0 : i32
        %dma_start3A_440 = tpu.memref_slice %arg12[%dma_start3A_438, %dma_start3A_439] : memref<10240x128xf32, #tpu.memory_space<vmem_shared>> -> memref<10240x128xf32, #tpu.memory_space<vmem_shared>>
        tpu.enqueue_indirect_dma source(%arg10 : memref<128x128xf32, #tpu.memory_space<vmem>>) target(%dma_start3A_440 : memref<10240x128xf32, #tpu.memory_space<vmem_shared>>) offsets(%arg8 : memref<128xi32, #tpu.memory_space<vmem>>) semaphore(%run_scoped3A_437 : memref<!tpu.dma_semaphore, #tpu.memory_space<semaphore_mem>>) {add = true}
        %dma_wait3A_441 = arith.constant 0 : i32
        %dma_wait3A_442 = arith.constant 0 : i32
        %dma_wait3A_443 = tpu.memref_slice %arg12[%dma_wait3A_441, %dma_wait3A_442] : memref<10240x128xf32, #tpu.memory_space<vmem_shared>> -> memref<10240x128xf32, #tpu.memory_space<vmem_shared>>
        tpu.wait_indirect_dma semaphore(%run_scoped3A_437 : memref<!tpu.dma_semaphore, #tpu.memory_space<semaphore_mem>>) src(%arg10 : memref<128x128xf32, #tpu.memory_space<vmem>>) dst(%dma_wait3A_443 : memref<10240x128xf32, #tpu.memory_space<vmem_shared>>)
        tpu.yield
      }) : () -> ()
      %convert_element_type3A_434 = arith.extui %lt3A_412 : i1 to i32
      %cond3A_435 = arith.constant 0 : i32
      %cond3A_436 = arith.cmpi ne, %convert_element_type3A_434, %cond3A_435 : i32
      scf.if %cond3A_436 {
        %add3A_437 = arith.constant 3 : i32
        %add3A_438 = arith.addi %mul3A_411, %add3A_437 : i32
        %mul3A_439 = arith.constant 128 : i32
        %mul3A_440 = arith.muli %add3A_438, %mul3A_439 : i32
        %add3A_441 = arith.addi %mul3A_2, %mul3A_440 : i32
        %dma_start3A_442 = arith.constant 1 : i32
        %dma_start3A_443 = tpu.memref_slice %arg3[%dma_start3A_442, %add3A_441] : memref<2x327680xi32, #tpu.memory_space<hbm>> -> memref<1x128xi32, #tpu.memory_space<hbm>>
        %dma_start3A_444 = tpu.memref_squeeze %dma_start3A_443 : memref<1x128xi32, #tpu.memory_space<hbm>> -> memref<128xi32, #tpu.memory_space<hbm>>
        %dma_start3A_445 = tpu.memref_slice %arg3[%dma_start3A_442, %add3A_441] : memref<2x327680xi32, #tpu.memory_space<hbm>> -> memref<1x128xi32, #tpu.memory_space<hbm>>
        %dma_start3A_446 = tpu.memref_squeeze %dma_start3A_445 : memref<1x128xi32, #tpu.memory_space<hbm>> -> memref<128xi32, #tpu.memory_space<hbm>>
        tpu.enqueue_dma source(%dma_start3A_446 : memref<128xi32, #tpu.memory_space<hbm>>) target(%arg8 : memref<128xi32, #tpu.memory_space<vmem>>) target_semaphore(%arg16 : memref<!tpu.dma_semaphore, #tpu.memory_space<semaphore_mem>>)
        %add3A_447 = arith.constant 3 : i32
        %add3A_448 = arith.addi %mul3A_411, %add3A_447 : i32
        %mul3A_449 = arith.constant 128 : i32
        %mul3A_450 = arith.muli %add3A_448, %mul3A_449 : i32
        %dma_start3A_451 = tpu.memref_slice %arg6[%mul3A_450] : memref<10240xi32, #tpu.memory_space<vmem>> -> memref<128xi32, #tpu.memory_space<vmem>>
        %dma_start3A_452 = arith.constant 0 : i32
        %dma_start3A_453 = arith.constant 0 : i32
        %dma_start3A_454 = tpu.memref_slice %arg2[%dma_start3A_452, %dma_start3A_453] : memref<10000x128xf32, #tpu.memory_space<hbm>> -> memref<10000x128xf32, #tpu.memory_space<hbm>>
        tpu.enqueue_indirect_dma source(%dma_start3A_454 : memref<10000x128xf32, #tpu.memory_space<hbm>>) target(%arg10 : memref<128x128xf32, #tpu.memory_space<vmem>>) offsets(%dma_start3A_451 : memref<128xi32, #tpu.memory_space<vmem>>) semaphore(%arg14 : memref<!tpu.dma_semaphore, #tpu.memory_space<semaphore_mem>>)
      } else {
      }
    }
    %scan3A_307 = arith.constant 40 : i32
    %barrier3A_308 = arith.constant 0 : index
    tpu.barrier barrier_id(%barrier3A_308)
    %mul3A_309 = arith.constant 640 : i32
    %mul3A_310 = arith.muli %arg1, %mul3A_309 : i32
    %add3A_311 = arith.constant 0 : i32
    %add3A_312 = arith.addi %mul3A_310, %add3A_311 : i32
    "tpu.region"() ({
      %run_scoped3A_409 = tpu.sem_alloc : memref<!tpu.dma_semaphore, #tpu.memory_space<semaphore_mem>>
      %dma_start3A_410 = arith.constant 0 : i32
      %dma_start3A_411 = tpu.memref_slice %arg12[%add3A_312, %dma_start3A_410] : memref<10240x128xf32, #tpu.memory_space<vmem_shared>> -> memref<128x128xf32, #tpu.memory_space<vmem_shared>>
      %dma_start3A_412 = arith.constant 0 : i32
      %dma_start3A_413 = tpu.memref_slice %arg12[%add3A_312, %dma_start3A_412] : memref<10240x128xf32, #tpu.memory_space<vmem_shared>> -> memref<128x128xf32, #tpu.memory_space<vmem_shared>>
      tpu.enqueue_dma source(%dma_start3A_413 : memref<128x128xf32, #tpu.memory_space<vmem_shared>>) target(%arg9 : memref<128x128xf32, #tpu.memory_space<vmem>>) target_semaphore(%run_scoped3A_409 : memref<!tpu.dma_semaphore, #tpu.memory_space<semaphore_mem>>)
      %dma_wait3A_414 = arith.constant 0 : i32
      %dma_wait3A_415 = tpu.memref_slice %arg12[%add3A_312, %dma_wait3A_414] : memref<10240x128xf32, #tpu.memory_space<vmem_shared>> -> memref<128x128xf32, #tpu.memory_space<vmem_shared>>
      %dma_wait3A_416 = arith.constant 0 : i32
      %dma_wait3A_417 = tpu.memref_slice %arg12[%add3A_312, %dma_wait3A_416] : memref<10240x128xf32, #tpu.memory_space<vmem_shared>> -> memref<128x128xf32, #tpu.memory_space<vmem_shared>>
      tpu.wait_dma2 semaphore(%run_scoped3A_409 : memref<!tpu.dma_semaphore, #tpu.memory_space<semaphore_mem>>) src(%dma_wait3A_417 : memref<128x128xf32, #tpu.memory_space<vmem_shared>>) dst(%arg9 : memref<128x128xf32, #tpu.memory_space<vmem>>)
      tpu.yield
    }) : () -> ()
    %dma_start3A_313 = arith.constant 0 : i32
    %dma_start3A_314 = tpu.memref_slice %arg5[%arg0, %add3A_312, %dma_start3A_313] : memref<2x10240x128xf32, #tpu.memory_space<hbm>> -> memref<1x128x128xf32, #tpu.memory_space<hbm>>
    %dma_start3A_315 = tpu.memref_squeeze %dma_start3A_314 : memref<1x128x128xf32, #tpu.memory_space<hbm>> -> memref<128x128xf32, #tpu.memory_space<hbm>>
    %dma_start3A_316 = arith.constant 0 : i32
    %dma_start3A_317 = tpu.memref_slice %arg5[%arg0, %add3A_312, %dma_start3A_316] : memref<2x10240x128xf32, #tpu.memory_space<hbm>> -> memref<1x128x128xf32, #tpu.memory_space<hbm>>
    %dma_start3A_318 = tpu.memref_squeeze %dma_start3A_317 : memref<1x128x128xf32, #tpu.memory_space<hbm>> -> memref<128x128xf32, #tpu.memory_space<hbm>>
    tpu.enqueue_dma source(%arg9 : memref<128x128xf32, #tpu.memory_space<vmem>>) target(%dma_start3A_318 : memref<128x128xf32, #tpu.memory_space<hbm>>) target_semaphore(%arg13 : memref<!tpu.dma_semaphore, #tpu.memory_space<semaphore_mem>>)
    %mul3A_319 = arith.constant 640 : i32
    %mul3A_320 = arith.muli %arg1, %mul3A_319 : i32
    %add3A_321 = arith.constant 128 : i32
    %add3A_322 = arith.addi %mul3A_320, %add3A_321 : i32
    "tpu.region"() ({
      %run_scoped3A_409 = tpu.sem_alloc : memref<!tpu.dma_semaphore, #tpu.memory_space<semaphore_mem>>
      %dma_start3A_410 = arith.constant 0 : i32
      %dma_start3A_411 = tpu.memref_slice %arg12[%add3A_322, %dma_start3A_410] : memref<10240x128xf32, #tpu.memory_space<vmem_shared>> -> memref<128x128xf32, #tpu.memory_space<vmem_shared>>
      %dma_start3A_412 = arith.constant 0 : i32
      %dma_start3A_413 = tpu.memref_slice %arg12[%add3A_322, %dma_start3A_412] : memref<10240x128xf32, #tpu.memory_space<vmem_shared>> -> memref<128x128xf32, #tpu.memory_space<vmem_shared>>
      tpu.enqueue_dma source(%dma_start3A_413 : memref<128x128xf32, #tpu.memory_space<vmem_shared>>) target(%arg10 : memref<128x128xf32, #tpu.memory_space<vmem>>) target_semaphore(%run_scoped3A_409 : memref<!tpu.dma_semaphore, #tpu.memory_space<semaphore_mem>>)
      %dma_wait3A_414 = arith.constant 0 : i32
      %dma_wait3A_415 = tpu.memref_slice %arg12[%add3A_322, %dma_wait3A_414] : memref<10240x128xf32, #tpu.memory_space<vmem_shared>> -> memref<128x128xf32, #tpu.memory_space<vmem_shared>>
      %dma_wait3A_416 = arith.constant 0 : i32
      %dma_wait3A_417 = tpu.memref_slice %arg12[%add3A_322, %dma_wait3A_416] : memref<10240x128xf32, #tpu.memory_space<vmem_shared>> -> memref<128x128xf32, #tpu.memory_space<vmem_shared>>
      tpu.wait_dma2 semaphore(%run_scoped3A_409 : memref<!tpu.dma_semaphore, #tpu.memory_space<semaphore_mem>>) src(%dma_wait3A_417 : memref<128x128xf32, #tpu.memory_space<vmem_shared>>) dst(%arg10 : memref<128x128xf32, #tpu.memory_space<vmem>>)
      tpu.yield
    }) : () -> ()
    %dma_start3A_323 = arith.constant 0 : i32
    %dma_start3A_324 = tpu.memref_slice %arg5[%arg0, %add3A_322, %dma_start3A_323] : memref<2x10240x128xf32, #tpu.memory_space<hbm>> -> memref<1x128x128xf32, #tpu.memory_space<hbm>>
    %dma_start3A_325 = tpu.memref_squeeze %dma_start3A_324 : memref<1x128x128xf32, #tpu.memory_space<hbm>> -> memref<128x128xf32, #tpu.memory_space<hbm>>
    %dma_start3A_326 = arith.constant 0 : i32
    %dma_start3A_327 = tpu.memref_slice %arg5[%arg0, %add3A_322, %dma_start3A_326] : memref<2x10240x128xf32, #tpu.memory_space<hbm>> -> memref<1x128x128xf32, #tpu.memory_space<hbm>>
    %dma_start3A_328 = tpu.memref_squeeze %dma_start3A_327 : memref<1x128x128xf32, #tpu.memory_space<hbm>> -> memref<128x128xf32, #tpu.memory_space<hbm>>
    tpu.enqueue_dma source(%arg10 : memref<128x128xf32, #tpu.memory_space<vmem>>) target(%dma_start3A_328 : memref<128x128xf32, #tpu.memory_space<hbm>>) target_semaphore(%arg14 : memref<!tpu.dma_semaphore, #tpu.memory_space<semaphore_mem>>)
    %mul3A_329 = arith.constant 640 : i32
    %mul3A_330 = arith.muli %arg1, %mul3A_329 : i32
    %add3A_331 = arith.constant 256 : i32
    %add3A_332 = arith.addi %mul3A_330, %add3A_331 : i32
    %mul3A_333 = arith.constant 640 : i32
    %mul3A_334 = arith.muli %arg1, %mul3A_333 : i32
    %add3A_335 = arith.constant 0 : i32
    %add3A_336 = arith.addi %mul3A_334, %add3A_335 : i32
    %dma_wait3A_337 = arith.constant 0 : i32
    %dma_wait3A_338 = tpu.memref_slice %arg5[%arg0, %add3A_336, %dma_wait3A_337] : memref<2x10240x128xf32, #tpu.memory_space<hbm>> -> memref<1x128x128xf32, #tpu.memory_space<hbm>>
    %dma_wait3A_339 = tpu.memref_squeeze %dma_wait3A_338 : memref<1x128x128xf32, #tpu.memory_space<hbm>> -> memref<128x128xf32, #tpu.memory_space<hbm>>
    %dma_wait3A_340 = arith.constant 0 : i32
    %dma_wait3A_341 = tpu.memref_slice %arg5[%arg0, %add3A_336, %dma_wait3A_340] : memref<2x10240x128xf32, #tpu.memory_space<hbm>> -> memref<1x128x128xf32, #tpu.memory_space<hbm>>
    %dma_wait3A_342 = tpu.memref_squeeze %dma_wait3A_341 : memref<1x128x128xf32, #tpu.memory_space<hbm>> -> memref<128x128xf32, #tpu.memory_space<hbm>>
    tpu.wait_dma2 semaphore(%arg13 : memref<!tpu.dma_semaphore, #tpu.memory_space<semaphore_mem>>) src(%arg9 : memref<128x128xf32, #tpu.memory_space<vmem>>) dst(%dma_wait3A_342 : memref<128x128xf32, #tpu.memory_space<hbm>>)
    "tpu.region"() ({
      %run_scoped3A_409 = tpu.sem_alloc : memref<!tpu.dma_semaphore, #tpu.memory_space<semaphore_mem>>
      %dma_start3A_410 = arith.constant 0 : i32
      %dma_start3A_411 = tpu.memref_slice %arg12[%add3A_332, %dma_start3A_410] : memref<10240x128xf32, #tpu.memory_space<vmem_shared>> -> memref<128x128xf32, #tpu.memory_space<vmem_shared>>
      %dma_start3A_412 = arith.constant 0 : i32
      %dma_start3A_413 = tpu.memref_slice %arg12[%add3A_332, %dma_start3A_412] : memref<10240x128xf32, #tpu.memory_space<vmem_shared>> -> memref<128x128xf32, #tpu.memory_space<vmem_shared>>
      tpu.enqueue_dma source(%dma_start3A_413 : memref<128x128xf32, #tpu.memory_space<vmem_shared>>) target(%arg9 : memref<128x128xf32, #tpu.memory_space<vmem>>) target_semaphore(%run_scoped3A_409 : memref<!tpu.dma_semaphore, #tpu.memory_space<semaphore_mem>>)
      %dma_wait3A_414 = arith.constant 0 : i32
      %dma_wait3A_415 = tpu.memref_slice %arg12[%add3A_332, %dma_wait3A_414] : memref<10240x128xf32, #tpu.memory_space<vmem_shared>> -> memref<128x128xf32, #tpu.memory_space<vmem_shared>>
      %dma_wait3A_416 = arith.constant 0 : i32
      %dma_wait3A_417 = tpu.memref_slice %arg12[%add3A_332, %dma_wait3A_416] : memref<10240x128xf32, #tpu.memory_space<vmem_shared>> -> memref<128x128xf32, #tpu.memory_space<vmem_shared>>
      tpu.wait_dma2 semaphore(%run_scoped3A_409 : memref<!tpu.dma_semaphore, #tpu.memory_space<semaphore_mem>>) src(%dma_wait3A_417 : memref<128x128xf32, #tpu.memory_space<vmem_shared>>) dst(%arg9 : memref<128x128xf32, #tpu.memory_space<vmem>>)
      tpu.yield
    }) : () -> ()
    %dma_start3A_343 = arith.constant 0 : i32
    %dma_start3A_344 = tpu.memref_slice %arg5[%arg0, %add3A_332, %dma_start3A_343] : memref<2x10240x128xf32, #tpu.memory_space<hbm>> -> memref<1x128x128xf32, #tpu.memory_space<hbm>>
    %dma_start3A_345 = tpu.memref_squeeze %dma_start3A_344 : memref<1x128x128xf32, #tpu.memory_space<hbm>> -> memref<128x128xf32, #tpu.memory_space<hbm>>
    %dma_start3A_346 = arith.constant 0 : i32
    %dma_start3A_347 = tpu.memref_slice %arg5[%arg0, %add3A_332, %dma_start3A_346] : memref<2x10240x128xf32, #tpu.memory_space<hbm>> -> memref<1x128x128xf32, #tpu.memory_space<hbm>>
    %dma_start3A_348 = tpu.memref_squeeze %dma_start3A_347 : memref<1x128x128xf32, #tpu.memory_space<hbm>> -> memref<128x128xf32, #tpu.memory_space<hbm>>
    tpu.enqueue_dma source(%arg9 : memref<128x128xf32, #tpu.memory_space<vmem>>) target(%dma_start3A_348 : memref<128x128xf32, #tpu.memory_space<hbm>>) target_semaphore(%arg13 : memref<!tpu.dma_semaphore, #tpu.memory_space<semaphore_mem>>)
    %mul3A_349 = arith.constant 640 : i32
    %mul3A_350 = arith.muli %arg1, %mul3A_349 : i32
    %add3A_351 = arith.constant 384 : i32
    %add3A_352 = arith.addi %mul3A_350, %add3A_351 : i32
    %mul3A_353 = arith.constant 640 : i32
    %mul3A_354 = arith.muli %arg1, %mul3A_353 : i32
    %add3A_355 = arith.constant 128 : i32
    %add3A_356 = arith.addi %mul3A_354, %add3A_355 : i32
    %dma_wait3A_357 = arith.constant 0 : i32
    %dma_wait3A_358 = tpu.memref_slice %arg5[%arg0, %add3A_356, %dma_wait3A_357] : memref<2x10240x128xf32, #tpu.memory_space<hbm>> -> memref<1x128x128xf32, #tpu.memory_space<hbm>>
    %dma_wait3A_359 = tpu.memref_squeeze %dma_wait3A_358 : memref<1x128x128xf32, #tpu.memory_space<hbm>> -> memref<128x128xf32, #tpu.memory_space<hbm>>
    %dma_wait3A_360 = arith.constant 0 : i32
    %dma_wait3A_361 = tpu.memref_slice %arg5[%arg0, %add3A_356, %dma_wait3A_360] : memref<2x10240x128xf32, #tpu.memory_space<hbm>> -> memref<1x128x128xf32, #tpu.memory_space<hbm>>
    %dma_wait3A_362 = tpu.memref_squeeze %dma_wait3A_361 : memref<1x128x128xf32, #tpu.memory_space<hbm>> -> memref<128x128xf32, #tpu.memory_space<hbm>>
    tpu.wait_dma2 semaphore(%arg14 : memref<!tpu.dma_semaphore, #tpu.memory_space<semaphore_mem>>) src(%arg10 : memref<128x128xf32, #tpu.memory_space<vmem>>) dst(%dma_wait3A_362 : memref<128x128xf32, #tpu.memory_space<hbm>>)
    "tpu.region"() ({
      %run_scoped3A_409 = tpu.sem_alloc : memref<!tpu.dma_semaphore, #tpu.memory_space<semaphore_mem>>
      %dma_start3A_410 = arith.constant 0 : i32
      %dma_start3A_411 = tpu.memref_slice %arg12[%add3A_352, %dma_start3A_410] : memref<10240x128xf32, #tpu.memory_space<vmem_shared>> -> memref<128x128xf32, #tpu.memory_space<vmem_shared>>
      %dma_start3A_412 = arith.constant 0 : i32
      %dma_start3A_413 = tpu.memref_slice %arg12[%add3A_352, %dma_start3A_412] : memref<10240x128xf32, #tpu.memory_space<vmem_shared>> -> memref<128x128xf32, #tpu.memory_space<vmem_shared>>
      tpu.enqueue_dma source(%dma_start3A_413 : memref<128x128xf32, #tpu.memory_space<vmem_shared>>) target(%arg10 : memref<128x128xf32, #tpu.memory_space<vmem>>) target_semaphore(%run_scoped3A_409 : memref<!tpu.dma_semaphore, #tpu.memory_space<semaphore_mem>>)
      %dma_wait3A_414 = arith.constant 0 : i32
      %dma_wait3A_415 = tpu.memref_slice %arg12[%add3A_352, %dma_wait3A_414] : memref<10240x128xf32, #tpu.memory_space<vmem_shared>> -> memref<128x128xf32, #tpu.memory_space<vmem_shared>>
      %dma_wait3A_416 = arith.constant 0 : i32
      %dma_wait3A_417 = tpu.memref_slice %arg12[%add3A_352, %dma_wait3A_416] : memref<10240x128xf32, #tpu.memory_space<vmem_shared>> -> memref<128x128xf32, #tpu.memory_space<vmem_shared>>
      tpu.wait_dma2 semaphore(%run_scoped3A_409 : memref<!tpu.dma_semaphore, #tpu.memory_space<semaphore_mem>>) src(%dma_wait3A_417 : memref<128x128xf32, #tpu.memory_space<vmem_shared>>) dst(%arg10 : memref<128x128xf32, #tpu.memory_space<vmem>>)
      tpu.yield
    }) : () -> ()
    %dma_start3A_363 = arith.constant 0 : i32
    %dma_start3A_364 = tpu.memref_slice %arg5[%arg0, %add3A_352, %dma_start3A_363] : memref<2x10240x128xf32, #tpu.memory_space<hbm>> -> memref<1x128x128xf32, #tpu.memory_space<hbm>>
    %dma_start3A_365 = tpu.memref_squeeze %dma_start3A_364 : memref<1x128x128xf32, #tpu.memory_space<hbm>> -> memref<128x128xf32, #tpu.memory_space<hbm>>
    %dma_start3A_366 = arith.constant 0 : i32
    %dma_start3A_367 = tpu.memref_slice %arg5[%arg0, %add3A_352, %dma_start3A_366] : memref<2x10240x128xf32, #tpu.memory_space<hbm>> -> memref<1x128x128xf32, #tpu.memory_space<hbm>>
    %dma_start3A_368 = tpu.memref_squeeze %dma_start3A_367 : memref<1x128x128xf32, #tpu.memory_space<hbm>> -> memref<128x128xf32, #tpu.memory_space<hbm>>
    tpu.enqueue_dma source(%arg10 : memref<128x128xf32, #tpu.memory_space<vmem>>) target(%dma_start3A_368 : memref<128x128xf32, #tpu.memory_space<hbm>>) target_semaphore(%arg14 : memref<!tpu.dma_semaphore, #tpu.memory_space<semaphore_mem>>)
    %mul3A_369 = arith.constant 640 : i32
    %mul3A_370 = arith.muli %arg1, %mul3A_369 : i32
    %add3A_371 = arith.constant 512 : i32
    %add3A_372 = arith.addi %mul3A_370, %add3A_371 : i32
    %mul3A_373 = arith.constant 640 : i32
    %mul3A_374 = arith.muli %arg1, %mul3A_373 : i32
    %add3A_375 = arith.constant 256 : i32
    %add3A_376 = arith.addi %mul3A_374, %add3A_375 : i32
    %dma_wait3A_377 = arith.constant 0 : i32
    %dma_wait3A_378 = tpu.memref_slice %arg5[%arg0, %add3A_376, %dma_wait3A_377] : memref<2x10240x128xf32, #tpu.memory_space<hbm>> -> memref<1x128x128xf32, #tpu.memory_space<hbm>>
    %dma_wait3A_379 = tpu.memref_squeeze %dma_wait3A_378 : memref<1x128x128xf32, #tpu.memory_space<hbm>> -> memref<128x128xf32, #tpu.memory_space<hbm>>
    %dma_wait3A_380 = arith.constant 0 : i32
    %dma_wait3A_381 = tpu.memref_slice %arg5[%arg0, %add3A_376, %dma_wait3A_380] : memref<2x10240x128xf32, #tpu.memory_space<hbm>> -> memref<1x128x128xf32, #tpu.memory_space<hbm>>
    %dma_wait3A_382 = tpu.memref_squeeze %dma_wait3A_381 : memref<1x128x128xf32, #tpu.memory_space<hbm>> -> memref<128x128xf32, #tpu.memory_space<hbm>>
    tpu.wait_dma2 semaphore(%arg13 : memref<!tpu.dma_semaphore, #tpu.memory_space<semaphore_mem>>) src(%arg9 : memref<128x128xf32, #tpu.memory_space<vmem>>) dst(%dma_wait3A_382 : memref<128x128xf32, #tpu.memory_space<hbm>>)
    "tpu.region"() ({
      %run_scoped3A_409 = tpu.sem_alloc : memref<!tpu.dma_semaphore, #tpu.memory_space<semaphore_mem>>
      %dma_start3A_410 = arith.constant 0 : i32
      %dma_start3A_411 = tpu.memref_slice %arg12[%add3A_372, %dma_start3A_410] : memref<10240x128xf32, #tpu.memory_space<vmem_shared>> -> memref<128x128xf32, #tpu.memory_space<vmem_shared>>
      %dma_start3A_412 = arith.constant 0 : i32
      %dma_start3A_413 = tpu.memref_slice %arg12[%add3A_372, %dma_start3A_412] : memref<10240x128xf32, #tpu.memory_space<vmem_shared>> -> memref<128x128xf32, #tpu.memory_space<vmem_shared>>
      tpu.enqueue_dma source(%dma_start3A_413 : memref<128x128xf32, #tpu.memory_space<vmem_shared>>) target(%arg9 : memref<128x128xf32, #tpu.memory_space<vmem>>) target_semaphore(%run_scoped3A_409 : memref<!tpu.dma_semaphore, #tpu.memory_space<semaphore_mem>>)
      %dma_wait3A_414 = arith.constant 0 : i32
      %dma_wait3A_415 = tpu.memref_slice %arg12[%add3A_372, %dma_wait3A_414] : memref<10240x128xf32, #tpu.memory_space<vmem_shared>> -> memref<128x128xf32, #tpu.memory_space<vmem_shared>>
      %dma_wait3A_416 = arith.constant 0 : i32
      %dma_wait3A_417 = tpu.memref_slice %arg12[%add3A_372, %dma_wait3A_416] : memref<10240x128xf32, #tpu.memory_space<vmem_shared>> -> memref<128x128xf32, #tpu.memory_space<vmem_shared>>
      tpu.wait_dma2 semaphore(%run_scoped3A_409 : memref<!tpu.dma_semaphore, #tpu.memory_space<semaphore_mem>>) src(%dma_wait3A_417 : memref<128x128xf32, #tpu.memory_space<vmem_shared>>) dst(%arg9 : memref<128x128xf32, #tpu.memory_space<vmem>>)
      tpu.yield
    }) : () -> ()
    %dma_start3A_383 = arith.constant 0 : i32
    %dma_start3A_384 = tpu.memref_slice %arg5[%arg0, %add3A_372, %dma_start3A_383] : memref<2x10240x128xf32, #tpu.memory_space<hbm>> -> memref<1x128x128xf32, #tpu.memory_space<hbm>>
    %dma_start3A_385 = tpu.memref_squeeze %dma_start3A_384 : memref<1x128x128xf32, #tpu.memory_space<hbm>> -> memref<128x128xf32, #tpu.memory_space<hbm>>
    %dma_start3A_386 = arith.constant 0 : i32
    %dma_start3A_387 = tpu.memref_slice %arg5[%arg0, %add3A_372, %dma_start3A_386] : memref<2x10240x128xf32, #tpu.memory_space<hbm>> -> memref<1x128x128xf32, #tpu.memory_space<hbm>>
    %dma_start3A_388 = tpu.memref_squeeze %dma_start3A_387 : memref<1x128x128xf32, #tpu.memory_space<hbm>> -> memref<128x128xf32, #tpu.memory_space<hbm>>
    tpu.enqueue_dma source(%arg9 : memref<128x128xf32, #tpu.memory_space<vmem>>) target(%dma_start3A_388 : memref<128x128xf32, #tpu.memory_space<hbm>>) target_semaphore(%arg13 : memref<!tpu.dma_semaphore, #tpu.memory_space<semaphore_mem>>)
    %mul3A_389 = arith.constant 640 : i32
    %mul3A_390 = arith.muli %arg1, %mul3A_389 : i32
    %add3A_391 = arith.constant 384 : i32
    %add3A_392 = arith.addi %mul3A_390, %add3A_391 : i32
    %dma_wait3A_393 = arith.constant 0 : i32
    %dma_wait3A_394 = tpu.memref_slice %arg5[%arg0, %add3A_392, %dma_wait3A_393] : memref<2x10240x128xf32, #tpu.memory_space<hbm>> -> memref<1x128x128xf32, #tpu.memory_space<hbm>>
    %dma_wait3A_395 = tpu.memref_squeeze %dma_wait3A_394 : memref<1x128x128xf32, #tpu.memory_space<hbm>> -> memref<128x128xf32, #tpu.memory_space<hbm>>
    %dma_wait3A_396 = arith.constant 0 : i32
    %dma_wait3A_397 = tpu.memref_slice %arg5[%arg0, %add3A_392, %dma_wait3A_396] : memref<2x10240x128xf32, #tpu.memory_space<hbm>> -> memref<1x128x128xf32, #tpu.memory_space<hbm>>
    %dma_wait3A_398 = tpu.memref_squeeze %dma_wait3A_397 : memref<1x128x128xf32, #tpu.memory_space<hbm>> -> memref<128x128xf32, #tpu.memory_space<hbm>>
    tpu.wait_dma2 semaphore(%arg14 : memref<!tpu.dma_semaphore, #tpu.memory_space<semaphore_mem>>) src(%arg10 : memref<128x128xf32, #tpu.memory_space<vmem>>) dst(%dma_wait3A_398 : memref<128x128xf32, #tpu.memory_space<hbm>>)
    %mul3A_399 = arith.constant 640 : i32
    %mul3A_400 = arith.muli %arg1, %mul3A_399 : i32
    %add3A_401 = arith.constant 512 : i32
    %add3A_402 = arith.addi %mul3A_400, %add3A_401 : i32
    %dma_wait3A_403 = arith.constant 0 : i32
    %dma_wait3A_404 = tpu.memref_slice %arg5[%arg0, %add3A_402, %dma_wait3A_403] : memref<2x10240x128xf32, #tpu.memory_space<hbm>> -> memref<1x128x128xf32, #tpu.memory_space<hbm>>
    %dma_wait3A_405 = tpu.memref_squeeze %dma_wait3A_404 : memref<1x128x128xf32, #tpu.memory_space<hbm>> -> memref<128x128xf32, #tpu.memory_space<hbm>>
    %dma_wait3A_406 = arith.constant 0 : i32
    %dma_wait3A_407 = tpu.memref_slice %arg5[%arg0, %add3A_402, %dma_wait3A_406] : memref<2x10240x128xf32, #tpu.memory_space<hbm>> -> memref<1x128x128xf32, #tpu.memory_space<hbm>>
    %dma_wait3A_408 = tpu.memref_squeeze %dma_wait3A_407 : memref<1x128x128xf32, #tpu.memory_space<hbm>> -> memref<128x128xf32, #tpu.memory_space<hbm>>
    tpu.wait_dma2 semaphore(%arg13 : memref<!tpu.dma_semaphore, #tpu.memory_space<semaphore_mem>>) src(%arg9 : memref<128x128xf32, #tpu.memory_space<vmem>>) dst(%dma_wait3A_408 : memref<128x128xf32, #tpu.memory_space<hbm>>)
    return
  }
}

module attributes {stable_mosaic.version = 14 : i64} {
  func.func @_mm1_body(%arg0: i32, %arg1: memref<1000x128xf32, #tpu.memory_space<vmem>>, %arg2: memref<128x128xf32, #tpu.memory_space<vmem>>, %arg3: memref<2x1000x128xf32, #tpu.memory_space<vmem>>, %arg4: memref<1000x128xf32, #tpu.memory_space<vmem>>, %arg5: memref<1000x1xf32, #tpu.memory_space<vmem>>) attributes {dimension_semantics = [#tpu.dimension_semantics<arbitrary>], iteration_bounds = array<i64: 10>, scalar_prefetch = 0 : i64, scratch_operands = 0 : i64, tpu.core_type = #tpu.core_type<tc>, window_params = [{transform_indices = @transform_0, window_bounds = array<i64: 1000, 128>}, {pipeline_mode = #tpu.pipeline_mode<synchronous>, transform_indices = @transform_1, window_bounds = array<i64: 128, 128>}, {transform_indices = @transform_2, window_bounds = array<i64: 2, 1000, 128>}, {transform_indices = @transform_3, window_bounds = array<i64: 1000, 128>}, {transform_indices = @transform_4, window_bounds = array<i64: 1000, 1>}]} {
    %get3A = arith.constant 0 : index
    %get3A_0 = arith.constant 0 : index
    %get3A_1 = arith.constant 0 : index
    %get3A_2 = vector.load %arg3[%get3A, %get3A_0, %get3A_1] : memref<2x1000x128xf32, #tpu.memory_space<vmem>>, vector<1x1000x1xf32>
    %get3A_3 = vector.shape_cast %get3A_2 : vector<1x1000x1xf32> to vector<1000x1xf32>
    %get3A_4 = arith.constant 1 : index
    %get3A_5 = arith.constant 0 : index
    %get3A_6 = arith.constant 0 : index
    %get3A_7 = vector.load %arg3[%get3A_4, %get3A_5, %get3A_6] : memref<2x1000x128xf32, #tpu.memory_space<vmem>>, vector<1x1000x1xf32>
    %get3A_8 = vector.shape_cast %get3A_7 : vector<1x1000x1xf32> to vector<1000x1xf32>
    %add3A = arith.addf %get3A_3, %get3A_8 : vector<1000x1xf32>
    %add3A_9 = arith.constant 1.000000e+00 : f32
    %add3A_10 = vector.broadcast %add3A_9 : f32 to vector<1000x1xf32>
    %add3A_11 = arith.addf %add3A, %add3A_10 : vector<1000x1xf32>
    %rsqrt3A = math.rsqrt %add3A_11 : vector<1000x1xf32>
    %swap3A = arith.constant 0 : index
    %swap3A_12 = arith.constant 0 : index
    %swap3A_13 = vector.load %arg5[%swap3A, %swap3A_12] : memref<1000x1xf32, #tpu.memory_space<vmem>>, vector<1000x1xf32>
    tpu.vector_store %arg5[%swap3A, %swap3A_12], %rsqrt3A {strides = array<i32>} : memref<1000x1xf32, #tpu.memory_space<vmem>>, vector<1000x1xf32>,
    %get3A_14 = arith.constant 0 : index
    %get3A_15 = arith.constant 0 : index
    %get3A_16 = vector.load %arg1[%get3A_14, %get3A_15] : memref<1000x128xf32, #tpu.memory_space<vmem>>, vector<1000x128xf32>
    %get3A_17 = arith.constant 0 : index
    %get3A_18 = arith.constant 0 : index
    %get3A_19 = vector.load %arg2[%get3A_17, %get3A_18] : memref<128x128xf32, #tpu.memory_space<vmem>>, vector<128x128xf32>
    %dot_general3A = arith.constant dense<0.000000e+00> : vector<1000x128xf32>
    %dot_general3A_20 = tpu.matmul %get3A_16, %get3A_19, %dot_general3A {dimension_numbers = #tpu.dot_dimension_numbers<[1], [0], [0], [1], [0, 0, 1, 1], [], []>, transpose_lhs_hint = false} : vector<1000x128xf32>, vector<128x128xf32>, vector<1000x128xf32> -> vector<1000x128xf32>
    %mul3A = vector.broadcast %rsqrt3A : vector<1000x1xf32> to vector<1000x128xf32>
    %mul3A_21 = arith.mulf %mul3A, %dot_general3A_20 : vector<1000x128xf32>
    %swap3A_22 = arith.constant 0 : index
    %swap3A_23 = arith.constant 0 : index
    %swap3A_24 = vector.load %arg4[%swap3A_22, %swap3A_23] : memref<1000x128xf32, #tpu.memory_space<vmem>>, vector<1000x128xf32>
    tpu.vector_store %arg4[%swap3A_22, %swap3A_23], %mul3A_21 {strides = array<i32>} : memref<1000x128xf32, #tpu.memory_space<vmem>>, vector<1000x128xf32>,
    return
  }
  func.func @transform_0(%arg0: i32) -> (i32, i32) {
    %c0_i32 = arith.constant 0 : i32
    %c0_i32_0 = arith.constant 0 : i32
    return %arg0, %c0_i32 : i32, i32
  }
  func.func @transform_1(%arg0: i32) -> (i32, i32) {
    %c0_i32 = arith.constant 0 : i32
    %c0_i32_0 = arith.constant 0 : i32
    %c0_i32_1 = arith.constant 0 : i32
    return %c0_i32, %c0_i32_0 : i32, i32
  }
  func.func @transform_2(%arg0: i32) -> (i32, i32, i32) {
    %c0_i32 = arith.constant 0 : i32
    %c0_i32_0 = arith.constant 0 : i32
    %c0_i32_1 = arith.constant 0 : i32
    return %c0_i32, %arg0, %c0_i32_0 : i32, i32, i32
  }
  func.func @transform_3(%arg0: i32) -> (i32, i32) {
    %c0_i32 = arith.constant 0 : i32
    %c0_i32_0 = arith.constant 0 : i32
    return %arg0, %c0_i32 : i32, i32
  }
  func.func @transform_4(%arg0: i32) -> (i32, i32) {
    %c0_i32 = arith.constant 0 : i32
    %c0_i32_0 = arith.constant 0 : i32
    return %arg0, %c0_i32 : i32, i32
  }
}

module attributes {stable_mosaic.version = 14 : i64} {
  func.func @_mid_body(%arg0: i32, %arg1: memref<2x1000x128xf32, #tpu.memory_space<vmem>>, %arg2: memref<1000x128xf32, #tpu.memory_space<vmem>>, %arg3: memref<1000x1xf32, #tpu.memory_space<vmem>>, %arg4: memref<1x128xf32, #tpu.memory_space<vmem>>, %arg5: memref<128x128xf32, #tpu.memory_space<vmem>>, %arg6: memref<1000x128xf32, #tpu.memory_space<vmem>>) attributes {dimension_semantics = [#tpu.dimension_semantics<arbitrary>], iteration_bounds = array<i64: 10>, scalar_prefetch = 0 : i64, scratch_operands = 0 : i64, tpu.core_type = #tpu.core_type<tc>, window_params = [{transform_indices = @transform_0, window_bounds = array<i64: 2, 1000, 128>}, {transform_indices = @transform_1, window_bounds = array<i64: 1000, 128>}, {transform_indices = @transform_2, window_bounds = array<i64: 1000, 1>}, {pipeline_mode = #tpu.pipeline_mode<synchronous>, transform_indices = @transform_3, window_bounds = array<i64: 1, 128>}, {pipeline_mode = #tpu.pipeline_mode<synchronous>, transform_indices = @transform_4, window_bounds = array<i64: 128, 128>}, {transform_indices = @transform_5, window_bounds = array<i64: 1000, 128>}]} {
    %get3A = arith.constant 0 : index
    %get3A_0 = arith.constant 0 : index
    %get3A_1 = vector.load %arg3[%get3A, %get3A_0] : memref<1000x1xf32, #tpu.memory_space<vmem>>, vector<1000x1xf32>
    %get3A_2 = arith.constant 0 : index
    %get3A_3 = arith.constant 0 : index
    %get3A_4 = arith.constant 0 : index
    %get3A_5 = vector.load %arg1[%get3A_2, %get3A_3, %get3A_4] : memref<2x1000x128xf32, #tpu.memory_space<vmem>>, vector<1x1000x128xf32>
    %get3A_6 = vector.shape_cast %get3A_5 : vector<1x1000x128xf32> to vector<1000x128xf32>
    %get3A_7 = arith.constant 1 : index
    %get3A_8 = arith.constant 0 : index
    %get3A_9 = arith.constant 0 : index
    %get3A_10 = vector.load %arg1[%get3A_7, %get3A_8, %get3A_9] : memref<2x1000x128xf32, #tpu.memory_space<vmem>>, vector<1x1000x128xf32>
    %get3A_11 = vector.shape_cast %get3A_10 : vector<1x1000x128xf32> to vector<1000x128xf32>
    %add3A = arith.addf %get3A_6, %get3A_11 : vector<1000x128xf32>
    %get3A_12 = arith.constant 0 : index
    %get3A_13 = arith.constant 0 : index
    %get3A_14 = vector.load %arg2[%get3A_12, %get3A_13] : memref<1000x128xf32, #tpu.memory_space<vmem>>, vector<1000x128xf32>
    %add3A_15 = arith.addf %add3A, %get3A_14 : vector<1000x128xf32>
    %mul3A = vector.broadcast %get3A_1 : vector<1000x1xf32> to vector<1000x128xf32>
    %mul3A_16 = arith.mulf %mul3A, %add3A_15 : vector<1000x128xf32>
    %get3A_17 = arith.constant 0 : index
    %get3A_18 = arith.constant 0 : index
    %get3A_19 = vector.load %arg4[%get3A_17, %get3A_18] : memref<1x128xf32, #tpu.memory_space<vmem>>, vector<1x128xf32>
    %add3A_20 = vector.broadcast %get3A_19 : vector<1x128xf32> to vector<1000x128xf32>
    %add3A_21 = arith.addf %mul3A_16, %add3A_20 : vector<1000x128xf32>
    %max3A = arith.constant 0.000000e+00 : f32
    %max3A_22 = vector.broadcast %max3A : f32 to vector<1000x128xf32>
    %max3A_23 = arith.maximumf %add3A_21, %max3A_22 : vector<1000x128xf32>
    %get3A_24 = arith.constant 0 : index
    %get3A_25 = arith.constant 0 : index
    %get3A_26 = vector.load %arg5[%get3A_24, %get3A_25] : memref<128x128xf32, #tpu.memory_space<vmem>>, vector<128x128xf32>
    %dot_general3A = arith.constant dense<0.000000e+00> : vector<1000x128xf32>
    %dot_general3A_27 = tpu.matmul %max3A_23, %get3A_26, %dot_general3A {dimension_numbers = #tpu.dot_dimension_numbers<[1], [0], [0], [1], [0, 0, 1, 1], [], []>, transpose_lhs_hint = false} : vector<1000x128xf32>, vector<128x128xf32>, vector<1000x128xf32> -> vector<1000x128xf32>
    %mul3A_28 = vector.broadcast %get3A_1 : vector<1000x1xf32> to vector<1000x128xf32>
    %mul3A_29 = arith.mulf %mul3A_28, %dot_general3A_27 : vector<1000x128xf32>
    %swap3A = arith.constant 0 : index
    %swap3A_30 = arith.constant 0 : index
    %swap3A_31 = vector.load %arg6[%swap3A, %swap3A_30] : memref<1000x128xf32, #tpu.memory_space<vmem>>, vector<1000x128xf32>
    tpu.vector_store %arg6[%swap3A, %swap3A_30], %mul3A_29 {strides = array<i32>} : memref<1000x128xf32, #tpu.memory_space<vmem>>, vector<1000x128xf32>,
    return
  }
  func.func @transform_0(%arg0: i32) -> (i32, i32, i32) {
    %c0_i32 = arith.constant 0 : i32
    %c0_i32_0 = arith.constant 0 : i32
    %c0_i32_1 = arith.constant 0 : i32
    return %c0_i32, %arg0, %c0_i32_0 : i32, i32, i32
  }
  func.func @transform_1(%arg0: i32) -> (i32, i32) {
    %c0_i32 = arith.constant 0 : i32
    %c0_i32_0 = arith.constant 0 : i32
    return %arg0, %c0_i32 : i32, i32
  }
  func.func @transform_2(%arg0: i32) -> (i32, i32) {
    %c0_i32 = arith.constant 0 : i32
    %c0_i32_0 = arith.constant 0 : i32
    return %arg0, %c0_i32 : i32, i32
  }
  func.func @transform_3(%arg0: i32) -> (i32, i32) {
    %c0_i32 = arith.constant 0 : i32
    %c0_i32_0 = arith.constant 0 : i32
    %c0_i32_1 = arith.constant 0 : i32
    return %c0_i32, %c0_i32_0 : i32, i32
  }
  func.func @transform_4(%arg0: i32) -> (i32, i32) {
    %c0_i32 = arith.constant 0 : i32
    %c0_i32_0 = arith.constant 0 : i32
    %c0_i32_1 = arith.constant 0 : i32
    return %c0_i32, %c0_i32_0 : i32, i32
  }
  func.func @transform_5(%arg0: i32) -> (i32, i32) {
    %c0_i32 = arith.constant 0 : i32
    %c0_i32_0 = arith.constant 0 : i32
    return %arg0, %c0_i32 : i32, i32
  }
}

module attributes {stable_mosaic.version = 14 : i64} {
  func.func @_fin_body(%arg0: i32, %arg1: memref<2x1000x128xf32, #tpu.memory_space<vmem>>, %arg2: memref<1000x128xf32, #tpu.memory_space<vmem>>, %arg3: memref<1000x1xf32, #tpu.memory_space<vmem>>, %arg4: memref<1x128xf32, #tpu.memory_space<vmem>>, %arg5: memref<1x1x1000xi32, #tpu.memory_space<vmem>>, %arg6: memref<128x128xf32, #tpu.memory_space<vmem>>, %arg7: memref<1x128xf32, #tpu.memory_space<vmem>>, %arg8: memref<128x128xf32, #tpu.memory_space<vmem>>, %arg9: memref<1x128xf32, #tpu.memory_space<vmem>>, %arg10: memref<8x128x128xf32, #tpu.memory_space<vmem>>, %arg11: memref<8x128xf32, #tpu.memory_space<vmem>>, %arg12: memref<8x128x128xf32, #tpu.memory_space<vmem>>, %arg13: memref<8x128xf32, #tpu.memory_space<vmem>>, %arg14: memref<64x128xf32, #tpu.memory_space<vmem>>, %arg15: memref<8x64x128xf32, #tpu.memory_space<vmem>>, %arg16: memref<64x128xf32, #tpu.memory_space<vmem>>, %arg17: memref<64x128xf32, #tpu.memory_space<vmem>>) attributes {dimension_semantics = [#tpu.dimension_semantics<arbitrary>], iteration_bounds = array<i64: 10>, scalar_prefetch = 0 : i64, scratch_operands = 2 : i64, tpu.core_type = #tpu.core_type<tc>, window_params = [{transform_indices = @transform_0, window_bounds = array<i64: 2, 1000, 128>}, {transform_indices = @transform_1, window_bounds = array<i64: 1000, 128>}, {transform_indices = @transform_2, window_bounds = array<i64: 1000, 1>}, {pipeline_mode = #tpu.pipeline_mode<synchronous>, transform_indices = @transform_3, window_bounds = array<i64: 1, 128>}, {transform_indices = @transform_4, window_bounds = array<i64: 1, 1, 1000>}, {pipeline_mode = #tpu.pipeline_mode<synchronous>, transform_indices = @transform_5, window_bounds = array<i64: 128, 128>}, {pipeline_mode = #tpu.pipeline_mode<synchronous>, transform_indices = @transform_6, window_bounds = array<i64: 1, 128>}, {pipeline_mode = #tpu.pipeline_mode<synchronous>, transform_indices = @transform_7, window_bounds = array<i64: 128, 128>}, {pipeline_mode = #tpu.pipeline_mode<synchronous>, transform_indices = @transform_8, window_bounds = array<i64: 1, 128>}, {pipeline_mode = #tpu.pipeline_mode<synchronous>, transform_indices = @transform_9, window_bounds = array<i64: 8, 128, 128>}, {pipeline_mode = #tpu.pipeline_mode<synchronous>, transform_indices = @transform_10, window_bounds = array<i64: 8, 128>}, {pipeline_mode = #tpu.pipeline_mode<synchronous>, transform_indices = @transform_11, window_bounds = array<i64: 8, 128, 128>}, {pipeline_mode = #tpu.pipeline_mode<synchronous>, transform_indices = @transform_12, window_bounds = array<i64: 8, 128>}, {pipeline_mode = #tpu.pipeline_mode<synchronous>, transform_indices = @transform_13, window_bounds = array<i64: 64, 128>}, {pipeline_mode = #tpu.pipeline_mode<synchronous>, transform_indices = @transform_14, window_bounds = array<i64: 8, 64, 128>}]} {
    %eq3A = arith.constant 0 : i32
    %eq3A_0 = arith.cmpi eq, %arg0, %eq3A : i32
    %convert_element_type3A = arith.extui %eq3A_0 : i1 to i32
    %cond3A = arith.constant 0 : i32
    %cond3A_1 = arith.cmpi ne, %convert_element_type3A, %cond3A : i32
    scf.if %cond3A_1 {
      %broadcast_in_dim3A_58 = arith.constant 0.000000e+00 : f32
      %broadcast_in_dim3A_59 = vector.broadcast %broadcast_in_dim3A_58 : f32 to vector<64x128xf32>
      %swap3A_60 = arith.constant 0 : index
      %swap3A_61 = arith.constant 0 : index
      %swap3A_62 = vector.load %arg16[%swap3A_60, %swap3A_61] : memref<64x128xf32, #tpu.memory_space<vmem>>, vector<64x128xf32>
      tpu.vector_store %arg16[%swap3A_60, %swap3A_61], %broadcast_in_dim3A_59 {strides = array<i32>} : memref<64x128xf32, #tpu.memory_space<vmem>>, vector<64x128xf32>,
      %broadcast_in_dim3A_63 = arith.constant 0.000000e+00 : f32
      %broadcast_in_dim3A_64 = vector.broadcast %broadcast_in_dim3A_63 : f32 to vector<64x128xf32>
      %swap3A_65 = arith.constant 0 : index
      %swap3A_66 = arith.constant 0 : index
      %swap3A_67 = vector.load %arg17[%swap3A_65, %swap3A_66] : memref<64x128xf32, #tpu.memory_space<vmem>>, vector<64x128xf32>
      tpu.vector_store %arg17[%swap3A_65, %swap3A_66], %broadcast_in_dim3A_64 {strides = array<i32>} : memref<64x128xf32, #tpu.memory_space<vmem>>, vector<64x128xf32>,
    } else {
    }
    %get3A = arith.constant 0 : index
    %get3A_2 = arith.constant 0 : index
    %get3A_3 = vector.load %arg3[%get3A, %get3A_2] : memref<1000x1xf32, #tpu.memory_space<vmem>>, vector<1000x1xf32>
    %get3A_4 = arith.constant 0 : index
    %get3A_5 = arith.constant 0 : index
    %get3A_6 = arith.constant 0 : index
    %get3A_7 = vector.load %arg1[%get3A_4, %get3A_5, %get3A_6] : memref<2x1000x128xf32, #tpu.memory_space<vmem>>, vector<1x1000x128xf32>
    %get3A_8 = vector.shape_cast %get3A_7 : vector<1x1000x128xf32> to vector<1000x128xf32>
    %get3A_9 = arith.constant 1 : index
    %get3A_10 = arith.constant 0 : index
    %get3A_11 = arith.constant 0 : index
    %get3A_12 = vector.load %arg1[%get3A_9, %get3A_10, %get3A_11] : memref<2x1000x128xf32, #tpu.memory_space<vmem>>, vector<1x1000x128xf32>
    %get3A_13 = vector.shape_cast %get3A_12 : vector<1x1000x128xf32> to vector<1000x128xf32>
    %add3A = arith.addf %get3A_8, %get3A_13 : vector<1000x128xf32>
    %get3A_14 = arith.constant 0 : index
    %get3A_15 = arith.constant 0 : index
    %get3A_16 = vector.load %arg2[%get3A_14, %get3A_15] : memref<1000x128xf32, #tpu.memory_space<vmem>>, vector<1000x128xf32>
    %add3A_17 = arith.addf %add3A, %get3A_16 : vector<1000x128xf32>
    %mul3A = vector.broadcast %get3A_3 : vector<1000x1xf32> to vector<1000x128xf32>
    %mul3A_18 = arith.mulf %mul3A, %add3A_17 : vector<1000x128xf32>
    %get3A_19 = arith.constant 0 : index
    %get3A_20 = arith.constant 0 : index
    %get3A_21 = vector.load %arg4[%get3A_19, %get3A_20] : memref<1x128xf32, #tpu.memory_space<vmem>>, vector<1x128xf32>
    %add3A_22 = vector.broadcast %get3A_21 : vector<1x128xf32> to vector<1000x128xf32>
    %add3A_23 = arith.addf %mul3A_18, %add3A_22 : vector<1000x128xf32>
    %max3A = arith.constant 0.000000e+00 : f32
    %max3A_24 = vector.broadcast %max3A : f32 to vector<1000x128xf32>
    %max3A_25 = arith.maximumf %add3A_23, %max3A_24 : vector<1000x128xf32>
    %get3A_26 = arith.constant 0 : index
    %get3A_27 = arith.constant 0 : index
    %get3A_28 = arith.constant 0 : index
    %get3A_29 = vector.load %arg5[%get3A_26, %get3A_27, %get3A_28] : memref<1x1x1000xi32, #tpu.memory_space<vmem>>, vector<1x1x1000xi32>
    %get3A_30 = vector.shape_cast %get3A_29 : vector<1x1x1000xi32> to vector<1000xi32>
    %broadcast_in_dim3A = vector.shape_cast %get3A_30 : vector<1000xi32> to vector<1x1000xi32>
    %iota3A = tpu.iota {dimensions = array<i32: 0>} : vector<64x1000xi32>
    %eq3A_31 = vector.broadcast %broadcast_in_dim3A : vector<1x1000xi32> to vector<64x1000xi32>
    %eq3A_32 = arith.cmpi eq, %eq3A_31, %iota3A : vector<64x1000xi32>
    %convert_element_type3A_33 = arith.extui %eq3A_32 : vector<64x1000xi1> to vector<64x1000xi32>
    %convert_element_type3A_34 = arith.sitofp %convert_element_type3A_33 : vector<64x1000xi32> to vector<64x1000xf32>
    %get3A_35 = arith.constant 0 : index
    %get3A_36 = arith.constant 0 : index
    %get3A_37 = vector.load %arg16[%get3A_35, %get3A_36] : memref<64x128xf32, #tpu.memory_space<vmem>>, vector<64x128xf32>
    %dot_general3A = arith.constant dense<0.000000e+00> : vector<64x128xf32>
    %dot_general3A_38 = tpu.matmul %convert_element_type3A_34, %max3A_25, %dot_general3A {dimension_numbers = #tpu.dot_dimension_numbers<[1], [0], [0], [1], [0, 0, 1, 1], [], []>, transpose_lhs_hint = false} : vector<64x1000xf32>, vector<1000x128xf32>, vector<64x128xf32> -> vector<64x128xf32>
    %add3A_39 = arith.addf %get3A_37, %dot_general3A_38 : vector<64x128xf32>
    %swap3A = arith.constant 0 : index
    %swap3A_40 = arith.constant 0 : index
    %swap3A_41 = vector.load %arg16[%swap3A, %swap3A_40] : memref<64x128xf32, #tpu.memory_space<vmem>>, vector<64x128xf32>
    tpu.vector_store %arg16[%swap3A, %swap3A_40], %add3A_39 {strides = array<i32>} : memref<64x128xf32, #tpu.memory_space<vmem>>, vector<64x128xf32>,
    %get3A_42 = arith.constant 0 : index
    %get3A_43 = arith.constant 0 : index
    %get3A_44 = vector.load %arg17[%get3A_42, %get3A_43] : memref<64x128xf32, #tpu.memory_space<vmem>>, vector<64x128xf32>
    %reduce_sum3A = arith.constant dense<0.000000e+00> : vector<64xf32>
    %reduce_sum3A_45 = vector.multi_reduction <add>, %convert_element_type3A_34, %reduce_sum3A [1] : vector<64x1000xf32> to vector<64xf32>
    %broadcast_in_dim3A_46 = vector.shape_cast %reduce_sum3A_45 : vector<64xf32> to vector<64x1xf32>
    %broadcast_in_dim3A_47 = vector.shape_cast %broadcast_in_dim3A_46 : vector<64x1xf32> to vector<64x1xf32>
    %broadcast_in_dim3A_48 = vector.broadcast %broadcast_in_dim3A_47 : vector<64x1xf32> to vector<64x128xf32>
    %add3A_49 = arith.addf %get3A_44, %broadcast_in_dim3A_48 : vector<64x128xf32>
    %swap3A_50 = arith.constant 0 : index
    %swap3A_51 = arith.constant 0 : index
    %swap3A_52 = vector.load %arg17[%swap3A_50, %swap3A_51] : memref<64x128xf32, #tpu.memory_space<vmem>>, vector<64x128xf32>
    tpu.vector_store %arg17[%swap3A_50, %swap3A_51], %add3A_49 {strides = array<i32>} : memref<64x128xf32, #tpu.memory_space<vmem>>, vector<64x128xf32>,
    %eq3A_53 = arith.constant 9 : i32
    %eq3A_54 = arith.cmpi eq, %arg0, %eq3A_53 : i32
    %convert_element_type3A_55 = arith.extui %eq3A_54 : i1 to i32
    %cond3A_56 = arith.constant 0 : i32
    %cond3A_57 = arith.cmpi ne, %convert_element_type3A_55, %cond3A_56 : i32
    scf.if %cond3A_57 {
      %get3A_58 = arith.constant 0 : index
      %get3A_59 = arith.constant 0 : index
      %get3A_60 = vector.load %arg16[%get3A_58, %get3A_59] : memref<64x128xf32, #tpu.memory_space<vmem>>, vector<64x128xf32>
      %get3A_61 = arith.constant 0 : index
      %get3A_62 = arith.constant 0 : index
      %get3A_63 = vector.load %arg17[%get3A_61, %get3A_62] : memref<64x128xf32, #tpu.memory_space<vmem>>, vector<64x128xf32>
      %max3A_64 = arith.constant 1.000000e+00 : f32
      %max3A_65 = vector.broadcast %max3A_64 : f32 to vector<64x128xf32>
      %max3A_66 = arith.maximumf %get3A_63, %max3A_65 : vector<64x128xf32>
      %div3A = arith.divf %get3A_60, %max3A_66 : vector<64x128xf32>
      %get3A_67 = arith.constant 0 : index
      %get3A_68 = arith.constant 0 : index
      %get3A_69 = vector.load %arg6[%get3A_67, %get3A_68] : memref<128x128xf32, #tpu.memory_space<vmem>>, vector<128x128xf32>
      %dot_general3A_70 = arith.constant dense<0.000000e+00> : vector<64x128xf32>
      %dot_general3A_71 = tpu.matmul %div3A, %get3A_69, %dot_general3A_70 {dimension_numbers = #tpu.dot_dimension_numbers<[1], [0], [0], [1], [0, 0, 1, 1], [], []>, transpose_lhs_hint = false} : vector<64x128xf32>, vector<128x128xf32>, vector<64x128xf32> -> vector<64x128xf32>
      %get3A_72 = arith.constant 0 : index
      %get3A_73 = arith.constant 0 : index
      %get3A_74 = vector.load %arg7[%get3A_72, %get3A_73] : memref<1x128xf32, #tpu.memory_space<vmem>>, vector<1x128xf32>
      %add3A_75 = vector.broadcast %get3A_74 : vector<1x128xf32> to vector<64x128xf32>
      %add3A_76 = arith.addf %dot_general3A_71, %add3A_75 : vector<64x128xf32>
      %max3A_77 = arith.constant 0.000000e+00 : f32
      %max3A_78 = vector.broadcast %max3A_77 : f32 to vector<64x128xf32>
      %max3A_79 = arith.maximumf %add3A_76, %max3A_78 : vector<64x128xf32>
      %get3A_80 = arith.constant 0 : index
      %get3A_81 = arith.constant 0 : index
      %get3A_82 = vector.load %arg8[%get3A_80, %get3A_81] : memref<128x128xf32, #tpu.memory_space<vmem>>, vector<128x128xf32>
      %dot_general3A_83 = arith.constant dense<0.000000e+00> : vector<64x128xf32>
      %dot_general3A_84 = tpu.matmul %max3A_79, %get3A_82, %dot_general3A_83 {dimension_numbers = #tpu.dot_dimension_numbers<[1], [0], [0], [1], [0, 0, 1, 1], [], []>, transpose_lhs_hint = false} : vector<64x128xf32>, vector<128x128xf32>, vector<64x128xf32> -> vector<64x128xf32>
      %get3A_85 = arith.constant 0 : index
      %get3A_86 = arith.constant 0 : index
      %get3A_87 = vector.load %arg9[%get3A_85, %get3A_86] : memref<1x128xf32, #tpu.memory_space<vmem>>, vector<1x128xf32>
      %add3A_88 = vector.broadcast %get3A_87 : vector<1x128xf32> to vector<64x128xf32>
      %add3A_89 = arith.addf %dot_general3A_84, %add3A_88 : vector<64x128xf32>
      %swap3A_90 = arith.constant 0 : index
      %swap3A_91 = arith.constant 0 : index
      %swap3A_92 = vector.load %arg14[%swap3A_90, %swap3A_91] : memref<64x128xf32, #tpu.memory_space<vmem>>, vector<64x128xf32>
      tpu.vector_store %arg14[%swap3A_90, %swap3A_91], %add3A_89 {strides = array<i32>} : memref<64x128xf32, #tpu.memory_space<vmem>>, vector<64x128xf32>,
      %get3A_93 = arith.constant 0 : index
      %get3A_94 = arith.constant 0 : index
      %get3A_95 = arith.constant 0 : index
      %get3A_96 = vector.load %arg10[%get3A_93, %get3A_94, %get3A_95] : memref<8x128x128xf32, #tpu.memory_space<vmem>>, vector<1x128x128xf32>
      %get3A_97 = vector.shape_cast %get3A_96 : vector<1x128x128xf32> to vector<128x128xf32>
      %dot_general3A_98 = arith.constant dense<0.000000e+00> : vector<64x128xf32>
      %dot_general3A_99 = tpu.matmul %div3A, %get3A_97, %dot_general3A_98 {dimension_numbers = #tpu.dot_dimension_numbers<[1], [0], [0], [1], [0, 0, 1, 1], [], []>, transpose_lhs_hint = false} : vector<64x128xf32>, vector<128x128xf32>, vector<64x128xf32> -> vector<64x128xf32>
      %get3A_100 = arith.constant 0 : index
      %get3A_101 = arith.constant 0 : index
      %get3A_102 = vector.load %arg11[%get3A_100, %get3A_101] : memref<8x128xf32, #tpu.memory_space<vmem>>, vector<1x128xf32>
      %add3A_103 = vector.broadcast %get3A_102 : vector<1x128xf32> to vector<64x128xf32>
      %add3A_104 = arith.addf %dot_general3A_99, %add3A_103 : vector<64x128xf32>
      %max3A_105 = arith.constant 0.000000e+00 : f32
      %max3A_106 = vector.broadcast %max3A_105 : f32 to vector<64x128xf32>
      %max3A_107 = arith.maximumf %add3A_104, %max3A_106 : vector<64x128xf32>
      %get3A_108 = arith.constant 0 : index
      %get3A_109 = arith.constant 0 : index
      %get3A_110 = arith.constant 0 : index
      %get3A_111 = vector.load %arg12[%get3A_108, %get3A_109, %get3A_110] : memref<8x128x128xf32, #tpu.memory_space<vmem>>, vector<1x128x128xf32>
      %get3A_112 = vector.shape_cast %get3A_111 : vector<1x128x128xf32> to vector<128x128xf32>
      %dot_general3A_113 = arith.constant dense<0.000000e+00> : vector<64x128xf32>
      %dot_general3A_114 = tpu.matmul %max3A_107, %get3A_112, %dot_general3A_113 {dimension_numbers = #tpu.dot_dimension_numbers<[1], [0], [0], [1], [0, 0, 1, 1], [], []>, transpose_lhs_hint = false} : vector<64x128xf32>, vector<128x128xf32>, vector<64x128xf32> -> vector<64x128xf32>
      %get3A_115 = arith.constant 0 : index
      %get3A_116 = arith.constant 0 : index
      %get3A_117 = vector.load %arg13[%get3A_115, %get3A_116] : memref<8x128xf32, #tpu.memory_space<vmem>>, vector<1x128xf32>
      %add3A_118 = vector.broadcast %get3A_117 : vector<1x128xf32> to vector<64x128xf32>
      %add3A_119 = arith.addf %dot_general3A_114, %add3A_118 : vector<64x128xf32>
      %swap3A_120 = arith.constant 0 : index
      %swap3A_121 = arith.constant 0 : index
      %swap3A_122 = arith.constant 0 : index
      %swap3A_123 = vector.load %arg15[%swap3A_120, %swap3A_121, %swap3A_122] : memref<8x64x128xf32, #tpu.memory_space<vmem>>, vector<1x64x128xf32>
      %swap3A_124 = vector.shape_cast %swap3A_123 : vector<1x64x128xf32> to vector<64x128xf32>
      %swap3A_125 = vector.shape_cast %add3A_119 : vector<64x128xf32> to vector<1x64x128xf32>
      tpu.vector_store %arg15[%swap3A_120, %swap3A_121, %swap3A_122], %swap3A_125 {strides = array<i32>} : memref<8x64x128xf32, #tpu.memory_space<vmem>>, vector<1x64x128xf32>,
      %get3A_126 = arith.constant 1 : index
      %get3A_127 = arith.constant 0 : index
      %get3A_128 = arith.constant 0 : index
      %get3A_129 = vector.load %arg10[%get3A_126, %get3A_127, %get3A_128] : memref<8x128x128xf32, #tpu.memory_space<vmem>>, vector<1x128x128xf32>
      %get3A_130 = vector.shape_cast %get3A_129 : vector<1x128x128xf32> to vector<128x128xf32>
      %dot_general3A_131 = arith.constant dense<0.000000e+00> : vector<64x128xf32>
      %dot_general3A_132 = tpu.matmul %div3A, %get3A_130, %dot_general3A_131 {dimension_numbers = #tpu.dot_dimension_numbers<[1], [0], [0], [1], [0, 0, 1, 1], [], []>, transpose_lhs_hint = false} : vector<64x128xf32>, vector<128x128xf32>, vector<64x128xf32> -> vector<64x128xf32>
      %get3A_133 = arith.constant 1 : index
      %get3A_134 = arith.constant 0 : index
      %get3A_135 = vector.load %arg11[%get3A_133, %get3A_134] : memref<8x128xf32, #tpu.memory_space<vmem>>, vector<1x128xf32>
      %add3A_136 = vector.broadcast %get3A_135 : vector<1x128xf32> to vector<64x128xf32>
      %add3A_137 = arith.addf %dot_general3A_132, %add3A_136 : vector<64x128xf32>
      %max3A_138 = arith.constant 0.000000e+00 : f32
      %max3A_139 = vector.broadcast %max3A_138 : f32 to vector<64x128xf32>
      %max3A_140 = arith.maximumf %add3A_137, %max3A_139 : vector<64x128xf32>
      %get3A_141 = arith.constant 1 : index
      %get3A_142 = arith.constant 0 : index
      %get3A_143 = arith.constant 0 : index
      %get3A_144 = vector.load %arg12[%get3A_141, %get3A_142, %get3A_143] : memref<8x128x128xf32, #tpu.memory_space<vmem>>, vector<1x128x128xf32>
      %get3A_145 = vector.shape_cast %get3A_144 : vector<1x128x128xf32> to vector<128x128xf32>
      %dot_general3A_146 = arith.constant dense<0.000000e+00> : vector<64x128xf32>
      %dot_general3A_147 = tpu.matmul %max3A_140, %get3A_145, %dot_general3A_146 {dimension_numbers = #tpu.dot_dimension_numbers<[1], [0], [0], [1], [0, 0, 1, 1], [], []>, transpose_lhs_hint = false} : vector<64x128xf32>, vector<128x128xf32>, vector<64x128xf32> -> vector<64x128xf32>
      %get3A_148 = arith.constant 1 : index
      %get3A_149 = arith.constant 0 : index
      %get3A_150 = vector.load %arg13[%get3A_148, %get3A_149] : memref<8x128xf32, #tpu.memory_space<vmem>>, vector<1x128xf32>
      %add3A_151 = vector.broadcast %get3A_150 : vector<1x128xf32> to vector<64x128xf32>
      %add3A_152 = arith.addf %dot_general3A_147, %add3A_151 : vector<64x128xf32>
      %swap3A_153 = arith.constant 1 : index
      %swap3A_154 = arith.constant 0 : index
      %swap3A_155 = arith.constant 0 : index
      %swap3A_156 = vector.load %arg15[%swap3A_153, %swap3A_154, %swap3A_155] : memref<8x64x128xf32, #tpu.memory_space<vmem>>, vector<1x64x128xf32>
      %swap3A_157 = vector.shape_cast %swap3A_156 : vector<1x64x128xf32> to vector<64x128xf32>
      %swap3A_158 = vector.shape_cast %add3A_152 : vector<64x128xf32> to vector<1x64x128xf32>
      tpu.vector_store %arg15[%swap3A_153, %swap3A_154, %swap3A_155], %swap3A_158 {strides = array<i32>} : memref<8x64x128xf32, #tpu.memory_space<vmem>>, vector<1x64x128xf32>,
      %get3A_159 = arith.constant 2 : index
      %get3A_160 = arith.constant 0 : index
      %get3A_161 = arith.constant 0 : index
      %get3A_162 = vector.load %arg10[%get3A_159, %get3A_160, %get3A_161] : memref<8x128x128xf32, #tpu.memory_space<vmem>>, vector<1x128x128xf32>
      %get3A_163 = vector.shape_cast %get3A_162 : vector<1x128x128xf32> to vector<128x128xf32>
      %dot_general3A_164 = arith.constant dense<0.000000e+00> : vector<64x128xf32>
      %dot_general3A_165 = tpu.matmul %div3A, %get3A_163, %dot_general3A_164 {dimension_numbers = #tpu.dot_dimension_numbers<[1], [0], [0], [1], [0, 0, 1, 1], [], []>, transpose_lhs_hint = false} : vector<64x128xf32>, vector<128x128xf32>, vector<64x128xf32> -> vector<64x128xf32>
      %get3A_166 = arith.constant 2 : index
      %get3A_167 = arith.constant 0 : index
      %get3A_168 = vector.load %arg11[%get3A_166, %get3A_167] : memref<8x128xf32, #tpu.memory_space<vmem>>, vector<1x128xf32>
      %add3A_169 = vector.broadcast %get3A_168 : vector<1x128xf32> to vector<64x128xf32>
      %add3A_170 = arith.addf %dot_general3A_165, %add3A_169 : vector<64x128xf32>
      %max3A_171 = arith.constant 0.000000e+00 : f32
      %max3A_172 = vector.broadcast %max3A_171 : f32 to vector<64x128xf32>
      %max3A_173 = arith.maximumf %add3A_170, %max3A_172 : vector<64x128xf32>
      %get3A_174 = arith.constant 2 : index
      %get3A_175 = arith.constant 0 : index
      %get3A_176 = arith.constant 0 : index
      %get3A_177 = vector.load %arg12[%get3A_174, %get3A_175, %get3A_176] : memref<8x128x128xf32, #tpu.memory_space<vmem>>, vector<1x128x128xf32>
      %get3A_178 = vector.shape_cast %get3A_177 : vector<1x128x128xf32> to vector<128x128xf32>
      %dot_general3A_179 = arith.constant dense<0.000000e+00> : vector<64x128xf32>
      %dot_general3A_180 = tpu.matmul %max3A_173, %get3A_178, %dot_general3A_179 {dimension_numbers = #tpu.dot_dimension_numbers<[1], [0], [0], [1], [0, 0, 1, 1], [], []>, transpose_lhs_hint = false} : vector<64x128xf32>, vector<128x128xf32>, vector<64x128xf32> -> vector<64x128xf32>
      %get3A_181 = arith.constant 2 : index
      %get3A_182 = arith.constant 0 : index
      %get3A_183 = vector.load %arg13[%get3A_181, %get3A_182] : memref<8x128xf32, #tpu.memory_space<vmem>>, vector<1x128xf32>
      %add3A_184 = vector.broadcast %get3A_183 : vector<1x128xf32> to vector<64x128xf32>
      %add3A_185 = arith.addf %dot_general3A_180, %add3A_184 : vector<64x128xf32>
      %swap3A_186 = arith.constant 2 : index
      %swap3A_187 = arith.constant 0 : index
      %swap3A_188 = arith.constant 0 : index
      %swap3A_189 = vector.load %arg15[%swap3A_186, %swap3A_187, %swap3A_188] : memref<8x64x128xf32, #tpu.memory_space<vmem>>, vector<1x64x128xf32>
      %swap3A_190 = vector.shape_cast %swap3A_189 : vector<1x64x128xf32> to vector<64x128xf32>
      %swap3A_191 = vector.shape_cast %add3A_185 : vector<64x128xf32> to vector<1x64x128xf32>
      tpu.vector_store %arg15[%swap3A_186, %swap3A_187, %swap3A_188], %swap3A_191 {strides = array<i32>} : memref<8x64x128xf32, #tpu.memory_space<vmem>>, vector<1x64x128xf32>,
      %get3A_192 = arith.constant 3 : index
      %get3A_193 = arith.constant 0 : index
      %get3A_194 = arith.constant 0 : index
      %get3A_195 = vector.load %arg10[%get3A_192, %get3A_193, %get3A_194] : memref<8x128x128xf32, #tpu.memory_space<vmem>>, vector<1x128x128xf32>
      %get3A_196 = vector.shape_cast %get3A_195 : vector<1x128x128xf32> to vector<128x128xf32>
      %dot_general3A_197 = arith.constant dense<0.000000e+00> : vector<64x128xf32>
      %dot_general3A_198 = tpu.matmul %div3A, %get3A_196, %dot_general3A_197 {dimension_numbers = #tpu.dot_dimension_numbers<[1], [0], [0], [1], [0, 0, 1, 1], [], []>, transpose_lhs_hint = false} : vector<64x128xf32>, vector<128x128xf32>, vector<64x128xf32> -> vector<64x128xf32>
      %get3A_199 = arith.constant 3 : index
      %get3A_200 = arith.constant 0 : index
      %get3A_201 = vector.load %arg11[%get3A_199, %get3A_200] : memref<8x128xf32, #tpu.memory_space<vmem>>, vector<1x128xf32>
      %add3A_202 = vector.broadcast %get3A_201 : vector<1x128xf32> to vector<64x128xf32>
      %add3A_203 = arith.addf %dot_general3A_198, %add3A_202 : vector<64x128xf32>
      %max3A_204 = arith.constant 0.000000e+00 : f32
      %max3A_205 = vector.broadcast %max3A_204 : f32 to vector<64x128xf32>
      %max3A_206 = arith.maximumf %add3A_203, %max3A_205 : vector<64x128xf32>
      %get3A_207 = arith.constant 3 : index
      %get3A_208 = arith.constant 0 : index
      %get3A_209 = arith.constant 0 : index
      %get3A_210 = vector.load %arg12[%get3A_207, %get3A_208, %get3A_209] : memref<8x128x128xf32, #tpu.memory_space<vmem>>, vector<1x128x128xf32>
      %get3A_211 = vector.shape_cast %get3A_210 : vector<1x128x128xf32> to vector<128x128xf32>
      %dot_general3A_212 = arith.constant dense<0.000000e+00> : vector<64x128xf32>
      %dot_general3A_213 = tpu.matmul %max3A_206, %get3A_211, %dot_general3A_212 {dimension_numbers = #tpu.dot_dimension_numbers<[1], [0], [0], [1], [0, 0, 1, 1], [], []>, transpose_lhs_hint = false} : vector<64x128xf32>, vector<128x128xf32>, vector<64x128xf32> -> vector<64x128xf32>
      %get3A_214 = arith.constant 3 : index
      %get3A_215 = arith.constant 0 : index
      %get3A_216 = vector.load %arg13[%get3A_214, %get3A_215] : memref<8x128xf32, #tpu.memory_space<vmem>>, vector<1x128xf32>
      %add3A_217 = vector.broadcast %get3A_216 : vector<1x128xf32> to vector<64x128xf32>
      %add3A_218 = arith.addf %dot_general3A_213, %add3A_217 : vector<64x128xf32>
      %swap3A_219 = arith.constant 3 : index
      %swap3A_220 = arith.constant 0 : index
      %swap3A_221 = arith.constant 0 : index
      %swap3A_222 = vector.load %arg15[%swap3A_219, %swap3A_220, %swap3A_221] : memref<8x64x128xf32, #tpu.memory_space<vmem>>, vector<1x64x128xf32>
      %swap3A_223 = vector.shape_cast %swap3A_222 : vector<1x64x128xf32> to vector<64x128xf32>
      %swap3A_224 = vector.shape_cast %add3A_218 : vector<64x128xf32> to vector<1x64x128xf32>
      tpu.vector_store %arg15[%swap3A_219, %swap3A_220, %swap3A_221], %swap3A_224 {strides = array<i32>} : memref<8x64x128xf32, #tpu.memory_space<vmem>>, vector<1x64x128xf32>,
      %get3A_225 = arith.constant 4 : index
      %get3A_226 = arith.constant 0 : index
      %get3A_227 = arith.constant 0 : index
      %get3A_228 = vector.load %arg10[%get3A_225, %get3A_226, %get3A_227] : memref<8x128x128xf32, #tpu.memory_space<vmem>>, vector<1x128x128xf32>
      %get3A_229 = vector.shape_cast %get3A_228 : vector<1x128x128xf32> to vector<128x128xf32>
      %dot_general3A_230 = arith.constant dense<0.000000e+00> : vector<64x128xf32>
      %dot_general3A_231 = tpu.matmul %div3A, %get3A_229, %dot_general3A_230 {dimension_numbers = #tpu.dot_dimension_numbers<[1], [0], [0], [1], [0, 0, 1, 1], [], []>, transpose_lhs_hint = false} : vector<64x128xf32>, vector<128x128xf32>, vector<64x128xf32> -> vector<64x128xf32>
      %get3A_232 = arith.constant 4 : index
      %get3A_233 = arith.constant 0 : index
      %get3A_234 = vector.load %arg11[%get3A_232, %get3A_233] : memref<8x128xf32, #tpu.memory_space<vmem>>, vector<1x128xf32>
      %add3A_235 = vector.broadcast %get3A_234 : vector<1x128xf32> to vector<64x128xf32>
      %add3A_236 = arith.addf %dot_general3A_231, %add3A_235 : vector<64x128xf32>
      %max3A_237 = arith.constant 0.000000e+00 : f32
      %max3A_238 = vector.broadcast %max3A_237 : f32 to vector<64x128xf32>
      %max3A_239 = arith.maximumf %add3A_236, %max3A_238 : vector<64x128xf32>
      %get3A_240 = arith.constant 4 : index
      %get3A_241 = arith.constant 0 : index
      %get3A_242 = arith.constant 0 : index
      %get3A_243 = vector.load %arg12[%get3A_240, %get3A_241, %get3A_242] : memref<8x128x128xf32, #tpu.memory_space<vmem>>, vector<1x128x128xf32>
      %get3A_244 = vector.shape_cast %get3A_243 : vector<1x128x128xf32> to vector<128x128xf32>
      %dot_general3A_245 = arith.constant dense<0.000000e+00> : vector<64x128xf32>
      %dot_general3A_246 = tpu.matmul %max3A_239, %get3A_244, %dot_general3A_245 {dimension_numbers = #tpu.dot_dimension_numbers<[1], [0], [0], [1], [0, 0, 1, 1], [], []>, transpose_lhs_hint = false} : vector<64x128xf32>, vector<128x128xf32>, vector<64x128xf32> -> vector<64x128xf32>
      %get3A_247 = arith.constant 4 : index
      %get3A_248 = arith.constant 0 : index
      %get3A_249 = vector.load %arg13[%get3A_247, %get3A_248] : memref<8x128xf32, #tpu.memory_space<vmem>>, vector<1x128xf32>
      %add3A_250 = vector.broadcast %get3A_249 : vector<1x128xf32> to vector<64x128xf32>
      %add3A_251 = arith.addf %dot_general3A_246, %add3A_250 : vector<64x128xf32>
      %swap3A_252 = arith.constant 4 : index
      %swap3A_253 = arith.constant 0 : index
      %swap3A_254 = arith.constant 0 : index
      %swap3A_255 = vector.load %arg15[%swap3A_252, %swap3A_253, %swap3A_254] : memref<8x64x128xf32, #tpu.memory_space<vmem>>, vector<1x64x128xf32>
      %swap3A_256 = vector.shape_cast %swap3A_255 : vector<1x64x128xf32> to vector<64x128xf32>
      %swap3A_257 = vector.shape_cast %add3A_251 : vector<64x128xf32> to vector<1x64x128xf32>
      tpu.vector_store %arg15[%swap3A_252, %swap3A_253, %swap3A_254], %swap3A_257 {strides = array<i32>} : memref<8x64x128xf32, #tpu.memory_space<vmem>>, vector<1x64x128xf32>,
      %get3A_258 = arith.constant 5 : index
      %get3A_259 = arith.constant 0 : index
      %get3A_260 = arith.constant 0 : index
      %get3A_261 = vector.load %arg10[%get3A_258, %get3A_259, %get3A_260] : memref<8x128x128xf32, #tpu.memory_space<vmem>>, vector<1x128x128xf32>
      %get3A_262 = vector.shape_cast %get3A_261 : vector<1x128x128xf32> to vector<128x128xf32>
      %dot_general3A_263 = arith.constant dense<0.000000e+00> : vector<64x128xf32>
      %dot_general3A_264 = tpu.matmul %div3A, %get3A_262, %dot_general3A_263 {dimension_numbers = #tpu.dot_dimension_numbers<[1], [0], [0], [1], [0, 0, 1, 1], [], []>, transpose_lhs_hint = false} : vector<64x128xf32>, vector<128x128xf32>, vector<64x128xf32> -> vector<64x128xf32>
      %get3A_265 = arith.constant 5 : index
      %get3A_266 = arith.constant 0 : index
      %get3A_267 = vector.load %arg11[%get3A_265, %get3A_266] : memref<8x128xf32, #tpu.memory_space<vmem>>, vector<1x128xf32>
      %add3A_268 = vector.broadcast %get3A_267 : vector<1x128xf32> to vector<64x128xf32>
      %add3A_269 = arith.addf %dot_general3A_264, %add3A_268 : vector<64x128xf32>
      %max3A_270 = arith.constant 0.000000e+00 : f32
      %max3A_271 = vector.broadcast %max3A_270 : f32 to vector<64x128xf32>
      %max3A_272 = arith.maximumf %add3A_269, %max3A_271 : vector<64x128xf32>
      %get3A_273 = arith.constant 5 : index
      %get3A_274 = arith.constant 0 : index
      %get3A_275 = arith.constant 0 : index
      %get3A_276 = vector.load %arg12[%get3A_273, %get3A_274, %get3A_275] : memref<8x128x128xf32, #tpu.memory_space<vmem>>, vector<1x128x128xf32>
      %get3A_277 = vector.shape_cast %get3A_276 : vector<1x128x128xf32> to vector<128x128xf32>
      %dot_general3A_278 = arith.constant dense<0.000000e+00> : vector<64x128xf32>
      %dot_general3A_279 = tpu.matmul %max3A_272, %get3A_277, %dot_general3A_278 {dimension_numbers = #tpu.dot_dimension_numbers<[1], [0], [0], [1], [0, 0, 1, 1], [], []>, transpose_lhs_hint = false} : vector<64x128xf32>, vector<128x128xf32>, vector<64x128xf32> -> vector<64x128xf32>
      %get3A_280 = arith.constant 5 : index
      %get3A_281 = arith.constant 0 : index
      %get3A_282 = vector.load %arg13[%get3A_280, %get3A_281] : memref<8x128xf32, #tpu.memory_space<vmem>>, vector<1x128xf32>
      %add3A_283 = vector.broadcast %get3A_282 : vector<1x128xf32> to vector<64x128xf32>
      %add3A_284 = arith.addf %dot_general3A_279, %add3A_283 : vector<64x128xf32>
      %swap3A_285 = arith.constant 5 : index
      %swap3A_286 = arith.constant 0 : index
      %swap3A_287 = arith.constant 0 : index
      %swap3A_288 = vector.load %arg15[%swap3A_285, %swap3A_286, %swap3A_287] : memref<8x64x128xf32, #tpu.memory_space<vmem>>, vector<1x64x128xf32>
      %swap3A_289 = vector.shape_cast %swap3A_288 : vector<1x64x128xf32> to vector<64x128xf32>
      %swap3A_290 = vector.shape_cast %add3A_284 : vector<64x128xf32> to vector<1x64x128xf32>
      tpu.vector_store %arg15[%swap3A_285, %swap3A_286, %swap3A_287], %swap3A_290 {strides = array<i32>} : memref<8x64x128xf32, #tpu.memory_space<vmem>>, vector<1x64x128xf32>,
      %get3A_291 = arith.constant 6 : index
      %get3A_292 = arith.constant 0 : index
      %get3A_293 = arith.constant 0 : index
      %get3A_294 = vector.load %arg10[%get3A_291, %get3A_292, %get3A_293] : memref<8x128x128xf32, #tpu.memory_space<vmem>>, vector<1x128x128xf32>
      %get3A_295 = vector.shape_cast %get3A_294 : vector<1x128x128xf32> to vector<128x128xf32>
      %dot_general3A_296 = arith.constant dense<0.000000e+00> : vector<64x128xf32>
      %dot_general3A_297 = tpu.matmul %div3A, %get3A_295, %dot_general3A_296 {dimension_numbers = #tpu.dot_dimension_numbers<[1], [0], [0], [1], [0, 0, 1, 1], [], []>, transpose_lhs_hint = false} : vector<64x128xf32>, vector<128x128xf32>, vector<64x128xf32> -> vector<64x128xf32>
      %get3A_298 = arith.constant 6 : index
      %get3A_299 = arith.constant 0 : index
      %get3A_300 = vector.load %arg11[%get3A_298, %get3A_299] : memref<8x128xf32, #tpu.memory_space<vmem>>, vector<1x128xf32>
      %add3A_301 = vector.broadcast %get3A_300 : vector<1x128xf32> to vector<64x128xf32>
      %add3A_302 = arith.addf %dot_general3A_297, %add3A_301 : vector<64x128xf32>
      %max3A_303 = arith.constant 0.000000e+00 : f32
      %max3A_304 = vector.broadcast %max3A_303 : f32 to vector<64x128xf32>
      %max3A_305 = arith.maximumf %add3A_302, %max3A_304 : vector<64x128xf32>
      %get3A_306 = arith.constant 6 : index
      %get3A_307 = arith.constant 0 : index
      %get3A_308 = arith.constant 0 : index
      %get3A_309 = vector.load %arg12[%get3A_306, %get3A_307, %get3A_308] : memref<8x128x128xf32, #tpu.memory_space<vmem>>, vector<1x128x128xf32>
      %get3A_310 = vector.shape_cast %get3A_309 : vector<1x128x128xf32> to vector<128x128xf32>
      %dot_general3A_311 = arith.constant dense<0.000000e+00> : vector<64x128xf32>
      %dot_general3A_312 = tpu.matmul %max3A_305, %get3A_310, %dot_general3A_311 {dimension_numbers = #tpu.dot_dimension_numbers<[1], [0], [0], [1], [0, 0, 1, 1], [], []>, transpose_lhs_hint = false} : vector<64x128xf32>, vector<128x128xf32>, vector<64x128xf32> -> vector<64x128xf32>
      %get3A_313 = arith.constant 6 : index
      %get3A_314 = arith.constant 0 : index
      %get3A_315 = vector.load %arg13[%get3A_313, %get3A_314] : memref<8x128xf32, #tpu.memory_space<vmem>>, vector<1x128xf32>
      %add3A_316 = vector.broadcast %get3A_315 : vector<1x128xf32> to vector<64x128xf32>
      %add3A_317 = arith.addf %dot_general3A_312, %add3A_316 : vector<64x128xf32>
      %swap3A_318 = arith.constant 6 : index
      %swap3A_319 = arith.constant 0 : index
      %swap3A_320 = arith.constant 0 : index
      %swap3A_321 = vector.load %arg15[%swap3A_318, %swap3A_319, %swap3A_320] : memref<8x64x128xf32, #tpu.memory_space<vmem>>, vector<1x64x128xf32>
      %swap3A_322 = vector.shape_cast %swap3A_321 : vector<1x64x128xf32> to vector<64x128xf32>
      %swap3A_323 = vector.shape_cast %add3A_317 : vector<64x128xf32> to vector<1x64x128xf32>
      tpu.vector_store %arg15[%swap3A_318, %swap3A_319, %swap3A_320], %swap3A_323 {strides = array<i32>} : memref<8x64x128xf32, #tpu.memory_space<vmem>>, vector<1x64x128xf32>,
      %get3A_324 = arith.constant 7 : index
      %get3A_325 = arith.constant 0 : index
      %get3A_326 = arith.constant 0 : index
      %get3A_327 = vector.load %arg10[%get3A_324, %get3A_325, %get3A_326] : memref<8x128x128xf32, #tpu.memory_space<vmem>>, vector<1x128x128xf32>
      %get3A_328 = vector.shape_cast %get3A_327 : vector<1x128x128xf32> to vector<128x128xf32>
      %dot_general3A_329 = arith.constant dense<0.000000e+00> : vector<64x128xf32>
      %dot_general3A_330 = tpu.matmul %div3A, %get3A_328, %dot_general3A_329 {dimension_numbers = #tpu.dot_dimension_numbers<[1], [0], [0], [1], [0, 0, 1, 1], [], []>, transpose_lhs_hint = false} : vector<64x128xf32>, vector<128x128xf32>, vector<64x128xf32> -> vector<64x128xf32>
      %get3A_331 = arith.constant 7 : index
      %get3A_332 = arith.constant 0 : index
      %get3A_333 = vector.load %arg11[%get3A_331, %get3A_332] : memref<8x128xf32, #tpu.memory_space<vmem>>, vector<1x128xf32>
      %add3A_334 = vector.broadcast %get3A_333 : vector<1x128xf32> to vector<64x128xf32>
      %add3A_335 = arith.addf %dot_general3A_330, %add3A_334 : vector<64x128xf32>
      %max3A_336 = arith.constant 0.000000e+00 : f32
      %max3A_337 = vector.broadcast %max3A_336 : f32 to vector<64x128xf32>
      %max3A_338 = arith.maximumf %add3A_335, %max3A_337 : vector<64x128xf32>
      %get3A_339 = arith.constant 7 : index
      %get3A_340 = arith.constant 0 : index
      %get3A_341 = arith.constant 0 : index
      %get3A_342 = vector.load %arg12[%get3A_339, %get3A_340, %get3A_341] : memref<8x128x128xf32, #tpu.memory_space<vmem>>, vector<1x128x128xf32>
      %get3A_343 = vector.shape_cast %get3A_342 : vector<1x128x128xf32> to vector<128x128xf32>
      %dot_general3A_344 = arith.constant dense<0.000000e+00> : vector<64x128xf32>
      %dot_general3A_345 = tpu.matmul %max3A_338, %get3A_343, %dot_general3A_344 {dimension_numbers = #tpu.dot_dimension_numbers<[1], [0], [0], [1], [0, 0, 1, 1], [], []>, transpose_lhs_hint = false} : vector<64x128xf32>, vector<128x128xf32>, vector<64x128xf32> -> vector<64x128xf32>
      %get3A_346 = arith.constant 7 : index
      %get3A_347 = arith.constant 0 : index
      %get3A_348 = vector.load %arg13[%get3A_346, %get3A_347] : memref<8x128xf32, #tpu.memory_space<vmem>>, vector<1x128xf32>
      %add3A_349 = vector.broadcast %get3A_348 : vector<1x128xf32> to vector<64x128xf32>
      %add3A_350 = arith.addf %dot_general3A_345, %add3A_349 : vector<64x128xf32>
      %swap3A_351 = arith.constant 7 : index
      %swap3A_352 = arith.constant 0 : index
      %swap3A_353 = arith.constant 0 : index
      %swap3A_354 = vector.load %arg15[%swap3A_351, %swap3A_352, %swap3A_353] : memref<8x64x128xf32, #tpu.memory_space<vmem>>, vector<1x64x128xf32>
      %swap3A_355 = vector.shape_cast %swap3A_354 : vector<1x64x128xf32> to vector<64x128xf32>
      %swap3A_356 = vector.shape_cast %add3A_350 : vector<64x128xf32> to vector<1x64x128xf32>
      tpu.vector_store %arg15[%swap3A_351, %swap3A_352, %swap3A_353], %swap3A_356 {strides = array<i32>} : memref<8x64x128xf32, #tpu.memory_space<vmem>>, vector<1x64x128xf32>,
    } else {
    }
    return
  }
  func.func @transform_0(%arg0: i32) -> (i32, i32, i32) {
    %c0_i32 = arith.constant 0 : i32
    %c0_i32_0 = arith.constant 0 : i32
    %c0_i32_1 = arith.constant 0 : i32
    return %c0_i32, %arg0, %c0_i32_0 : i32, i32, i32
  }
  func.func @transform_1(%arg0: i32) -> (i32, i32) {
    %c0_i32 = arith.constant 0 : i32
    %c0_i32_0 = arith.constant 0 : i32
    return %arg0, %c0_i32 : i32, i32
  }
  func.func @transform_2(%arg0: i32) -> (i32, i32) {
    %c0_i32 = arith.constant 0 : i32
    %c0_i32_0 = arith.constant 0 : i32
    return %arg0, %c0_i32 : i32, i32
  }
  func.func @transform_3(%arg0: i32) -> (i32, i32) {
    %c0_i32 = arith.constant 0 : i32
    %c0_i32_0 = arith.constant 0 : i32
    %c0_i32_1 = arith.constant 0 : i32
    return %c0_i32, %c0_i32_0 : i32, i32
  }
  func.func @transform_4(%arg0: i32) -> (i32, i32, i32) {
    %c0_i32 = arith.constant 0 : i32
    %c0_i32_0 = arith.constant 0 : i32
    %c0_i32_1 = arith.constant 0 : i32
    return %arg0, %c0_i32, %c0_i32_0 : i32, i32, i32
  }
  func.func @transform_5(%arg0: i32) -> (i32, i32) {
    %c0_i32 = arith.constant 0 : i32
    %c0_i32_0 = arith.constant 0 : i32
    %c0_i32_1 = arith.constant 0 : i32
    return %c0_i32, %c0_i32_0 : i32, i32
  }
  func.func @transform_6(%arg0: i32) -> (i32, i32) {
    %c0_i32 = arith.constant 0 : i32
    %c0_i32_0 = arith.constant 0 : i32
    %c0_i32_1 = arith.constant 0 : i32
    return %c0_i32, %c0_i32_0 : i32, i32
  }
  func.func @transform_7(%arg0: i32) -> (i32, i32) {
    %c0_i32 = arith.constant 0 : i32
    %c0_i32_0 = arith.constant 0 : i32
    %c0_i32_1 = arith.constant 0 : i32
    return %c0_i32, %c0_i32_0 : i32, i32
  }
  func.func @transform_8(%arg0: i32) -> (i32, i32) {
    %c0_i32 = arith.constant 0 : i32
    %c0_i32_0 = arith.constant 0 : i32
    %c0_i32_1 = arith.constant 0 : i32
    return %c0_i32, %c0_i32_0 : i32, i32
  }
  func.func @transform_9(%arg0: i32) -> (i32, i32, i32) {
    %c0_i32 = arith.constant 0 : i32
    %c0_i32_0 = arith.constant 0 : i32
    %c0_i32_1 = arith.constant 0 : i32
    %c0_i32_2 = arith.constant 0 : i32
    return %c0_i32, %c0_i32_0, %c0_i32_1 : i32, i32, i32
  }
  func.func @transform_10(%arg0: i32) -> (i32, i32) {
    %c0_i32 = arith.constant 0 : i32
    %c0_i32_0 = arith.constant 0 : i32
    %c0_i32_1 = arith.constant 0 : i32
    return %c0_i32, %c0_i32_0 : i32, i32
  }
  func.func @transform_11(%arg0: i32) -> (i32, i32, i32) {
    %c0_i32 = arith.constant 0 : i32
    %c0_i32_0 = arith.constant 0 : i32
    %c0_i32_1 = arith.constant 0 : i32
    %c0_i32_2 = arith.constant 0 : i32
    return %c0_i32, %c0_i32_0, %c0_i32_1 : i32, i32, i32
  }
  func.func @transform_12(%arg0: i32) -> (i32, i32) {
    %c0_i32 = arith.constant 0 : i32
    %c0_i32_0 = arith.constant 0 : i32
    %c0_i32_1 = arith.constant 0 : i32
    return %c0_i32, %c0_i32_0 : i32, i32
  }
  func.func @transform_13(%arg0: i32) -> (i32, i32) {
    %c0_i32 = arith.constant 0 : i32
    %c0_i32_0 = arith.constant 0 : i32
    %c0_i32_1 = arith.constant 0 : i32
    return %c0_i32, %c0_i32_0 : i32, i32
  }
  func.func @transform_14(%arg0: i32) -> (i32, i32, i32) {
    %c0_i32 = arith.constant 0 : i32
    %c0_i32_0 = arith.constant 0 : i32
    %c0_i32_1 = arith.constant 0 : i32
    %c0_i32_2 = arith.constant 0 : i32
    return %c0_i32, %c0_i32_0, %c0_i32_1 : i32, i32, i32
  }
}

</mosaic_0001>

<sc_bundles>
// kernel: kernel.11.cloned.1.call-start
scs
__scs_entry_jumppad:
0x0: {  	(pc) =	sbr.rel $0x88, $3  }
0x1: {  	(tag) =	ssettag $0x0;
	lr =	simm.s32 $0x1  }
0x2: {  	[smem:$0x3F92] =	sst lr;
	_ =	strace $0xD0000000  }
0x3: {  	_ = 	snop  }
0x4: {  	_ = 	snop  }
0x5: {  	_ = 	snop  }
0x6: {  	_ = 	snop  }
0x7: {  	_ = 	snop  }
__scs_overlays_trampoline_lowered:
0x8: {  	[smem:$0x3FA1] =	sst s0  }
0x9: {  	[smem:$0x3FA2] =	sst s1  }
0xa: {  	[smem:$0x3FA3] =	sst s2  }
0xb: {  	[smem:$0x3FA4] =	sst s3  }
0xc: {  	[smem:$0x3FA5] =	sst s4  }
0xd: {  	[smem:$0x3FA6] =	sst s5  }
0xe: {  	[smem:$0x3FA7] =	sst s6  }
0xf: {  	[smem:$0x3FA8] =	sst s7  }
0x10: {  	[smem:$0x3FA9] =	sst s8  }
0x11: {  	[smem:$0x3FAA] =	sst s9;
	s0 =	simm.s32 @!p0 $0x0  }
0x12: {  	s1 =	sld [smem:$0x3F90];
	s0 =	simm.s32 @p0 $0x1  }
0x13: {  	[smem:$0x3FAB] =	sst s0;
	s0 =	simm.s32 @!p1 $0x0  }
0x14: {  	s2 =	sld [smem:$0x3F8F];
	s0 =	simm.s32 @p1 $0x1  }
0x15: {  	[smem:$0x3FAC] =	sst s0;
	s0 =	simm.s32 @!p2 $0x0  }
0x16: {  	s3 =	sld [smem:$0x3FDB];
	s0 =	simm.s32 @p2 $0x1  }
0x17: {  	s4 =	simm.s32 $0x1BF5;
	[smem:$0x3FAE] =	sst s0  }
0x18: {  	s0 =	sld [smem:$0x3F91];
	_ =	swait.ge [sflag:s4], $0x0  }
0x19: {  	s7 =	sld [smem:$0x3F92]  }
0x1a: {  	s8 =	sadd.s32 $0xFFFFE003, lr  }
0x1b: {  	s9 =	sadd.s32 $0xFFFFFEF7, lr;
	s5 =	simm.s32 $0xFFFFFFFF;
	p2 =	slt.u32 s8, $0xFFFFF086  }
0x1c: {  	p1 =	slt.u32 s9, $0xF7A;
	s5 =	simm.s32 @!p2 $0x0  }
0x1d: {  	s5 =	simm.s32 @p1 $0x1;
	p0 =	seq.s32 s7, s2  }
0x1e: {  	s7 =	smul.u32 @!p0 $0xF7A, s2;
	p2 =	seq.s32 @!p0 s5, $0x0  }
0x1f: {  	s9 =	smul.u32 $0xF7A, s1;
	s8 =	simm.s32 @!p0 $0x1BF5;
	p2 =	por !p2, p0  }
0x20: {  	[sflag:s8] =	ssyncset.s32 @!p0 $0xFFFFF086;
	s6 =	sadd.s32 @!p0 s3, s7;
	s7 =	simm.s32 @!p0 $0x108  }
0x21: {  	s3 =	sadd.s32 s3, s9;
	s6 =	sadd.s32 @!p0 $0x88, s6;
	s7 =	simm.s32 @p2 $0x1082  }
0x22: {  	[simem:s7], [sflag:s8] =	dma.local @!p0 [hbm:s6], $0xF7A  }
0x23: {  	s9 =	sor.u32 $0xD0000000, s2;
	s6 =	simm.s32 $0x108;
	_ =	swait.ge @!p0 [sflag:s8], $0x0  }
0x24: {  	s3 =	sadd.s32 $0x88, s3;
	s6 =	simm.s32 @!p1 $0x1082;
	[sflag:s4] =	ssyncset.s32 $0xFFFFF086  }
0x25: {  	[simem:s6], [sflag:s4] =	dma.local [hbm:s3], $0xF7A  }
0x26: {  	[smem:$0x3F92] =	sst s1;
	(tag) =	ssettag s2;
	_ =	strace s9  }
0x27: {  	s1 =	sld [smem:$0x3FA2]  }
0x28: {  	s2 =	sld [smem:$0x3FA3]  }
0x29: {  	s4 =	sld [smem:$0x3FA5]  }
0x2a: {  	p0 =	seq.s32 s5, $0x0;
	s5 =	sld [smem:$0x3FA6]  }
0x2b: {  	s6 =	sld [smem:$0x3FA7]  }
0x2c: {  	s7 =	sld [smem:$0x3FA8]  }
0x2d: {  	s3 =	simm.s32 $0x108;
	s8 =	sld [smem:$0x3FA9]  }
0x2e: {  	s3 =	simm.s32 @!p0 $0x1082;
	s9 =	sld [smem:$0x3FAA]  }
0x2f: {  	lr =	sadd.s32 s0, s3;
	s0 =	sld [smem:$0x3FA1]  }
0x30: {  	s3 =	sld [smem:$0x3FA4]  }
0x31: {  	[smem:$0x3FAD] =	sst s10  }
0x32: {  	s10 =	sld [smem:$0x3FAB];
	_ =	sdelay $0x3  }
0x33: {  	p0 =	seq.s32 s10, $0x1;
	s10 =	sld [smem:$0x3FAD];
	_ =	sdelay $0x3  }
0x34: {  	[smem:$0x3FAD] =	sst s10  }
0x35: {  	s10 =	sld [smem:$0x3FAC];
	_ =	sdelay $0x3  }
0x36: {  	p1 =	seq.s32 s10, $0x1;
	s10 =	sld [smem:$0x3FAD];
	_ =	sdelay $0x3  }
0x37: {  	[smem:$0x3FAD] =	sst s10  }
0x38: {  	s10 =	sld [smem:$0x3FAE]  }
0x39: {  	_ = 	snop;
	(pc) =	sbr.ind lr, $3  }
0x3a: {  	_ = 	snop  }
0x3b: {  	_ = 	snop  }
0x3c: {  	p2 =	seq.s32 s10, $0x1;
	s10 =	sld [smem:$0x3FAD]  }
0x3d: {  	_ =	shalt  }
0x3e: {  	_ =	shalt  }
0x3f: {  	_ =	shalt  }
0x40: {  	_ =	shalt  }
0x41: {  	_ =	shalt  }
0x42: {  	_ =	shalt  }
0x43: {  	_ =	shalt  }
0x44: {  	_ =	shalt  }
0x45: {  	_ =	shalt  }
0x46: {  	_ =	shalt  }
0x47: {  	_ =	shalt  }
0x48: {  	_ =	shalt  }
0x49: {  	_ =	shalt  }
0x4a: {  	_ =	shalt  }
0x4b: {  	_ =	shalt  }
0x4c: {  	_ =	shalt  }
0x4d: {  	_ =	shalt  }
0x4e: {  	_ =	shalt  }
0x4f: {  	_ =	shalt  }
0x50: {  	_ =	shalt  }
0x51: {  	_ =	shalt  }
0x52: {  	_ =	shalt  }
0x53: {  	_ =	shalt  }
0x54: {  	_ =	shalt  }
0x55: {  	_ =	shalt  }
0x56: {  	_ =	shalt  }
0x57: {  	_ =	shalt  }
0x58: {  	_ =	shalt  }
0x59: {  	_ =	shalt  }
0x5a: {  	_ =	shalt  }
0x5b: {  	_ =	shalt  }
0x5c: {  	_ =	shalt  }
0x5d: {  	_ =	shalt  }
0x5e: {  	_ =	shalt  }
0x5f: {  	_ =	shalt  }
0x60: {  	_ =	shalt  }
0x61: {  	_ =	shalt  }
0x62: {  	_ =	shalt  }
0x63: {  	_ =	shalt  }
0x64: {  	_ =	shalt  }
0x65: {  	_ =	shalt  }
0x66: {  	_ =	shalt  }
0x67: {  	_ =	shalt  }
0x68: {  	_ =	shalt  }
0x69: {  	_ =	shalt  }
0x6a: {  	_ =	shalt  }
0x6b: {  	_ =	shalt  }
0x6c: {  	_ =	shalt  }
0x6d: {  	_ =	shalt  }
0x6e: {  	_ =	shalt  }
0x6f: {  	_ =	shalt  }
0x70: {  	_ =	shalt  }
0x71: {  	_ =	shalt  }
0x72: {  	_ =	shalt  }
0x73: {  	_ =	shalt  }
0x74: {  	_ =	shalt  }
0x75: {  	_ =	shalt  }
0x76: {  	_ =	shalt  }
0x77: {  	_ =	shalt  }
0x78: {  	_ =	shalt  }
0x79: {  	_ =	shalt  }
0x7a: {  	_ =	shalt  }
0x7b: {  	_ =	shalt  }
0x7c: {  	_ =	shalt  }
0x7d: {  	_ =	shalt  }
0x7e: {  	_ =	shalt  }
0x7f: {  	_ =	shalt  }
0x80: {  	_ =	shalt  }
0x81: {  	_ =	shalt  }
0x82: {  	_ =	shalt  }
0x83: {  	_ =	shalt  }
0x84: {  	_ =	shalt  }
0x85: {  	_ =	shalt  }
0x86: {  	_ =	shalt  }
0x87: {  	_ =	shalt  }
.Lfunc_end0:
.L_simem_size_0:
called_computation.1_lowered:
.L_overlay_start_0:
0x88: {  	s2 =	sld [smem:$0x3FD9]  }
0x89: {  	s3 =	sld [smem:$0x3FFE];
	_ =	sdelay $0x1  }
0x8a: {  	s1 =	srdreg.scid  }
0x8b: {  	s0 =	sand.u32 $0x1, s1  }
0x8c: {  	s16 =	sshll.u32 s0, $0xA;
	s2 =	sadd.s32 s3, s2  }
0x8d: {  	s2 =	sadd.s32 s2, s16  }
0x8e: {  	[smem:$0x3FB9] =	sst s2  }
0x8f: {  	_ = 	snop  }
0x90: {  	(tm) =	ssettm $0x1  }
0x91: {  	s17 =	sld [smem:$0x3FFB];
	_ =	sdelay $0x3  }
0x92: {  	_ =	strace s17  }
0x93: {  	s2 =	sld [smem:$0x3FFC];
	_ =	sdelay $0x3  }
0x94: {  	_ =	strace s2  }
0x95: {  	s2 =	sld [smem:$0x3FFD];
	_ =	sdelay $0x3  }
0x96: {  	_ =	strace s2  }
0x97: {  	_ =	strace $0x8FFFFFFF  }
0x98: {  	s18 =	sld [smem:$0x3FDB];
	_ =	sdelay $0x1  }
0x99: {  	s19 =	simm.s32 $_scs_section_size  }
0x9a: {  	s4 =	simm.s32 $_size__tile_overlayer_lowered;
	s5 =	simm.s32 $_tile_overlayer_lowered  }
0x9b: {  	s22 =	simm.s32 $0x1BFF;
	s21 =	sshll.u32 s5, $0x1;
	s2 =	sadd.s32 s19, s18  }
0x9c: {  	s6 =	simm.s32 $0x0;
	s20 =	sshll.u32 s4, $0x1;
	s4 =	sadd.s32 s21, s2  }
0x9d: {  	[timem:s6], [sflag:s22] =	dma.local [hbm:s4], s20  }
0x9e: {  	_ =	swait.ge [sflag:s22], s20  }
0x9f: {  	s3 =	ssub.s32 $0x0, s20;
	[sflag:s22] =	ssyncset.done $0x0  }
0xa0: {  	[sflag:s22] =	ssyncadd.s32 s3;
	_ =	sdelay $0x1  }
0xa1: {  	s23 =	simm.s32 $0x1B8B  }
0xa2: {  	_ =	swait.ge [sflag:s23], $0x1  }
0xa3: {  	[sflag:s23] =	ssyncset.done $0x0  }
0xa4: {  	s25 =	simm.s32 $0x1B8E;
	s24 =	sld [smem:$0x3FFE];
	[sflag:s23] =	ssyncadd.s32 $0xFFFFFFFF  }
0xa5: {  	s26 =	simm.s32 $execute0_lowered;
	[smem:$0x3FD2] =	sst s25  }
0xa6: {  	s4 =	sshll.u32 s26, $0x1;
	_ =	strace $0x80000049;
	[dreg:$0x1] =	wrdreg $0xFFFFFFFF  }
0xa7: {  	s28 =	simm.s32 $_size_execute0_lowered;
	s2 =	sadd.s32 s2, s4;
	[dreg:$0x0] =	wrdreg $0x0  }
0xa8: {  	s4 =	sshll.u32 s28, $0x1;
	[dreg:$0x2] =	wrdreg s2  }
0xa9: {  	[dreg:$0x3] =	wrdreg s4  }
0xaa: {  	[dreg:$0x4] =	wrdreg $0xC0  }
0xab: {  	_ =	task [dreg:s6], $0x5FFFF  }
0xac: {  	[dreg:$0x1] =	wrdreg $0xFFFFFFFF  }
0xad: {  	[dreg:$0x0] =	wrdreg $0x60  }
0xae: {  	[dreg:$0x2] =	wrdreg s24  }
0xaf: {  	[dreg:$0x3] =	wrdreg $0xB9000  }
0xb0: {  	[dreg:$0x4] =	wrdreg $0x9  }
0xb1: {  	_ =	task.clear_ibuf [dreg:s6], $0x5FFFF;
	_ =	strace $0x90000049  }
0xb2: {  	s29 =	simm.s32 $0x9;
	_ =	strace $0x8000004B  }
0xb3: {  	_ =	swait.ge [sflag:s29], $0x1  }
0xb4: {  	[sflag:s29] =	ssyncadd.s32 $0xFFFFFFFF  }
0xb5: {  	_ =	strace $0x9000004B  }
0xb6: {  	_ =	sfence  }
0xb7: {  	s30 =	sld [smem:$0x0];
	_ =	sdelay $0x2  }
0xb8: {  	s31 =	sshll.u32 s1, $0xD;
	s1 =	sshrl.u32 s1, $0x2  }
0xb9: {  	s3 =	sand.u32 $0x4000, s31;
	s1 =	sadd.s32 s1, s30  }
0xba: {  	s0 =	sor.u32 s3, s0;
	s1 =	sshll.u32 s1, $0x11  }
0xbb: {  	s0 =	sor.u32 s1, s0  }
0xbc: {  	s0 =	sadd.s32 $0x8F2B, s0  }
0xbd: {  	[sflag:s0] =	ssyncadd.remote.s32 $0x1  }
0xbe: {  	_ =	sfence.sel $0xFFFF  }
0xbf: {  	[dreg:$0x0] =	wrdreg $0xFFFFFFFF;
	(pc) =	sbr.abs _section_cstart, $3  }
0xc0: {  	[dreg:$0x1] =	wrdreg $0xFFFFFFFF  }
0xc1: {  	_ =	task.clear_ibuf [dreg:s6], $0x2FFFF;
	_ =	strace $0x9FFFFFFF  }
0xc2: {  	(tm) =	ssettm $0x7FFFFFFF  }
0xc3: {  	_ =	shalt  }
tec
execute0_lowered:
.L_overlay_start_1:
0x0: {  	(tag) =	ssettag $0x1  }
0x1: {  	s0 =	rddreg [dreg:$0x0]  }
0x2: {  	s1 =	rddreg [dreg:$0x1];
	s2 =	simm.s32 $0x0  }
0x3: {  	s3 =	srdreg.scid;
	s15 =	stileid.u32;
	s28 =	simm.s32 $0x2  }
0x4: {  	s29 =	simm.s32 $0x0;
	[smem:$0x7FF] =	sst s2;
	s4 =	sadd.s32 $0x18000, s0  }
0x5: {  	s5 =	sadd.s32 $0x3800, s0;
	s3 =	sand.u32 $0x1, s3;
	s8 =	smul.u32 $0x50000, s15  }
0x6: {  	s6 =	sadd.s32 $0x17800, s0;
	s0 =	sadd.s32 $0x3F200, s0;
	s17 =	smul.u32 $0x14000, s15  }
0x7: {  	s25 =	smul.u32 $0x2800, s15;
	_ =	strace $0x8000004A;
	[dreg:$0x3] =	wrdreg s6  }
0x8: {  	s14 =	sshll.u32 s3, $0x4;
	s7 =	ssub.s32 $0x2, s3;
	s18 =	smul.u32 $0x140000, s3  }
0x9: {  	s3 =	smul.u32 $0x28000, s3;
	s6 =	sor.u32 s15, s14;
	s9 =	sshrl.u32 s7, $0x1  }
0xa: {  	s16 =	sshrl.u32 s8, $0x2;
	s21 =	sadd.s32 $0x4000, s17;
	s12 =	sadd.s32 $0x8000, s17  }
0xb: {  	s13 =	sadd.s32 $0xC000, s17;
	s8 =	sadd.s32 $0x10000, s17;
	s6 =	smul.u32 $0xA00, s6  }
0xc: {  	s9 =	ssub.s32 s7, s9;
	s7 =	sadd.s32 s16, s1;
	s22 =	sadd.s32 s17, s18  }
0xd: {  	s23 =	sadd.s32 s18, s21;
	s14 =	sadd.s32 s18, s12;
	s26 =	sadd.s32 s18, s13  }
0xe: {  	s3 =	sadd.s32 s25, s3;
	s19 =	sadd.s32 $0x1000, s7;
	s20 =	sadd.s32 $0x2000, s7  }
0xf: {  	s24 =	sshrl.u32 s14, $0x3;
	s30 =	sor.u32 $0x100, s3;
	[dreg:$0x7] =	wrdreg s19  }
0x10: {  	s31 =	sadd.s32 $0x3000, s7;
	s3 =	sor.u32 $0x180, s3;
	[dreg:$0x8] =	wrdreg s20  }
0x11: {  	s14 =	sadd.s32 $0x5000, s7;
	s15 =	smax.u32 s9, $0x1;
	[dreg:$0xe] =	wrdreg s31  }
0x12: {  	s16 =	sadd.s32 $0x6000, s7;
	s17 =	sadd.s32 $0x7000, s7;
	[dreg:$0xf] =	wrdreg s14  }
0x13: {  	s25 =	sadd.s32 $0xA000, s7;
	s9 =	sadd.s32 $0x12000, s7;
	[dreg:$0x10] =	wrdreg s15  }
0x14: {  	s10 =	sadd.s32 s5, s6;
	s6 =	sadd.s32 s18, s8;
	[dreg:$0x11] =	wrdreg s16  }
0x15: {  	s18 =	sadd.s32 s21, s1;
	[dreg:$0x12] =	wrdreg s17;
	s21 =	sadd.s32 $0x9000, s7  }
0x16: {  	[dreg:$0x14] =	wrdreg s25;
	s31 =	sadd.s32 $0xE000, s7;
	s14 =	simm.s32 $0x2900  }
0x17: {  	s15 =	simm.s32 $0x6900;
	s16 =	simm.s32 $0xA900;
	[dreg:$0x4] =	wrdreg s10  }
0x18: {  	s17 =	simm.s32 $0x5;
	s25 =	simm.s32 $0x1;
	[dreg:$0x13] =	wrdreg s21  }
0x19: {  	s11 =	sadd.s32 $0x10, s10;
	s10 =	sadd.s32 $0x30, s10;
	[dreg:$0x17] =	wrdreg s31  }
0x1a: {  	s6 =	sshrl.u32 s6, $0x3;
	[dreg:$0x5] =	wrdreg s11;
	s11 =	sshrl.u32 s22, $0x3  }
0x1b: {  	s21 =	simm.s32 $0x3;
	[dreg:$0x6] =	wrdreg s10;
	s11 =	sadd.s32 s0, s11  }
0x1c: {  	s22 =	sadd.s32 s12, s1;
	[dreg:$0x9] =	wrdreg s11;
	s11 =	sshrl.u32 s23, $0x3  }
0x1d: {  	s10 =	sadd.s32 $0x13000, s7;
	s12 =	simm.s32 $0x6;
	s11 =	sadd.s32 s0, s11  }
0x1e: {  	s23 =	sadd.s32 s13, s1;
	s13 =	simm.s32 $0x2800;
	[dreg:$0xa] =	wrdreg s11  }
0x1f: {  	s11 =	sadd.s32 s0, s24;
	s24 =	sadd.s32 s8, s1;
	s8 =	sadd.s32 $0x11000, s7  }
0x20: {  	[dreg:$0xb] =	wrdreg s11;
	s11 =	sshrl.u32 s26, $0x3;
	s26 =	sadd.s32 $0xB000, s7  }
0x21: {  	s11 =	sadd.s32 s0, s11;
	s0 =	sadd.s32 s0, s6;
	[dreg:$0x15] =	wrdreg s26  }
0x22: {  	s6 =	simm.s32 $0x2880;
	s26 =	simm.s32 $0x4;
	[dreg:$0xc] =	wrdreg s11  }
0x23: {  	[dreg:$0xd] =	wrdreg s0;
	s0 =	sshrl.u32 s30, $0x2;
	s11 =	sshrl.u32 s3, $0x2  }
0x24: {  	s30 =	sadd.s32 $0xD000, s7;
	s19 =	sadd.s32 s0, s5;
	s20 =	sadd.s32 s11, s5  }
0x25: {  	[dreg:$0x16] =	wrdreg s30;
	s5 =	sadd.s32 $0xF000, s7;
	s11 =	simm.s32 $0x80  }
.LBB2_1:
0x26: {  	s30 =	simm.s32 $0x100;
	s0 =	rddreg [dreg:$0x4]  }
0x27: {  	[tilespmem:s2], [sflag:$0x6] =	stream.strided.gather [hbm4b:s0+s11], $0x2800, s30, s11, $0x38;
	[tilespmem:$0x1F900] =	vst v63  }
0x28: {  	_ =	swait.ge [sflag:s12], $0x2800  }
0x29: {  	[sflag:s12] =	ssyncset.done $0x0  }
0x2a: {  	s3 =	rddreg [dreg:$0x5];
	[sflag:s12] =	ssyncadd.s32 $0xFFFFD800  }
0x2b: {  	[tilespmem:s13], [sflag:$0x3] =	stream.linear.gather [hbm4b:s3+s2], $0x80, $0x38;
	[tilespmem:$0x1F900] =	vst v63  }
0x2c: {  	s3 =	rddreg [dreg:$0x6]  }
0x2d: {  	[tilespmem:s6], [sflag:$0x4] =	stream.linear.gather [hbm4b:s3+s2], $0x80, $0x38;
	[tilespmem:$0x1F900] =	vst v63  }
0x2e: {  	_ = 	snop  }
0x2f: {  	[tilespmem:s14], [sflag:$0x1] =	stream.indirect.gather [hbm4b:s4+s11], $0x80, s2, s11, $0xb8;
	[tilespmem:$0x1F900] =	vst v63  }
0x30: {  	_ = 	snop  }
0x31: {  	[tilespmem:s15], [sflag:$0x2] =	stream.indirect.gather [hbm4b:s4+s11], $0x80, s11, s11, $0xb8;
	[tilespmem:$0x1F900] =	vst v63  }
0x32: {  	s3 =	rddreg [dreg:$0x3]  }
0x33: {  	[tilespmem:s16], [sflag:$0x6] =	stream.linear.gather [hbm4b:s3+s2], $0x1000, $0x38;
	[tilespmem:$0x1F900] =	vst v63  }
0x34: {  	_ =	swait.ge [sflag:s12], $0x1000  }
0x35: {  	[sflag:s12] =	ssyncset.done $0x0  }
0x36: {  	[sflag:s12] =	ssyncadd.s32 $0xFFFFF000  }
0x37: {  	[spmem:s7] =	stream.linear.scatter [tilespmem:s16], [sflag:$0x5], $0x1000, $0x38;
	[tilespmem:$0x1F900] =	vst v63  }
0x38: {  	s3 =	rddreg [dreg:$0x7]  }
0x39: {  	[spmem:s3] =	stream.linear.scatter [tilespmem:s16], [sflag:$0x5], $0x1000, $0x38;
	[tilespmem:$0x1F900] =	vst v63  }
0x3a: {  	s3 =	rddreg [dreg:$0x8]  }
0x3b: {  	[spmem:s3] =	stream.linear.scatter [tilespmem:s16], [sflag:$0x5], $0x1000, $0x38;
	[tilespmem:$0x1F900] =	vst v63  }
0x3c: {  	s3 =	rddreg [dreg:$0xe]  }
0x3d: {  	[spmem:s3] =	stream.linear.scatter [tilespmem:s16], [sflag:$0x5], $0x1000, $0x38;
	[tilespmem:$0x1F900] =	vst v63  }
0x3e: {  	_ = 	snop  }
0x3f: {  	[spmem:s18] =	stream.linear.scatter [tilespmem:s16], [sflag:$0x5], $0x1000, $0x38;
	[tilespmem:$0x1F900] =	vst v63  }
0x40: {  	s3 =	rddreg [dreg:$0xf]  }
0x41: {  	[spmem:s3] =	stream.linear.scatter [tilespmem:s16], [sflag:$0x5], $0x1000, $0x38;
	[tilespmem:$0x1F900] =	vst v63  }
0x42: {  	s3 =	rddreg [dreg:$0x11]  }
0x43: {  	[spmem:s3] =	stream.linear.scatter [tilespmem:s16], [sflag:$0x5], $0x1000, $0x38;
	[tilespmem:$0x1F900] =	vst v63  }
0x44: {  	s3 =	rddreg [dreg:$0x12]  }
0x45: {  	[spmem:s3] =	stream.linear.scatter [tilespmem:s16], [sflag:$0x5], $0x1000, $0x38;
	[tilespmem:$0x1F900] =	vst v63  }
0x46: {  	_ = 	snop  }
0x47: {  	[spmem:s22] =	stream.linear.scatter [tilespmem:s16], [sflag:$0x5], $0x1000, $0x38;
	[tilespmem:$0x1F900] =	vst v63  }
0x48: {  	s3 =	rddreg [dreg:$0x13]  }
0x49: {  	[spmem:s3] =	stream.linear.scatter [tilespmem:s16], [sflag:$0x5], $0x1000, $0x38;
	[tilespmem:$0x1F900] =	vst v63  }
0x4a: {  	s3 =	rddreg [dreg:$0x14]  }
0x4b: {  	[spmem:s3] =	stream.linear.scatter [tilespmem:s16], [sflag:$0x5], $0x1000, $0x38;
	[tilespmem:$0x1F900] =	vst v63  }
0x4c: {  	s3 =	rddreg [dreg:$0x15]  }
0x4d: {  	[spmem:s3] =	stream.linear.scatter [tilespmem:s16], [sflag:$0x5], $0x1000, $0x38;
	[tilespmem:$0x1F900] =	vst v63  }
0x4e: {  	_ = 	snop  }
0x4f: {  	[spmem:s23] =	stream.linear.scatter [tilespmem:s16], [sflag:$0x5], $0x1000, $0x38;
	[tilespmem:$0x1F900] =	vst v63  }
0x50: {  	s3 =	rddreg [dreg:$0x16]  }
0x51: {  	[spmem:s3] =	stream.linear.scatter [tilespmem:s16], [sflag:$0x5], $0x1000, $0x38;
	[tilespmem:$0x1F900] =	vst v63  }
0x52: {  	s3 =	rddreg [dreg:$0x17]  }
0x53: {  	[spmem:s3] =	stream.linear.scatter [tilespmem:s16], [sflag:$0x5], $0x1000, $0x38;
	[tilespmem:$0x1F900] =	vst v63  }
0x54: {  	_ = 	snop  }
0x55: {  	[spmem:s5] =	stream.linear.scatter [tilespmem:s16], [sflag:$0x5], $0x1000, $0x38;
	[tilespmem:$0x1F900] =	vst v63  }
0x56: {  	_ = 	snop  }
0x57: {  	[spmem:s24] =	stream.linear.scatter [tilespmem:s16], [sflag:$0x5], $0x1000, $0x38;
	[tilespmem:$0x1F900] =	vst v63  }
0x58: {  	_ = 	snop  }
0x59: {  	[spmem:s8] =	stream.linear.scatter [tilespmem:s16], [sflag:$0x5], $0x1000, $0x38;
	[tilespmem:$0x1F900] =	vst v63  }
0x5a: {  	_ = 	snop  }
0x5b: {  	[spmem:s9] =	stream.linear.scatter [tilespmem:s16], [sflag:$0x5], $0x1000, $0x38;
	[tilespmem:$0x1F900] =	vst v63  }
0x5c: {  	_ = 	snop  }
0x5d: {  	[spmem:s10] =	stream.linear.scatter [tilespmem:s16], [sflag:$0x5], $0x1000, $0x38;
	[tilespmem:$0x1F900] =	vst v63  }
0x5e: {  	_ =	swait.ge [sflag:s17], $0x1000  }
0x5f: {  	[sflag:s17] =	ssyncset.done $0x0  }
0x60: {  	[sflag:s17] =	ssyncadd.s32 $0xFFFFF000  }
0x61: {  	_ =	swait.ge [sflag:s17], $0x1000  }
0x62: {  	[sflag:s17] =	ssyncset.done $0x0  }
0x63: {  	[sflag:s17] =	ssyncadd.s32 $0xFFFFF000  }
0x64: {  	_ =	swait.ge [sflag:s17], $0x1000  }
0x65: {  	[sflag:s17] =	ssyncset.done $0x0  }
0x66: {  	[sflag:s17] =	ssyncadd.s32 $0xFFFFF000  }
0x67: {  	_ =	swait.ge [sflag:s17], $0x1000  }
0x68: {  	[sflag:s17] =	ssyncset.done $0x0  }
0x69: {  	[sflag:s17] =	ssyncadd.s32 $0xFFFFF000  }
0x6a: {  	_ =	swait.ge [sflag:s17], $0x1000  }
0x6b: {  	[sflag:s17] =	ssyncset.done $0x0  }
0x6c: {  	[sflag:s17] =	ssyncadd.s32 $0xFFFFF000  }
0x6d: {  	_ =	swait.ge [sflag:s17], $0x1000  }
0x6e: {  	[sflag:s17] =	ssyncset.done $0x0  }
0x6f: {  	[sflag:s17] =	ssyncadd.s32 $0xFFFFF000  }
0x70: {  	_ =	swait.ge [sflag:s17], $0x1000  }
0x71: {  	[sflag:s17] =	ssyncset.done $0x0  }
0x72: {  	[sflag:s17] =	ssyncadd.s32 $0xFFFFF000  }
0x73: {  	_ =	swait.ge [sflag:s17], $0x1000  }
0x74: {  	[sflag:s17] =	ssyncset.done $0x0  }
0x75: {  	[sflag:s17] =	ssyncadd.s32 $0xFFFFF000  }
0x76: {  	_ =	swait.ge [sflag:s17], $0x1000  }
0x77: {  	[sflag:s17] =	ssyncset.done $0x0  }
0x78: {  	[sflag:s17] =	ssyncadd.s32 $0xFFFFF000  }
0x79: {  	_ =	swait.ge [sflag:s17], $0x1000  }
0x7a: {  	[sflag:s17] =	ssyncset.done $0x0  }
0x7b: {  	[sflag:s17] =	ssyncadd.s32 $0xFFFFF000  }
0x7c: {  	_ =	swait.ge [sflag:s17], $0x1000  }
0x7d: {  	[sflag:s17] =	ssyncset.done $0x0  }
0x7e: {  	[sflag:s17] =	ssyncadd.s32 $0xFFFFF000  }
0x7f: {  	_ =	swait.ge [sflag:s17], $0x1000  }
0x80: {  	[sflag:s17] =	ssyncset.done $0x0  }
0x81: {  	[sflag:s17] =	ssyncadd.s32 $0xFFFFF000  }
0x82: {  	_ =	swait.ge [sflag:s17], $0x1000  }
0x83: {  	[sflag:s17] =	ssyncset.done $0x0  }
0x84: {  	[sflag:s17] =	ssyncadd.s32 $0xFFFFF000  }
0x85: {  	_ =	swait.ge [sflag:s17], $0x1000  }
0x86: {  	[sflag:s17] =	ssyncset.done $0x0  }
0x87: {  	[sflag:s17] =	ssyncadd.s32 $0xFFFFF000  }
0x88: {  	_ =	swait.ge [sflag:s17], $0x1000  }
0x89: {  	[sflag:s17] =	ssyncset.done $0x0  }
0x8a: {  	[sflag:s17] =	ssyncadd.s32 $0xFFFFF000  }
0x8b: {  	_ =	swait.ge [sflag:s17], $0x1000  }
0x8c: {  	[sflag:s17] =	ssyncset.done $0x0  }
0x8d: {  	[sflag:s17] =	ssyncadd.s32 $0xFFFFF000  }
0x8e: {  	_ =	swait.ge [sflag:s17], $0x1000  }
0x8f: {  	[sflag:s17] =	ssyncset.done $0x0  }
0x90: {  	[sflag:s17] =	ssyncadd.s32 $0xFFFFF000  }
0x91: {  	_ =	swait.ge [sflag:s17], $0x1000  }
0x92: {  	[sflag:s17] =	ssyncset.done $0x0  }
0x93: {  	[sflag:s17] =	ssyncadd.s32 $0xFFFFF000  }
0x94: {  	_ =	swait.ge [sflag:s17], $0x1000  }
0x95: {  	[sflag:s17] =	ssyncset.done $0x0  }
0x96: {  	[sflag:s17] =	ssyncadd.s32 $0xFFFFF000  }
0x97: {  	_ =	swait.ge [sflag:s17], $0x1000  }
0x98: {  	[sflag:s17] =	ssyncset.done $0x0  }
0x99: {  	[sflag:s17] =	ssyncadd.s32 $0xFFFFF000  }
0x9a: {  	[bflag:$0x0] =	sbarrier.arrive $0xFFFF  }
0x9b: {  	_ =	swait.ge [sflag:s21], $0x80  }
0x9c: {  	[sflag:s21] =	ssyncset.done $0x0  }
0x9d: {  	[sflag:s21] =	ssyncadd.s32 $0xFFFFFF80  }
0x9e: {  	_ =	swait.ge [sflag:s25], $0x4000  }
0x9f: {  	[sflag:s25] =	ssyncset.done $0x0  }
0xa0: {  	[sflag:s25] =	ssyncadd.s32 $0xFFFFC000  }
0xa1: {  	[spmem:s1] =	stream.indirect.scatter.add.f32 [tilespmem:s14], [sflag:$0x6], $0x80, s13, s11, $0xb8;
	[tilespmem:$0x1F900] =	vst v63  }
0xa2: {  	_ =	swait.ge [sflag:s12], $0x4000  }
0xa3: {  	[sflag:s12] =	ssyncset.done $0x0  }
0xa4: {  	s3 =	sadd.s32 $0x10, s19;
	[sflag:s12] =	ssyncadd.s32 $0xFFFFC000  }
0xa5: {  	[tilespmem:s13], [sflag:$0x3] =	stream.linear.gather [hbm4b:s3+s2], $0x80, $0x38;
	[tilespmem:$0x1F900] =	vst v63  }
0xa6: {  	_ = 	snop  }
0xa7: {  	[tilespmem:s14], [sflag:$0x1] =	stream.indirect.gather [hbm4b:s4+s11], $0x80, s30, s11, $0xb8;
	[tilespmem:$0x1F900] =	vst v63  }
0xa8: {  	_ =	swait.ge [sflag:s26], $0x80  }
0xa9: {  	[sflag:s26] =	ssyncset.done $0x0  }
0xaa: {  	[sflag:s26] =	ssyncadd.s32 $0xFFFFFF80  }
0xab: {  	_ =	swait.ge [sflag:s28], $0x4000  }
0xac: {  	[sflag:s28] =	ssyncset.done $0x0  }
0xad: {  	[sflag:s28] =	ssyncadd.s32 $0xFFFFC000  }
0xae: {  	[spmem:s1] =	stream.indirect.scatter.add.f32 [tilespmem:s15], [sflag:$0x6], $0x80, s6, s11, $0xb8;
	[tilespmem:$0x1F900] =	vst v63  }
0xaf: {  	_ =	swait.ge [sflag:s12], $0x4000  }
0xb0: {  	s31 =	simm.s32 $0x200;
	s0 =	simm.s32 $0x180;
	[sflag:s12] =	ssyncset.done $0x0  }
0xb1: {  	s3 =	sadd.s32 $0x10, s20;
	s30 =	simm.s32 $0x50;
	[sflag:s12] =	ssyncadd.s32 $0xFFFFC000  }
0xb2: {  	[tilespmem:s6], [sflag:$0x4] =	stream.linear.gather [hbm4b:s3+s2], $0x80, $0x38;
	[tilespmem:$0x1F900] =	vst v63  }
.LBB2_2:
0xb3: {  	[tilespmem:s15], [sflag:$0x2] =	stream.indirect.gather [hbm4b:s4+s11], $0x80, s0, s11, $0xb8;
	[tilespmem:$0x1F900] =	vst v63  }
0xb4: {  	s0 =	smov.u32 s30  }
0xb5: {  	p0 =	sne.s32 s30, $0x990;
	s30 =	sadd.s32 $0x40, s30;
	_ =	swait.ge [sflag:s21], $0x80  }
0xb6: {  	[sflag:s21] =	ssyncset.done $0x0  }
0xb7: {  	[sflag:s21] =	ssyncadd.s32 $0xFFFFFF80  }
0xb8: {  	_ =	swait.ge [sflag:s25], $0x4000  }
0xb9: {  	[sflag:s25] =	ssyncset.done $0x0  }
0xba: {  	[sflag:s25] =	ssyncadd.s32 $0xFFFFC000  }
0xbb: {  	[spmem:s1] =	stream.indirect.scatter.add.f32 [tilespmem:s14], [sflag:$0x6], $0x80, s13, s11, $0xb8;
	[tilespmem:$0x1F900] =	vst v63  }
0xbc: {  	_ =	swait.ge [sflag:s12], $0x4000  }
0xbd: {  	[sflag:s12] =	ssyncset.done $0x0  }
0xbe: {  	s3 =	sadd.s32 s0, s19;
	[sflag:s12] =	ssyncadd.s32 $0xFFFFC000  }
0xbf: {  	[tilespmem:s13], [sflag:$0x3] =	stream.linear.gather [hbm4b:s3+s2], $0x80, $0x38;
	[tilespmem:$0x1F900] =	vst v63  }
0xc0: {  	_ = 	snop  }
0xc1: {  	[tilespmem:s14], [sflag:$0x1] =	stream.indirect.gather [hbm4b:s4+s11], $0x80, s31, s11, $0xb8;
	[tilespmem:$0x1F900] =	vst v63  }
0xc2: {  	_ =	swait.ge [sflag:s26], $0x80  }
0xc3: {  	[sflag:s26] =	ssyncset.done $0x0  }
0xc4: {  	[sflag:s26] =	ssyncadd.s32 $0xFFFFFF80  }
0xc5: {  	_ =	swait.ge [sflag:s28], $0x4000  }
0xc6: {  	[sflag:s28] =	ssyncset.done $0x0  }
0xc7: {  	[sflag:s28] =	ssyncadd.s32 $0xFFFFC000  }
0xc8: {  	[spmem:s1] =	stream.indirect.scatter.add.f32 [tilespmem:s15], [sflag:$0x6], $0x80, s6, s11, $0xb8;
	[tilespmem:$0x1F900] =	vst v63  }
.Ltmp0:
0xc9: {  	_ =	swait.ge [sflag:s12], $0x4000;
	(pc) =	sbr.rel @p0 .LBB2_2-.Ltmp0, $4  }
0xca: {  	[sflag:s12] =	ssyncset.done $0x0  }
0xcb: {  	s0 =	sadd.s32 s0, s20;
	[sflag:s12] =	ssyncadd.s32 $0xFFFFC000  }
0xcc: {  	[tilespmem:s6], [sflag:$0x4] =	stream.linear.gather [hbm4b:s0+s2], $0x80, $0x38;
	[tilespmem:$0x1F900] =	vst v63  }
0xcd: {  	s0 =	sadd.s32 $0x80, s31;
	s31 =	sadd.s32 $0x100, s31  }
0xce: {  	[tilespmem:s15], [sflag:$0x2] =	stream.indirect.gather [hbm4b:s4+s11], $0x80, s0, s11, $0xb8;
	[tilespmem:$0x1F900] =	vst v63  }
0xcf: {  	_ =	swait.ge [sflag:s21], $0x80  }
0xd0: {  	[sflag:s21] =	ssyncset.done $0x0  }
0xd1: {  	[sflag:s21] =	ssyncadd.s32 $0xFFFFFF80  }
0xd2: {  	_ =	swait.ge [sflag:s25], $0x4000  }
0xd3: {  	[sflag:s25] =	ssyncset.done $0x0  }
0xd4: {  	[sflag:s25] =	ssyncadd.s32 $0xFFFFC000  }
0xd5: {  	[spmem:s1] =	stream.indirect.scatter.add.f32 [tilespmem:s14], [sflag:$0x6], $0x80, s13, s11, $0xb8;
	[tilespmem:$0x1F900] =	vst v63  }
0xd6: {  	_ =	swait.ge [sflag:s12], $0x4000  }
0xd7: {  	[sflag:s12] =	ssyncset.done $0x0  }
0xd8: {  	[sflag:s12] =	ssyncadd.s32 $0xFFFFC000  }
0xd9: {  	_ =	swait.ge [sflag:s26], $0x80  }
0xda: {  	[sflag:s26] =	ssyncset.done $0x0  }
0xdb: {  	[sflag:s26] =	ssyncadd.s32 $0xFFFFFF80  }
0xdc: {  	_ =	swait.ge [sflag:s28], $0x4000  }
0xdd: {  	[sflag:s28] =	ssyncset.done $0x0  }
0xde: {  	[sflag:s28] =	ssyncadd.s32 $0xFFFFC000  }
0xdf: {  	[spmem:s1] =	stream.indirect.scatter.add.f32 [tilespmem:s15], [sflag:$0x6], $0x80, s6, s11, $0xb8;
	[tilespmem:$0x1F900] =	vst v63  }
0xe0: {  	_ =	swait.ge [sflag:s12], $0x4000  }
0xe1: {  	[sflag:s12] =	ssyncset.done $0x0  }
0xe2: {  	[sflag:s12] =	ssyncadd.s32 $0xFFFFC000  }
0xe3: {  	[bflag:$0x0] =	sbarrier.arrive $0xFFFF  }
0xe4: {  	[tilespmem:s14], [sflag:$0x6] =	stream.linear.gather [spmem:s7], $0x4000, $0x38;
	[tilespmem:$0x1F900] =	vst v63  }
0xe5: {  	_ =	swait.ge [sflag:s12], $0x4000  }
0xe6: {  	[sflag:s12] =	ssyncset.done $0x0  }
0xe7: {  	s3 =	rddreg [dreg:$0x9];
	[sflag:s12] =	ssyncadd.s32 $0xFFFFC000  }
0xe8: {  	[hbm4b:s3+s2] =	stream.linear.scatter [tilespmem:s14], [sflag:$0x1], $0x4000, $0x38;
	[tilespmem:$0x1F900] =	vst v63  }
0xe9: {  	_ = 	snop  }
0xea: {  	[tilespmem:s15], [sflag:$0x6] =	stream.linear.gather [spmem:s18], $0x4000, $0x38;
	[tilespmem:$0x1F900] =	vst v63  }
0xeb: {  	_ =	swait.ge [sflag:s12], $0x4000  }
0xec: {  	[sflag:s12] =	ssyncset.done $0x0  }
0xed: {  	s30 =	rddreg [dreg:$0xa];
	[sflag:s12] =	ssyncadd.s32 $0xFFFFC000  }
0xee: {  	[hbm4b:s30+s2] =	stream.linear.scatter [tilespmem:s15], [sflag:$0x2], $0x4000, $0x38;
	[tilespmem:$0x1F900] =	vst v63  }
0xef: {  	_ =	swait.ge [sflag:s25], $0x4000  }
0xf0: {  	[sflag:s25] =	ssyncset.done $0x0  }
0xf1: {  	[sflag:s25] =	ssyncadd.s32 $0xFFFFC000  }
0xf2: {  	[tilespmem:s14], [sflag:$0x6] =	stream.linear.gather [spmem:s22], $0x4000, $0x38;
	[tilespmem:$0x1F900] =	vst v63  }
0xf3: {  	_ =	swait.ge [sflag:s12], $0x4000  }
0xf4: {  	[sflag:s12] =	ssyncset.done $0x0  }
0xf5: {  	s31 =	rddreg [dreg:$0xb];
	[sflag:s12] =	ssyncadd.s32 $0xFFFFC000  }
0xf6: {  	[hbm4b:s31+s2] =	stream.linear.scatter [tilespmem:s14], [sflag:$0x1], $0x4000, $0x38;
	[tilespmem:$0x1F900] =	vst v63  }
0xf7: {  	_ =	swait.ge [sflag:s28], $0x4000  }
0xf8: {  	[sflag:s28] =	ssyncset.done $0x0  }
0xf9: {  	[sflag:s28] =	ssyncadd.s32 $0xFFFFC000  }
0xfa: {  	[tilespmem:s15], [sflag:$0x6] =	stream.linear.gather [spmem:s23], $0x4000, $0x38;
	[tilespmem:$0x1F900] =	vst v63  }
0xfb: {  	_ =	swait.ge [sflag:s12], $0x4000  }
0xfc: {  	[sflag:s12] =	ssyncset.done $0x0  }
0xfd: {  	s3 =	rddreg [dreg:$0xc];
	[sflag:s12] =	ssyncadd.s32 $0xFFFFC000  }
0xfe: {  	[hbm4b:s3+s2] =	stream.linear.scatter [tilespmem:s15], [sflag:$0x2], $0x4000, $0x38;
	[tilespmem:$0x1F900] =	vst v63  }
0xff: {  	_ =	swait.ge [sflag:s25], $0x4000  }
0x100: {  	[sflag:s25] =	ssyncset.done $0x0  }
0x101: {  	[sflag:s25] =	ssyncadd.s32 $0xFFFFC000  }
0x102: {  	[tilespmem:s14], [sflag:$0x6] =	stream.linear.gather [spmem:s24], $0x4000, $0x38;
	[tilespmem:$0x1F900] =	vst v63  }
0x103: {  	_ =	swait.ge [sflag:s12], $0x4000  }
0x104: {  	[sflag:s12] =	ssyncset.done $0x0  }
0x105: {  	s30 =	rddreg [dreg:$0xd];
	[sflag:s12] =	ssyncadd.s32 $0xFFFFC000  }
0x106: {  	[hbm4b:s30+s2] =	stream.linear.scatter [tilespmem:s14], [sflag:$0x1], $0x4000, $0x38;
	[tilespmem:$0x1F900] =	vst v63  }
0x107: {  	_ =	swait.ge [sflag:s28], $0x4000  }
0x108: {  	[sflag:s28] =	ssyncset.done $0x0  }
0x109: {  	[sflag:s28] =	ssyncadd.s32 $0xFFFFC000  }
0x10a: {  	_ =	swait.ge [sflag:s25], $0x4000  }
0x10b: {  	s29 =	sadd.s32 $0x1, s29;
	s31 =	rddreg [dreg:$0x10]  }
0x10c: {  	p0 =	sne.s32 s29, s31  }
.Ltmp1:
0x10d: {  	_ = 	snop;
	(pc) =	sbr.rel @p0 .LBB2_1-.Ltmp1, $3  }
0x10e: {  	_ =	sdelay $0x1  }
0x10f: {  	[sflag:s25] =	ssyncset.done $0x0  }
0x110: {  	[sflag:s25] =	ssyncadd.s32 $0xFFFFC000  }
0x111: {  	_ =	sfence.sel $0x180000  }
0x112: {  	[bflag:$0x0] =	sbarrier.arrive $0xFFFF  }
0x113: {  	_ =	strace $0x9000004A  }
0x114: {  	s0 =	stileid.u32;
	[bflag:$0x2] =	sbarrier.arrive $0xFFFF  }
0x115: {  	p0 =	sne.s32 s0, $0x0;
	s0 =	rddreg [dreg:$0x2]  }
0x116: {  	s0 =	sadd.s32 @!p0 $0x100000, s0  }
0x117: {  	[sflag:s0] =	ssyncadd.tile.s32 @!p0 $0x1;
	_ =	shalt  }
.Lfunc_end2:
_tile_overlayer_lowered:
.L_overlay_start_2:
0x118: {  	(tag) =	ssettag $0x2  }
0x119: {  	s0 =	rddreg [dreg:$0x0];
	s2 =	stileid.u32  }
0x11a: {  	s1 =	rddreg [dreg:$0x1];
	p0 =	sne.s32 s2, $0x0  }
0x11b: {  	s3 =	rddreg [dreg:$0x2];
	[bflag:$0x3] =	sbarrier.arrive $0xFFFF;
	s2 =	simm.s32 @!p0 $0x1C06  }
0x11c: {  	[timem:s3], [sflag:s2] =	dma.local @!p0 [hbm:s0], s1  }
0x11d: {  	s0 =	simm.s32 @!p0 $0x6  }
0x11e: {  	_ =	swait.ge @!p0 [sflag:s0], s1  }
0x11f: {  	s1 =	ssub.s32 @!p0 $0x0, s1;
	[sflag:s0] =	ssyncset.done @!p0 $0x0  }
0x120: {  	[sflag:s0] =	ssyncadd.s32 @!p0 s1  }
0x121: {  	[bflag:$0x3] =	sbarrier.arrive $0xFFFF  }
0x122: {  	_ =	shalt  }

// kernel: kernel.14.cloned.1.call-start
scs
__scs_entry_jumppad:
0x0: {  	(pc) =	sbr.rel $0x88, $3  }
0x1: {  	(tag) =	ssettag $0x0;
	lr =	simm.s32 $0x1  }
0x2: {  	[smem:$0x3F92] =	sst lr;
	_ =	strace $0xD0000000  }
0x3: {  	_ = 	snop  }
0x4: {  	_ = 	snop  }
0x5: {  	_ = 	snop  }
0x6: {  	_ = 	snop  }
0x7: {  	_ = 	snop  }
__scs_overlays_trampoline_lowered:
0x8: {  	[smem:$0x3FA1] =	sst s0  }
0x9: {  	[smem:$0x3FA2] =	sst s1  }
0xa: {  	[smem:$0x3FA3] =	sst s2  }
0xb: {  	[smem:$0x3FA4] =	sst s3  }
0xc: {  	[smem:$0x3FA5] =	sst s4  }
0xd: {  	[smem:$0x3FA6] =	sst s5  }
0xe: {  	[smem:$0x3FA7] =	sst s6  }
0xf: {  	[smem:$0x3FA8] =	sst s7  }
0x10: {  	[smem:$0x3FA9] =	sst s8  }
0x11: {  	[smem:$0x3FAA] =	sst s9;
	s0 =	simm.s32 @!p0 $0x0  }
0x12: {  	s1 =	sld [smem:$0x3F90];
	s0 =	simm.s32 @p0 $0x1  }
0x13: {  	[smem:$0x3FAB] =	sst s0;
	s0 =	simm.s32 @!p1 $0x0  }
0x14: {  	s2 =	sld [smem:$0x3F8F];
	s0 =	simm.s32 @p1 $0x1  }
0x15: {  	[smem:$0x3FAC] =	sst s0;
	s0 =	simm.s32 @!p2 $0x0  }
0x16: {  	s3 =	sld [smem:$0x3FDB];
	s0 =	simm.s32 @p2 $0x1  }
0x17: {  	s4 =	simm.s32 $0x1BF5;
	[smem:$0x3FAE] =	sst s0  }
0x18: {  	s0 =	sld [smem:$0x3F91];
	_ =	swait.ge [sflag:s4], $0x0  }
0x19: {  	s7 =	sld [smem:$0x3F92]  }
0x1a: {  	s8 =	sadd.s32 $0xFFFFE003, lr  }
0x1b: {  	s9 =	sadd.s32 $0xFFFFFEF7, lr;
	s5 =	simm.s32 $0xFFFFFFFF;
	p2 =	slt.u32 s8, $0xFFFFF086  }
0x1c: {  	p1 =	slt.u32 s9, $0xF7A;
	s5 =	simm.s32 @!p2 $0x0  }
0x1d: {  	s5 =	simm.s32 @p1 $0x1;
	p0 =	seq.s32 s7, s2  }
0x1e: {  	s7 =	smul.u32 @!p0 $0xF7A, s2;
	p2 =	seq.s32 @!p0 s5, $0x0  }
0x1f: {  	s9 =	smul.u32 $0xF7A, s1;
	s8 =	simm.s32 @!p0 $0x1BF5;
	p2 =	por !p2, p0  }
0x20: {  	[sflag:s8] =	ssyncset.s32 @!p0 $0xFFFFF086;
	s6 =	sadd.s32 @!p0 s3, s7;
	s7 =	simm.s32 @!p0 $0x108  }
0x21: {  	s3 =	sadd.s32 s3, s9;
	s6 =	sadd.s32 @!p0 $0x88, s6;
	s7 =	simm.s32 @p2 $0x1082  }
0x22: {  	[simem:s7], [sflag:s8] =	dma.local @!p0 [hbm:s6], $0xF7A  }
0x23: {  	s9 =	sor.u32 $0xD0000000, s2;
	s6 =	simm.s32 $0x108;
	_ =	swait.ge @!p0 [sflag:s8], $0x0  }
0x24: {  	s3 =	sadd.s32 $0x88, s3;
	s6 =	simm.s32 @!p1 $0x1082;
	[sflag:s4] =	ssyncset.s32 $0xFFFFF086  }
0x25: {  	[simem:s6], [sflag:s4] =	dma.local [hbm:s3], $0xF7A  }
0x26: {  	[smem:$0x3F92] =	sst s1;
	(tag) =	ssettag s2;
	_ =	strace s9  }
0x27: {  	s1 =	sld [smem:$0x3FA2]  }
0x28: {  	s2 =	sld [smem:$0x3FA3]  }
0x29: {  	s4 =	sld [smem:$0x3FA5]  }
0x2a: {  	p0 =	seq.s32 s5, $0x0;
	s5 =	sld [smem:$0x3FA6]  }
0x2b: {  	s6 =	sld [smem:$0x3FA7]  }
0x2c: {  	s7 =	sld [smem:$0x3FA8]  }
0x2d: {  	s3 =	simm.s32 $0x108;
	s8 =	sld [smem:$0x3FA9]  }
0x2e: {  	s3 =	simm.s32 @!p0 $0x1082;
	s9 =	sld [smem:$0x3FAA]  }
0x2f: {  	lr =	sadd.s32 s0, s3;
	s0 =	sld [smem:$0x3FA1]  }
0x30: {  	s3 =	sld [smem:$0x3FA4]  }
0x31: {  	[smem:$0x3FAD] =	sst s10  }
0x32: {  	s10 =	sld [smem:$0x3FAB];
	_ =	sdelay $0x3  }
0x33: {  	p0 =	seq.s32 s10, $0x1;
	s10 =	sld [smem:$0x3FAD];
	_ =	sdelay $0x3  }
0x34: {  	[smem:$0x3FAD] =	sst s10  }
0x35: {  	s10 =	sld [smem:$0x3FAC];
	_ =	sdelay $0x3  }
0x36: {  	p1 =	seq.s32 s10, $0x1;
	s10 =	sld [smem:$0x3FAD];
	_ =	sdelay $0x3  }
0x37: {  	[smem:$0x3FAD] =	sst s10  }
0x38: {  	s10 =	sld [smem:$0x3FAE]  }
0x39: {  	_ = 	snop;
	(pc) =	sbr.ind lr, $3  }
0x3a: {  	_ = 	snop  }
0x3b: {  	_ = 	snop  }
0x3c: {  	p2 =	seq.s32 s10, $0x1;
	s10 =	sld [smem:$0x3FAD]  }
0x3d: {  	_ =	shalt  }
0x3e: {  	_ =	shalt  }
0x3f: {  	_ =	shalt  }
0x40: {  	_ =	shalt  }
0x41: {  	_ =	shalt  }
0x42: {  	_ =	shalt  }
0x43: {  	_ =	shalt  }
0x44: {  	_ =	shalt  }
0x45: {  	_ =	shalt  }
0x46: {  	_ =	shalt  }
0x47: {  	_ =	shalt  }
0x48: {  	_ =	shalt  }
0x49: {  	_ =	shalt  }
0x4a: {  	_ =	shalt  }
0x4b: {  	_ =	shalt  }
0x4c: {  	_ =	shalt  }
0x4d: {  	_ =	shalt  }
0x4e: {  	_ =	shalt  }
0x4f: {  	_ =	shalt  }
0x50: {  	_ =	shalt  }
0x51: {  	_ =	shalt  }
0x52: {  	_ =	shalt  }
0x53: {  	_ =	shalt  }
0x54: {  	_ =	shalt  }
0x55: {  	_ =	shalt  }
0x56: {  	_ =	shalt  }
0x57: {  	_ =	shalt  }
0x58: {  	_ =	shalt  }
0x59: {  	_ =	shalt  }
0x5a: {  	_ =	shalt  }
0x5b: {  	_ =	shalt  }
0x5c: {  	_ =	shalt  }
0x5d: {  	_ =	shalt  }
0x5e: {  	_ =	shalt  }
0x5f: {  	_ =	shalt  }
0x60: {  	_ =	shalt  }
0x61: {  	_ =	shalt  }
0x62: {  	_ =	shalt  }
0x63: {  	_ =	shalt  }
0x64: {  	_ =	shalt  }
0x65: {  	_ =	shalt  }
0x66: {  	_ =	shalt  }
0x67: {  	_ =	shalt  }
0x68: {  	_ =	shalt  }
0x69: {  	_ =	shalt  }
0x6a: {  	_ =	shalt  }
0x6b: {  	_ =	shalt  }
0x6c: {  	_ =	shalt  }
0x6d: {  	_ =	shalt  }
0x6e: {  	_ =	shalt  }
0x6f: {  	_ =	shalt  }
0x70: {  	_ =	shalt  }
0x71: {  	_ =	shalt  }
0x72: {  	_ =	shalt  }
0x73: {  	_ =	shalt  }
0x74: {  	_ =	shalt  }
0x75: {  	_ =	shalt  }
0x76: {  	_ =	shalt  }
0x77: {  	_ =	shalt  }
0x78: {  	_ =	shalt  }
0x79: {  	_ =	shalt  }
0x7a: {  	_ =	shalt  }
0x7b: {  	_ =	shalt  }
0x7c: {  	_ =	shalt  }
0x7d: {  	_ =	shalt  }
0x7e: {  	_ =	shalt  }
0x7f: {  	_ =	shalt  }
0x80: {  	_ =	shalt  }
0x81: {  	_ =	shalt  }
0x82: {  	_ =	shalt  }
0x83: {  	_ =	shalt  }
0x84: {  	_ =	shalt  }
0x85: {  	_ =	shalt  }
0x86: {  	_ =	shalt  }
0x87: {  	_ =	shalt  }
.Lfunc_end0:
.L_simem_size_0:
called_computation.2_lowered:
.L_overlay_start_0:
0x88: {  	s2 =	sld [smem:$0x3FD9]  }
0x89: {  	s3 =	sld [smem:$0x3FFE];
	_ =	sdelay $0x1  }
0x8a: {  	s1 =	srdreg.scid  }
0x8b: {  	s0 =	sand.u32 $0x1, s1  }
0x8c: {  	s16 =	sshll.u32 s0, $0xA;
	s2 =	sadd.s32 s3, s2  }
0x8d: {  	s2 =	sadd.s32 s2, s16  }
0x8e: {  	[smem:$0x3FB9] =	sst s2  }
0x8f: {  	_ = 	snop  }
0x90: {  	(tm) =	ssettm $0x1  }
0x91: {  	s17 =	sld [smem:$0x3FFB];
	_ =	sdelay $0x3  }
0x92: {  	_ =	strace s17  }
0x93: {  	s2 =	sld [smem:$0x3FFC];
	_ =	sdelay $0x3  }
0x94: {  	_ =	strace s2  }
0x95: {  	s2 =	sld [smem:$0x3FFD];
	_ =	sdelay $0x3  }
0x96: {  	_ =	strace s2  }
0x97: {  	_ =	strace $0x8FFFFFFF  }
0x98: {  	s18 =	sld [smem:$0x3FDB];
	_ =	sdelay $0x1  }
0x99: {  	s19 =	simm.s32 $_scs_section_size  }
0x9a: {  	s4 =	simm.s32 $_size__tile_overlayer_lowered;
	s5 =	simm.s32 $_tile_overlayer_lowered  }
0x9b: {  	s22 =	simm.s32 $0x1BFF;
	s21 =	sshll.u32 s5, $0x1;
	s2 =	sadd.s32 s19, s18  }
0x9c: {  	s6 =	simm.s32 $0x0;
	s20 =	sshll.u32 s4, $0x1;
	s4 =	sadd.s32 s21, s2  }
0x9d: {  	[timem:s6], [sflag:s22] =	dma.local [hbm:s4], s20  }
0x9e: {  	_ =	swait.ge [sflag:s22], s20  }
0x9f: {  	s3 =	ssub.s32 $0x0, s20;
	[sflag:s22] =	ssyncset.done $0x0  }
0xa0: {  	[sflag:s22] =	ssyncadd.s32 s3;
	_ =	sdelay $0x1  }
0xa1: {  	s23 =	simm.s32 $0x1B8B  }
0xa2: {  	_ =	swait.ge [sflag:s23], $0x1  }
0xa3: {  	[sflag:s23] =	ssyncset.done $0x0  }
0xa4: {  	s25 =	simm.s32 $0x1B8E;
	s24 =	sld [smem:$0x3FFE];
	[sflag:s23] =	ssyncadd.s32 $0xFFFFFFFF  }
0xa5: {  	s26 =	simm.s32 $execute0_lowered;
	[smem:$0x3FD2] =	sst s25  }
0xa6: {  	s4 =	sshll.u32 s26, $0x1;
	_ =	strace $0x8000004C;
	[dreg:$0x1] =	wrdreg $0xFFFFFFFF  }
0xa7: {  	s28 =	simm.s32 $_size_execute0_lowered;
	s2 =	sadd.s32 s2, s4;
	[dreg:$0x0] =	wrdreg $0x0  }
0xa8: {  	s4 =	sshll.u32 s28, $0x1;
	[dreg:$0x2] =	wrdreg s2  }
0xa9: {  	[dreg:$0x3] =	wrdreg s4  }
0xaa: {  	[dreg:$0x4] =	wrdreg $0xC0  }
0xab: {  	_ =	task [dreg:s6], $0x5FFFF  }
0xac: {  	[dreg:$0x1] =	wrdreg $0xFFFFFFFF  }
0xad: {  	[dreg:$0x0] =	wrdreg $0x60  }
0xae: {  	[dreg:$0x2] =	wrdreg s24  }
0xaf: {  	[dreg:$0x3] =	wrdreg $0xB9000  }
0xb0: {  	[dreg:$0x4] =	wrdreg $0x9  }
0xb1: {  	_ =	task.clear_ibuf [dreg:s6], $0x5FFFF;
	_ =	strace $0x9000004C  }
0xb2: {  	s29 =	simm.s32 $0x9;
	_ =	strace $0x8000004E  }
0xb3: {  	_ =	swait.ge [sflag:s29], $0x1  }
0xb4: {  	[sflag:s29] =	ssyncadd.s32 $0xFFFFFFFF  }
0xb5: {  	_ =	strace $0x9000004E  }
0xb6: {  	_ =	sfence  }
0xb7: {  	s30 =	sld [smem:$0x0];
	_ =	sdelay $0x2  }
0xb8: {  	s31 =	sshll.u32 s1, $0xD;
	s1 =	sshrl.u32 s1, $0x2  }
0xb9: {  	s3 =	sand.u32 $0x4000, s31;
	s1 =	sadd.s32 s1, s30  }
0xba: {  	s0 =	sor.u32 s3, s0;
	s1 =	sshll.u32 s1, $0x11  }
0xbb: {  	s0 =	sor.u32 s1, s0  }
0xbc: {  	s0 =	sadd.s32 $0x8F2B, s0  }
0xbd: {  	[sflag:s0] =	ssyncadd.remote.s32 $0x1  }
0xbe: {  	_ =	sfence.sel $0xFFFF  }
0xbf: {  	[dreg:$0x0] =	wrdreg $0xFFFFFFFF;
	(pc) =	sbr.abs _section_cstart, $3  }
0xc0: {  	[dreg:$0x1] =	wrdreg $0xFFFFFFFF  }
0xc1: {  	_ =	task.clear_ibuf [dreg:s6], $0x2FFFF;
	_ =	strace $0x9FFFFFFF  }
0xc2: {  	(tm) =	ssettm $0x7FFFFFFF  }
0xc3: {  	_ =	shalt  }
tec
execute0_lowered:
.L_overlay_start_1:
0x0: {  	(tag) =	ssettag $0x1  }
0x1: {  	s0 =	rddreg [dreg:$0x0]  }
0x2: {  	s1 =	rddreg [dreg:$0x1];
	s2 =	simm.s32 $0x0  }
0x3: {  	s3 =	srdreg.scid;
	s15 =	stileid.u32;
	s28 =	simm.s32 $0x2  }
0x4: {  	s29 =	simm.s32 $0x0;
	[smem:$0x7FF] =	sst s2;
	s4 =	sadd.s32 $0x18000, s0  }
0x5: {  	s5 =	sadd.s32 $0x3800, s0;
	s3 =	sand.u32 $0x1, s3;
	s8 =	smul.u32 $0x50000, s15  }
0x6: {  	s6 =	sadd.s32 $0x17800, s0;
	s0 =	sadd.s32 $0x3F200, s0;
	s17 =	smul.u32 $0x14000, s15  }
0x7: {  	s25 =	smul.u32 $0x2800, s15;
	_ =	strace $0x8000004D;
	[dreg:$0x3] =	wrdreg s6  }
0x8: {  	s14 =	sshll.u32 s3, $0x4;
	s7 =	ssub.s32 $0x2, s3;
	s18 =	smul.u32 $0x140000, s3  }
0x9: {  	s3 =	smul.u32 $0x28000, s3;
	s6 =	sor.u32 s15, s14;
	s9 =	sshrl.u32 s7, $0x1  }
0xa: {  	s16 =	sshrl.u32 s8, $0x2;
	s21 =	sadd.s32 $0x4000, s17;
	s12 =	sadd.s32 $0x8000, s17  }
0xb: {  	s13 =	sadd.s32 $0xC000, s17;
	s8 =	sadd.s32 $0x10000, s17;
	s6 =	smul.u32 $0xA00, s6  }
0xc: {  	s9 =	ssub.s32 s7, s9;
	s7 =	sadd.s32 s16, s1;
	s22 =	sadd.s32 s17, s18  }
0xd: {  	s23 =	sadd.s32 s18, s21;
	s14 =	sadd.s32 s18, s12;
	s26 =	sadd.s32 s18, s13  }
0xe: {  	s3 =	sadd.s32 s25, s3;
	s19 =	sadd.s32 $0x1000, s7;
	s20 =	sadd.s32 $0x2000, s7  }
0xf: {  	s24 =	sshrl.u32 s14, $0x3;
	s30 =	sor.u32 $0x100, s3;
	[dreg:$0x7] =	wrdreg s19  }
0x10: {  	s31 =	sadd.s32 $0x3000, s7;
	s3 =	sor.u32 $0x180, s3;
	[dreg:$0x8] =	wrdreg s20  }
0x11: {  	s14 =	sadd.s32 $0x5000, s7;
	s15 =	smax.u32 s9, $0x1;
	[dreg:$0xe] =	wrdreg s31  }
0x12: {  	s16 =	sadd.s32 $0x6000, s7;
	s17 =	sadd.s32 $0x7000, s7;
	[dreg:$0xf] =	wrdreg s14  }
0x13: {  	s25 =	sadd.s32 $0xA000, s7;
	s9 =	sadd.s32 $0x12000, s7;
	[dreg:$0x10] =	wrdreg s15  }
0x14: {  	s10 =	sadd.s32 s5, s6;
	s6 =	sadd.s32 s18, s8;
	[dreg:$0x11] =	wrdreg s16  }
0x15: {  	s18 =	sadd.s32 s21, s1;
	[dreg:$0x12] =	wrdreg s17;
	s21 =	sadd.s32 $0x9000, s7  }
0x16: {  	[dreg:$0x14] =	wrdreg s25;
	s31 =	sadd.s32 $0xE000, s7;
	s14 =	simm.s32 $0x2900  }
0x17: {  	s15 =	simm.s32 $0x6900;
	s16 =	simm.s32 $0xA900;
	[dreg:$0x4] =	wrdreg s10  }
0x18: {  	s17 =	simm.s32 $0x5;
	s25 =	simm.s32 $0x1;
	[dreg:$0x13] =	wrdreg s21  }
0x19: {  	s11 =	sadd.s32 $0x10, s10;
	s10 =	sadd.s32 $0x30, s10;
	[dreg:$0x17] =	wrdreg s31  }
0x1a: {  	s6 =	sshrl.u32 s6, $0x3;
	[dreg:$0x5] =	wrdreg s11;
	s11 =	sshrl.u32 s22, $0x3  }
0x1b: {  	s21 =	simm.s32 $0x3;
	[dreg:$0x6] =	wrdreg s10;
	s11 =	sadd.s32 s0, s11  }
0x1c: {  	s22 =	sadd.s32 s12, s1;
	[dreg:$0x9] =	wrdreg s11;
	s11 =	sshrl.u32 s23, $0x3  }
0x1d: {  	s10 =	sadd.s32 $0x13000, s7;
	s12 =	simm.s32 $0x6;
	s11 =	sadd.s32 s0, s11  }
0x1e: {  	s23 =	sadd.s32 s13, s1;
	s13 =	simm.s32 $0x2800;
	[dreg:$0xa] =	wrdreg s11  }
0x1f: {  	s11 =	sadd.s32 s0, s24;
	s24 =	sadd.s32 s8, s1;
	s8 =	sadd.s32 $0x11000, s7  }
0x20: {  	[dreg:$0xb] =	wrdreg s11;
	s11 =	sshrl.u32 s26, $0x3;
	s26 =	sadd.s32 $0xB000, s7  }
0x21: {  	s11 =	sadd.s32 s0, s11;
	s0 =	sadd.s32 s0, s6;
	[dreg:$0x15] =	wrdreg s26  }
0x22: {  	s6 =	simm.s32 $0x2880;
	s26 =	simm.s32 $0x4;
	[dreg:$0xc] =	wrdreg s11  }
0x23: {  	[dreg:$0xd] =	wrdreg s0;
	s0 =	sshrl.u32 s30, $0x2;
	s11 =	sshrl.u32 s3, $0x2  }
0x24: {  	s30 =	sadd.s32 $0xD000, s7;
	s19 =	sadd.s32 s0, s5;
	s20 =	sadd.s32 s11, s5  }
0x25: {  	[dreg:$0x16] =	wrdreg s30;
	s5 =	sadd.s32 $0xF000, s7;
	s11 =	simm.s32 $0x80  }
.LBB2_1:
0x26: {  	s30 =	simm.s32 $0x100;
	s0 =	rddreg [dreg:$0x4]  }
0x27: {  	[tilespmem:s2], [sflag:$0x6] =	stream.strided.gather [hbm4b:s0+s11], $0x2800, s30, s11, $0x38;
	[tilespmem:$0x1F900] =	vst v63  }
0x28: {  	_ =	swait.ge [sflag:s12], $0x2800  }
0x29: {  	[sflag:s12] =	ssyncset.done $0x0  }
0x2a: {  	s3 =	rddreg [dreg:$0x5];
	[sflag:s12] =	ssyncadd.s32 $0xFFFFD800  }
0x2b: {  	[tilespmem:s13], [sflag:$0x3] =	stream.linear.gather [hbm4b:s3+s2], $0x80, $0x38;
	[tilespmem:$0x1F900] =	vst v63  }
0x2c: {  	s3 =	rddreg [dreg:$0x6]  }
0x2d: {  	[tilespmem:s6], [sflag:$0x4] =	stream.linear.gather [hbm4b:s3+s2], $0x80, $0x38;
	[tilespmem:$0x1F900] =	vst v63  }
0x2e: {  	_ = 	snop  }
0x2f: {  	[tilespmem:s14], [sflag:$0x1] =	stream.indirect.gather [hbm4b:s4+s11], $0x80, s2, s11, $0xb8;
	[tilespmem:$0x1F900] =	vst v63  }
0x30: {  	_ = 	snop  }
0x31: {  	[tilespmem:s15], [sflag:$0x2] =	stream.indirect.gather [hbm4b:s4+s11], $0x80, s11, s11, $0xb8;
	[tilespmem:$0x1F900] =	vst v63  }
0x32: {  	s3 =	rddreg [dreg:$0x3]  }
0x33: {  	[tilespmem:s16], [sflag:$0x6] =	stream.linear.gather [hbm4b:s3+s2], $0x1000, $0x38;
	[tilespmem:$0x1F900] =	vst v63  }
0x34: {  	_ =	swait.ge [sflag:s12], $0x1000  }
0x35: {  	[sflag:s12] =	ssyncset.done $0x0  }
0x36: {  	[sflag:s12] =	ssyncadd.s32 $0xFFFFF000  }
0x37: {  	[spmem:s7] =	stream.linear.scatter [tilespmem:s16], [sflag:$0x5], $0x1000, $0x38;
	[tilespmem:$0x1F900] =	vst v63  }
0x38: {  	s3 =	rddreg [dreg:$0x7]  }
0x39: {  	[spmem:s3] =	stream.linear.scatter [tilespmem:s16], [sflag:$0x5], $0x1000, $0x38;
	[tilespmem:$0x1F900] =	vst v63  }
0x3a: {  	s3 =	rddreg [dreg:$0x8]  }
0x3b: {  	[spmem:s3] =	stream.linear.scatter [tilespmem:s16], [sflag:$0x5], $0x1000, $0x38;
	[tilespmem:$0x1F900] =	vst v63  }
0x3c: {  	s3 =	rddreg [dreg:$0xe]  }
0x3d: {  	[spmem:s3] =	stream.linear.scatter [tilespmem:s16], [sflag:$0x5], $0x1000, $0x38;
	[tilespmem:$0x1F900] =	vst v63  }
0x3e: {  	_ = 	snop  }
0x3f: {  	[spmem:s18] =	stream.linear.scatter [tilespmem:s16], [sflag:$0x5], $0x1000, $0x38;
	[tilespmem:$0x1F900] =	vst v63  }
0x40: {  	s3 =	rddreg [dreg:$0xf]  }
0x41: {  	[spmem:s3] =	stream.linear.scatter [tilespmem:s16], [sflag:$0x5], $0x1000, $0x38;
	[tilespmem:$0x1F900] =	vst v63  }
0x42: {  	s3 =	rddreg [dreg:$0x11]  }
0x43: {  	[spmem:s3] =	stream.linear.scatter [tilespmem:s16], [sflag:$0x5], $0x1000, $0x38;
	[tilespmem:$0x1F900] =	vst v63  }
0x44: {  	s3 =	rddreg [dreg:$0x12]  }
0x45: {  	[spmem:s3] =	stream.linear.scatter [tilespmem:s16], [sflag:$0x5], $0x1000, $0x38;
	[tilespmem:$0x1F900] =	vst v63  }
0x46: {  	_ = 	snop  }
0x47: {  	[spmem:s22] =	stream.linear.scatter [tilespmem:s16], [sflag:$0x5], $0x1000, $0x38;
	[tilespmem:$0x1F900] =	vst v63  }
0x48: {  	s3 =	rddreg [dreg:$0x13]  }
0x49: {  	[spmem:s3] =	stream.linear.scatter [tilespmem:s16], [sflag:$0x5], $0x1000, $0x38;
	[tilespmem:$0x1F900] =	vst v63  }
0x4a: {  	s3 =	rddreg [dreg:$0x14]  }
0x4b: {  	[spmem:s3] =	stream.linear.scatter [tilespmem:s16], [sflag:$0x5], $0x1000, $0x38;
	[tilespmem:$0x1F900] =	vst v63  }
0x4c: {  	s3 =	rddreg [dreg:$0x15]  }
0x4d: {  	[spmem:s3] =	stream.linear.scatter [tilespmem:s16], [sflag:$0x5], $0x1000, $0x38;
	[tilespmem:$0x1F900] =	vst v63  }
0x4e: {  	_ = 	snop  }
0x4f: {  	[spmem:s23] =	stream.linear.scatter [tilespmem:s16], [sflag:$0x5], $0x1000, $0x38;
	[tilespmem:$0x1F900] =	vst v63  }
0x50: {  	s3 =	rddreg [dreg:$0x16]  }
0x51: {  	[spmem:s3] =	stream.linear.scatter [tilespmem:s16], [sflag:$0x5], $0x1000, $0x38;
	[tilespmem:$0x1F900] =	vst v63  }
0x52: {  	s3 =	rddreg [dreg:$0x17]  }
0x53: {  	[spmem:s3] =	stream.linear.scatter [tilespmem:s16], [sflag:$0x5], $0x1000, $0x38;
	[tilespmem:$0x1F900] =	vst v63  }
0x54: {  	_ = 	snop  }
0x55: {  	[spmem:s5] =	stream.linear.scatter [tilespmem:s16], [sflag:$0x5], $0x1000, $0x38;
	[tilespmem:$0x1F900] =	vst v63  }
0x56: {  	_ = 	snop  }
0x57: {  	[spmem:s24] =	stream.linear.scatter [tilespmem:s16], [sflag:$0x5], $0x1000, $0x38;
	[tilespmem:$0x1F900] =	vst v63  }
0x58: {  	_ = 	snop  }
0x59: {  	[spmem:s8] =	stream.linear.scatter [tilespmem:s16], [sflag:$0x5], $0x1000, $0x38;
	[tilespmem:$0x1F900] =	vst v63  }
0x5a: {  	_ = 	snop  }
0x5b: {  	[spmem:s9] =	stream.linear.scatter [tilespmem:s16], [sflag:$0x5], $0x1000, $0x38;
	[tilespmem:$0x1F900] =	vst v63  }
0x5c: {  	_ = 	snop  }
0x5d: {  	[spmem:s10] =	stream.linear.scatter [tilespmem:s16], [sflag:$0x5], $0x1000, $0x38;
	[tilespmem:$0x1F900] =	vst v63  }
0x5e: {  	_ =	swait.ge [sflag:s17], $0x1000  }
0x5f: {  	[sflag:s17] =	ssyncset.done $0x0  }
0x60: {  	[sflag:s17] =	ssyncadd.s32 $0xFFFFF000  }
0x61: {  	_ =	swait.ge [sflag:s17], $0x1000  }
0x62: {  	[sflag:s17] =	ssyncset.done $0x0  }
0x63: {  	[sflag:s17] =	ssyncadd.s32 $0xFFFFF000  }
0x64: {  	_ =	swait.ge [sflag:s17], $0x1000  }
0x65: {  	[sflag:s17] =	ssyncset.done $0x0  }
0x66: {  	[sflag:s17] =	ssyncadd.s32 $0xFFFFF000  }
0x67: {  	_ =	swait.ge [sflag:s17], $0x1000  }
0x68: {  	[sflag:s17] =	ssyncset.done $0x0  }
0x69: {  	[sflag:s17] =	ssyncadd.s32 $0xFFFFF000  }
0x6a: {  	_ =	swait.ge [sflag:s17], $0x1000  }
0x6b: {  	[sflag:s17] =	ssyncset.done $0x0  }
0x6c: {  	[sflag:s17] =	ssyncadd.s32 $0xFFFFF000  }
0x6d: {  	_ =	swait.ge [sflag:s17], $0x1000  }
0x6e: {  	[sflag:s17] =	ssyncset.done $0x0  }
0x6f: {  	[sflag:s17] =	ssyncadd.s32 $0xFFFFF000  }
0x70: {  	_ =	swait.ge [sflag:s17], $0x1000  }
0x71: {  	[sflag:s17] =	ssyncset.done $0x0  }
0x72: {  	[sflag:s17] =	ssyncadd.s32 $0xFFFFF000  }
0x73: {  	_ =	swait.ge [sflag:s17], $0x1000  }
0x74: {  	[sflag:s17] =	ssyncset.done $0x0  }
0x75: {  	[sflag:s17] =	ssyncadd.s32 $0xFFFFF000  }
0x76: {  	_ =	swait.ge [sflag:s17], $0x1000  }
0x77: {  	[sflag:s17] =	ssyncset.done $0x0  }
0x78: {  	[sflag:s17] =	ssyncadd.s32 $0xFFFFF000  }
0x79: {  	_ =	swait.ge [sflag:s17], $0x1000  }
0x7a: {  	[sflag:s17] =	ssyncset.done $0x0  }
0x7b: {  	[sflag:s17] =	ssyncadd.s32 $0xFFFFF000  }
0x7c: {  	_ =	swait.ge [sflag:s17], $0x1000  }
0x7d: {  	[sflag:s17] =	ssyncset.done $0x0  }
0x7e: {  	[sflag:s17] =	ssyncadd.s32 $0xFFFFF000  }
0x7f: {  	_ =	swait.ge [sflag:s17], $0x1000  }
0x80: {  	[sflag:s17] =	ssyncset.done $0x0  }
0x81: {  	[sflag:s17] =	ssyncadd.s32 $0xFFFFF000  }
0x82: {  	_ =	swait.ge [sflag:s17], $0x1000  }
0x83: {  	[sflag:s17] =	ssyncset.done $0x0  }
0x84: {  	[sflag:s17] =	ssyncadd.s32 $0xFFFFF000  }
0x85: {  	_ =	swait.ge [sflag:s17], $0x1000  }
0x86: {  	[sflag:s17] =	ssyncset.done $0x0  }
0x87: {  	[sflag:s17] =	ssyncadd.s32 $0xFFFFF000  }
0x88: {  	_ =	swait.ge [sflag:s17], $0x1000  }
0x89: {  	[sflag:s17] =	ssyncset.done $0x0  }
0x8a: {  	[sflag:s17] =	ssyncadd.s32 $0xFFFFF000  }
0x8b: {  	_ =	swait.ge [sflag:s17], $0x1000  }
0x8c: {  	[sflag:s17] =	ssyncset.done $0x0  }
0x8d: {  	[sflag:s17] =	ssyncadd.s32 $0xFFFFF000  }
0x8e: {  	_ =	swait.ge [sflag:s17], $0x1000  }
0x8f: {  	[sflag:s17] =	ssyncset.done $0x0  }
0x90: {  	[sflag:s17] =	ssyncadd.s32 $0xFFFFF000  }
0x91: {  	_ =	swait.ge [sflag:s17], $0x1000  }
0x92: {  	[sflag:s17] =	ssyncset.done $0x0  }
0x93: {  	[sflag:s17] =	ssyncadd.s32 $0xFFFFF000  }
0x94: {  	_ =	swait.ge [sflag:s17], $0x1000  }
0x95: {  	[sflag:s17] =	ssyncset.done $0x0  }
0x96: {  	[sflag:s17] =	ssyncadd.s32 $0xFFFFF000  }
0x97: {  	_ =	swait.ge [sflag:s17], $0x1000  }
0x98: {  	[sflag:s17] =	ssyncset.done $0x0  }
0x99: {  	[sflag:s17] =	ssyncadd.s32 $0xFFFFF000  }
0x9a: {  	[bflag:$0x0] =	sbarrier.arrive $0xFFFF  }
0x9b: {  	_ =	swait.ge [sflag:s21], $0x80  }
0x9c: {  	[sflag:s21] =	ssyncset.done $0x0  }
0x9d: {  	[sflag:s21] =	ssyncadd.s32 $0xFFFFFF80  }
0x9e: {  	_ =	swait.ge [sflag:s25], $0x4000  }
0x9f: {  	[sflag:s25] =	ssyncset.done $0x0  }
0xa0: {  	[sflag:s25] =	ssyncadd.s32 $0xFFFFC000  }
0xa1: {  	[spmem:s1] =	stream.indirect.scatter.add.f32 [tilespmem:s14], [sflag:$0x6], $0x80, s13, s11, $0xb8;
	[tilespmem:$0x1F900] =	vst v63  }
0xa2: {  	_ =	swait.ge [sflag:s12], $0x4000  }
0xa3: {  	[sflag:s12] =	ssyncset.done $0x0  }
0xa4: {  	s3 =	sadd.s32 $0x10, s19;
	[sflag:s12] =	ssyncadd.s32 $0xFFFFC000  }
0xa5: {  	[tilespmem:s13], [sflag:$0x3] =	stream.linear.gather [hbm4b:s3+s2], $0x80, $0x38;
	[tilespmem:$0x1F900] =	vst v63  }
0xa6: {  	_ = 	snop  }
0xa7: {  	[tilespmem:s14], [sflag:$0x1] =	stream.indirect.gather [hbm4b:s4+s11], $0x80, s30, s11, $0xb8;
	[tilespmem:$0x1F900] =	vst v63  }
0xa8: {  	_ =	swait.ge [sflag:s26], $0x80  }
0xa9: {  	[sflag:s26] =	ssyncset.done $0x0  }
0xaa: {  	[sflag:s26] =	ssyncadd.s32 $0xFFFFFF80  }
0xab: {  	_ =	swait.ge [sflag:s28], $0x4000  }
0xac: {  	[sflag:s28] =	ssyncset.done $0x0  }
0xad: {  	[sflag:s28] =	ssyncadd.s32 $0xFFFFC000  }
0xae: {  	[spmem:s1] =	stream.indirect.scatter.add.f32 [tilespmem:s15], [sflag:$0x6], $0x80, s6, s11, $0xb8;
	[tilespmem:$0x1F900] =	vst v63  }
0xaf: {  	_ =	swait.ge [sflag:s12], $0x4000  }
0xb0: {  	s31 =	simm.s32 $0x200;
	s0 =	simm.s32 $0x180;
	[sflag:s12] =	ssyncset.done $0x0  }
0xb1: {  	s3 =	sadd.s32 $0x10, s20;
	s30 =	simm.s32 $0x50;
	[sflag:s12] =	ssyncadd.s32 $0xFFFFC000  }
0xb2: {  	[tilespmem:s6], [sflag:$0x4] =	stream.linear.gather [hbm4b:s3+s2], $0x80, $0x38;
	[tilespmem:$0x1F900] =	vst v63  }
.LBB2_2:
0xb3: {  	[tilespmem:s15], [sflag:$0x2] =	stream.indirect.gather [hbm4b:s4+s11], $0x80, s0, s11, $0xb8;
	[tilespmem:$0x1F900] =	vst v63  }
0xb4: {  	s0 =	smov.u32 s30  }
0xb5: {  	p0 =	sne.s32 s30, $0x990;
	s30 =	sadd.s32 $0x40, s30;
	_ =	swait.ge [sflag:s21], $0x80  }
0xb6: {  	[sflag:s21] =	ssyncset.done $0x0  }
0xb7: {  	[sflag:s21] =	ssyncadd.s32 $0xFFFFFF80  }
0xb8: {  	_ =	swait.ge [sflag:s25], $0x4000  }
0xb9: {  	[sflag:s25] =	ssyncset.done $0x0  }
0xba: {  	[sflag:s25] =	ssyncadd.s32 $0xFFFFC000  }
0xbb: {  	[spmem:s1] =	stream.indirect.scatter.add.f32 [tilespmem:s14], [sflag:$0x6], $0x80, s13, s11, $0xb8;
	[tilespmem:$0x1F900] =	vst v63  }
0xbc: {  	_ =	swait.ge [sflag:s12], $0x4000  }
0xbd: {  	[sflag:s12] =	ssyncset.done $0x0  }
0xbe: {  	s3 =	sadd.s32 s0, s19;
	[sflag:s12] =	ssyncadd.s32 $0xFFFFC000  }
0xbf: {  	[tilespmem:s13], [sflag:$0x3] =	stream.linear.gather [hbm4b:s3+s2], $0x80, $0x38;
	[tilespmem:$0x1F900] =	vst v63  }
0xc0: {  	_ = 	snop  }
0xc1: {  	[tilespmem:s14], [sflag:$0x1] =	stream.indirect.gather [hbm4b:s4+s11], $0x80, s31, s11, $0xb8;
	[tilespmem:$0x1F900] =	vst v63  }
0xc2: {  	_ =	swait.ge [sflag:s26], $0x80  }
0xc3: {  	[sflag:s26] =	ssyncset.done $0x0  }
0xc4: {  	[sflag:s26] =	ssyncadd.s32 $0xFFFFFF80  }
0xc5: {  	_ =	swait.ge [sflag:s28], $0x4000  }
0xc6: {  	[sflag:s28] =	ssyncset.done $0x0  }
0xc7: {  	[sflag:s28] =	ssyncadd.s32 $0xFFFFC000  }
0xc8: {  	[spmem:s1] =	stream.indirect.scatter.add.f32 [tilespmem:s15], [sflag:$0x6], $0x80, s6, s11, $0xb8;
	[tilespmem:$0x1F900] =	vst v63  }
.Ltmp0:
0xc9: {  	_ =	swait.ge [sflag:s12], $0x4000;
	(pc) =	sbr.rel @p0 .LBB2_2-.Ltmp0, $4  }
0xca: {  	[sflag:s12] =	ssyncset.done $0x0  }
0xcb: {  	s0 =	sadd.s32 s0, s20;
	[sflag:s12] =	ssyncadd.s32 $0xFFFFC000  }
0xcc: {  	[tilespmem:s6], [sflag:$0x4] =	stream.linear.gather [hbm4b:s0+s2], $0x80, $0x38;
	[tilespmem:$0x1F900] =	vst v63  }
0xcd: {  	s0 =	sadd.s32 $0x80, s31;
	s31 =	sadd.s32 $0x100, s31  }
0xce: {  	[tilespmem:s15], [sflag:$0x2] =	stream.indirect.gather [hbm4b:s4+s11], $0x80, s0, s11, $0xb8;
	[tilespmem:$0x1F900] =	vst v63  }
0xcf: {  	_ =	swait.ge [sflag:s21], $0x80  }
0xd0: {  	[sflag:s21] =	ssyncset.done $0x0  }
0xd1: {  	[sflag:s21] =	ssyncadd.s32 $0xFFFFFF80  }
0xd2: {  	_ =	swait.ge [sflag:s25], $0x4000  }
0xd3: {  	[sflag:s25] =	ssyncset.done $0x0  }
0xd4: {  	[sflag:s25] =	ssyncadd.s32 $0xFFFFC000  }
0xd5: {  	[spmem:s1] =	stream.indirect.scatter.add.f32 [tilespmem:s14], [sflag:$0x6], $0x80, s13, s11, $0xb8;
	[tilespmem:$0x1F900] =	vst v63  }
0xd6: {  	_ =	swait.ge [sflag:s12], $0x4000  }
0xd7: {  	[sflag:s12] =	ssyncset.done $0x0  }
0xd8: {  	[sflag:s12] =	ssyncadd.s32 $0xFFFFC000  }
0xd9: {  	_ =	swait.ge [sflag:s26], $0x80  }
0xda: {  	[sflag:s26] =	ssyncset.done $0x0  }
0xdb: {  	[sflag:s26] =	ssyncadd.s32 $0xFFFFFF80  }
0xdc: {  	_ =	swait.ge [sflag:s28], $0x4000  }
0xdd: {  	[sflag:s28] =	ssyncset.done $0x0  }
0xde: {  	[sflag:s28] =	ssyncadd.s32 $0xFFFFC000  }
0xdf: {  	[spmem:s1] =	stream.indirect.scatter.add.f32 [tilespmem:s15], [sflag:$0x6], $0x80, s6, s11, $0xb8;
	[tilespmem:$0x1F900] =	vst v63  }
0xe0: {  	_ =	swait.ge [sflag:s12], $0x4000  }
0xe1: {  	[sflag:s12] =	ssyncset.done $0x0  }
0xe2: {  	[sflag:s12] =	ssyncadd.s32 $0xFFFFC000  }
0xe3: {  	[bflag:$0x0] =	sbarrier.arrive $0xFFFF  }
0xe4: {  	[tilespmem:s14], [sflag:$0x6] =	stream.linear.gather [spmem:s7], $0x4000, $0x38;
	[tilespmem:$0x1F900] =	vst v63  }
0xe5: {  	_ =	swait.ge [sflag:s12], $0x4000  }
0xe6: {  	[sflag:s12] =	ssyncset.done $0x0  }
0xe7: {  	s3 =	rddreg [dreg:$0x9];
	[sflag:s12] =	ssyncadd.s32 $0xFFFFC000  }
0xe8: {  	[hbm4b:s3+s2] =	stream.linear.scatter [tilespmem:s14], [sflag:$0x1], $0x4000, $0x38;
	[tilespmem:$0x1F900] =	vst v63  }
0xe9: {  	_ = 	snop  }
0xea: {  	[tilespmem:s15], [sflag:$0x6] =	stream.linear.gather [spmem:s18], $0x4000, $0x38;
	[tilespmem:$0x1F900] =	vst v63  }
0xeb: {  	_ =	swait.ge [sflag:s12], $0x4000  }
0xec: {  	[sflag:s12] =	ssyncset.done $0x0  }
0xed: {  	s30 =	rddreg [dreg:$0xa];
	[sflag:s12] =	ssyncadd.s32 $0xFFFFC000  }
0xee: {  	[hbm4b:s30+s2] =	stream.linear.scatter [tilespmem:s15], [sflag:$0x2], $0x4000, $0x38;
	[tilespmem:$0x1F900] =	vst v63  }
0xef: {  	_ =	swait.ge [sflag:s25], $0x4000  }
0xf0: {  	[sflag:s25] =	ssyncset.done $0x0  }
0xf1: {  	[sflag:s25] =	ssyncadd.s32 $0xFFFFC000  }
0xf2: {  	[tilespmem:s14], [sflag:$0x6] =	stream.linear.gather [spmem:s22], $0x4000, $0x38;
	[tilespmem:$0x1F900] =	vst v63  }
0xf3: {  	_ =	swait.ge [sflag:s12], $0x4000  }
0xf4: {  	[sflag:s12] =	ssyncset.done $0x0  }
0xf5: {  	s31 =	rddreg [dreg:$0xb];
	[sflag:s12] =	ssyncadd.s32 $0xFFFFC000  }
0xf6: {  	[hbm4b:s31+s2] =	stream.linear.scatter [tilespmem:s14], [sflag:$0x1], $0x4000, $0x38;
	[tilespmem:$0x1F900] =	vst v63  }
0xf7: {  	_ =	swait.ge [sflag:s28], $0x4000  }
0xf8: {  	[sflag:s28] =	ssyncset.done $0x0  }
0xf9: {  	[sflag:s28] =	ssyncadd.s32 $0xFFFFC000  }
0xfa: {  	[tilespmem:s15], [sflag:$0x6] =	stream.linear.gather [spmem:s23], $0x4000, $0x38;
	[tilespmem:$0x1F900] =	vst v63  }
0xfb: {  	_ =	swait.ge [sflag:s12], $0x4000  }
0xfc: {  	[sflag:s12] =	ssyncset.done $0x0  }
0xfd: {  	s3 =	rddreg [dreg:$0xc];
	[sflag:s12] =	ssyncadd.s32 $0xFFFFC000  }
0xfe: {  	[hbm4b:s3+s2] =	stream.linear.scatter [tilespmem:s15], [sflag:$0x2], $0x4000, $0x38;
	[tilespmem:$0x1F900] =	vst v63  }
0xff: {  	_ =	swait.ge [sflag:s25], $0x4000  }
0x100: {  	[sflag:s25] =	ssyncset.done $0x0  }
0x101: {  	[sflag:s25] =	ssyncadd.s32 $0xFFFFC000  }
0x102: {  	[tilespmem:s14], [sflag:$0x6] =	stream.linear.gather [spmem:s24], $0x4000, $0x38;
	[tilespmem:$0x1F900] =	vst v63  }
0x103: {  	_ =	swait.ge [sflag:s12], $0x4000  }
0x104: {  	[sflag:s12] =	ssyncset.done $0x0  }
0x105: {  	s30 =	rddreg [dreg:$0xd];
	[sflag:s12] =	ssyncadd.s32 $0xFFFFC000  }
0x106: {  	[hbm4b:s30+s2] =	stream.linear.scatter [tilespmem:s14], [sflag:$0x1], $0x4000, $0x38;
	[tilespmem:$0x1F900] =	vst v63  }
0x107: {  	_ =	swait.ge [sflag:s28], $0x4000  }
0x108: {  	[sflag:s28] =	ssyncset.done $0x0  }
0x109: {  	[sflag:s28] =	ssyncadd.s32 $0xFFFFC000  }
0x10a: {  	_ =	swait.ge [sflag:s25], $0x4000  }
0x10b: {  	s29 =	sadd.s32 $0x1, s29;
	s31 =	rddreg [dreg:$0x10]  }
0x10c: {  	p0 =	sne.s32 s29, s31  }
.Ltmp1:
0x10d: {  	_ = 	snop;
	(pc) =	sbr.rel @p0 .LBB2_1-.Ltmp1, $3  }
0x10e: {  	_ =	sdelay $0x1  }
0x10f: {  	[sflag:s25] =	ssyncset.done $0x0  }
0x110: {  	[sflag:s25] =	ssyncadd.s32 $0xFFFFC000  }
0x111: {  	_ =	sfence.sel $0x180000  }
0x112: {  	[bflag:$0x0] =	sbarrier.arrive $0xFFFF  }
0x113: {  	_ =	strace $0x9000004D  }
0x114: {  	s0 =	stileid.u32;
	[bflag:$0x2] =	sbarrier.arrive $0xFFFF  }
0x115: {  	p0 =	sne.s32 s0, $0x0;
	s0 =	rddreg [dreg:$0x2]  }
0x116: {  	s0 =	sadd.s32 @!p0 $0x100000, s0  }
0x117: {  	[sflag:s0] =	ssyncadd.tile.s32 @!p0 $0x1;
	_ =	shalt  }
.Lfunc_end2:
_tile_overlayer_lowered:
.L_overlay_start_2:
0x118: {  	(tag) =	ssettag $0x2  }
0x119: {  	s0 =	rddreg [dreg:$0x0];
	s2 =	stileid.u32  }
0x11a: {  	s1 =	rddreg [dreg:$0x1];
	p0 =	sne.s32 s2, $0x0  }
0x11b: {  	s3 =	rddreg [dreg:$0x2];
	[bflag:$0x3] =	sbarrier.arrive $0xFFFF;
	s2 =	simm.s32 @!p0 $0x1C06  }
0x11c: {  	[timem:s3], [sflag:s2] =	dma.local @!p0 [hbm:s0], s1  }
0x11d: {  	s0 =	simm.s32 @!p0 $0x6  }
0x11e: {  	_ =	swait.ge @!p0 [sflag:s0], s1  }
0x11f: {  	s1 =	ssub.s32 @!p0 $0x0, s1;
	[sflag:s0] =	ssyncset.done @!p0 $0x0  }
0x120: {  	[sflag:s0] =	ssyncadd.s32 @!p0 s1  }
0x121: {  	[bflag:$0x3] =	sbarrier.arrive $0xFFFF  }
0x122: {  	_ =	shalt  }

// kernel: kernel.8.cloned.1.call-start
scs
__scs_entry_jumppad:
0x0: {  	(pc) =	sbr.rel $0x88, $3  }
0x1: {  	(tag) =	ssettag $0x0;
	lr =	simm.s32 $0x1  }
0x2: {  	[smem:$0x3F92] =	sst lr;
	_ =	strace $0xD0000000  }
0x3: {  	_ = 	snop  }
0x4: {  	_ = 	snop  }
0x5: {  	_ = 	snop  }
0x6: {  	_ = 	snop  }
0x7: {  	_ = 	snop  }
__scs_overlays_trampoline_lowered:
0x8: {  	[smem:$0x3FA1] =	sst s0  }
0x9: {  	[smem:$0x3FA2] =	sst s1  }
0xa: {  	[smem:$0x3FA3] =	sst s2  }
0xb: {  	[smem:$0x3FA4] =	sst s3  }
0xc: {  	[smem:$0x3FA5] =	sst s4  }
0xd: {  	[smem:$0x3FA6] =	sst s5  }
0xe: {  	[smem:$0x3FA7] =	sst s6  }
0xf: {  	[smem:$0x3FA8] =	sst s7  }
0x10: {  	[smem:$0x3FA9] =	sst s8  }
0x11: {  	[smem:$0x3FAA] =	sst s9;
	s0 =	simm.s32 @!p0 $0x0  }
0x12: {  	s1 =	sld [smem:$0x3F90];
	s0 =	simm.s32 @p0 $0x1  }
0x13: {  	[smem:$0x3FAB] =	sst s0;
	s0 =	simm.s32 @!p1 $0x0  }
0x14: {  	s2 =	sld [smem:$0x3F8F];
	s0 =	simm.s32 @p1 $0x1  }
0x15: {  	[smem:$0x3FAC] =	sst s0;
	s0 =	simm.s32 @!p2 $0x0  }
0x16: {  	s3 =	sld [smem:$0x3FDB];
	s0 =	simm.s32 @p2 $0x1  }
0x17: {  	s4 =	simm.s32 $0x1BF5;
	[smem:$0x3FAE] =	sst s0  }
0x18: {  	s0 =	sld [smem:$0x3F91];
	_ =	swait.ge [sflag:s4], $0x0  }
0x19: {  	s7 =	sld [smem:$0x3F92]  }
0x1a: {  	s8 =	sadd.s32 $0xFFFFE003, lr  }
0x1b: {  	s9 =	sadd.s32 $0xFFFFFEF7, lr;
	s5 =	simm.s32 $0xFFFFFFFF;
	p2 =	slt.u32 s8, $0xFFFFF086  }
0x1c: {  	p1 =	slt.u32 s9, $0xF7A;
	s5 =	simm.s32 @!p2 $0x0  }
0x1d: {  	s5 =	simm.s32 @p1 $0x1;
	p0 =	seq.s32 s7, s2  }
0x1e: {  	s7 =	smul.u32 @!p0 $0xF7A, s2;
	p2 =	seq.s32 @!p0 s5, $0x0  }
0x1f: {  	s9 =	smul.u32 $0xF7A, s1;
	s8 =	simm.s32 @!p0 $0x1BF5;
	p2 =	por !p2, p0  }
0x20: {  	[sflag:s8] =	ssyncset.s32 @!p0 $0xFFFFF086;
	s6 =	sadd.s32 @!p0 s3, s7;
	s7 =	simm.s32 @!p0 $0x108  }
0x21: {  	s3 =	sadd.s32 s3, s9;
	s6 =	sadd.s32 @!p0 $0x88, s6;
	s7 =	simm.s32 @p2 $0x1082  }
0x22: {  	[simem:s7], [sflag:s8] =	dma.local @!p0 [hbm:s6], $0xF7A  }
0x23: {  	s9 =	sor.u32 $0xD0000000, s2;
	s6 =	simm.s32 $0x108;
	_ =	swait.ge @!p0 [sflag:s8], $0x0  }
0x24: {  	s3 =	sadd.s32 $0x88, s3;
	s6 =	simm.s32 @!p1 $0x1082;
	[sflag:s4] =	ssyncset.s32 $0xFFFFF086  }
0x25: {  	[simem:s6], [sflag:s4] =	dma.local [hbm:s3], $0xF7A  }
0x26: {  	[smem:$0x3F92] =	sst s1;
	(tag) =	ssettag s2;
	_ =	strace s9  }
0x27: {  	s1 =	sld [smem:$0x3FA2]  }
0x28: {  	s2 =	sld [smem:$0x3FA3]  }
0x29: {  	s4 =	sld [smem:$0x3FA5]  }
0x2a: {  	p0 =	seq.s32 s5, $0x0;
	s5 =	sld [smem:$0x3FA6]  }
0x2b: {  	s6 =	sld [smem:$0x3FA7]  }
0x2c: {  	s7 =	sld [smem:$0x3FA8]  }
0x2d: {  	s3 =	simm.s32 $0x108;
	s8 =	sld [smem:$0x3FA9]  }
0x2e: {  	s3 =	simm.s32 @!p0 $0x1082;
	s9 =	sld [smem:$0x3FAA]  }
0x2f: {  	lr =	sadd.s32 s0, s3;
	s0 =	sld [smem:$0x3FA1]  }
0x30: {  	s3 =	sld [smem:$0x3FA4]  }
0x31: {  	[smem:$0x3FAD] =	sst s10  }
0x32: {  	s10 =	sld [smem:$0x3FAB];
	_ =	sdelay $0x3  }
0x33: {  	p0 =	seq.s32 s10, $0x1;
	s10 =	sld [smem:$0x3FAD];
	_ =	sdelay $0x3  }
0x34: {  	[smem:$0x3FAD] =	sst s10  }
0x35: {  	s10 =	sld [smem:$0x3FAC];
	_ =	sdelay $0x3  }
0x36: {  	p1 =	seq.s32 s10, $0x1;
	s10 =	sld [smem:$0x3FAD];
	_ =	sdelay $0x3  }
0x37: {  	[smem:$0x3FAD] =	sst s10  }
0x38: {  	s10 =	sld [smem:$0x3FAE]  }
0x39: {  	_ = 	snop;
	(pc) =	sbr.ind lr, $3  }
0x3a: {  	_ = 	snop  }
0x3b: {  	_ = 	snop  }
0x3c: {  	p2 =	seq.s32 s10, $0x1;
	s10 =	sld [smem:$0x3FAD]  }
0x3d: {  	_ =	shalt  }
0x3e: {  	_ =	shalt  }
0x3f: {  	_ =	shalt  }
0x40: {  	_ =	shalt  }
0x41: {  	_ =	shalt  }
0x42: {  	_ =	shalt  }
0x43: {  	_ =	shalt  }
0x44: {  	_ =	shalt  }
0x45: {  	_ =	shalt  }
0x46: {  	_ =	shalt  }
0x47: {  	_ =	shalt  }
0x48: {  	_ =	shalt  }
0x49: {  	_ =	shalt  }
0x4a: {  	_ =	shalt  }
0x4b: {  	_ =	shalt  }
0x4c: {  	_ =	shalt  }
0x4d: {  	_ =	shalt  }
0x4e: {  	_ =	shalt  }
0x4f: {  	_ =	shalt  }
0x50: {  	_ =	shalt  }
0x51: {  	_ =	shalt  }
0x52: {  	_ =	shalt  }
0x53: {  	_ =	shalt  }
0x54: {  	_ =	shalt  }
0x55: {  	_ =	shalt  }
0x56: {  	_ =	shalt  }
0x57: {  	_ =	shalt  }
0x58: {  	_ =	shalt  }
0x59: {  	_ =	shalt  }
0x5a: {  	_ =	shalt  }
0x5b: {  	_ =	shalt  }
0x5c: {  	_ =	shalt  }
0x5d: {  	_ =	shalt  }
0x5e: {  	_ =	shalt  }
0x5f: {  	_ =	shalt  }
0x60: {  	_ =	shalt  }
0x61: {  	_ =	shalt  }
0x62: {  	_ =	shalt  }
0x63: {  	_ =	shalt  }
0x64: {  	_ =	shalt  }
0x65: {  	_ =	shalt  }
0x66: {  	_ =	shalt  }
0x67: {  	_ =	shalt  }
0x68: {  	_ =	shalt  }
0x69: {  	_ =	shalt  }
0x6a: {  	_ =	shalt  }
0x6b: {  	_ =	shalt  }
0x6c: {  	_ =	shalt  }
0x6d: {  	_ =	shalt  }
0x6e: {  	_ =	shalt  }
0x6f: {  	_ =	shalt  }
0x70: {  	_ =	shalt  }
0x71: {  	_ =	shalt  }
0x72: {  	_ =	shalt  }
0x73: {  	_ =	shalt  }
0x74: {  	_ =	shalt  }
0x75: {  	_ =	shalt  }
0x76: {  	_ =	shalt  }
0x77: {  	_ =	shalt  }
0x78: {  	_ =	shalt  }
0x79: {  	_ =	shalt  }
0x7a: {  	_ =	shalt  }
0x7b: {  	_ =	shalt  }
0x7c: {  	_ =	shalt  }
0x7d: {  	_ =	shalt  }
0x7e: {  	_ =	shalt  }
0x7f: {  	_ =	shalt  }
0x80: {  	_ =	shalt  }
0x81: {  	_ =	shalt  }
0x82: {  	_ =	shalt  }
0x83: {  	_ =	shalt  }
0x84: {  	_ =	shalt  }
0x85: {  	_ =	shalt  }
0x86: {  	_ =	shalt  }
0x87: {  	_ =	shalt  }
.Lfunc_end0:
.L_simem_size_0:
called_computation_lowered:
.L_overlay_start_0:
0x88: {  	s2 =	sld [smem:$0x3FD9]  }
0x89: {  	s3 =	sld [smem:$0x3FFE];
	_ =	sdelay $0x1  }
0x8a: {  	s1 =	srdreg.scid  }
0x8b: {  	s0 =	sand.u32 $0x1, s1  }
0x8c: {  	s16 =	sshll.u32 s0, $0xA;
	s2 =	sadd.s32 s3, s2  }
0x8d: {  	s2 =	sadd.s32 s2, s16  }
0x8e: {  	[smem:$0x3FB9] =	sst s2  }
0x8f: {  	_ = 	snop  }
0x90: {  	(tm) =	ssettm $0x1  }
0x91: {  	s17 =	sld [smem:$0x3FFB];
	_ =	sdelay $0x3  }
0x92: {  	_ =	strace s17  }
0x93: {  	s2 =	sld [smem:$0x3FFC];
	_ =	sdelay $0x3  }
0x94: {  	_ =	strace s2  }
0x95: {  	s2 =	sld [smem:$0x3FFD];
	_ =	sdelay $0x3  }
0x96: {  	_ =	strace s2  }
0x97: {  	_ =	strace $0x8FFFFFFF  }
0x98: {  	s18 =	sld [smem:$0x3FDB];
	_ =	sdelay $0x1  }
0x99: {  	s19 =	simm.s32 $_scs_section_size  }
0x9a: {  	s4 =	simm.s32 $_size__tile_overlayer_lowered;
	s5 =	simm.s32 $_tile_overlayer_lowered  }
0x9b: {  	s22 =	simm.s32 $0x1BFF;
	s21 =	sshll.u32 s5, $0x1;
	s2 =	sadd.s32 s19, s18  }
0x9c: {  	s6 =	simm.s32 $0x0;
	s20 =	sshll.u32 s4, $0x1;
	s4 =	sadd.s32 s21, s2  }
0x9d: {  	[timem:s6], [sflag:s22] =	dma.local [hbm:s4], s20  }
0x9e: {  	_ =	swait.ge [sflag:s22], s20  }
0x9f: {  	s3 =	ssub.s32 $0x0, s20;
	[sflag:s22] =	ssyncset.done $0x0  }
0xa0: {  	[sflag:s22] =	ssyncadd.s32 s3;
	_ =	sdelay $0x1  }
0xa1: {  	s23 =	simm.s32 $0x1B8B  }
0xa2: {  	_ =	swait.ge [sflag:s23], $0x1  }
0xa3: {  	[sflag:s23] =	ssyncset.done $0x0  }
0xa4: {  	s25 =	simm.s32 $0x1B8E;
	s24 =	sld [smem:$0x3FFE];
	[sflag:s23] =	ssyncadd.s32 $0xFFFFFFFF  }
0xa5: {  	s26 =	simm.s32 $execute0_lowered;
	[smem:$0x3FD2] =	sst s25  }
0xa6: {  	s4 =	sshll.u32 s26, $0x1;
	_ =	strace $0x80000046;
	[dreg:$0x1] =	wrdreg $0xFFFFFFFF  }
0xa7: {  	s28 =	simm.s32 $_size_execute0_lowered;
	s2 =	sadd.s32 s2, s4;
	[dreg:$0x0] =	wrdreg $0x0  }
0xa8: {  	s4 =	sshll.u32 s28, $0x1;
	[dreg:$0x2] =	wrdreg s2  }
0xa9: {  	[dreg:$0x3] =	wrdreg s4  }
0xaa: {  	[dreg:$0x4] =	wrdreg $0xC0  }
0xab: {  	_ =	task [dreg:s6], $0x5FFFF  }
0xac: {  	[dreg:$0x1] =	wrdreg $0xFFFFFFFF  }
0xad: {  	[dreg:$0x0] =	wrdreg $0x60  }
0xae: {  	[dreg:$0x2] =	wrdreg s24  }
0xaf: {  	[dreg:$0x3] =	wrdreg $0x81000  }
0xb0: {  	[dreg:$0x4] =	wrdreg $0x9  }
0xb1: {  	_ =	task.clear_ibuf [dreg:s6], $0x5FFFF;
	_ =	strace $0x90000046  }
0xb2: {  	s29 =	simm.s32 $0x9;
	_ =	strace $0x80000048  }
0xb3: {  	_ =	swait.ge [sflag:s29], $0x1  }
0xb4: {  	[sflag:s29] =	ssyncadd.s32 $0xFFFFFFFF  }
0xb5: {  	_ =	strace $0x90000048  }
0xb6: {  	_ =	sfence  }
0xb7: {  	s30 =	sld [smem:$0x0];
	_ =	sdelay $0x2  }
0xb8: {  	s31 =	sshll.u32 s1, $0xD;
	s1 =	sshrl.u32 s1, $0x2  }
0xb9: {  	s3 =	sand.u32 $0x4000, s31;
	s1 =	sadd.s32 s1, s30  }
0xba: {  	s0 =	sor.u32 s3, s0;
	s1 =	sshll.u32 s1, $0x11  }
0xbb: {  	s0 =	sor.u32 s1, s0  }
0xbc: {  	s0 =	sadd.s32 $0x8F2B, s0  }
0xbd: {  	[sflag:s0] =	ssyncadd.remote.s32 $0x1  }
0xbe: {  	_ =	sfence.sel $0xFFFF  }
0xbf: {  	[dreg:$0x0] =	wrdreg $0xFFFFFFFF;
	(pc) =	sbr.abs _section_cstart, $3  }
0xc0: {  	[dreg:$0x1] =	wrdreg $0xFFFFFFFF  }
0xc1: {  	_ =	task.clear_ibuf [dreg:s6], $0x2FFFF;
	_ =	strace $0x9FFFFFFF  }
0xc2: {  	(tm) =	ssettm $0x7FFFFFFF  }
0xc3: {  	_ =	shalt  }
tec
execute0_lowered:
.L_overlay_start_1:
0x0: {  	(tag) =	ssettag $0x1  }
0x1: {  	s6 =	rddreg [dreg:$0x0]  }
0x2: {  	s1 =	rddreg [dreg:$0x1]  }
0x3: {  	s0 =	rddreg [dreg:$0x2];
	s3 =	srdreg.scid  }
0x4: {  	s2 =	simm.s32 $0x0;
	s15 =	sand.u32 $0x1, s3;
	s3 =	stileid.u32  }
0x5: {  	s28 =	simm.s32 $0x0;
	[smem:$0x7FF] =	sst s2;
	s9 =	smul.u32 $0x50000, s3  }
0x6: {  	s20 =	sadd.s32 $0x3800, s6;
	s4 =	sadd.s32 $0x18000, s6;
	s12 =	smul.u32 $0x14000, s3  }
0x7: {  	s17 =	sadd.s32 $0x18800, s6;
	_ =	strace $0x80000047;
	s16 =	smul.u32 $0x140000, s15  }
0x8: {  	s5 =	sshll.u32 s15, $0x4;
	s8 =	ssub.s32 $0x2, s15;
	s24 =	smul.u32 $0x28000, s15  }
0x9: {  	s29 =	smul.u32 $0x2800, s3;
	s7 =	sor.u32 s3, s5;
	s21 =	sshrl.u32 s8, $0x1  }
0xa: {  	s5 =	sadd.s32 $0x17800, s6;
	s7 =	smul.u32 $0xA00, s7;
	s18 =	ssub.s32 s8, s21  }
0xb: {  	s22 =	sshrl.u32 s9, $0x2;
	s13 =	sadd.s32 $0x4000, s12;
	s19 =	sadd.s32 $0x8000, s12  }
0xc: {  	s21 =	sadd.s32 $0xC000, s12;
	s14 =	sadd.s32 s12, s16;
	s8 =	sadd.s32 s22, s1  }
0xd: {  	s9 =	sadd.s32 s13, s1;
	s10 =	sadd.s32 s19, s1;
	s11 =	sadd.s32 s21, s1  }
0xe: {  	s22 =	sadd.s32 $0x10000, s12;
	s14 =	sshrl.u32 s14, $0x3;
	s23 =	sadd.s32 s16, s13  }
0xf: {  	s19 =	sadd.s32 s16, s19;
	s26 =	sadd.s32 s16, s21;
	s21 =	sadd.s32 s29, s24  }
0x10: {  	s18 =	smax.u32 s18, $0x1;
	s24 =	simm.s32 $0x4100;
	s7 =	sadd.s32 s7, s20  }
0x11: {  	s12 =	sadd.s32 s22, s1;
	s13 =	sadd.s32 s17, s14;
	s23 =	sshrl.u32 s23, $0x3  }
0x12: {  	s25 =	sshrl.u32 s19, $0x3;
	s19 =	sshrl.u32 s26, $0x3;
	s22 =	sadd.s32 s16, s22  }
0x13: {  	s31 =	sor.u32 $0x180, s21;
	s21 =	sor.u32 $0x100, s21;
	s26 =	simm.s32 $0x2  }
0x14: {  	s6 =	sadd.s32 $0x10, s7;
	s7 =	sadd.s32 $0x30, s7;
	s14 =	sadd.s32 s17, s23  }
0x15: {  	s15 =	sadd.s32 s17, s25;
	s16 =	sadd.s32 s17, s19;
	s30 =	sshrl.u32 s22, $0x3  }
0x16: {  	s19 =	sshrl.u32 s31, $0x2;
	s21 =	sshrl.u32 s21, $0x2;
	s22 =	simm.s32 $0x100  }
0x17: {  	s23 =	simm.s32 $0x3;
	s25 =	simm.s32 $0x1;
	s17 =	sadd.s32 s17, s30  }
0x18: {  	s19 =	sadd.s32 s19, s20;
	s20 =	sadd.s32 s21, s20;
	s21 =	simm.s32 $0x80  }
.LBB2_1:
0x19: {  	[tilespmem:s2], [sflag:$0x1] =	stream.linear.gather [hbm4b:s6+s2], $0x80, $0x38;
	[tilespmem:$0x1C100] =	vst v63  }
0x1a: {  	_ = 	snop  }
0x1b: {  	[tilespmem:s21], [sflag:$0x2] =	stream.linear.gather [hbm4b:s7+s2], $0x80, $0x38;
	[tilespmem:$0x1C100] =	vst v63  }
0x1c: {  	_ = 	snop  }
0x1d: {  	[tilespmem:s22], [sflag:$0x3] =	stream.linear.gather [hbm4b:s4+s2], $0x4000, $0x38;
	[tilespmem:$0x1C100] =	vst v63  }
0x1e: {  	_ =	swait.ge [sflag:s23], $0x4000  }
0x1f: {  	[sflag:s23] =	ssyncset.done $0x0  }
0x20: {  	[sflag:s23] =	ssyncadd.s32 $0xFFFFC000  }
0x21: {  	[tilespmem:s24], [sflag:$0x3] =	stream.linear.gather [hbm4b:s5+s2], $0x4000, $0x38;
	[tilespmem:$0x1C100] =	vst v63  }
0x22: {  	_ =	swait.ge [sflag:s23], $0x4000  }
0x23: {  	[sflag:s23] =	ssyncset.done $0x0  }
0x24: {  	[sflag:s23] =	ssyncadd.s32 $0xFFFFC000  }
0x25: {  	[spmem:s8] =	stream.linear.scatter [tilespmem:s24], [sflag:$0x3], $0x4000, $0x38;
	[tilespmem:$0x1C100] =	vst v63  }
0x26: {  	_ =	swait.ge [sflag:s23], $0x4000  }
0x27: {  	[sflag:s23] =	ssyncset.done $0x0  }
0x28: {  	[sflag:s23] =	ssyncadd.s32 $0xFFFFC000  }
0x29: {  	[spmem:s9] =	stream.linear.scatter [tilespmem:s24], [sflag:$0x3], $0x4000, $0x38;
	[tilespmem:$0x1C100] =	vst v63  }
0x2a: {  	_ =	swait.ge [sflag:s23], $0x4000  }
0x2b: {  	[sflag:s23] =	ssyncset.done $0x0  }
0x2c: {  	[sflag:s23] =	ssyncadd.s32 $0xFFFFC000  }
0x2d: {  	[spmem:s10] =	stream.linear.scatter [tilespmem:s24], [sflag:$0x3], $0x4000, $0x38;
	[tilespmem:$0x1C100] =	vst v63  }
0x2e: {  	_ =	swait.ge [sflag:s23], $0x4000  }
0x2f: {  	[sflag:s23] =	ssyncset.done $0x0  }
0x30: {  	[sflag:s23] =	ssyncadd.s32 $0xFFFFC000  }
0x31: {  	[spmem:s11] =	stream.linear.scatter [tilespmem:s24], [sflag:$0x3], $0x4000, $0x38;
	[tilespmem:$0x1C100] =	vst v63  }
0x32: {  	_ =	swait.ge [sflag:s23], $0x4000  }
0x33: {  	[sflag:s23] =	ssyncset.done $0x0  }
0x34: {  	[sflag:s23] =	ssyncadd.s32 $0xFFFFC000  }
0x35: {  	[spmem:s12] =	stream.linear.scatter [tilespmem:s24], [sflag:$0x3], $0x4000, $0x38;
	[tilespmem:$0x1C100] =	vst v63  }
0x36: {  	_ =	swait.ge [sflag:s23], $0x4000  }
0x37: {  	[sflag:s23] =	ssyncset.done $0x0  }
0x38: {  	[sflag:s23] =	ssyncadd.s32 $0xFFFFC000  }
0x39: {  	[bflag:$0x0] =	sbarrier.arrive $0xFFFF  }
0x3a: {  	_ =	swait.ge [sflag:s25], $0x80  }
0x3b: {  	[sflag:s25] =	ssyncset.done $0x0  }
0x3c: {  	[sflag:s25] =	ssyncadd.s32 $0xFFFFFF80  }
0x3d: {  	[spmem:s1] =	stream.indirect.scatter.add.f32 [tilespmem:s22], [sflag:$0x3], $0x80, s2, s21, $0xb8;
	[tilespmem:$0x1C100] =	vst v63  }
0x3e: {  	_ =	swait.ge [sflag:s23], $0x4000  }
0x3f: {  	[sflag:s23] =	ssyncset.done $0x0  }
0x40: {  	s29 =	sadd.s32 $0x10, s20;
	[sflag:s23] =	ssyncadd.s32 $0xFFFFC000  }
0x41: {  	[tilespmem:s2], [sflag:$0x1] =	stream.linear.gather [hbm4b:s29+s2], $0x80, $0x38;
	[tilespmem:$0x1C100] =	vst v63  }
0x42: {  	_ =	swait.ge [sflag:s26], $0x80  }
0x43: {  	[sflag:s26] =	ssyncset.done $0x0  }
0x44: {  	[sflag:s26] =	ssyncadd.s32 $0xFFFFFF80  }
0x45: {  	[spmem:s1] =	stream.indirect.scatter.add.f32 [tilespmem:s22], [sflag:$0x3], $0x80, s21, s21, $0xb8;
	[tilespmem:$0x1C100] =	vst v63  }
0x46: {  	_ =	swait.ge [sflag:s23], $0x4000  }
0x47: {  	[sflag:s23] =	ssyncset.done $0x0  }
0x48: {  	s30 =	sadd.s32 $0x10, s19;
	s29 =	simm.s32 $0x50;
	[sflag:s23] =	ssyncadd.s32 $0xFFFFC000  }
.LBB2_2:
0x49: {  	[tilespmem:s21], [sflag:$0x2] =	stream.linear.gather [hbm4b:s30+s2], $0x80, $0x38;
	[tilespmem:$0x1C100] =	vst v63  }
0x4a: {  	s30 =	smov.u32 s29  }
0x4b: {  	p0 =	sne.s32 s29, $0x990;
	s29 =	sadd.s32 $0x40, s29;
	_ =	swait.ge [sflag:s25], $0x80  }
0x4c: {  	[sflag:s25] =	ssyncset.done $0x0  }
0x4d: {  	[sflag:s25] =	ssyncadd.s32 $0xFFFFFF80  }
0x4e: {  	[spmem:s1] =	stream.indirect.scatter.add.f32 [tilespmem:s22], [sflag:$0x3], $0x80, s2, s21, $0xb8;
	[tilespmem:$0x1C100] =	vst v63  }
0x4f: {  	_ =	swait.ge [sflag:s23], $0x4000  }
0x50: {  	[sflag:s23] =	ssyncset.done $0x0  }
0x51: {  	s31 =	sadd.s32 s30, s20;
	[sflag:s23] =	ssyncadd.s32 $0xFFFFC000  }
0x52: {  	[tilespmem:s2], [sflag:$0x1] =	stream.linear.gather [hbm4b:s31+s2], $0x80, $0x38;
	[tilespmem:$0x1C100] =	vst v63  }
0x53: {  	_ =	swait.ge [sflag:s26], $0x80  }
0x54: {  	[sflag:s26] =	ssyncset.done $0x0  }
.Ltmp0:
0x55: {  	[sflag:s26] =	ssyncadd.s32 $0xFFFFFF80;
	(pc) =	sbr.rel @p0 .LBB2_2-.Ltmp0, $4  }
0x56: {  	[spmem:s1] =	stream.indirect.scatter.add.f32 [tilespmem:s22], [sflag:$0x3], $0x80, s21, s21, $0xb8;
	[tilespmem:$0x1C100] =	vst v63  }
0x57: {  	_ =	swait.ge [sflag:s23], $0x4000  }
0x58: {  	[sflag:s23] =	ssyncset.done $0x0  }
0x59: {  	s30 =	sadd.s32 s30, s19;
	[sflag:s23] =	ssyncadd.s32 $0xFFFFC000  }
0x5a: {  	[tilespmem:s21], [sflag:$0x2] =	stream.linear.gather [hbm4b:s30+s2], $0x80, $0x38;
	[tilespmem:$0x1C100] =	vst v63  }
0x5b: {  	_ =	swait.ge [sflag:s25], $0x80  }
0x5c: {  	[sflag:s25] =	ssyncset.done $0x0  }
0x5d: {  	[sflag:s25] =	ssyncadd.s32 $0xFFFFFF80  }
0x5e: {  	[spmem:s1] =	stream.indirect.scatter.add.f32 [tilespmem:s22], [sflag:$0x3], $0x80, s2, s21, $0xb8;
	[tilespmem:$0x1C100] =	vst v63  }
0x5f: {  	_ =	swait.ge [sflag:s23], $0x4000  }
0x60: {  	[sflag:s23] =	ssyncset.done $0x0  }
0x61: {  	[sflag:s23] =	ssyncadd.s32 $0xFFFFC000  }
0x62: {  	_ =	swait.ge [sflag:s26], $0x80  }
0x63: {  	[sflag:s26] =	ssyncset.done $0x0  }
0x64: {  	[sflag:s26] =	ssyncadd.s32 $0xFFFFFF80  }
0x65: {  	[spmem:s1] =	stream.indirect.scatter.add.f32 [tilespmem:s22], [sflag:$0x3], $0x80, s21, s21, $0xb8;
	[tilespmem:$0x1C100] =	vst v63  }
0x66: {  	_ =	swait.ge [sflag:s23], $0x4000  }
0x67: {  	[sflag:s23] =	ssyncset.done $0x0  }
0x68: {  	[sflag:s23] =	ssyncadd.s32 $0xFFFFC000  }
0x69: {  	[bflag:$0x0] =	sbarrier.arrive $0xFFFF  }
0x6a: {  	[tilespmem:s24], [sflag:$0x3] =	stream.linear.gather [spmem:s8], $0x4000, $0x38;
	[tilespmem:$0x1C100] =	vst v63  }
0x6b: {  	_ =	swait.ge [sflag:s23], $0x4000  }
0x6c: {  	[sflag:s23] =	ssyncset.done $0x0  }
0x6d: {  	[sflag:s23] =	ssyncadd.s32 $0xFFFFC000  }
0x6e: {  	[hbm4b:s13+s2] =	stream.linear.scatter [tilespmem:s24], [sflag:$0x1], $0x4000, $0x38;
	[tilespmem:$0x1C100] =	vst v63  }
0x6f: {  	_ = 	snop  }
0x70: {  	[tilespmem:s22], [sflag:$0x3] =	stream.linear.gather [spmem:s9], $0x4000, $0x38;
	[tilespmem:$0x1C100] =	vst v63  }
0x71: {  	_ =	swait.ge [sflag:s23], $0x4000  }
0x72: {  	[sflag:s23] =	ssyncset.done $0x0  }
0x73: {  	[sflag:s23] =	ssyncadd.s32 $0xFFFFC000  }
0x74: {  	[hbm4b:s14+s2] =	stream.linear.scatter [tilespmem:s22], [sflag:$0x2], $0x4000, $0x38;
	[tilespmem:$0x1C100] =	vst v63  }
0x75: {  	_ =	swait.ge [sflag:s25], $0x4000  }
0x76: {  	[sflag:s25] =	ssyncset.done $0x0  }
0x77: {  	[sflag:s25] =	ssyncadd.s32 $0xFFFFC000  }
0x78: {  	[tilespmem:s24], [sflag:$0x3] =	stream.linear.gather [spmem:s10], $0x4000, $0x38;
	[tilespmem:$0x1C100] =	vst v63  }
0x79: {  	_ =	swait.ge [sflag:s23], $0x4000  }
0x7a: {  	[sflag:s23] =	ssyncset.done $0x0  }
0x7b: {  	[sflag:s23] =	ssyncadd.s32 $0xFFFFC000  }
0x7c: {  	[hbm4b:s15+s2] =	stream.linear.scatter [tilespmem:s24], [sflag:$0x1], $0x4000, $0x38;
	[tilespmem:$0x1C100] =	vst v63  }
0x7d: {  	_ =	swait.ge [sflag:s26], $0x4000  }
0x7e: {  	[sflag:s26] =	ssyncset.done $0x0  }
0x7f: {  	[sflag:s26] =	ssyncadd.s32 $0xFFFFC000  }
0x80: {  	[tilespmem:s22], [sflag:$0x3] =	stream.linear.gather [spmem:s11], $0x4000, $0x38;
	[tilespmem:$0x1C100] =	vst v63  }
0x81: {  	_ =	swait.ge [sflag:s23], $0x4000  }
0x82: {  	[sflag:s23] =	ssyncset.done $0x0  }
0x83: {  	[sflag:s23] =	ssyncadd.s32 $0xFFFFC000  }
0x84: {  	[hbm4b:s16+s2] =	stream.linear.scatter [tilespmem:s22], [sflag:$0x2], $0x4000, $0x38;
	[tilespmem:$0x1C100] =	vst v63  }
0x85: {  	_ =	swait.ge [sflag:s25], $0x4000  }
0x86: {  	[sflag:s25] =	ssyncset.done $0x0  }
0x87: {  	[sflag:s25] =	ssyncadd.s32 $0xFFFFC000  }
0x88: {  	[tilespmem:s24], [sflag:$0x3] =	stream.linear.gather [spmem:s12], $0x4000, $0x38;
	[tilespmem:$0x1C100] =	vst v63  }
0x89: {  	_ =	swait.ge [sflag:s23], $0x4000  }
0x8a: {  	[sflag:s23] =	ssyncset.done $0x0  }
0x8b: {  	s28 =	sadd.s32 $0x1, s28;
	[sflag:s23] =	ssyncadd.s32 $0xFFFFC000  }
0x8c: {  	[hbm4b:s17+s2] =	stream.linear.scatter [tilespmem:s24], [sflag:$0x1], $0x4000, $0x38;
	[tilespmem:$0x1C100] =	vst v63  }
0x8d: {  	p0 =	sne.s32 s28, s18;
	_ =	swait.ge [sflag:s26], $0x4000  }
.Ltmp1:
0x8e: {  	[sflag:s26] =	ssyncset.done $0x0;
	(pc) =	sbr.rel @p0 .LBB2_1-.Ltmp1, $4  }
0x8f: {  	[sflag:s26] =	ssyncadd.s32 $0xFFFFC000  }
0x90: {  	_ =	swait.ge [sflag:s25], $0x4000  }
0x91: {  	[sflag:s25] =	ssyncset.done $0x0  }
0x92: {  	[sflag:s25] =	ssyncadd.s32 $0xFFFFC000  }
0x93: {  	_ =	sfence.sel $0x180000  }
0x94: {  	[bflag:$0x0] =	sbarrier.arrive $0xFFFF  }
0x95: {  	p0 =	sne.s32 s3, $0x0;
	_ =	strace $0x90000047  }
0x96: {  	s0 =	sadd.s32 @!p0 $0x100000, s0;
	[bflag:$0x2] =	sbarrier.arrive $0xFFFF  }
0x97: {  	[sflag:s0] =	ssyncadd.tile.s32 @!p0 $0x1;
	_ =	shalt  }
.Lfunc_end2:
_tile_overlayer_lowered:
.L_overlay_start_2:
0x98: {  	(tag) =	ssettag $0x2  }
0x99: {  	s0 =	rddreg [dreg:$0x0];
	s2 =	stileid.u32  }
0x9a: {  	s1 =	rddreg [dreg:$0x1];
	p0 =	sne.s32 s2, $0x0  }
0x9b: {  	s3 =	rddreg [dreg:$0x2];
	[bflag:$0x3] =	sbarrier.arrive $0xFFFF;
	s2 =	simm.s32 @!p0 $0x1C03  }
0x9c: {  	[timem:s3], [sflag:s2] =	dma.local @!p0 [hbm:s0], s1  }
0x9d: {  	s0 =	simm.s32 @!p0 $0x3  }
0x9e: {  	_ =	swait.ge @!p0 [sflag:s0], s1  }
0x9f: {  	s1 =	ssub.s32 @!p0 $0x0, s1;
	[sflag:s0] =	ssyncset.done @!p0 $0x0  }
0xa0: {  	[sflag:s0] =	ssyncadd.s32 @!p0 s1  }
0xa1: {  	[bflag:$0x3] =	sbarrier.arrive $0xFFFF  }
0xa2: {  	_ =	shalt  }

</sc_bundles>
